<compile_context>
chip_gen: v7x
topology: tpu7x:2x2x1
jax: 0.10.2.dev20260603
libtpu: 0.0.44.dev20260713+nightly
codegen_flags: <defaults>
</compile_context>

<pallas_src>
import functools

import jax
import jax.numpy as jnp
from jax import lax
from jax.experimental import pallas as pl
from jax.experimental.pallas import tpu as pltpu
from jax.experimental.pallas import tpu_sc as plsc

N = 25000
NP = 25600
TNP = 2 * NP
D = 128
HF = 64
E = 400000
EP = 409600
EL = 100000
ELP = 102400
NCORES = 2
NSUB = 16
SEG_CHUNK = 512
TILE_EDGES = EP // NSUB
SUPER_E = 5120
SEG_SUPERS = TILE_EDGES // SUPER_E
SUP_CHUNKS = SUPER_E // SEG_CHUNK
SUP_PAIRS = SUP_CHUNKS // 2
QSCALE = 128.0
QINV = 1.0 / QSCALE
TILE_ROWS = NP // NSUB
DEC_CHUNK = 160
DEC_ITERS = ELP // (NCORES * NSUB) // DEC_CHUNK
DEC_PAIRS = DEC_ITERS // 2
BR = 1024



def _tca_body(x_ref, wl_ref, p0_ref, p1_ref):
    p = jnp.rint(jnp.dot(x_ref[...], wl_ref[0],
                         preferred_element_type=jnp.float32) * QSCALE)
    p0_ref[...] = p[:, :HF].astype(jnp.int16)
    p1_ref[...] = p[:, HF:].astype(jnp.int16)


def _tca(x, wl_s):
    return pl.pallas_call(
        _tca_body,
        grid=(TNP // BR,),
        in_specs=[
            pl.BlockSpec((BR, D), lambda i: (i, 0)),
            pl.BlockSpec((1, D, D), lambda i: ((i * BR) // NP, 0, 0)),
        ],
        out_specs=[
            pl.BlockSpec((BR, HF), lambda i: (i, 0)),
            pl.BlockSpec((BR, HF), lambda i: (i, 0)),
        ],
        out_shape=[jax.ShapeDtypeStruct((TNP, HF), jnp.int16)] * 2,
    )(x, wl_s)


def _tcb_body(s0_ref, s1_ref, dg_ref, x_ref, wr1_ref, b1_ref, wl2_ref,
              wr2_ref, b2_ref, p0_ref, p1_ref, r2_ref):
    s = jnp.concatenate([s0_ref[...], s1_ref[...]],
                        axis=1).astype(jnp.float32) * QINV
    mean = s / jnp.maximum(dg_ref[...], 1.0)
    z = jax.nn.relu(
        mean
        + jnp.dot(x_ref[...], wr1_ref[0], preferred_element_type=jnp.float32)
        + b1_ref[0, 0])
    p = jnp.rint(jnp.dot(z, wl2_ref[0],
                         preferred_element_type=jnp.float32) * QSCALE)
    p0_ref[...] = p[:, :HF].astype(jnp.int16)
    p1_ref[...] = p[:, HF:].astype(jnp.int16)
    r2_ref[...] = (jnp.dot(z, wr2_ref[0], preferred_element_type=jnp.float32)
                   + b2_ref[0, 0])


def _tcb(s0, s1, dg, x, wr1_s, b1_s, wl2_s, wr2_s, b2_s):
    side = lambda i: ((i * BR) // NP, 0, 0)
    side2 = lambda i: ((i * BR) // NP, 0, 0)
    return pl.pallas_call(
        _tcb_body,
        grid=(TNP // BR,),
        in_specs=[
            pl.BlockSpec((BR, HF), lambda i: (i, 0)),
            pl.BlockSpec((BR, HF), lambda i: (i, 0)),
            pl.BlockSpec((BR, 1), lambda i: (i, 0)),
            pl.BlockSpec((BR, D), lambda i: (i, 0)),
            pl.BlockSpec((1, D, D), side),
            pl.BlockSpec((1, 1, D), side2),
            pl.BlockSpec((1, D, D), side),
            pl.BlockSpec((1, D, D), side),
            pl.BlockSpec((1, 1, D), side2),
        ],
        out_specs=[
            pl.BlockSpec((BR, HF), lambda i: (i, 0)),
            pl.BlockSpec((BR, HF), lambda i: (i, 0)),
            pl.BlockSpec((BR, D), lambda i: (i, 0)),
        ],
        out_shape=[
            jax.ShapeDtypeStruct((TNP, HF), jnp.int16),
            jax.ShapeDtypeStruct((TNP, HF), jnp.int16),
            jax.ShapeDtypeStruct((TNP, D), jnp.float32),
        ],
    )(s0, s1, dg, x, wr1_s, b1_s, wl2_s, wr2_s, b2_s)


def _tcc_body(s0_ref, s1_ref, dg_ref, r2_ref, w1_ref, b1_ref, ab_ref):
    s = jnp.concatenate([s0_ref[...], s1_ref[...]],
                        axis=1).astype(jnp.float32) * QINV
    z2 = s / jnp.maximum(dg_ref[...], 1.0) + r2_ref[...]
    ab_ref[...] = (jnp.dot(z2, w1_ref[0], preferred_element_type=jnp.float32)
                   + b1_ref[0, 0])


def _tcc(s0, s1, dg, r2, w1_s, b1c_s):
    return pl.pallas_call(
        _tcc_body,
        grid=(TNP // BR,),
        in_specs=[
            pl.BlockSpec((BR, HF), lambda i: (i, 0)),
            pl.BlockSpec((BR, HF), lambda i: (i, 0)),
            pl.BlockSpec((BR, 1), lambda i: (i, 0)),
            pl.BlockSpec((BR, D), lambda i: (i, 0)),
            pl.BlockSpec((1, D, D), lambda i: ((i * BR) // NP, 0, 0)),
            pl.BlockSpec((1, 1, D), lambda i: ((i * BR) // NP, 0, 0)),
        ],
        out_specs=pl.BlockSpec((BR, D), lambda i: (i, 0)),
        out_shape=jax.ShapeDtypeStruct((TNP, D), jnp.float32),
    )(s0, s1, dg, r2, w1_s, b1c_s)


def _tcd_body(g_ref, w2_ref, b2_ref, o_ref):
    h = jax.nn.relu(g_ref[...])
    o_ref[...] = jnp.sum(h * w2_ref[0][None, :], axis=1,
                         keepdims=True) + b2_ref[0, 0]


def _tcd(g, w2r, b2):
    return pl.pallas_call(
        _tcd_body,
        grid=(ELP // BR,),
        in_specs=[
            pl.BlockSpec((BR, D), lambda i: (i, 0)),
            pl.BlockSpec((1, D), lambda i: (0, 0)),
            pl.BlockSpec((1, 1), lambda i: (0, 0)),
        ],
        out_specs=pl.BlockSpec((BR, 1), lambda i: (i, 0)),
        out_shape=jax.ShapeDtypeStruct((ELP, 1), jnp.float32),
    )(g, w2r, b2)



def _make_segsum(with_deg):
    mesh = plsc.VectorSubcoreMesh(core_axis_name="c", subcore_axis_name="s")
    out_type = [jax.ShapeDtypeStruct((TNP, HF), jnp.int16),
                jax.ShapeDtypeStruct((TNP, HF), jnp.int16)]
    scratch = [
        pltpu.VMEM_SHARED((NP, HF), jnp.int16),
        pltpu.VMEM((SUPER_E,), jnp.int32),
        pltpu.VMEM((SUPER_E,), jnp.int32),
        pltpu.VMEM((SEG_CHUNK, HF), jnp.int16),
        pltpu.VMEM((SEG_CHUNK, HF), jnp.int16),
        pltpu.SemaphoreType.DMA,
        pltpu.SemaphoreType.DMA,
        pltpu.SemaphoreType.DMA,
        pltpu.SemaphoreType.DMA,
    ]
    if with_deg:
        out_type.append(jax.ShapeDtypeStruct((TNP,), jnp.float32))
        scratch += [
            pltpu.VMEM_SHARED((NP,), jnp.float32),
            pltpu.VMEM((SEG_CHUNK,), jnp.float32),
            pltpu.VMEM((TILE_ROWS,), jnp.float32),
            pltpu.SemaphoreType.DMA,
            pltpu.SemaphoreType.DMA,
        ]

    def body(p0, p1, gub, aub, gbu, abu, ztile, z1d, ones_hbm, *rest):
        if with_deg:
            (s0, s1, deg_out, acc, gsup, asup, r0, r1,
             gsem0, gsem1, ssem0, ssem1,
             dacc, ones_v, zbuf, dsem0, dsem1) = rest
        else:
            (s0, s1, acc, gsup, asup, r0, r1,
             gsem0, gsem1, ssem0, ssem1) = rest
            dacc = ones_v = deg_out = zbuf = dsem0 = dsem1 = None
        rows = (r0, r1)
        gsem = (gsem0, gsem1)
        ssem = (ssem0, ssem1)
        dsem = (dsem0, dsem1)
        c = lax.axis_index("c")
        s = lax.axis_index("s")
        if with_deg:
            pltpu.sync_copy(ones_hbm, ones_v)

        def phase(p_ref, s_ref, gidx, aidx, out_off, do_deg):
            pltpu.sync_copy(ztile, acc.at[pl.ds(s * TILE_ROWS, TILE_ROWS)])
            if do_deg:
                pltpu.sync_copy(z1d, zbuf)
                pltpu.sync_copy(zbuf,
                                dacc.at[pl.ds(s * TILE_ROWS, TILE_ROWS)])
            plsc.subcore_barrier()
            e0 = s * TILE_EDGES

            def gsl(k):
                return gsup.at[pl.ds(k * SEG_CHUNK, SEG_CHUNK)]

            def asl(k):
                return asup.at[pl.ds(k * SEG_CHUNK, SEG_CHUNK)]

            def start_gather(k, b):
                pltpu.async_copy(p_ref.at[gsl(k)], rows[b], gsem[b])

            def wait_gather(k, b):
                pltpu.make_async_copy(p_ref.at[gsl(k)], rows[b],
                                      gsem[b]).wait()

            def start_scatter(k, b):
                pltpu.async_copy(rows[b], acc.at[asl(k)], ssem[b], add=True)
                if do_deg:
                    pltpu.async_copy(ones_v, dacc.at[asl(k)], dsem[b],
                                     add=True)

            def wait_scatter(k, b):
                pltpu.make_async_copy(rows[b], acc.at[asl(k)],
                                      ssem[b]).wait()
                if do_deg:
                    pltpu.make_async_copy(ones_v, dacc.at[asl(k)],
                                          dsem[b]).wait()

            def sup_loop(u, carry):
                base = e0 + u * SUPER_E
                pltpu.sync_copy(gidx.at[pl.ds(base, SUPER_E)], gsup)
                pltpu.sync_copy(aidx.at[pl.ds(base, SUPER_E)], asup)
                start_gather(0, 0)

                def pair(g, cc):
                    k0 = 2 * g
                    start_gather(k0 + 1, 1)
                    wait_gather(k0, 0)
                    start_scatter(k0, 0)
                    wait_gather(k0 + 1, 1)
                    start_scatter(k0 + 1, 1)
                    wait_scatter(k0, 0)

                    @pl.when(g + 1 < SUP_PAIRS)
                    def _():
                        start_gather(k0 + 2, 0)

                    wait_scatter(k0 + 1, 1)
                    return cc

                lax.fori_loop(0, SUP_PAIRS, pair, 0)
                return carry

            lax.fori_loop(0, SEG_SUPERS, sup_loop, 0)
            plsc.subcore_barrier()
            sl = pl.ds(s * TILE_ROWS, TILE_ROWS)
            out_sl = pl.ds(out_off + s * TILE_ROWS, TILE_ROWS)
            pltpu.sync_copy(acc.at[sl], s_ref.at[out_sl])
            if do_deg:
                pltpu.sync_copy(dacc.at[sl], zbuf)
                pltpu.sync_copy(zbuf, deg_out.at[out_sl])
            plsc.subcore_barrier()

        @pl.when(c == 0)
        def _():
            phase(p0, s0, gub, aub, NP, with_deg)
            phase(p0, s0, gbu, abu, 0, False)

        @pl.when(c == 1)
        def _():
            phase(p1, s1, gub, aub, NP, False)
            phase(p1, s1, gbu, abu, 0, with_deg)

    return pl.kernel(body, out_type=out_type, mesh=mesh,
                     scratch_types=scratch,
                     compiler_params=pltpu.CompilerParams(
                         use_tc_tiling_on_sc=False))


def _make_decoder_gather():
    mesh = plsc.VectorSubcoreMesh(core_axis_name="c", subcore_axis_name="s")
    out_type = jax.ShapeDtypeStruct((ELP, D), jnp.float32)
    scratch = [
        pltpu.VMEM((DEC_CHUNK,), jnp.int32),
        pltpu.VMEM((DEC_CHUNK,), jnp.int32),
        pltpu.VMEM((DEC_CHUNK,), jnp.int32),
        pltpu.VMEM((DEC_CHUNK,), jnp.int32),
        pltpu.VMEM((DEC_CHUNK, D), jnp.float32),
        pltpu.VMEM((DEC_CHUNK, D), jnp.float32),
        pltpu.VMEM((DEC_CHUNK, D), jnp.float32),
        pltpu.VMEM((DEC_CHUNK, D), jnp.float32),
        pltpu.SemaphoreType.DMA,
        pltpu.SemaphoreType.DMA,
        pltpu.SemaphoreType.DMA,
    ]

    def body(ab, lu, lb, g_out, u0, u1, v0, v1, a0, a1, b0, b1,
             gsem, st0, st1):
        c = lax.axis_index("c")
        s = lax.axis_index("s")
        wid = s * NCORES + c
        e00 = wid * (DEC_ITERS * DEC_CHUNK)
        U = (u0, u1)
        V = (v0, v1)
        A = (a0, a1)
        B = (b0, b1)
        ST = (st0, st1)

        def load_idx(j, b):
            off = e00 + j * DEC_CHUNK
            pltpu.sync_copy(lu.at[pl.ds(off, DEC_CHUNK)], U[b])
            pltpu.sync_copy(lb.at[pl.ds(off, DEC_CHUNK)], V[b])

        def start_g(b):
            pltpu.async_copy(ab.at[U[b]], A[b], gsem)
            pltpu.async_copy(ab.at[V[b]], B[b], gsem)

        def wait_g(b):
            pltpu.make_async_copy(ab.at[U[b]], A[b], gsem).wait()
            pltpu.make_async_copy(ab.at[V[b]], B[b], gsem).wait()

        def add(b):
            def addrow(r, cc):
                for gi in range(8):
                    sl = pl.ds(gi * 16, 16)
                    A[b][r, sl] = A[b][r, sl] + B[b][r, sl]
                return cc

            lax.fori_loop(0, DEC_CHUNK, addrow, 0)

        def start_store(j, b):
            off = e00 + j * DEC_CHUNK
            pltpu.async_copy(A[b], g_out.at[pl.ds(off, DEC_CHUNK)], ST[b])

        def wait_store(b):
            pltpu.make_async_copy(A[b], g_out.at[pl.ds(e00, DEC_CHUNK)],
                                  ST[b]).wait()

        load_idx(0, 0)
        start_g(0)

        def pair(g, carry):
            j0 = 2 * g
            wait_g(0)

            @pl.when(g > 0)
            def _():
                wait_store(1)

            load_idx(j0 + 1, 1)
            start_g(1)
            add(0)
            start_store(j0, 0)
            wait_g(1)
            add(1)
            wait_store(0)
            start_store(j0 + 1, 1)

            @pl.when(g + 1 < DEC_PAIRS)
            def _():
                load_idx(j0 + 2, 0)
                start_g(0)

            return carry

        lax.fori_loop(0, DEC_PAIRS, pair, 0)
        wait_store(1)

    return pl.kernel(body, out_type=out_type, mesh=mesh,
                     scratch_types=scratch)



def _pad1(a, n, fill):
    return jnp.concatenate(
        [a.astype(jnp.int32),
         jnp.full((n - a.shape[0],), fill, jnp.int32)])


def kernel(x_user, x_business, edge_index_ub, edge_index_bu, edge_label_index,
           Wl1_ub, bl1_ub, Wr1_ub, Wl1_bu, bl1_bu, Wr1_bu,
           Wl2_ub, bl2_ub, Wr2_ub, Wl2_bu, bl2_bu, Wr2_bu,
           W1, b1, W2, b2):
    f32 = jnp.float32
    x = jnp.zeros((TNP, D), f32)
    x = x.at[:N].set(x_user).at[NP:NP + N].set(x_business)

    g_ub = _pad1(edge_index_ub[0], EP, 0)
    a_ub = _pad1(edge_index_ub[1], EP, N)
    g_bu = _pad1(edge_index_bu[0], EP, -NP) + NP
    a_bu = _pad1(edge_index_bu[1], EP, N)
    lu = _pad1(edge_label_index[0], ELP, 0)
    lb = _pad1(edge_label_index[1], ELP, -NP) + NP

    ztile = jnp.zeros((TILE_ROWS, HF), jnp.int16)
    z1d = jnp.zeros((TILE_ROWS,), f32)
    ones = jnp.ones((SEG_CHUNK,), f32)

    wl1_s = jnp.stack([Wl1_ub, Wl1_bu])
    wr1_s = jnp.stack([Wr1_bu, Wr1_ub])
    b1_s = jnp.stack([bl1_bu, bl1_ub]).reshape(2, 1, D)
    wl2_s = jnp.stack([Wl2_ub, Wl2_bu])
    wr2_s = jnp.stack([Wr2_bu, Wr2_ub])
    b2_s = jnp.stack([bl2_bu, bl2_ub]).reshape(2, 1, D)
    w1_s = jnp.stack([W1[:D], W1[D:]])
    b1c_s = jnp.stack([b1, jnp.zeros((D,), f32)]).reshape(2, 1, D)
    w2r = W2.reshape(1, D)
    b2r = b2.reshape(1, 1)

    p0, p1 = _tca(x, wl1_s)
    s0, s1, deg = _make_segsum(True)(p0, p1, g_ub, a_ub, g_bu, a_bu,
                                     ztile, z1d, ones)
    dg = deg.reshape(TNP, 1)
    p20, p21, r2 = _tcb(s0, s1, dg, x, wr1_s, b1_s, wl2_s, wr2_s, b2_s)
    s20, s21 = _make_segsum(False)(p20, p21, g_ub, a_ub, g_bu, a_bu,
                                   ztile, z1d, ones)
    ab = _tcc(s20, s21, dg, r2, w1_s, b1c_s)
    g3 = _make_decoder_gather()(ab, lu, lb)
    out = _tcd(g3.reshape(ELP, D), w2r, b2r)
    return out.reshape(-1)[:EL]

# --- scband reference (transcript-rebuilt; emitter-appended) ---
"""Pipeline reference for scband-hgnmodel-7172595384378 (READ-ONLY COPY).

The authoritative reference and input builder live on the scoring server;
editing this copy changes nothing except your own understanding.
"""

import jax, jax.numpy as jnp
import numpy as np

N_U = 25000
N_B = 25000
E = 400000
EL = 100000
D = 128
H = 128


def setup_inputs(seed: int = 0) -> dict:
    key = jax.random.key(seed)
    ks = jax.random.split(key, 32)

    def w(k, shape, fan_in):
        return jax.random.normal(k, shape, dtype=jnp.float32) * (1.0 / np.sqrt(fan_in))

    inp = {
        'x_user': jax.random.normal(ks[0], (N_U, D), dtype=jnp.float32),
        'x_business': jax.random.normal(ks[1], (N_B, D), dtype=jnp.float32),
        'edge_index_ub': jax.random.randint(ks[2], (2, E), 0, N_U, dtype=jnp.int64),
        'edge_index_bu': jax.random.randint(ks[3], (2, E), 0, N_B, dtype=jnp.int64),
        'edge_label_index': jax.random.randint(ks[4], (2, EL), 0, N_U, dtype=jnp.int64),
        # layer-1 SAGEConv per edge type: out = mean_agg @ Wl + bl + x_dst @ Wr
        'Wl1_ub': w(ks[5], (D, H), D), 'bl1_ub': jnp.zeros((H,), jnp.float32), 'Wr1_ub': w(ks[6], (D, H), D),
        'Wl1_bu': w(ks[7], (D, H), D), 'bl1_bu': jnp.zeros((H,), jnp.float32), 'Wr1_bu': w(ks[8], (D, H), D),
        # layer-2 SAGEConv per edge type
        'Wl2_ub': w(ks[9], (H, H), H), 'bl2_ub': jnp.zeros((H,), jnp.float32), 'Wr2_ub': w(ks[10], (H, H), H),
        'Wl2_bu': w(ks[11], (H, H), H), 'bl2_bu': jnp.zeros((H,), jnp.float32), 'Wr2_bu': w(ks[12], (H, H), H),
        # EdgeDecoder
        'W1': w(ks[13], (2 * H, H), 2 * H), 'b1': jnp.zeros((H,), jnp.float32),
        'W2': w(ks[14], (H, 1), H), 'b2': jnp.zeros((1,), jnp.float32),
    }
    return inp


def _sage(x_src, x_dst, edge_index, Wl, bl, Wr):
    # PyG SAGEConv with mean aggregation:
    #   out = lin_l(mean_{j in N(i)} x_src[j]) + lin_r(x_dst[i])
    row = edge_index[0]
    col = edge_index[1]
    msgs = jnp.take(x_src, row, axis=0)
    n_dst = x_dst.shape[0]
    agg = jax.ops.segment_sum(msgs, col, num_segments=n_dst)
    deg = jax.ops.segment_sum(jnp.ones((row.shape[0],), jnp.float32), col, num_segments=n_dst)
    mean = agg / jnp.clip(deg, 1.0, None)[:, None]
    return mean @ Wl + bl + x_dst @ Wr


def reference(x_user, x_business, edge_index_ub, edge_index_bu, edge_label_index,
              Wl1_ub, bl1_ub, Wr1_ub, Wl1_bu, bl1_bu, Wr1_bu,
              Wl2_ub, bl2_ub, Wr2_ub, Wl2_bu, bl2_bu, Wr2_bu,
              W1, b1, W2, b2):
    # to_hetero(GNNEncoder, aggr='sum'): each node type receives from exactly
    # one edge type here, so the cross-edge-type sum is a single term.
    z_b = jax.nn.relu(_sage(x_user, x_business, edge_index_ub, Wl1_ub, bl1_ub, Wr1_ub))
    z_u = jax.nn.relu(_sage(x_business, x_user, edge_index_bu, Wl1_bu, bl1_bu, Wr1_bu))
    z_b2 = _sage(z_u, z_b, edge_index_ub, Wl2_ub, bl2_ub, Wr2_ub)
    z_u2 = _sage(z_b, z_u, edge_index_bu, Wl2_bu, bl2_bu, Wr2_bu)
    # EdgeDecoder
    row = edge_label_index[0]
    col = edge_label_index[1]
    z = jnp.concatenate([jnp.take(z_u2, row, axis=0), jnp.take(z_b2, col, axis=0)], axis=-1)
    h = jax.nn.relu(z @ W1 + b1)
    out = h @ W2 + b2
    return out.reshape(-1)

if __name__ == "__main__":
    import jax
    _d = setup_inputs()
    print(jax.jit(kernel)(*tuple(_d.values())))

</pallas_src>

<mosaic_0001>
#map = affine_map<(d0, d1) -> (0, 0)>
#map1 = affine_map<(d0, d1) -> (0)>
module attributes {stable_mosaic.version = 14 : i64} {
  func.func @body(%arg0: i32, %arg1: i32, %arg2: memref<51200x128xf32, #tpu.memory_space<hbm>>, %arg3: memref<102400xi32, #tpu.memory_space<hbm>>, %arg4: memref<102400xi32, #tpu.memory_space<hbm>>, %arg5: memref<102400x128xf32, #tpu.memory_space<hbm>>, %arg6: memref<160xi32, #tpu.memory_space<vmem>>, %arg7: memref<160xi32, #tpu.memory_space<vmem>>, %arg8: memref<160xi32, #tpu.memory_space<vmem>>, %arg9: memref<160xi32, #tpu.memory_space<vmem>>, %arg10: memref<160x128xf32, #tpu.memory_space<vmem>>, %arg11: memref<160x128xf32, #tpu.memory_space<vmem>>, %arg12: memref<160x128xf32, #tpu.memory_space<vmem>>, %arg13: memref<160x128xf32, #tpu.memory_space<vmem>>, %arg14: memref<!tpu.dma_semaphore, #tpu.memory_space<semaphore_mem>>, %arg15: memref<!tpu.dma_semaphore, #tpu.memory_space<semaphore_mem>>, %arg16: memref<!tpu.dma_semaphore, #tpu.memory_space<semaphore_mem>>) attributes {dimension_semantics = [#tpu.dimension_semantics<core_parallel>, #tpu.dimension_semantics<subcore_parallel>], iteration_bounds = array<i64: 2, 16>, scalar_prefetch = 0 : i64, scratch_operands = 11 : i64, tpu.core_type = #tpu.core_type<sc_vector_subcore>, window_params = [{transform_indices = #map}, {transform_indices = #map1}, {transform_indices = #map1}, {transform_indices = #map}]} {
    %mul3A = arith.constant 2 : i32
    %mul3A_0 = arith.muli %arg1, %mul3A : i32
    %add3A = arith.addi %mul3A_0, %arg0 : i32
    %mul3A_1 = arith.constant 3200 : i32
    %mul3A_2 = arith.muli %add3A, %mul3A_1 : i32
    %add3A_3 = arith.constant 0 : i32
    %add3A_4 = arith.addi %mul3A_2, %add3A_3 : i32
    "tpu.region"() ({
      %run_scoped3A = tpu.sem_alloc : memref<!tpu.dma_semaphore, #tpu.memory_space<semaphore_mem>>
      %dma_start3A_18 = tpu.memref_slice %arg3[%add3A_4] : memref<102400xi32, #tpu.memory_space<hbm>> -> memref<160xi32, #tpu.memory_space<hbm>>
      %dma_start3A_19 = tpu.memref_slice %arg3[%add3A_4] : memref<102400xi32, #tpu.memory_space<hbm>> -> memref<160xi32, #tpu.memory_space<hbm>>
      tpu.enqueue_dma source(%dma_start3A_19 : memref<160xi32, #tpu.memory_space<hbm>>) target(%arg6 : memref<160xi32, #tpu.memory_space<vmem>>) target_semaphore(%run_scoped3A : memref<!tpu.dma_semaphore, #tpu.memory_space<semaphore_mem>>)
      %dma_wait3A_20 = tpu.memref_slice %arg3[%add3A_4] : memref<102400xi32, #tpu.memory_space<hbm>> -> memref<160xi32, #tpu.memory_space<hbm>>
      %dma_wait3A_21 = tpu.memref_slice %arg3[%add3A_4] : memref<102400xi32, #tpu.memory_space<hbm>> -> memref<160xi32, #tpu.memory_space<hbm>>
      tpu.wait_dma2 semaphore(%run_scoped3A : memref<!tpu.dma_semaphore, #tpu.memory_space<semaphore_mem>>) src(%dma_wait3A_21 : memref<160xi32, #tpu.memory_space<hbm>>) dst(%arg6 : memref<160xi32, #tpu.memory_space<vmem>>)
      tpu.yield
    }) : () -> ()
    "tpu.region"() ({
      %run_scoped3A = tpu.sem_alloc : memref<!tpu.dma_semaphore, #tpu.memory_space<semaphore_mem>>
      %dma_start3A_18 = tpu.memref_slice %arg4[%add3A_4] : memref<102400xi32, #tpu.memory_space<hbm>> -> memref<160xi32, #tpu.memory_space<hbm>>
      %dma_start3A_19 = tpu.memref_slice %arg4[%add3A_4] : memref<102400xi32, #tpu.memory_space<hbm>> -> memref<160xi32, #tpu.memory_space<hbm>>
      tpu.enqueue_dma source(%dma_start3A_19 : memref<160xi32, #tpu.memory_space<hbm>>) target(%arg8 : memref<160xi32, #tpu.memory_space<vmem>>) target_semaphore(%run_scoped3A : memref<!tpu.dma_semaphore, #tpu.memory_space<semaphore_mem>>)
      %dma_wait3A_20 = tpu.memref_slice %arg4[%add3A_4] : memref<102400xi32, #tpu.memory_space<hbm>> -> memref<160xi32, #tpu.memory_space<hbm>>
      %dma_wait3A_21 = tpu.memref_slice %arg4[%add3A_4] : memref<102400xi32, #tpu.memory_space<hbm>> -> memref<160xi32, #tpu.memory_space<hbm>>
      tpu.wait_dma2 semaphore(%run_scoped3A : memref<!tpu.dma_semaphore, #tpu.memory_space<semaphore_mem>>) src(%dma_wait3A_21 : memref<160xi32, #tpu.memory_space<hbm>>) dst(%arg8 : memref<160xi32, #tpu.memory_space<vmem>>)
      tpu.yield
    }) : () -> ()
    %dma_start3A = arith.constant 0 : i32
    %dma_start3A_5 = arith.constant 0 : i32
    %dma_start3A_6 = tpu.memref_slice %arg2[%dma_start3A, %dma_start3A_5] : memref<51200x128xf32, #tpu.memory_space<hbm>> -> memref<51200x128xf32, #tpu.memory_space<hbm>>
    tpu.enqueue_indirect_dma source(%dma_start3A_6 : memref<51200x128xf32, #tpu.memory_space<hbm>>) target(%arg10 : memref<160x128xf32, #tpu.memory_space<vmem>>) offsets(%arg6 : memref<160xi32, #tpu.memory_space<vmem>>) semaphore(%arg14 : memref<!tpu.dma_semaphore, #tpu.memory_space<semaphore_mem>>)
    %dma_start3A_7 = arith.constant 0 : i32
    %dma_start3A_8 = arith.constant 0 : i32
    %dma_start3A_9 = tpu.memref_slice %arg2[%dma_start3A_7, %dma_start3A_8] : memref<51200x128xf32, #tpu.memory_space<hbm>> -> memref<51200x128xf32, #tpu.memory_space<hbm>>
    tpu.enqueue_indirect_dma source(%dma_start3A_9 : memref<51200x128xf32, #tpu.memory_space<hbm>>) target(%arg12 : memref<160x128xf32, #tpu.memory_space<vmem>>) offsets(%arg8 : memref<160xi32, #tpu.memory_space<vmem>>) semaphore(%arg14 : memref<!tpu.dma_semaphore, #tpu.memory_space<semaphore_mem>>)
    %scan3A = arith.constant 0 : i32
    %scan3A_10 = arith.constant 0 : i32
    %scan3A_11 = arith.constant 10 : i32
    %scan3A_12 = arith.addi %scan3A_10, %scan3A_11 : i32
    %scan3A_13 = arith.constant 1 : i32
    scf.for %scan3A_18 = %scan3A_10 to %scan3A_12 step %scan3A_13  : i32 {
      %mul3A_19 = arith.constant 2 : i32
      %mul3A_20 = arith.muli %mul3A_19, %scan3A_18 : i32
      %dma_wait3A_21 = arith.constant 0 : i32
      %dma_wait3A_22 = arith.constant 0 : i32
      %dma_wait3A_23 = tpu.memref_slice %arg2[%dma_wait3A_21, %dma_wait3A_22] : memref<51200x128xf32, #tpu.memory_space<hbm>> -> memref<51200x128xf32, #tpu.memory_space<hbm>>
      tpu.wait_indirect_dma semaphore(%arg14 : memref<!tpu.dma_semaphore, #tpu.memory_space<semaphore_mem>>) src(%dma_wait3A_23 : memref<51200x128xf32, #tpu.memory_space<hbm>>) dst(%arg10 : memref<160x128xf32, #tpu.memory_space<vmem>>)
      %dma_wait3A_24 = arith.constant 0 : i32
      %dma_wait3A_25 = arith.constant 0 : i32
      %dma_wait3A_26 = tpu.memref_slice %arg2[%dma_wait3A_24, %dma_wait3A_25] : memref<51200x128xf32, #tpu.memory_space<hbm>> -> memref<51200x128xf32, #tpu.memory_space<hbm>>
      tpu.wait_indirect_dma semaphore(%arg14 : memref<!tpu.dma_semaphore, #tpu.memory_space<semaphore_mem>>) src(%dma_wait3A_26 : memref<51200x128xf32, #tpu.memory_space<hbm>>) dst(%arg12 : memref<160x128xf32, #tpu.memory_space<vmem>>)
      %gt3A = arith.constant 0 : i32
      %gt3A_27 = arith.cmpi sgt, %scan3A_18, %gt3A : i32
      %convert_element_type3A = arith.extui %gt3A_27 : i1 to i32
      %cond3A = arith.constant 0 : i32
      %cond3A_28 = arith.cmpi ne, %convert_element_type3A, %cond3A : i32
      scf.if %cond3A_28 {
        %dma_wait3A_84 = arith.constant 0 : i32
        %dma_wait3A_85 = tpu.memref_slice %arg5[%mul3A_2, %dma_wait3A_84] : memref<102400x128xf32, #tpu.memory_space<hbm>> -> memref<160x128xf32, #tpu.memory_space<hbm>>
        %dma_wait3A_86 = arith.constant 0 : i32
        %dma_wait3A_87 = tpu.memref_slice %arg5[%mul3A_2, %dma_wait3A_86] : memref<102400x128xf32, #tpu.memory_space<hbm>> -> memref<160x128xf32, #tpu.memory_space<hbm>>
        tpu.wait_dma2 semaphore(%arg16 : memref<!tpu.dma_semaphore, #tpu.memory_space<semaphore_mem>>) src(%arg11 : memref<160x128xf32, #tpu.memory_space<vmem>>) dst(%dma_wait3A_87 : memref<160x128xf32, #tpu.memory_space<hbm>>)
      } else {
      }
      %add3A_29 = arith.constant 1 : i32
      %add3A_30 = arith.addi %mul3A_20, %add3A_29 : i32
      %mul3A_31 = arith.constant 160 : i32
      %mul3A_32 = arith.muli %add3A_30, %mul3A_31 : i32
      %add3A_33 = arith.addi %mul3A_2, %mul3A_32 : i32
      "tpu.region"() ({
        %run_scoped3A = tpu.sem_alloc : memref<!tpu.dma_semaphore, #tpu.memory_space<semaphore_mem>>
        %dma_start3A_84 = tpu.memref_slice %arg3[%add3A_33] : memref<102400xi32, #tpu.memory_space<hbm>> -> memref<160xi32, #tpu.memory_space<hbm>>
        %dma_start3A_85 = tpu.memref_slice %arg3[%add3A_33] : memref<102400xi32, #tpu.memory_space<hbm>> -> memref<160xi32, #tpu.memory_space<hbm>>
        tpu.enqueue_dma source(%dma_start3A_85 : memref<160xi32, #tpu.memory_space<hbm>>) target(%arg7 : memref<160xi32, #tpu.memory_space<vmem>>) target_semaphore(%run_scoped3A : memref<!tpu.dma_semaphore, #tpu.memory_space<semaphore_mem>>)
        %dma_wait3A_86 = tpu.memref_slice %arg3[%add3A_33] : memref<102400xi32, #tpu.memory_space<hbm>> -> memref<160xi32, #tpu.memory_space<hbm>>
        %dma_wait3A_87 = tpu.memref_slice %arg3[%add3A_33] : memref<102400xi32, #tpu.memory_space<hbm>> -> memref<160xi32, #tpu.memory_space<hbm>>
        tpu.wait_dma2 semaphore(%run_scoped3A : memref<!tpu.dma_semaphore, #tpu.memory_space<semaphore_mem>>) src(%dma_wait3A_87 : memref<160xi32, #tpu.memory_space<hbm>>) dst(%arg7 : memref<160xi32, #tpu.memory_space<vmem>>)
        tpu.yield
      }) : () -> ()
      "tpu.region"() ({
        %run_scoped3A = tpu.sem_alloc : memref<!tpu.dma_semaphore, #tpu.memory_space<semaphore_mem>>
        %dma_start3A_84 = tpu.memref_slice %arg4[%add3A_33] : memref<102400xi32, #tpu.memory_space<hbm>> -> memref<160xi32, #tpu.memory_space<hbm>>
        %dma_start3A_85 = tpu.memref_slice %arg4[%add3A_33] : memref<102400xi32, #tpu.memory_space<hbm>> -> memref<160xi32, #tpu.memory_space<hbm>>
        tpu.enqueue_dma source(%dma_start3A_85 : memref<160xi32, #tpu.memory_space<hbm>>) target(%arg9 : memref<160xi32, #tpu.memory_space<vmem>>) target_semaphore(%run_scoped3A : memref<!tpu.dma_semaphore, #tpu.memory_space<semaphore_mem>>)
        %dma_wait3A_86 = tpu.memref_slice %arg4[%add3A_33] : memref<102400xi32, #tpu.memory_space<hbm>> -> memref<160xi32, #tpu.memory_space<hbm>>
        %dma_wait3A_87 = tpu.memref_slice %arg4[%add3A_33] : memref<102400xi32, #tpu.memory_space<hbm>> -> memref<160xi32, #tpu.memory_space<hbm>>
        tpu.wait_dma2 semaphore(%run_scoped3A : memref<!tpu.dma_semaphore, #tpu.memory_space<semaphore_mem>>) src(%dma_wait3A_87 : memref<160xi32, #tpu.memory_space<hbm>>) dst(%arg9 : memref<160xi32, #tpu.memory_space<vmem>>)
        tpu.yield
      }) : () -> ()
      %dma_start3A_34 = arith.constant 0 : i32
      %dma_start3A_35 = arith.constant 0 : i32
      %dma_start3A_36 = tpu.memref_slice %arg2[%dma_start3A_34, %dma_start3A_35] : memref<51200x128xf32, #tpu.memory_space<hbm>> -> memref<51200x128xf32, #tpu.memory_space<hbm>>
      tpu.enqueue_indirect_dma source(%dma_start3A_36 : memref<51200x128xf32, #tpu.memory_space<hbm>>) target(%arg11 : memref<160x128xf32, #tpu.memory_space<vmem>>) offsets(%arg7 : memref<160xi32, #tpu.memory_space<vmem>>) semaphore(%arg14 : memref<!tpu.dma_semaphore, #tpu.memory_space<semaphore_mem>>)
      %dma_start3A_37 = arith.constant 0 : i32
      %dma_start3A_38 = arith.constant 0 : i32
      %dma_start3A_39 = tpu.memref_slice %arg2[%dma_start3A_37, %dma_start3A_38] : memref<51200x128xf32, #tpu.memory_space<hbm>> -> memref<51200x128xf32, #tpu.memory_space<hbm>>
      tpu.enqueue_indirect_dma source(%dma_start3A_39 : memref<51200x128xf32, #tpu.memory_space<hbm>>) target(%arg13 : memref<160x128xf32, #tpu.memory_space<vmem>>) offsets(%arg9 : memref<160xi32, #tpu.memory_space<vmem>>) semaphore(%arg14 : memref<!tpu.dma_semaphore, #tpu.memory_space<semaphore_mem>>)
      %scan3A_40 = arith.constant 0 : i32
      %scan3A_41 = arith.constant 0 : i32
      %scan3A_42 = arith.constant 160 : i32
      %scan3A_43 = arith.addi %scan3A_41, %scan3A_42 : i32
      %scan3A_44 = arith.constant 1 : i32
      scf.for %scan3A_84 = %scan3A_41 to %scan3A_43 step %scan3A_44  : i32 {
        %get3A = arith.index_cast %scan3A_84 : i32 to index
        %get3A_85 = arith.constant 0 : index
        %get3A_86 = tpu.vector_load %arg10[%get3A, %get3A_85] {strides = array<i32>} : memref<160x128xf32, #tpu.memory_space<vmem>>, vector<1x16xf32>,
        %get3A_87 = vector.shape_cast %get3A_86 : vector<1x16xf32> to vector<16xf32>
        %get3A_88 = arith.index_cast %scan3A_84 : i32 to index
        %get3A_89 = arith.constant 0 : index
        %get3A_90 = tpu.vector_load %arg12[%get3A_88, %get3A_89] {strides = array<i32>} : memref<160x128xf32, #tpu.memory_space<vmem>>, vector<1x16xf32>,
        %get3A_91 = vector.shape_cast %get3A_90 : vector<1x16xf32> to vector<16xf32>
        %add3A_92 = arith.addf %get3A_87, %get3A_91 : vector<16xf32>
        %swap3A = arith.index_cast %scan3A_84 : i32 to index
        %swap3A_93 = arith.constant 0 : index
        %swap3A_94 = tpu.vector_load %arg10[%swap3A, %swap3A_93] {strides = array<i32>} : memref<160x128xf32, #tpu.memory_space<vmem>>, vector<1x16xf32>,
        %swap3A_95 = vector.shape_cast %swap3A_94 : vector<1x16xf32> to vector<16xf32>
        %swap3A_96 = vector.shape_cast %add3A_92 : vector<16xf32> to vector<1x16xf32>
        tpu.vector_store %arg10[%swap3A, %swap3A_93], %swap3A_96 {strides = array<i32>} : memref<160x128xf32, #tpu.memory_space<vmem>>, vector<1x16xf32>,
        %get3A_97 = arith.index_cast %scan3A_84 : i32 to index
        %get3A_98 = arith.constant 16 : index
        %get3A_99 = tpu.vector_load %arg10[%get3A_97, %get3A_98] {strides = array<i32>} : memref<160x128xf32, #tpu.memory_space<vmem>>, vector<1x16xf32>,
        %get3A_100 = vector.shape_cast %get3A_99 : vector<1x16xf32> to vector<16xf32>
        %get3A_101 = arith.index_cast %scan3A_84 : i32 to index
        %get3A_102 = arith.constant 16 : index
        %get3A_103 = tpu.vector_load %arg12[%get3A_101, %get3A_102] {strides = array<i32>} : memref<160x128xf32, #tpu.memory_space<vmem>>, vector<1x16xf32>,
        %get3A_104 = vector.shape_cast %get3A_103 : vector<1x16xf32> to vector<16xf32>
        %add3A_105 = arith.addf %get3A_100, %get3A_104 : vector<16xf32>
        %swap3A_106 = arith.index_cast %scan3A_84 : i32 to index
        %swap3A_107 = arith.constant 16 : index
        %swap3A_108 = tpu.vector_load %arg10[%swap3A_106, %swap3A_107] {strides = array<i32>} : memref<160x128xf32, #tpu.memory_space<vmem>>, vector<1x16xf32>,
        %swap3A_109 = vector.shape_cast %swap3A_108 : vector<1x16xf32> to vector<16xf32>
        %swap3A_110 = vector.shape_cast %add3A_105 : vector<16xf32> to vector<1x16xf32>
        tpu.vector_store %arg10[%swap3A_106, %swap3A_107], %swap3A_110 {strides = array<i32>} : memref<160x128xf32, #tpu.memory_space<vmem>>, vector<1x16xf32>,
        %get3A_111 = arith.index_cast %scan3A_84 : i32 to index
        %get3A_112 = arith.constant 32 : index
        %get3A_113 = tpu.vector_load %arg10[%get3A_111, %get3A_112] {strides = array<i32>} : memref<160x128xf32, #tpu.memory_space<vmem>>, vector<1x16xf32>,
        %get3A_114 = vector.shape_cast %get3A_113 : vector<1x16xf32> to vector<16xf32>
        %get3A_115 = arith.index_cast %scan3A_84 : i32 to index
        %get3A_116 = arith.constant 32 : index
        %get3A_117 = tpu.vector_load %arg12[%get3A_115, %get3A_116] {strides = array<i32>} : memref<160x128xf32, #tpu.memory_space<vmem>>, vector<1x16xf32>,
        %get3A_118 = vector.shape_cast %get3A_117 : vector<1x16xf32> to vector<16xf32>
        %add3A_119 = arith.addf %get3A_114, %get3A_118 : vector<16xf32>
        %swap3A_120 = arith.index_cast %scan3A_84 : i32 to index
        %swap3A_121 = arith.constant 32 : index
        %swap3A_122 = tpu.vector_load %arg10[%swap3A_120, %swap3A_121] {strides = array<i32>} : memref<160x128xf32, #tpu.memory_space<vmem>>, vector<1x16xf32>,
        %swap3A_123 = vector.shape_cast %swap3A_122 : vector<1x16xf32> to vector<16xf32>
        %swap3A_124 = vector.shape_cast %add3A_119 : vector<16xf32> to vector<1x16xf32>
        tpu.vector_store %arg10[%swap3A_120, %swap3A_121], %swap3A_124 {strides = array<i32>} : memref<160x128xf32, #tpu.memory_space<vmem>>, vector<1x16xf32>,
        %get3A_125 = arith.index_cast %scan3A_84 : i32 to index
        %get3A_126 = arith.constant 48 : index
        %get3A_127 = tpu.vector_load %arg10[%get3A_125, %get3A_126] {strides = array<i32>} : memref<160x128xf32, #tpu.memory_space<vmem>>, vector<1x16xf32>,
        %get3A_128 = vector.shape_cast %get3A_127 : vector<1x16xf32> to vector<16xf32>
        %get3A_129 = arith.index_cast %scan3A_84 : i32 to index
        %get3A_130 = arith.constant 48 : index
        %get3A_131 = tpu.vector_load %arg12[%get3A_129, %get3A_130] {strides = array<i32>} : memref<160x128xf32, #tpu.memory_space<vmem>>, vector<1x16xf32>,
        %get3A_132 = vector.shape_cast %get3A_131 : vector<1x16xf32> to vector<16xf32>
        %add3A_133 = arith.addf %get3A_128, %get3A_132 : vector<16xf32>
        %swap3A_134 = arith.index_cast %scan3A_84 : i32 to index
        %swap3A_135 = arith.constant 48 : index
        %swap3A_136 = tpu.vector_load %arg10[%swap3A_134, %swap3A_135] {strides = array<i32>} : memref<160x128xf32, #tpu.memory_space<vmem>>, vector<1x16xf32>,
        %swap3A_137 = vector.shape_cast %swap3A_136 : vector<1x16xf32> to vector<16xf32>
        %swap3A_138 = vector.shape_cast %add3A_133 : vector<16xf32> to vector<1x16xf32>
        tpu.vector_store %arg10[%swap3A_134, %swap3A_135], %swap3A_138 {strides = array<i32>} : memref<160x128xf32, #tpu.memory_space<vmem>>, vector<1x16xf32>,
        %get3A_139 = arith.index_cast %scan3A_84 : i32 to index
        %get3A_140 = arith.constant 64 : index
        %get3A_141 = tpu.vector_load %arg10[%get3A_139, %get3A_140] {strides = array<i32>} : memref<160x128xf32, #tpu.memory_space<vmem>>, vector<1x16xf32>,
        %get3A_142 = vector.shape_cast %get3A_141 : vector<1x16xf32> to vector<16xf32>
        %get3A_143 = arith.index_cast %scan3A_84 : i32 to index
        %get3A_144 = arith.constant 64 : index
        %get3A_145 = tpu.vector_load %arg12[%get3A_143, %get3A_144] {strides = array<i32>} : memref<160x128xf32, #tpu.memory_space<vmem>>, vector<1x16xf32>,
        %get3A_146 = vector.shape_cast %get3A_145 : vector<1x16xf32> to vector<16xf32>
        %add3A_147 = arith.addf %get3A_142, %get3A_146 : vector<16xf32>
        %swap3A_148 = arith.index_cast %scan3A_84 : i32 to index
        %swap3A_149 = arith.constant 64 : index
        %swap3A_150 = tpu.vector_load %arg10[%swap3A_148, %swap3A_149] {strides = array<i32>} : memref<160x128xf32, #tpu.memory_space<vmem>>, vector<1x16xf32>,
        %swap3A_151 = vector.shape_cast %swap3A_150 : vector<1x16xf32> to vector<16xf32>
        %swap3A_152 = vector.shape_cast %add3A_147 : vector<16xf32> to vector<1x16xf32>
        tpu.vector_store %arg10[%swap3A_148, %swap3A_149], %swap3A_152 {strides = array<i32>} : memref<160x128xf32, #tpu.memory_space<vmem>>, vector<1x16xf32>,
        %get3A_153 = arith.index_cast %scan3A_84 : i32 to index
        %get3A_154 = arith.constant 80 : index
        %get3A_155 = tpu.vector_load %arg10[%get3A_153, %get3A_154] {strides = array<i32>} : memref<160x128xf32, #tpu.memory_space<vmem>>, vector<1x16xf32>,
        %get3A_156 = vector.shape_cast %get3A_155 : vector<1x16xf32> to vector<16xf32>
        %get3A_157 = arith.index_cast %scan3A_84 : i32 to index
        %get3A_158 = arith.constant 80 : index
        %get3A_159 = tpu.vector_load %arg12[%get3A_157, %get3A_158] {strides = array<i32>} : memref<160x128xf32, #tpu.memory_space<vmem>>, vector<1x16xf32>,
        %get3A_160 = vector.shape_cast %get3A_159 : vector<1x16xf32> to vector<16xf32>
        %add3A_161 = arith.addf %get3A_156, %get3A_160 : vector<16xf32>
        %swap3A_162 = arith.index_cast %scan3A_84 : i32 to index
        %swap3A_163 = arith.constant 80 : index
        %swap3A_164 = tpu.vector_load %arg10[%swap3A_162, %swap3A_163] {strides = array<i32>} : memref<160x128xf32, #tpu.memory_space<vmem>>, vector<1x16xf32>,
        %swap3A_165 = vector.shape_cast %swap3A_164 : vector<1x16xf32> to vector<16xf32>
        %swap3A_166 = vector.shape_cast %add3A_161 : vector<16xf32> to vector<1x16xf32>
        tpu.vector_store %arg10[%swap3A_162, %swap3A_163], %swap3A_166 {strides = array<i32>} : memref<160x128xf32, #tpu.memory_space<vmem>>, vector<1x16xf32>,
        %get3A_167 = arith.index_cast %scan3A_84 : i32 to index
        %get3A_168 = arith.constant 96 : index
        %get3A_169 = tpu.vector_load %arg10[%get3A_167, %get3A_168] {strides = array<i32>} : memref<160x128xf32, #tpu.memory_space<vmem>>, vector<1x16xf32>,
        %get3A_170 = vector.shape_cast %get3A_169 : vector<1x16xf32> to vector<16xf32>
        %get3A_171 = arith.index_cast %scan3A_84 : i32 to index
        %get3A_172 = arith.constant 96 : index
        %get3A_173 = tpu.vector_load %arg12[%get3A_171, %get3A_172] {strides = array<i32>} : memref<160x128xf32, #tpu.memory_space<vmem>>, vector<1x16xf32>,
        %get3A_174 = vector.shape_cast %get3A_173 : vector<1x16xf32> to vector<16xf32>
        %add3A_175 = arith.addf %get3A_170, %get3A_174 : vector<16xf32>
        %swap3A_176 = arith.index_cast %scan3A_84 : i32 to index
        %swap3A_177 = arith.constant 96 : index
        %swap3A_178 = tpu.vector_load %arg10[%swap3A_176, %swap3A_177] {strides = array<i32>} : memref<160x128xf32, #tpu.memory_space<vmem>>, vector<1x16xf32>,
        %swap3A_179 = vector.shape_cast %swap3A_178 : vector<1x16xf32> to vector<16xf32>
        %swap3A_180 = vector.shape_cast %add3A_175 : vector<16xf32> to vector<1x16xf32>
        tpu.vector_store %arg10[%swap3A_176, %swap3A_177], %swap3A_180 {strides = array<i32>} : memref<160x128xf32, #tpu.memory_space<vmem>>, vector<1x16xf32>,
        %get3A_181 = arith.index_cast %scan3A_84 : i32 to index
        %get3A_182 = arith.constant 112 : index
        %get3A_183 = tpu.vector_load %arg10[%get3A_181, %get3A_182] {strides = array<i32>} : memref<160x128xf32, #tpu.memory_space<vmem>>, vector<1x16xf32>,
        %get3A_184 = vector.shape_cast %get3A_183 : vector<1x16xf32> to vector<16xf32>
        %get3A_185 = arith.index_cast %scan3A_84 : i32 to index
        %get3A_186 = arith.constant 112 : index
        %get3A_187 = tpu.vector_load %arg12[%get3A_185, %get3A_186] {strides = array<i32>} : memref<160x128xf32, #tpu.memory_space<vmem>>, vector<1x16xf32>,
        %get3A_188 = vector.shape_cast %get3A_187 : vector<1x16xf32> to vector<16xf32>
        %add3A_189 = arith.addf %get3A_184, %get3A_188 : vector<16xf32>
        %swap3A_190 = arith.index_cast %scan3A_84 : i32 to index
        %swap3A_191 = arith.constant 112 : index
        %swap3A_192 = tpu.vector_load %arg10[%swap3A_190, %swap3A_191] {strides = array<i32>} : memref<160x128xf32, #tpu.memory_space<vmem>>, vector<1x16xf32>,
        %swap3A_193 = vector.shape_cast %swap3A_192 : vector<1x16xf32> to vector<16xf32>
        %swap3A_194 = vector.shape_cast %add3A_189 : vector<16xf32> to vector<1x16xf32>
        tpu.vector_store %arg10[%swap3A_190, %swap3A_191], %swap3A_194 {strides = array<i32>} : memref<160x128xf32, #tpu.memory_space<vmem>>, vector<1x16xf32>,
      }
      %scan3A_45 = arith.constant 160 : i32
      %mul3A_46 = arith.constant 160 : i32
      %mul3A_47 = arith.muli %mul3A_20, %mul3A_46 : i32
      %add3A_48 = arith.addi %mul3A_2, %mul3A_47 : i32
      %dma_start3A_49 = arith.constant 0 : i32
      %dma_start3A_50 = tpu.memref_slice %arg5[%add3A_48, %dma_start3A_49] : memref<102400x128xf32, #tpu.memory_space<hbm>> -> memref<160x128xf32, #tpu.memory_space<hbm>>
      %dma_start3A_51 = arith.constant 0 : i32
      %dma_start3A_52 = tpu.memref_slice %arg5[%add3A_48, %dma_start3A_51] : memref<102400x128xf32, #tpu.memory_space<hbm>> -> memref<160x128xf32, #tpu.memory_space<hbm>>
      tpu.enqueue_dma source(%arg10 : memref<160x128xf32, #tpu.memory_space<vmem>>) target(%dma_start3A_52 : memref<160x128xf32, #tpu.memory_space<hbm>>) target_semaphore(%arg15 : memref<!tpu.dma_semaphore, #tpu.memory_space<semaphore_mem>>)
      %dma_wait3A_53 = arith.constant 0 : i32
      %dma_wait3A_54 = arith.constant 0 : i32
      %dma_wait3A_55 = tpu.memref_slice %arg2[%dma_wait3A_53, %dma_wait3A_54] : memref<51200x128xf32, #tpu.memory_space<hbm>> -> memref<51200x128xf32, #tpu.memory_space<hbm>>
      tpu.wait_indirect_dma semaphore(%arg14 : memref<!tpu.dma_semaphore, #tpu.memory_space<semaphore_mem>>) src(%dma_wait3A_55 : memref<51200x128xf32, #tpu.memory_space<hbm>>) dst(%arg11 : memref<160x128xf32, #tpu.memory_space<vmem>>)
      %dma_wait3A_56 = arith.constant 0 : i32
      %dma_wait3A_57 = arith.constant 0 : i32
      %dma_wait3A_58 = tpu.memref_slice %arg2[%dma_wait3A_56, %dma_wait3A_57] : memref<51200x128xf32, #tpu.memory_space<hbm>> -> memref<51200x128xf32, #tpu.memory_space<hbm>>
      tpu.wait_indirect_dma semaphore(%arg14 : memref<!tpu.dma_semaphore, #tpu.memory_space<semaphore_mem>>) src(%dma_wait3A_58 : memref<51200x128xf32, #tpu.memory_space<hbm>>) dst(%arg13 : memref<160x128xf32, #tpu.memory_space<vmem>>)
      %scan3A_59 = arith.constant 0 : i32
      %scan3A_60 = arith.constant 0 : i32
      %scan3A_61 = arith.constant 160 : i32
      %scan3A_62 = arith.addi %scan3A_60, %scan3A_61 : i32
      %scan3A_63 = arith.constant 1 : i32
      scf.for %scan3A_84 = %scan3A_60 to %scan3A_62 step %scan3A_63  : i32 {
        %get3A = arith.index_cast %scan3A_84 : i32 to index
        %get3A_85 = arith.constant 0 : index
        %get3A_86 = tpu.vector_load %arg11[%get3A, %get3A_85] {strides = array<i32>} : memref<160x128xf32, #tpu.memory_space<vmem>>, vector<1x16xf32>,
        %get3A_87 = vector.shape_cast %get3A_86 : vector<1x16xf32> to vector<16xf32>
        %get3A_88 = arith.index_cast %scan3A_84 : i32 to index
        %get3A_89 = arith.constant 0 : index
        %get3A_90 = tpu.vector_load %arg13[%get3A_88, %get3A_89] {strides = array<i32>} : memref<160x128xf32, #tpu.memory_space<vmem>>, vector<1x16xf32>,
        %get3A_91 = vector.shape_cast %get3A_90 : vector<1x16xf32> to vector<16xf32>
        %add3A_92 = arith.addf %get3A_87, %get3A_91 : vector<16xf32>
        %swap3A = arith.index_cast %scan3A_84 : i32 to index
        %swap3A_93 = arith.constant 0 : index
        %swap3A_94 = tpu.vector_load %arg11[%swap3A, %swap3A_93] {strides = array<i32>} : memref<160x128xf32, #tpu.memory_space<vmem>>, vector<1x16xf32>,
        %swap3A_95 = vector.shape_cast %swap3A_94 : vector<1x16xf32> to vector<16xf32>
        %swap3A_96 = vector.shape_cast %add3A_92 : vector<16xf32> to vector<1x16xf32>
        tpu.vector_store %arg11[%swap3A, %swap3A_93], %swap3A_96 {strides = array<i32>} : memref<160x128xf32, #tpu.memory_space<vmem>>, vector<1x16xf32>,
        %get3A_97 = arith.index_cast %scan3A_84 : i32 to index
        %get3A_98 = arith.constant 16 : index
        %get3A_99 = tpu.vector_load %arg11[%get3A_97, %get3A_98] {strides = array<i32>} : memref<160x128xf32, #tpu.memory_space<vmem>>, vector<1x16xf32>,
        %get3A_100 = vector.shape_cast %get3A_99 : vector<1x16xf32> to vector<16xf32>
        %get3A_101 = arith.index_cast %scan3A_84 : i32 to index
        %get3A_102 = arith.constant 16 : index
        %get3A_103 = tpu.vector_load %arg13[%get3A_101, %get3A_102] {strides = array<i32>} : memref<160x128xf32, #tpu.memory_space<vmem>>, vector<1x16xf32>,
        %get3A_104 = vector.shape_cast %get3A_103 : vector<1x16xf32> to vector<16xf32>
        %add3A_105 = arith.addf %get3A_100, %get3A_104 : vector<16xf32>
        %swap3A_106 = arith.index_cast %scan3A_84 : i32 to index
        %swap3A_107 = arith.constant 16 : index
        %swap3A_108 = tpu.vector_load %arg11[%swap3A_106, %swap3A_107] {strides = array<i32>} : memref<160x128xf32, #tpu.memory_space<vmem>>, vector<1x16xf32>,
        %swap3A_109 = vector.shape_cast %swap3A_108 : vector<1x16xf32> to vector<16xf32>
        %swap3A_110 = vector.shape_cast %add3A_105 : vector<16xf32> to vector<1x16xf32>
        tpu.vector_store %arg11[%swap3A_106, %swap3A_107], %swap3A_110 {strides = array<i32>} : memref<160x128xf32, #tpu.memory_space<vmem>>, vector<1x16xf32>,
        %get3A_111 = arith.index_cast %scan3A_84 : i32 to index
        %get3A_112 = arith.constant 32 : index
        %get3A_113 = tpu.vector_load %arg11[%get3A_111, %get3A_112] {strides = array<i32>} : memref<160x128xf32, #tpu.memory_space<vmem>>, vector<1x16xf32>,
        %get3A_114 = vector.shape_cast %get3A_113 : vector<1x16xf32> to vector<16xf32>
        %get3A_115 = arith.index_cast %scan3A_84 : i32 to index
        %get3A_116 = arith.constant 32 : index
        %get3A_117 = tpu.vector_load %arg13[%get3A_115, %get3A_116] {strides = array<i32>} : memref<160x128xf32, #tpu.memory_space<vmem>>, vector<1x16xf32>,
        %get3A_118 = vector.shape_cast %get3A_117 : vector<1x16xf32> to vector<16xf32>
        %add3A_119 = arith.addf %get3A_114, %get3A_118 : vector<16xf32>
        %swap3A_120 = arith.index_cast %scan3A_84 : i32 to index
        %swap3A_121 = arith.constant 32 : index
        %swap3A_122 = tpu.vector_load %arg11[%swap3A_120, %swap3A_121] {strides = array<i32>} : memref<160x128xf32, #tpu.memory_space<vmem>>, vector<1x16xf32>,
        %swap3A_123 = vector.shape_cast %swap3A_122 : vector<1x16xf32> to vector<16xf32>
        %swap3A_124 = vector.shape_cast %add3A_119 : vector<16xf32> to vector<1x16xf32>
        tpu.vector_store %arg11[%swap3A_120, %swap3A_121], %swap3A_124 {strides = array<i32>} : memref<160x128xf32, #tpu.memory_space<vmem>>, vector<1x16xf32>,
        %get3A_125 = arith.index_cast %scan3A_84 : i32 to index
        %get3A_126 = arith.constant 48 : index
        %get3A_127 = tpu.vector_load %arg11[%get3A_125, %get3A_126] {strides = array<i32>} : memref<160x128xf32, #tpu.memory_space<vmem>>, vector<1x16xf32>,
        %get3A_128 = vector.shape_cast %get3A_127 : vector<1x16xf32> to vector<16xf32>
        %get3A_129 = arith.index_cast %scan3A_84 : i32 to index
        %get3A_130 = arith.constant 48 : index
        %get3A_131 = tpu.vector_load %arg13[%get3A_129, %get3A_130] {strides = array<i32>} : memref<160x128xf32, #tpu.memory_space<vmem>>, vector<1x16xf32>,
        %get3A_132 = vector.shape_cast %get3A_131 : vector<1x16xf32> to vector<16xf32>
        %add3A_133 = arith.addf %get3A_128, %get3A_132 : vector<16xf32>
        %swap3A_134 = arith.index_cast %scan3A_84 : i32 to index
        %swap3A_135 = arith.constant 48 : index
        %swap3A_136 = tpu.vector_load %arg11[%swap3A_134, %swap3A_135] {strides = array<i32>} : memref<160x128xf32, #tpu.memory_space<vmem>>, vector<1x16xf32>,
        %swap3A_137 = vector.shape_cast %swap3A_136 : vector<1x16xf32> to vector<16xf32>
        %swap3A_138 = vector.shape_cast %add3A_133 : vector<16xf32> to vector<1x16xf32>
        tpu.vector_store %arg11[%swap3A_134, %swap3A_135], %swap3A_138 {strides = array<i32>} : memref<160x128xf32, #tpu.memory_space<vmem>>, vector<1x16xf32>,
        %get3A_139 = arith.index_cast %scan3A_84 : i32 to index
        %get3A_140 = arith.constant 64 : index
        %get3A_141 = tpu.vector_load %arg11[%get3A_139, %get3A_140] {strides = array<i32>} : memref<160x128xf32, #tpu.memory_space<vmem>>, vector<1x16xf32>,
        %get3A_142 = vector.shape_cast %get3A_141 : vector<1x16xf32> to vector<16xf32>
        %get3A_143 = arith.index_cast %scan3A_84 : i32 to index
        %get3A_144 = arith.constant 64 : index
        %get3A_145 = tpu.vector_load %arg13[%get3A_143, %get3A_144] {strides = array<i32>} : memref<160x128xf32, #tpu.memory_space<vmem>>, vector<1x16xf32>,
        %get3A_146 = vector.shape_cast %get3A_145 : vector<1x16xf32> to vector<16xf32>
        %add3A_147 = arith.addf %get3A_142, %get3A_146 : vector<16xf32>
        %swap3A_148 = arith.index_cast %scan3A_84 : i32 to index
        %swap3A_149 = arith.constant 64 : index
        %swap3A_150 = tpu.vector_load %arg11[%swap3A_148, %swap3A_149] {strides = array<i32>} : memref<160x128xf32, #tpu.memory_space<vmem>>, vector<1x16xf32>,
        %swap3A_151 = vector.shape_cast %swap3A_150 : vector<1x16xf32> to vector<16xf32>
        %swap3A_152 = vector.shape_cast %add3A_147 : vector<16xf32> to vector<1x16xf32>
        tpu.vector_store %arg11[%swap3A_148, %swap3A_149], %swap3A_152 {strides = array<i32>} : memref<160x128xf32, #tpu.memory_space<vmem>>, vector<1x16xf32>,
        %get3A_153 = arith.index_cast %scan3A_84 : i32 to index
        %get3A_154 = arith.constant 80 : index
        %get3A_155 = tpu.vector_load %arg11[%get3A_153, %get3A_154] {strides = array<i32>} : memref<160x128xf32, #tpu.memory_space<vmem>>, vector<1x16xf32>,
        %get3A_156 = vector.shape_cast %get3A_155 : vector<1x16xf32> to vector<16xf32>
        %get3A_157 = arith.index_cast %scan3A_84 : i32 to index
        %get3A_158 = arith.constant 80 : index
        %get3A_159 = tpu.vector_load %arg13[%get3A_157, %get3A_158] {strides = array<i32>} : memref<160x128xf32, #tpu.memory_space<vmem>>, vector<1x16xf32>,
        %get3A_160 = vector.shape_cast %get3A_159 : vector<1x16xf32> to vector<16xf32>
        %add3A_161 = arith.addf %get3A_156, %get3A_160 : vector<16xf32>
        %swap3A_162 = arith.index_cast %scan3A_84 : i32 to index
        %swap3A_163 = arith.constant 80 : index
        %swap3A_164 = tpu.vector_load %arg11[%swap3A_162, %swap3A_163] {strides = array<i32>} : memref<160x128xf32, #tpu.memory_space<vmem>>, vector<1x16xf32>,
        %swap3A_165 = vector.shape_cast %swap3A_164 : vector<1x16xf32> to vector<16xf32>
        %swap3A_166 = vector.shape_cast %add3A_161 : vector<16xf32> to vector<1x16xf32>
        tpu.vector_store %arg11[%swap3A_162, %swap3A_163], %swap3A_166 {strides = array<i32>} : memref<160x128xf32, #tpu.memory_space<vmem>>, vector<1x16xf32>,
        %get3A_167 = arith.index_cast %scan3A_84 : i32 to index
        %get3A_168 = arith.constant 96 : index
        %get3A_169 = tpu.vector_load %arg11[%get3A_167, %get3A_168] {strides = array<i32>} : memref<160x128xf32, #tpu.memory_space<vmem>>, vector<1x16xf32>,
        %get3A_170 = vector.shape_cast %get3A_169 : vector<1x16xf32> to vector<16xf32>
        %get3A_171 = arith.index_cast %scan3A_84 : i32 to index
        %get3A_172 = arith.constant 96 : index
        %get3A_173 = tpu.vector_load %arg13[%get3A_171, %get3A_172] {strides = array<i32>} : memref<160x128xf32, #tpu.memory_space<vmem>>, vector<1x16xf32>,
        %get3A_174 = vector.shape_cast %get3A_173 : vector<1x16xf32> to vector<16xf32>
        %add3A_175 = arith.addf %get3A_170, %get3A_174 : vector<16xf32>
        %swap3A_176 = arith.index_cast %scan3A_84 : i32 to index
        %swap3A_177 = arith.constant 96 : index
        %swap3A_178 = tpu.vector_load %arg11[%swap3A_176, %swap3A_177] {strides = array<i32>} : memref<160x128xf32, #tpu.memory_space<vmem>>, vector<1x16xf32>,
        %swap3A_179 = vector.shape_cast %swap3A_178 : vector<1x16xf32> to vector<16xf32>
        %swap3A_180 = vector.shape_cast %add3A_175 : vector<16xf32> to vector<1x16xf32>
        tpu.vector_store %arg11[%swap3A_176, %swap3A_177], %swap3A_180 {strides = array<i32>} : memref<160x128xf32, #tpu.memory_space<vmem>>, vector<1x16xf32>,
        %get3A_181 = arith.index_cast %scan3A_84 : i32 to index
        %get3A_182 = arith.constant 112 : index
        %get3A_183 = tpu.vector_load %arg11[%get3A_181, %get3A_182] {strides = array<i32>} : memref<160x128xf32, #tpu.memory_space<vmem>>, vector<1x16xf32>,
        %get3A_184 = vector.shape_cast %get3A_183 : vector<1x16xf32> to vector<16xf32>
        %get3A_185 = arith.index_cast %scan3A_84 : i32 to index
        %get3A_186 = arith.constant 112 : index
        %get3A_187 = tpu.vector_load %arg13[%get3A_185, %get3A_186] {strides = array<i32>} : memref<160x128xf32, #tpu.memory_space<vmem>>, vector<1x16xf32>,
        %get3A_188 = vector.shape_cast %get3A_187 : vector<1x16xf32> to vector<16xf32>
        %add3A_189 = arith.addf %get3A_184, %get3A_188 : vector<16xf32>
        %swap3A_190 = arith.index_cast %scan3A_84 : i32 to index
        %swap3A_191 = arith.constant 112 : index
        %swap3A_192 = tpu.vector_load %arg11[%swap3A_190, %swap3A_191] {strides = array<i32>} : memref<160x128xf32, #tpu.memory_space<vmem>>, vector<1x16xf32>,
        %swap3A_193 = vector.shape_cast %swap3A_192 : vector<1x16xf32> to vector<16xf32>
        %swap3A_194 = vector.shape_cast %add3A_189 : vector<16xf32> to vector<1x16xf32>
        tpu.vector_store %arg11[%swap3A_190, %swap3A_191], %swap3A_194 {strides = array<i32>} : memref<160x128xf32, #tpu.memory_space<vmem>>, vector<1x16xf32>,
      }
      %scan3A_64 = arith.constant 160 : i32
      %dma_wait3A_65 = arith.constant 0 : i32
      %dma_wait3A_66 = tpu.memref_slice %arg5[%mul3A_2, %dma_wait3A_65] : memref<102400x128xf32, #tpu.memory_space<hbm>> -> memref<160x128xf32, #tpu.memory_space<hbm>>
      %dma_wait3A_67 = arith.constant 0 : i32
      %dma_wait3A_68 = tpu.memref_slice %arg5[%mul3A_2, %dma_wait3A_67] : memref<102400x128xf32, #tpu.memory_space<hbm>> -> memref<160x128xf32, #tpu.memory_space<hbm>>
      tpu.wait_dma2 semaphore(%arg15 : memref<!tpu.dma_semaphore, #tpu.memory_space<semaphore_mem>>) src(%arg10 : memref<160x128xf32, #tpu.memory_space<vmem>>) dst(%dma_wait3A_68 : memref<160x128xf32, #tpu.memory_space<hbm>>)
      %add3A_69 = arith.constant 1 : i32
      %add3A_70 = arith.addi %mul3A_20, %add3A_69 : i32
      %mul3A_71 = arith.constant 160 : i32
      %mul3A_72 = arith.muli %add3A_70, %mul3A_71 : i32
      %add3A_73 = arith.addi %mul3A_2, %mul3A_72 : i32
      %dma_start3A_74 = arith.constant 0 : i32
      %dma_start3A_75 = tpu.memref_slice %arg5[%add3A_73, %dma_start3A_74] : memref<102400x128xf32, #tpu.memory_space<hbm>> -> memref<160x128xf32, #tpu.memory_space<hbm>>
      %dma_start3A_76 = arith.constant 0 : i32
      %dma_start3A_77 = tpu.memref_slice %arg5[%add3A_73, %dma_start3A_76] : memref<102400x128xf32, #tpu.memory_space<hbm>> -> memref<160x128xf32, #tpu.memory_space<hbm>>
      tpu.enqueue_dma source(%arg11 : memref<160x128xf32, #tpu.memory_space<vmem>>) target(%dma_start3A_77 : memref<160x128xf32, #tpu.memory_space<hbm>>) target_semaphore(%arg16 : memref<!tpu.dma_semaphore, #tpu.memory_space<semaphore_mem>>)
      %add3A_78 = arith.constant 1 : i32
      %add3A_79 = arith.addi %scan3A_18, %add3A_78 : i32
      %lt3A = arith.constant 10 : i32
      %lt3A_80 = arith.cmpi slt, %add3A_79, %lt3A : i32
      %convert_element_type3A_81 = arith.extui %lt3A_80 : i1 to i32
      %cond3A_82 = arith.constant 0 : i32
      %cond3A_83 = arith.cmpi ne, %convert_element_type3A_81, %cond3A_82 : i32
      scf.if %cond3A_83 {
        %add3A_84 = arith.constant 2 : i32
        %add3A_85 = arith.addi %mul3A_20, %add3A_84 : i32
        %mul3A_86 = arith.constant 160 : i32
        %mul3A_87 = arith.muli %add3A_85, %mul3A_86 : i32
        %add3A_88 = arith.addi %mul3A_2, %mul3A_87 : i32
        "tpu.region"() ({
          %run_scoped3A = tpu.sem_alloc : memref<!tpu.dma_semaphore, #tpu.memory_space<semaphore_mem>>
          %dma_start3A_95 = tpu.memref_slice %arg3[%add3A_88] : memref<102400xi32, #tpu.memory_space<hbm>> -> memref<160xi32, #tpu.memory_space<hbm>>
          %dma_start3A_96 = tpu.memref_slice %arg3[%add3A_88] : memref<102400xi32, #tpu.memory_space<hbm>> -> memref<160xi32, #tpu.memory_space<hbm>>
          tpu.enqueue_dma source(%dma_start3A_96 : memref<160xi32, #tpu.memory_space<hbm>>) target(%arg6 : memref<160xi32, #tpu.memory_space<vmem>>) target_semaphore(%run_scoped3A : memref<!tpu.dma_semaphore, #tpu.memory_space<semaphore_mem>>)
          %dma_wait3A_97 = tpu.memref_slice %arg3[%add3A_88] : memref<102400xi32, #tpu.memory_space<hbm>> -> memref<160xi32, #tpu.memory_space<hbm>>
          %dma_wait3A_98 = tpu.memref_slice %arg3[%add3A_88] : memref<102400xi32, #tpu.memory_space<hbm>> -> memref<160xi32, #tpu.memory_space<hbm>>
          tpu.wait_dma2 semaphore(%run_scoped3A : memref<!tpu.dma_semaphore, #tpu.memory_space<semaphore_mem>>) src(%dma_wait3A_98 : memref<160xi32, #tpu.memory_space<hbm>>) dst(%arg6 : memref<160xi32, #tpu.memory_space<vmem>>)
          tpu.yield
        }) : () -> ()
        "tpu.region"() ({
          %run_scoped3A = tpu.sem_alloc : memref<!tpu.dma_semaphore, #tpu.memory_space<semaphore_mem>>
          %dma_start3A_95 = tpu.memref_slice %arg4[%add3A_88] : memref<102400xi32, #tpu.memory_space<hbm>> -> memref<160xi32, #tpu.memory_space<hbm>>
          %dma_start3A_96 = tpu.memref_slice %arg4[%add3A_88] : memref<102400xi32, #tpu.memory_space<hbm>> -> memref<160xi32, #tpu.memory_space<hbm>>
          tpu.enqueue_dma source(%dma_start3A_96 : memref<160xi32, #tpu.memory_space<hbm>>) target(%arg8 : memref<160xi32, #tpu.memory_space<vmem>>) target_semaphore(%run_scoped3A : memref<!tpu.dma_semaphore, #tpu.memory_space<semaphore_mem>>)
          %dma_wait3A_97 = tpu.memref_slice %arg4[%add3A_88] : memref<102400xi32, #tpu.memory_space<hbm>> -> memref<160xi32, #tpu.memory_space<hbm>>
          %dma_wait3A_98 = tpu.memref_slice %arg4[%add3A_88] : memref<102400xi32, #tpu.memory_space<hbm>> -> memref<160xi32, #tpu.memory_space<hbm>>
          tpu.wait_dma2 semaphore(%run_scoped3A : memref<!tpu.dma_semaphore, #tpu.memory_space<semaphore_mem>>) src(%dma_wait3A_98 : memref<160xi32, #tpu.memory_space<hbm>>) dst(%arg8 : memref<160xi32, #tpu.memory_space<vmem>>)
          tpu.yield
        }) : () -> ()
        %dma_start3A_89 = arith.constant 0 : i32
        %dma_start3A_90 = arith.constant 0 : i32
        %dma_start3A_91 = tpu.memref_slice %arg2[%dma_start3A_89, %dma_start3A_90] : memref<51200x128xf32, #tpu.memory_space<hbm>> -> memref<51200x128xf32, #tpu.memory_space<hbm>>
        tpu.enqueue_indirect_dma source(%dma_start3A_91 : memref<51200x128xf32, #tpu.memory_space<hbm>>) target(%arg10 : memref<160x128xf32, #tpu.memory_space<vmem>>) offsets(%arg6 : memref<160xi32, #tpu.memory_space<vmem>>) semaphore(%arg14 : memref<!tpu.dma_semaphore, #tpu.memory_space<semaphore_mem>>)
        %dma_start3A_92 = arith.constant 0 : i32
        %dma_start3A_93 = arith.constant 0 : i32
        %dma_start3A_94 = tpu.memref_slice %arg2[%dma_start3A_92, %dma_start3A_93] : memref<51200x128xf32, #tpu.memory_space<hbm>> -> memref<51200x128xf32, #tpu.memory_space<hbm>>
        tpu.enqueue_indirect_dma source(%dma_start3A_94 : memref<51200x128xf32, #tpu.memory_space<hbm>>) target(%arg12 : memref<160x128xf32, #tpu.memory_space<vmem>>) offsets(%arg8 : memref<160xi32, #tpu.memory_space<vmem>>) semaphore(%arg14 : memref<!tpu.dma_semaphore, #tpu.memory_space<semaphore_mem>>)
      } else {
      }
    }
    %scan3A_14 = arith.constant 10 : i32
    %dma_wait3A = arith.constant 0 : i32
    %dma_wait3A_15 = tpu.memref_slice %arg5[%mul3A_2, %dma_wait3A] : memref<102400x128xf32, #tpu.memory_space<hbm>> -> memref<160x128xf32, #tpu.memory_space<hbm>>
    %dma_wait3A_16 = arith.constant 0 : i32
    %dma_wait3A_17 = tpu.memref_slice %arg5[%mul3A_2, %dma_wait3A_16] : memref<102400x128xf32, #tpu.memory_space<hbm>> -> memref<160x128xf32, #tpu.memory_space<hbm>>
    tpu.wait_dma2 semaphore(%arg16 : memref<!tpu.dma_semaphore, #tpu.memory_space<semaphore_mem>>) src(%arg11 : memref<160x128xf32, #tpu.memory_space<vmem>>) dst(%dma_wait3A_17 : memref<160x128xf32, #tpu.memory_space<hbm>>)
    return
  }
}

#map = affine_map<(d0, d1) -> (0, 0)>
#map1 = affine_map<(d0, d1) -> (0)>
module attributes {stable_mosaic.version = 14 : i64} {
  func.func @body(%arg0: i32, %arg1: i32, %arg2: memref<51200x64xi16, #tpu.memory_space<hbm>>, %arg3: memref<51200x64xi16, #tpu.memory_space<hbm>>, %arg4: memref<409600xi32, #tpu.memory_space<hbm>>, %arg5: memref<409600xi32, #tpu.memory_space<hbm>>, %arg6: memref<409600xi32, #tpu.memory_space<hbm>>, %arg7: memref<409600xi32, #tpu.memory_space<hbm>>, %arg8: memref<1600x64xi16, #tpu.memory_space<hbm>>, %arg9: memref<1600xf32, #tpu.memory_space<hbm>>, %arg10: memref<512xf32, #tpu.memory_space<hbm>>, %arg11: memref<51200x64xi16, #tpu.memory_space<hbm>>, %arg12: memref<51200x64xi16, #tpu.memory_space<hbm>>, %arg13: memref<25600x64xi16, #tpu.memory_space<vmem_shared>>, %arg14: memref<5120xi32, #tpu.memory_space<vmem>>, %arg15: memref<5120xi32, #tpu.memory_space<vmem>>, %arg16: memref<512x64xi16, #tpu.memory_space<vmem>>, %arg17: memref<512x64xi16, #tpu.memory_space<vmem>>, %arg18: memref<!tpu.dma_semaphore, #tpu.memory_space<semaphore_mem>>, %arg19: memref<!tpu.dma_semaphore, #tpu.memory_space<semaphore_mem>>, %arg20: memref<!tpu.dma_semaphore, #tpu.memory_space<semaphore_mem>>, %arg21: memref<!tpu.dma_semaphore, #tpu.memory_space<semaphore_mem>>) attributes {dimension_semantics = [#tpu.dimension_semantics<core_parallel>, #tpu.dimension_semantics<subcore_parallel>], iteration_bounds = array<i64: 2, 16>, scalar_prefetch = 0 : i64, scratch_operands = 9 : i64, tpu.core_type = #tpu.core_type<sc_vector_subcore>, window_params = [{transform_indices = #map}, {transform_indices = #map}, {transform_indices = #map1}, {transform_indices = #map1}, {transform_indices = #map1}, {transform_indices = #map1}, {transform_indices = #map}, {transform_indices = #map1}, {transform_indices = #map1}, {transform_indices = #map}, {transform_indices = #map}]} {
    %eq3A = arith.constant 0 : i32
    %eq3A_0 = arith.cmpi eq, %arg0, %eq3A : i32
    %convert_element_type3A = arith.extui %eq3A_0 : i1 to i32
    %cond3A = arith.constant 0 : i32
    %cond3A_1 = arith.cmpi ne, %convert_element_type3A, %cond3A : i32
    scf.if %cond3A_1 {
      %mul3A = arith.constant 1600 : i32
      %mul3A_7 = arith.muli %arg1, %mul3A : i32
      "tpu.region"() ({
        %run_scoped3A = tpu.sem_alloc : memref<!tpu.dma_semaphore, #tpu.memory_space<semaphore_mem>>
        %dma_start3A = arith.constant 0 : i32
        %dma_start3A_41 = tpu.memref_slice %arg13[%mul3A_7, %dma_start3A] : memref<25600x64xi16, #tpu.memory_space<vmem_shared>> -> memref<1600x64xi16, #tpu.memory_space<vmem_shared>>
        tpu.enqueue_dma source(%arg8 : memref<1600x64xi16, #tpu.memory_space<hbm>>) target(%dma_start3A_41 : memref<1600x64xi16, #tpu.memory_space<vmem_shared>>) target_semaphore(%run_scoped3A : memref<!tpu.dma_semaphore, #tpu.memory_space<semaphore_mem>>)
        %dma_wait3A = arith.constant 0 : i32
        %dma_wait3A_42 = tpu.memref_slice %arg13[%mul3A_7, %dma_wait3A] : memref<25600x64xi16, #tpu.memory_space<vmem_shared>> -> memref<1600x64xi16, #tpu.memory_space<vmem_shared>>
        tpu.wait_dma2 semaphore(%run_scoped3A : memref<!tpu.dma_semaphore, #tpu.memory_space<semaphore_mem>>) src(%arg8 : memref<1600x64xi16, #tpu.memory_space<hbm>>) dst(%dma_wait3A_42 : memref<1600x64xi16, #tpu.memory_space<vmem_shared>>)
        tpu.yield
      }) : () -> ()
      %barrier3A = arith.constant 0 : index
      tpu.barrier barrier_id(%barrier3A)
      %mul3A_8 = arith.constant 25600 : i32
      %mul3A_9 = arith.muli %arg1, %mul3A_8 : i32
      %scan3A = arith.constant 0 : i32
      %scan3A_10 = arith.constant 0 : i32
      %scan3A_11 = arith.constant 5 : i32
      %scan3A_12 = arith.addi %scan3A_10, %scan3A_11 : i32
      %scan3A_13 = arith.constant 1 : i32
      scf.for %scan3A_41 = %scan3A_10 to %scan3A_12 step %scan3A_13  : i32 {
        %mul3A_42 = arith.constant 5120 : i32
        %mul3A_43 = arith.muli %scan3A_41, %mul3A_42 : i32
        %add3A_44 = arith.addi %mul3A_9, %mul3A_43 : i32
        "tpu.region"() ({
          %run_scoped3A = tpu.sem_alloc : memref<!tpu.dma_semaphore, #tpu.memory_space<semaphore_mem>>
          %dma_start3A_55 = tpu.memref_slice %arg4[%add3A_44] : memref<409600xi32, #tpu.memory_space<hbm>> -> memref<5120xi32, #tpu.memory_space<hbm>>
          %dma_start3A_56 = tpu.memref_slice %arg4[%add3A_44] : memref<409600xi32, #tpu.memory_space<hbm>> -> memref<5120xi32, #tpu.memory_space<hbm>>
          tpu.enqueue_dma source(%dma_start3A_56 : memref<5120xi32, #tpu.memory_space<hbm>>) target(%arg14 : memref<5120xi32, #tpu.memory_space<vmem>>) target_semaphore(%run_scoped3A : memref<!tpu.dma_semaphore, #tpu.memory_space<semaphore_mem>>)
          %dma_wait3A = tpu.memref_slice %arg4[%add3A_44] : memref<409600xi32, #tpu.memory_space<hbm>> -> memref<5120xi32, #tpu.memory_space<hbm>>
          %dma_wait3A_57 = tpu.memref_slice %arg4[%add3A_44] : memref<409600xi32, #tpu.memory_space<hbm>> -> memref<5120xi32, #tpu.memory_space<hbm>>
          tpu.wait_dma2 semaphore(%run_scoped3A : memref<!tpu.dma_semaphore, #tpu.memory_space<semaphore_mem>>) src(%dma_wait3A_57 : memref<5120xi32, #tpu.memory_space<hbm>>) dst(%arg14 : memref<5120xi32, #tpu.memory_space<vmem>>)
          tpu.yield
        }) : () -> ()
        "tpu.region"() ({
          %run_scoped3A = tpu.sem_alloc : memref<!tpu.dma_semaphore, #tpu.memory_space<semaphore_mem>>
          %dma_start3A_55 = tpu.memref_slice %arg5[%add3A_44] : memref<409600xi32, #tpu.memory_space<hbm>> -> memref<5120xi32, #tpu.memory_space<hbm>>
          %dma_start3A_56 = tpu.memref_slice %arg5[%add3A_44] : memref<409600xi32, #tpu.memory_space<hbm>> -> memref<5120xi32, #tpu.memory_space<hbm>>
          tpu.enqueue_dma source(%dma_start3A_56 : memref<5120xi32, #tpu.memory_space<hbm>>) target(%arg15 : memref<5120xi32, #tpu.memory_space<vmem>>) target_semaphore(%run_scoped3A : memref<!tpu.dma_semaphore, #tpu.memory_space<semaphore_mem>>)
          %dma_wait3A = tpu.memref_slice %arg5[%add3A_44] : memref<409600xi32, #tpu.memory_space<hbm>> -> memref<5120xi32, #tpu.memory_space<hbm>>
          %dma_wait3A_57 = tpu.memref_slice %arg5[%add3A_44] : memref<409600xi32, #tpu.memory_space<hbm>> -> memref<5120xi32, #tpu.memory_space<hbm>>
          tpu.wait_dma2 semaphore(%run_scoped3A : memref<!tpu.dma_semaphore, #tpu.memory_space<semaphore_mem>>) src(%dma_wait3A_57 : memref<5120xi32, #tpu.memory_space<hbm>>) dst(%arg15 : memref<5120xi32, #tpu.memory_space<vmem>>)
          tpu.yield
        }) : () -> ()
        %dma_start3A = arith.constant 0 : i32
        %dma_start3A_45 = tpu.memref_slice %arg14[%dma_start3A] : memref<5120xi32, #tpu.memory_space<vmem>> -> memref<512xi32, #tpu.memory_space<vmem>>
        %dma_start3A_46 = arith.constant 0 : i32
        %dma_start3A_47 = arith.constant 0 : i32
        %dma_start3A_48 = tpu.memref_slice %arg2[%dma_start3A_46, %dma_start3A_47] : memref<51200x64xi16, #tpu.memory_space<hbm>> -> memref<51200x64xi16, #tpu.memory_space<hbm>>
        tpu.enqueue_indirect_dma source(%dma_start3A_48 : memref<51200x64xi16, #tpu.memory_space<hbm>>) target(%arg16 : memref<512x64xi16, #tpu.memory_space<vmem>>) offsets(%dma_start3A_45 : memref<512xi32, #tpu.memory_space<vmem>>) semaphore(%arg18 : memref<!tpu.dma_semaphore, #tpu.memory_space<semaphore_mem>>)
        %scan3A_49 = arith.constant 0 : i32
        %scan3A_50 = arith.constant 0 : i32
        %scan3A_51 = arith.constant 5 : i32
        %scan3A_52 = arith.addi %scan3A_50, %scan3A_51 : i32
        %scan3A_53 = arith.constant 1 : i32
        scf.for %scan3A_55 = %scan3A_50 to %scan3A_52 step %scan3A_53  : i32 {
          %mul3A_56 = arith.constant 2 : i32
          %mul3A_57 = arith.muli %mul3A_56, %scan3A_55 : i32
          %add3A_58 = arith.constant 1 : i32
          %add3A_59 = arith.addi %mul3A_57, %add3A_58 : i32
          %mul3A_60 = arith.constant 512 : i32
          %mul3A_61 = arith.muli %add3A_59, %mul3A_60 : i32
          %dma_start3A_62 = tpu.memref_slice %arg14[%mul3A_61] : memref<5120xi32, #tpu.memory_space<vmem>> -> memref<512xi32, #tpu.memory_space<vmem>>
          %dma_start3A_63 = arith.constant 0 : i32
          %dma_start3A_64 = arith.constant 0 : i32
          %dma_start3A_65 = tpu.memref_slice %arg2[%dma_start3A_63, %dma_start3A_64] : memref<51200x64xi16, #tpu.memory_space<hbm>> -> memref<51200x64xi16, #tpu.memory_space<hbm>>
          tpu.enqueue_indirect_dma source(%dma_start3A_65 : memref<51200x64xi16, #tpu.memory_space<hbm>>) target(%arg17 : memref<512x64xi16, #tpu.memory_space<vmem>>) offsets(%dma_start3A_62 : memref<512xi32, #tpu.memory_space<vmem>>) semaphore(%arg19 : memref<!tpu.dma_semaphore, #tpu.memory_space<semaphore_mem>>)
          %mul3A_66 = arith.constant 512 : i32
          %mul3A_67 = arith.muli %mul3A_57, %mul3A_66 : i32
          %dma_wait3A = tpu.memref_slice %arg14[%mul3A_67] : memref<5120xi32, #tpu.memory_space<vmem>> -> memref<512xi32, #tpu.memory_space<vmem>>
          %dma_wait3A_68 = arith.constant 0 : i32
          %dma_wait3A_69 = arith.constant 0 : i32
          %dma_wait3A_70 = tpu.memref_slice %arg2[%dma_wait3A_68, %dma_wait3A_69] : memref<51200x64xi16, #tpu.memory_space<hbm>> -> memref<51200x64xi16, #tpu.memory_space<hbm>>
          tpu.wait_indirect_dma semaphore(%arg18 : memref<!tpu.dma_semaphore, #tpu.memory_space<semaphore_mem>>) src(%dma_wait3A_70 : memref<51200x64xi16, #tpu.memory_space<hbm>>) dst(%arg16 : memref<512x64xi16, #tpu.memory_space<vmem>>)
          %mul3A_71 = arith.constant 512 : i32
          %mul3A_72 = arith.muli %mul3A_57, %mul3A_71 : i32
          %dma_start3A_73 = tpu.memref_slice %arg15[%mul3A_72] : memref<5120xi32, #tpu.memory_space<vmem>> -> memref<512xi32, #tpu.memory_space<vmem>>
          %dma_start3A_74 = arith.constant 0 : i32
          %dma_start3A_75 = arith.constant 0 : i32
          %dma_start3A_76 = tpu.memref_slice %arg13[%dma_start3A_74, %dma_start3A_75] : memref<25600x64xi16, #tpu.memory_space<vmem_shared>> -> memref<25600x64xi16, #tpu.memory_space<vmem_shared>>
          tpu.enqueue_indirect_dma source(%arg16 : memref<512x64xi16, #tpu.memory_space<vmem>>) target(%dma_start3A_76 : memref<25600x64xi16, #tpu.memory_space<vmem_shared>>) offsets(%dma_start3A_73 : memref<512xi32, #tpu.memory_space<vmem>>) semaphore(%arg20 : memref<!tpu.dma_semaphore, #tpu.memory_space<semaphore_mem>>) {add = true}
          %add3A_77 = arith.constant 1 : i32
          %add3A_78 = arith.addi %mul3A_57, %add3A_77 : i32
          %mul3A_79 = arith.constant 512 : i32
          %mul3A_80 = arith.muli %add3A_78, %mul3A_79 : i32
          %dma_wait3A_81 = tpu.memref_slice %arg14[%mul3A_80] : memref<5120xi32, #tpu.memory_space<vmem>> -> memref<512xi32, #tpu.memory_space<vmem>>
          %dma_wait3A_82 = arith.constant 0 : i32
          %dma_wait3A_83 = arith.constant 0 : i32
          %dma_wait3A_84 = tpu.memref_slice %arg2[%dma_wait3A_82, %dma_wait3A_83] : memref<51200x64xi16, #tpu.memory_space<hbm>> -> memref<51200x64xi16, #tpu.memory_space<hbm>>
          tpu.wait_indirect_dma semaphore(%arg19 : memref<!tpu.dma_semaphore, #tpu.memory_space<semaphore_mem>>) src(%dma_wait3A_84 : memref<51200x64xi16, #tpu.memory_space<hbm>>) dst(%arg17 : memref<512x64xi16, #tpu.memory_space<vmem>>)
          %add3A_85 = arith.constant 1 : i32
          %add3A_86 = arith.addi %mul3A_57, %add3A_85 : i32
          %mul3A_87 = arith.constant 512 : i32
          %mul3A_88 = arith.muli %add3A_86, %mul3A_87 : i32
          %dma_start3A_89 = tpu.memref_slice %arg15[%mul3A_88] : memref<5120xi32, #tpu.memory_space<vmem>> -> memref<512xi32, #tpu.memory_space<vmem>>
          %dma_start3A_90 = arith.constant 0 : i32
          %dma_start3A_91 = arith.constant 0 : i32
          %dma_start3A_92 = tpu.memref_slice %arg13[%dma_start3A_90, %dma_start3A_91] : memref<25600x64xi16, #tpu.memory_space<vmem_shared>> -> memref<25600x64xi16, #tpu.memory_space<vmem_shared>>
          tpu.enqueue_indirect_dma source(%arg17 : memref<512x64xi16, #tpu.memory_space<vmem>>) target(%dma_start3A_92 : memref<25600x64xi16, #tpu.memory_space<vmem_shared>>) offsets(%dma_start3A_89 : memref<512xi32, #tpu.memory_space<vmem>>) semaphore(%arg21 : memref<!tpu.dma_semaphore, #tpu.memory_space<semaphore_mem>>) {add = true}
          %mul3A_93 = arith.constant 512 : i32
          %mul3A_94 = arith.muli %mul3A_57, %mul3A_93 : i32
          %dma_wait3A_95 = tpu.memref_slice %arg15[%mul3A_94] : memref<5120xi32, #tpu.memory_space<vmem>> -> memref<512xi32, #tpu.memory_space<vmem>>
          %dma_wait3A_96 = arith.constant 0 : i32
          %dma_wait3A_97 = arith.constant 0 : i32
          %dma_wait3A_98 = tpu.memref_slice %arg13[%dma_wait3A_96, %dma_wait3A_97] : memref<25600x64xi16, #tpu.memory_space<vmem_shared>> -> memref<25600x64xi16, #tpu.memory_space<vmem_shared>>
          tpu.wait_indirect_dma semaphore(%arg20 : memref<!tpu.dma_semaphore, #tpu.memory_space<semaphore_mem>>) src(%arg16 : memref<512x64xi16, #tpu.memory_space<vmem>>) dst(%dma_wait3A_98 : memref<25600x64xi16, #tpu.memory_space<vmem_shared>>)
          %add3A_99 = arith.constant 1 : i32
          %add3A_100 = arith.addi %scan3A_55, %add3A_99 : i32
          %lt3A = arith.constant 5 : i32
          %lt3A_101 = arith.cmpi slt, %add3A_100, %lt3A : i32
          %convert_element_type3A_102 = arith.extui %lt3A_101 : i1 to i32
          %cond3A_103 = arith.constant 0 : i32
          %cond3A_104 = arith.cmpi ne, %convert_element_type3A_102, %cond3A_103 : i32
          scf.if %cond3A_104 {
            %add3A_113 = arith.constant 2 : i32
            %add3A_114 = arith.addi %mul3A_57, %add3A_113 : i32
            %mul3A_115 = arith.constant 512 : i32
            %mul3A_116 = arith.muli %add3A_114, %mul3A_115 : i32
            %dma_start3A_117 = tpu.memref_slice %arg14[%mul3A_116] : memref<5120xi32, #tpu.memory_space<vmem>> -> memref<512xi32, #tpu.memory_space<vmem>>
            %dma_start3A_118 = arith.constant 0 : i32
            %dma_start3A_119 = arith.constant 0 : i32
            %dma_start3A_120 = tpu.memref_slice %arg2[%dma_start3A_118, %dma_start3A_119] : memref<51200x64xi16, #tpu.memory_space<hbm>> -> memref<51200x64xi16, #tpu.memory_space<hbm>>
            tpu.enqueue_indirect_dma source(%dma_start3A_120 : memref<51200x64xi16, #tpu.memory_space<hbm>>) target(%arg16 : memref<512x64xi16, #tpu.memory_space<vmem>>) offsets(%dma_start3A_117 : memref<512xi32, #tpu.memory_space<vmem>>) semaphore(%arg18 : memref<!tpu.dma_semaphore, #tpu.memory_space<semaphore_mem>>)
          } else {
          }
          %add3A_105 = arith.constant 1 : i32
          %add3A_106 = arith.addi %mul3A_57, %add3A_105 : i32
          %mul3A_107 = arith.constant 512 : i32
          %mul3A_108 = arith.muli %add3A_106, %mul3A_107 : i32
          %dma_wait3A_109 = tpu.memref_slice %arg15[%mul3A_108] : memref<5120xi32, #tpu.memory_space<vmem>> -> memref<512xi32, #tpu.memory_space<vmem>>
          %dma_wait3A_110 = arith.constant 0 : i32
          %dma_wait3A_111 = arith.constant 0 : i32
          %dma_wait3A_112 = tpu.memref_slice %arg13[%dma_wait3A_110, %dma_wait3A_111] : memref<25600x64xi16, #tpu.memory_space<vmem_shared>> -> memref<25600x64xi16, #tpu.memory_space<vmem_shared>>
          tpu.wait_indirect_dma semaphore(%arg21 : memref<!tpu.dma_semaphore, #tpu.memory_space<semaphore_mem>>) src(%arg17 : memref<512x64xi16, #tpu.memory_space<vmem>>) dst(%dma_wait3A_112 : memref<25600x64xi16, #tpu.memory_space<vmem_shared>>)
        }
        %scan3A_54 = arith.constant 5 : i32
      }
      %scan3A_14 = arith.constant 5 : i32
      %barrier3A_15 = arith.constant 0 : index
      tpu.barrier barrier_id(%barrier3A_15)
      %mul3A_16 = arith.constant 1600 : i32
      %mul3A_17 = arith.muli %arg1, %mul3A_16 : i32
      %mul3A_18 = arith.constant 1600 : i32
      %mul3A_19 = arith.muli %arg1, %mul3A_18 : i32
      %add3A = arith.constant 25600 : i32
      %add3A_20 = arith.addi %add3A, %mul3A_19 : i32
      "tpu.region"() ({
        %run_scoped3A = tpu.sem_alloc : memref<!tpu.dma_semaphore, #tpu.memory_space<semaphore_mem>>
        %dma_start3A = arith.constant 0 : i32
        %dma_start3A_41 = tpu.memref_slice %arg11[%add3A_20, %dma_start3A] : memref<51200x64xi16, #tpu.memory_space<hbm>> -> memref<1600x64xi16, #tpu.memory_space<hbm>>
        %dma_start3A_42 = arith.constant 0 : i32
        %dma_start3A_43 = tpu.memref_slice %arg13[%mul3A_17, %dma_start3A_42] : memref<25600x64xi16, #tpu.memory_space<vmem_shared>> -> memref<1600x64xi16, #tpu.memory_space<vmem_shared>>
        tpu.enqueue_dma source(%dma_start3A_43 : memref<1600x64xi16, #tpu.memory_space<vmem_shared>>) target(%dma_start3A_41 : memref<1600x64xi16, #tpu.memory_space<hbm>>) target_semaphore(%run_scoped3A : memref<!tpu.dma_semaphore, #tpu.memory_space<semaphore_mem>>)
        %dma_wait3A = arith.constant 0 : i32
        %dma_wait3A_44 = tpu.memref_slice %arg11[%add3A_20, %dma_wait3A] : memref<51200x64xi16, #tpu.memory_space<hbm>> -> memref<1600x64xi16, #tpu.memory_space<hbm>>
        %dma_wait3A_45 = arith.constant 0 : i32
        %dma_wait3A_46 = tpu.memref_slice %arg13[%mul3A_17, %dma_wait3A_45] : memref<25600x64xi16, #tpu.memory_space<vmem_shared>> -> memref<1600x64xi16, #tpu.memory_space<vmem_shared>>
        tpu.wait_dma2 semaphore(%run_scoped3A : memref<!tpu.dma_semaphore, #tpu.memory_space<semaphore_mem>>) src(%dma_wait3A_46 : memref<1600x64xi16, #tpu.memory_space<vmem_shared>>) dst(%dma_wait3A_44 : memref<1600x64xi16, #tpu.memory_space<hbm>>)
        tpu.yield
      }) : () -> ()
      %barrier3A_21 = arith.constant 0 : index
      tpu.barrier barrier_id(%barrier3A_21)
      %mul3A_22 = arith.constant 1600 : i32
      %mul3A_23 = arith.muli %arg1, %mul3A_22 : i32
      "tpu.region"() ({
        %run_scoped3A = tpu.sem_alloc : memref<!tpu.dma_semaphore, #tpu.memory_space<semaphore_mem>>
        %dma_start3A = arith.constant 0 : i32
        %dma_start3A_41 = tpu.memref_slice %arg13[%mul3A_23, %dma_start3A] : memref<25600x64xi16, #tpu.memory_space<vmem_shared>> -> memref<1600x64xi16, #tpu.memory_space<vmem_shared>>
        tpu.enqueue_dma source(%arg8 : memref<1600x64xi16, #tpu.memory_space<hbm>>) target(%dma_start3A_41 : memref<1600x64xi16, #tpu.memory_space<vmem_shared>>) target_semaphore(%run_scoped3A : memref<!tpu.dma_semaphore, #tpu.memory_space<semaphore_mem>>)
        %dma_wait3A = arith.constant 0 : i32
        %dma_wait3A_42 = tpu.memref_slice %arg13[%mul3A_23, %dma_wait3A] : memref<25600x64xi16, #tpu.memory_space<vmem_shared>> -> memref<1600x64xi16, #tpu.memory_space<vmem_shared>>
        tpu.wait_dma2 semaphore(%run_scoped3A : memref<!tpu.dma_semaphore, #tpu.memory_space<semaphore_mem>>) src(%arg8 : memref<1600x64xi16, #tpu.memory_space<hbm>>) dst(%dma_wait3A_42 : memref<1600x64xi16, #tpu.memory_space<vmem_shared>>)
        tpu.yield
      }) : () -> ()
      %barrier3A_24 = arith.constant 0 : index
      tpu.barrier barrier_id(%barrier3A_24)
      %mul3A_25 = arith.constant 25600 : i32
      %mul3A_26 = arith.muli %arg1, %mul3A_25 : i32
      %scan3A_27 = arith.constant 0 : i32
      %scan3A_28 = arith.constant 0 : i32
      %scan3A_29 = arith.constant 5 : i32
      %scan3A_30 = arith.addi %scan3A_28, %scan3A_29 : i32
      %scan3A_31 = arith.constant 1 : i32
      scf.for %scan3A_41 = %scan3A_28 to %scan3A_30 step %scan3A_31  : i32 {
        %mul3A_42 = arith.constant 5120 : i32
        %mul3A_43 = arith.muli %scan3A_41, %mul3A_42 : i32
        %add3A_44 = arith.addi %mul3A_26, %mul3A_43 : i32
        "tpu.region"() ({
          %run_scoped3A = tpu.sem_alloc : memref<!tpu.dma_semaphore, #tpu.memory_space<semaphore_mem>>
          %dma_start3A_55 = tpu.memref_slice %arg6[%add3A_44] : memref<409600xi32, #tpu.memory_space<hbm>> -> memref<5120xi32, #tpu.memory_space<hbm>>
          %dma_start3A_56 = tpu.memref_slice %arg6[%add3A_44] : memref<409600xi32, #tpu.memory_space<hbm>> -> memref<5120xi32, #tpu.memory_space<hbm>>
          tpu.enqueue_dma source(%dma_start3A_56 : memref<5120xi32, #tpu.memory_space<hbm>>) target(%arg14 : memref<5120xi32, #tpu.memory_space<vmem>>) target_semaphore(%run_scoped3A : memref<!tpu.dma_semaphore, #tpu.memory_space<semaphore_mem>>)
          %dma_wait3A = tpu.memref_slice %arg6[%add3A_44] : memref<409600xi32, #tpu.memory_space<hbm>> -> memref<5120xi32, #tpu.memory_space<hbm>>
          %dma_wait3A_57 = tpu.memref_slice %arg6[%add3A_44] : memref<409600xi32, #tpu.memory_space<hbm>> -> memref<5120xi32, #tpu.memory_space<hbm>>
          tpu.wait_dma2 semaphore(%run_scoped3A : memref<!tpu.dma_semaphore, #tpu.memory_space<semaphore_mem>>) src(%dma_wait3A_57 : memref<5120xi32, #tpu.memory_space<hbm>>) dst(%arg14 : memref<5120xi32, #tpu.memory_space<vmem>>)
          tpu.yield
        }) : () -> ()
        "tpu.region"() ({
          %run_scoped3A = tpu.sem_alloc : memref<!tpu.dma_semaphore, #tpu.memory_space<semaphore_mem>>
          %dma_start3A_55 = tpu.memref_slice %arg7[%add3A_44] : memref<409600xi32, #tpu.memory_space<hbm>> -> memref<5120xi32, #tpu.memory_space<hbm>>
          %dma_start3A_56 = tpu.memref_slice %arg7[%add3A_44] : memref<409600xi32, #tpu.memory_space<hbm>> -> memref<5120xi32, #tpu.memory_space<hbm>>
          tpu.enqueue_dma source(%dma_start3A_56 : memref<5120xi32, #tpu.memory_space<hbm>>) target(%arg15 : memref<5120xi32, #tpu.memory_space<vmem>>) target_semaphore(%run_scoped3A : memref<!tpu.dma_semaphore, #tpu.memory_space<semaphore_mem>>)
          %dma_wait3A = tpu.memref_slice %arg7[%add3A_44] : memref<409600xi32, #tpu.memory_space<hbm>> -> memref<5120xi32, #tpu.memory_space<hbm>>
          %dma_wait3A_57 = tpu.memref_slice %arg7[%add3A_44] : memref<409600xi32, #tpu.memory_space<hbm>> -> memref<5120xi32, #tpu.memory_space<hbm>>
          tpu.wait_dma2 semaphore(%run_scoped3A : memref<!tpu.dma_semaphore, #tpu.memory_space<semaphore_mem>>) src(%dma_wait3A_57 : memref<5120xi32, #tpu.memory_space<hbm>>) dst(%arg15 : memref<5120xi32, #tpu.memory_space<vmem>>)
          tpu.yield
        }) : () -> ()
        %dma_start3A = arith.constant 0 : i32
        %dma_start3A_45 = tpu.memref_slice %arg14[%dma_start3A] : memref<5120xi32, #tpu.memory_space<vmem>> -> memref<512xi32, #tpu.memory_space<vmem>>
        %dma_start3A_46 = arith.constant 0 : i32
        %dma_start3A_47 = arith.constant 0 : i32
        %dma_start3A_48 = tpu.memref_slice %arg2[%dma_start3A_46, %dma_start3A_47] : memref<51200x64xi16, #tpu.memory_space<hbm>> -> memref<51200x64xi16, #tpu.memory_space<hbm>>
        tpu.enqueue_indirect_dma source(%dma_start3A_48 : memref<51200x64xi16, #tpu.memory_space<hbm>>) target(%arg16 : memref<512x64xi16, #tpu.memory_space<vmem>>) offsets(%dma_start3A_45 : memref<512xi32, #tpu.memory_space<vmem>>) semaphore(%arg18 : memref<!tpu.dma_semaphore, #tpu.memory_space<semaphore_mem>>)
        %scan3A_49 = arith.constant 0 : i32
        %scan3A_50 = arith.constant 0 : i32
        %scan3A_51 = arith.constant 5 : i32
        %scan3A_52 = arith.addi %scan3A_50, %scan3A_51 : i32
        %scan3A_53 = arith.constant 1 : i32
        scf.for %scan3A_55 = %scan3A_50 to %scan3A_52 step %scan3A_53  : i32 {
          %mul3A_56 = arith.constant 2 : i32
          %mul3A_57 = arith.muli %mul3A_56, %scan3A_55 : i32
          %add3A_58 = arith.constant 1 : i32
          %add3A_59 = arith.addi %mul3A_57, %add3A_58 : i32
          %mul3A_60 = arith.constant 512 : i32
          %mul3A_61 = arith.muli %add3A_59, %mul3A_60 : i32
          %dma_start3A_62 = tpu.memref_slice %arg14[%mul3A_61] : memref<5120xi32, #tpu.memory_space<vmem>> -> memref<512xi32, #tpu.memory_space<vmem>>
          %dma_start3A_63 = arith.constant 0 : i32
          %dma_start3A_64 = arith.constant 0 : i32
          %dma_start3A_65 = tpu.memref_slice %arg2[%dma_start3A_63, %dma_start3A_64] : memref<51200x64xi16, #tpu.memory_space<hbm>> -> memref<51200x64xi16, #tpu.memory_space<hbm>>
          tpu.enqueue_indirect_dma source(%dma_start3A_65 : memref<51200x64xi16, #tpu.memory_space<hbm>>) target(%arg17 : memref<512x64xi16, #tpu.memory_space<vmem>>) offsets(%dma_start3A_62 : memref<512xi32, #tpu.memory_space<vmem>>) semaphore(%arg19 : memref<!tpu.dma_semaphore, #tpu.memory_space<semaphore_mem>>)
          %mul3A_66 = arith.constant 512 : i32
          %mul3A_67 = arith.muli %mul3A_57, %mul3A_66 : i32
          %dma_wait3A = tpu.memref_slice %arg14[%mul3A_67] : memref<5120xi32, #tpu.memory_space<vmem>> -> memref<512xi32, #tpu.memory_space<vmem>>
          %dma_wait3A_68 = arith.constant 0 : i32
          %dma_wait3A_69 = arith.constant 0 : i32
          %dma_wait3A_70 = tpu.memref_slice %arg2[%dma_wait3A_68, %dma_wait3A_69] : memref<51200x64xi16, #tpu.memory_space<hbm>> -> memref<51200x64xi16, #tpu.memory_space<hbm>>
          tpu.wait_indirect_dma semaphore(%arg18 : memref<!tpu.dma_semaphore, #tpu.memory_space<semaphore_mem>>) src(%dma_wait3A_70 : memref<51200x64xi16, #tpu.memory_space<hbm>>) dst(%arg16 : memref<512x64xi16, #tpu.memory_space<vmem>>)
          %mul3A_71 = arith.constant 512 : i32
          %mul3A_72 = arith.muli %mul3A_57, %mul3A_71 : i32
          %dma_start3A_73 = tpu.memref_slice %arg15[%mul3A_72] : memref<5120xi32, #tpu.memory_space<vmem>> -> memref<512xi32, #tpu.memory_space<vmem>>
          %dma_start3A_74 = arith.constant 0 : i32
          %dma_start3A_75 = arith.constant 0 : i32
          %dma_start3A_76 = tpu.memref_slice %arg13[%dma_start3A_74, %dma_start3A_75] : memref<25600x64xi16, #tpu.memory_space<vmem_shared>> -> memref<25600x64xi16, #tpu.memory_space<vmem_shared>>
          tpu.enqueue_indirect_dma source(%arg16 : memref<512x64xi16, #tpu.memory_space<vmem>>) target(%dma_start3A_76 : memref<25600x64xi16, #tpu.memory_space<vmem_shared>>) offsets(%dma_start3A_73 : memref<512xi32, #tpu.memory_space<vmem>>) semaphore(%arg20 : memref<!tpu.dma_semaphore, #tpu.memory_space<semaphore_mem>>) {add = true}
          %add3A_77 = arith.constant 1 : i32
          %add3A_78 = arith.addi %mul3A_57, %add3A_77 : i32
          %mul3A_79 = arith.constant 512 : i32
          %mul3A_80 = arith.muli %add3A_78, %mul3A_79 : i32
          %dma_wait3A_81 = tpu.memref_slice %arg14[%mul3A_80] : memref<5120xi32, #tpu.memory_space<vmem>> -> memref<512xi32, #tpu.memory_space<vmem>>
          %dma_wait3A_82 = arith.constant 0 : i32
          %dma_wait3A_83 = arith.constant 0 : i32
          %dma_wait3A_84 = tpu.memref_slice %arg2[%dma_wait3A_82, %dma_wait3A_83] : memref<51200x64xi16, #tpu.memory_space<hbm>> -> memref<51200x64xi16, #tpu.memory_space<hbm>>
          tpu.wait_indirect_dma semaphore(%arg19 : memref<!tpu.dma_semaphore, #tpu.memory_space<semaphore_mem>>) src(%dma_wait3A_84 : memref<51200x64xi16, #tpu.memory_space<hbm>>) dst(%arg17 : memref<512x64xi16, #tpu.memory_space<vmem>>)
          %add3A_85 = arith.constant 1 : i32
          %add3A_86 = arith.addi %mul3A_57, %add3A_85 : i32
          %mul3A_87 = arith.constant 512 : i32
          %mul3A_88 = arith.muli %add3A_86, %mul3A_87 : i32
          %dma_start3A_89 = tpu.memref_slice %arg15[%mul3A_88] : memref<5120xi32, #tpu.memory_space<vmem>> -> memref<512xi32, #tpu.memory_space<vmem>>
          %dma_start3A_90 = arith.constant 0 : i32
          %dma_start3A_91 = arith.constant 0 : i32
          %dma_start3A_92 = tpu.memref_slice %arg13[%dma_start3A_90, %dma_start3A_91] : memref<25600x64xi16, #tpu.memory_space<vmem_shared>> -> memref<25600x64xi16, #tpu.memory_space<vmem_shared>>
          tpu.enqueue_indirect_dma source(%arg17 : memref<512x64xi16, #tpu.memory_space<vmem>>) target(%dma_start3A_92 : memref<25600x64xi16, #tpu.memory_space<vmem_shared>>) offsets(%dma_start3A_89 : memref<512xi32, #tpu.memory_space<vmem>>) semaphore(%arg21 : memref<!tpu.dma_semaphore, #tpu.memory_space<semaphore_mem>>) {add = true}
          %mul3A_93 = arith.constant 512 : i32
          %mul3A_94 = arith.muli %mul3A_57, %mul3A_93 : i32
          %dma_wait3A_95 = tpu.memref_slice %arg15[%mul3A_94] : memref<5120xi32, #tpu.memory_space<vmem>> -> memref<512xi32, #tpu.memory_space<vmem>>
          %dma_wait3A_96 = arith.constant 0 : i32
          %dma_wait3A_97 = arith.constant 0 : i32
          %dma_wait3A_98 = tpu.memref_slice %arg13[%dma_wait3A_96, %dma_wait3A_97] : memref<25600x64xi16, #tpu.memory_space<vmem_shared>> -> memref<25600x64xi16, #tpu.memory_space<vmem_shared>>
          tpu.wait_indirect_dma semaphore(%arg20 : memref<!tpu.dma_semaphore, #tpu.memory_space<semaphore_mem>>) src(%arg16 : memref<512x64xi16, #tpu.memory_space<vmem>>) dst(%dma_wait3A_98 : memref<25600x64xi16, #tpu.memory_space<vmem_shared>>)
          %add3A_99 = arith.constant 1 : i32
          %add3A_100 = arith.addi %scan3A_55, %add3A_99 : i32
          %lt3A = arith.constant 5 : i32
          %lt3A_101 = arith.cmpi slt, %add3A_100, %lt3A : i32
          %convert_element_type3A_102 = arith.extui %lt3A_101 : i1 to i32
          %cond3A_103 = arith.constant 0 : i32
          %cond3A_104 = arith.cmpi ne, %convert_element_type3A_102, %cond3A_103 : i32
          scf.if %cond3A_104 {
            %add3A_113 = arith.constant 2 : i32
            %add3A_114 = arith.addi %mul3A_57, %add3A_113 : i32
            %mul3A_115 = arith.constant 512 : i32
            %mul3A_116 = arith.muli %add3A_114, %mul3A_115 : i32
            %dma_start3A_117 = tpu.memref_slice %arg14[%mul3A_116] : memref<5120xi32, #tpu.memory_space<vmem>> -> memref<512xi32, #tpu.memory_space<vmem>>
            %dma_start3A_118 = arith.constant 0 : i32
            %dma_start3A_119 = arith.constant 0 : i32
            %dma_start3A_120 = tpu.memref_slice %arg2[%dma_start3A_118, %dma_start3A_119] : memref<51200x64xi16, #tpu.memory_space<hbm>> -> memref<51200x64xi16, #tpu.memory_space<hbm>>
            tpu.enqueue_indirect_dma source(%dma_start3A_120 : memref<51200x64xi16, #tpu.memory_space<hbm>>) target(%arg16 : memref<512x64xi16, #tpu.memory_space<vmem>>) offsets(%dma_start3A_117 : memref<512xi32, #tpu.memory_space<vmem>>) semaphore(%arg18 : memref<!tpu.dma_semaphore, #tpu.memory_space<semaphore_mem>>)
          } else {
          }
          %add3A_105 = arith.constant 1 : i32
          %add3A_106 = arith.addi %mul3A_57, %add3A_105 : i32
          %mul3A_107 = arith.constant 512 : i32
          %mul3A_108 = arith.muli %add3A_106, %mul3A_107 : i32
          %dma_wait3A_109 = tpu.memref_slice %arg15[%mul3A_108] : memref<5120xi32, #tpu.memory_space<vmem>> -> memref<512xi32, #tpu.memory_space<vmem>>
          %dma_wait3A_110 = arith.constant 0 : i32
          %dma_wait3A_111 = arith.constant 0 : i32
          %dma_wait3A_112 = tpu.memref_slice %arg13[%dma_wait3A_110, %dma_wait3A_111] : memref<25600x64xi16, #tpu.memory_space<vmem_shared>> -> memref<25600x64xi16, #tpu.memory_space<vmem_shared>>
          tpu.wait_indirect_dma semaphore(%arg21 : memref<!tpu.dma_semaphore, #tpu.memory_space<semaphore_mem>>) src(%arg17 : memref<512x64xi16, #tpu.memory_space<vmem>>) dst(%dma_wait3A_112 : memref<25600x64xi16, #tpu.memory_space<vmem_shared>>)
        }
        %scan3A_54 = arith.constant 5 : i32
      }
      %scan3A_32 = arith.constant 5 : i32
      %barrier3A_33 = arith.constant 0 : index
      tpu.barrier barrier_id(%barrier3A_33)
      %mul3A_34 = arith.constant 1600 : i32
      %mul3A_35 = arith.muli %arg1, %mul3A_34 : i32
      %mul3A_36 = arith.constant 1600 : i32
      %mul3A_37 = arith.muli %arg1, %mul3A_36 : i32
      %add3A_38 = arith.constant 0 : i32
      %add3A_39 = arith.addi %add3A_38, %mul3A_37 : i32
      "tpu.region"() ({
        %run_scoped3A = tpu.sem_alloc : memref<!tpu.dma_semaphore, #tpu.memory_space<semaphore_mem>>
        %dma_start3A = arith.constant 0 : i32
        %dma_start3A_41 = tpu.memref_slice %arg11[%add3A_39, %dma_start3A] : memref<51200x64xi16, #tpu.memory_space<hbm>> -> memref<1600x64xi16, #tpu.memory_space<hbm>>
        %dma_start3A_42 = arith.constant 0 : i32
        %dma_start3A_43 = tpu.memref_slice %arg13[%mul3A_35, %dma_start3A_42] : memref<25600x64xi16, #tpu.memory_space<vmem_shared>> -> memref<1600x64xi16, #tpu.memory_space<vmem_shared>>
        tpu.enqueue_dma source(%dma_start3A_43 : memref<1600x64xi16, #tpu.memory_space<vmem_shared>>) target(%dma_start3A_41 : memref<1600x64xi16, #tpu.memory_space<hbm>>) target_semaphore(%run_scoped3A : memref<!tpu.dma_semaphore, #tpu.memory_space<semaphore_mem>>)
        %dma_wait3A = arith.constant 0 : i32
        %dma_wait3A_44 = tpu.memref_slice %arg11[%add3A_39, %dma_wait3A] : memref<51200x64xi16, #tpu.memory_space<hbm>> -> memref<1600x64xi16, #tpu.memory_space<hbm>>
        %dma_wait3A_45 = arith.constant 0 : i32
        %dma_wait3A_46 = tpu.memref_slice %arg13[%mul3A_35, %dma_wait3A_45] : memref<25600x64xi16, #tpu.memory_space<vmem_shared>> -> memref<1600x64xi16, #tpu.memory_space<vmem_shared>>
        tpu.wait_dma2 semaphore(%run_scoped3A : memref<!tpu.dma_semaphore, #tpu.memory_space<semaphore_mem>>) src(%dma_wait3A_46 : memref<1600x64xi16, #tpu.memory_space<vmem_shared>>) dst(%dma_wait3A_44 : memref<1600x64xi16, #tpu.memory_space<hbm>>)
        tpu.yield
      }) : () -> ()
      %barrier3A_40 = arith.constant 0 : index
      tpu.barrier barrier_id(%barrier3A_40)
    } else {
    }
    %eq3A_2 = arith.constant 1 : i32
    %eq3A_3 = arith.cmpi eq, %arg0, %eq3A_2 : i32
    %convert_element_type3A_4 = arith.extui %eq3A_3 : i1 to i32
    %cond3A_5 = arith.constant 0 : i32
    %cond3A_6 = arith.cmpi ne, %convert_element_type3A_4, %cond3A_5 : i32
    scf.if %cond3A_6 {
      %mul3A = arith.constant 1600 : i32
      %mul3A_7 = arith.muli %arg1, %mul3A : i32
      "tpu.region"() ({
        %run_scoped3A = tpu.sem_alloc : memref<!tpu.dma_semaphore, #tpu.memory_space<semaphore_mem>>
        %dma_start3A = arith.constant 0 : i32
        %dma_start3A_41 = tpu.memref_slice %arg13[%mul3A_7, %dma_start3A] : memref<25600x64xi16, #tpu.memory_space<vmem_shared>> -> memref<1600x64xi16, #tpu.memory_space<vmem_shared>>
        tpu.enqueue_dma source(%arg8 : memref<1600x64xi16, #tpu.memory_space<hbm>>) target(%dma_start3A_41 : memref<1600x64xi16, #tpu.memory_space<vmem_shared>>) target_semaphore(%run_scoped3A : memref<!tpu.dma_semaphore, #tpu.memory_space<semaphore_mem>>)
        %dma_wait3A = arith.constant 0 : i32
        %dma_wait3A_42 = tpu.memref_slice %arg13[%mul3A_7, %dma_wait3A] : memref<25600x64xi16, #tpu.memory_space<vmem_shared>> -> memref<1600x64xi16, #tpu.memory_space<vmem_shared>>
        tpu.wait_dma2 semaphore(%run_scoped3A : memref<!tpu.dma_semaphore, #tpu.memory_space<semaphore_mem>>) src(%arg8 : memref<1600x64xi16, #tpu.memory_space<hbm>>) dst(%dma_wait3A_42 : memref<1600x64xi16, #tpu.memory_space<vmem_shared>>)
        tpu.yield
      }) : () -> ()
      %barrier3A = arith.constant 0 : index
      tpu.barrier barrier_id(%barrier3A)
      %mul3A_8 = arith.constant 25600 : i32
      %mul3A_9 = arith.muli %arg1, %mul3A_8 : i32
      %scan3A = arith.constant 0 : i32
      %scan3A_10 = arith.constant 0 : i32
      %scan3A_11 = arith.constant 5 : i32
      %scan3A_12 = arith.addi %scan3A_10, %scan3A_11 : i32
      %scan3A_13 = arith.constant 1 : i32
      scf.for %scan3A_41 = %scan3A_10 to %scan3A_12 step %scan3A_13  : i32 {
        %mul3A_42 = arith.constant 5120 : i32
        %mul3A_43 = arith.muli %scan3A_41, %mul3A_42 : i32
        %add3A_44 = arith.addi %mul3A_9, %mul3A_43 : i32
        "tpu.region"() ({
          %run_scoped3A = tpu.sem_alloc : memref<!tpu.dma_semaphore, #tpu.memory_space<semaphore_mem>>
          %dma_start3A_55 = tpu.memref_slice %arg4[%add3A_44] : memref<409600xi32, #tpu.memory_space<hbm>> -> memref<5120xi32, #tpu.memory_space<hbm>>
          %dma_start3A_56 = tpu.memref_slice %arg4[%add3A_44] : memref<409600xi32, #tpu.memory_space<hbm>> -> memref<5120xi32, #tpu.memory_space<hbm>>
          tpu.enqueue_dma source(%dma_start3A_56 : memref<5120xi32, #tpu.memory_space<hbm>>) target(%arg14 : memref<5120xi32, #tpu.memory_space<vmem>>) target_semaphore(%run_scoped3A : memref<!tpu.dma_semaphore, #tpu.memory_space<semaphore_mem>>)
          %dma_wait3A = tpu.memref_slice %arg4[%add3A_44] : memref<409600xi32, #tpu.memory_space<hbm>> -> memref<5120xi32, #tpu.memory_space<hbm>>
          %dma_wait3A_57 = tpu.memref_slice %arg4[%add3A_44] : memref<409600xi32, #tpu.memory_space<hbm>> -> memref<5120xi32, #tpu.memory_space<hbm>>
          tpu.wait_dma2 semaphore(%run_scoped3A : memref<!tpu.dma_semaphore, #tpu.memory_space<semaphore_mem>>) src(%dma_wait3A_57 : memref<5120xi32, #tpu.memory_space<hbm>>) dst(%arg14 : memref<5120xi32, #tpu.memory_space<vmem>>)
          tpu.yield
        }) : () -> ()
        "tpu.region"() ({
          %run_scoped3A = tpu.sem_alloc : memref<!tpu.dma_semaphore, #tpu.memory_space<semaphore_mem>>
          %dma_start3A_55 = tpu.memref_slice %arg5[%add3A_44] : memref<409600xi32, #tpu.memory_space<hbm>> -> memref<5120xi32, #tpu.memory_space<hbm>>
          %dma_start3A_56 = tpu.memref_slice %arg5[%add3A_44] : memref<409600xi32, #tpu.memory_space<hbm>> -> memref<5120xi32, #tpu.memory_space<hbm>>
          tpu.enqueue_dma source(%dma_start3A_56 : memref<5120xi32, #tpu.memory_space<hbm>>) target(%arg15 : memref<5120xi32, #tpu.memory_space<vmem>>) target_semaphore(%run_scoped3A : memref<!tpu.dma_semaphore, #tpu.memory_space<semaphore_mem>>)
          %dma_wait3A = tpu.memref_slice %arg5[%add3A_44] : memref<409600xi32, #tpu.memory_space<hbm>> -> memref<5120xi32, #tpu.memory_space<hbm>>
          %dma_wait3A_57 = tpu.memref_slice %arg5[%add3A_44] : memref<409600xi32, #tpu.memory_space<hbm>> -> memref<5120xi32, #tpu.memory_space<hbm>>
          tpu.wait_dma2 semaphore(%run_scoped3A : memref<!tpu.dma_semaphore, #tpu.memory_space<semaphore_mem>>) src(%dma_wait3A_57 : memref<5120xi32, #tpu.memory_space<hbm>>) dst(%arg15 : memref<5120xi32, #tpu.memory_space<vmem>>)
          tpu.yield
        }) : () -> ()
        %dma_start3A = arith.constant 0 : i32
        %dma_start3A_45 = tpu.memref_slice %arg14[%dma_start3A] : memref<5120xi32, #tpu.memory_space<vmem>> -> memref<512xi32, #tpu.memory_space<vmem>>
        %dma_start3A_46 = arith.constant 0 : i32
        %dma_start3A_47 = arith.constant 0 : i32
        %dma_start3A_48 = tpu.memref_slice %arg3[%dma_start3A_46, %dma_start3A_47] : memref<51200x64xi16, #tpu.memory_space<hbm>> -> memref<51200x64xi16, #tpu.memory_space<hbm>>
        tpu.enqueue_indirect_dma source(%dma_start3A_48 : memref<51200x64xi16, #tpu.memory_space<hbm>>) target(%arg16 : memref<512x64xi16, #tpu.memory_space<vmem>>) offsets(%dma_start3A_45 : memref<512xi32, #tpu.memory_space<vmem>>) semaphore(%arg18 : memref<!tpu.dma_semaphore, #tpu.memory_space<semaphore_mem>>)
        %scan3A_49 = arith.constant 0 : i32
        %scan3A_50 = arith.constant 0 : i32
        %scan3A_51 = arith.constant 5 : i32
        %scan3A_52 = arith.addi %scan3A_50, %scan3A_51 : i32
        %scan3A_53 = arith.constant 1 : i32
        scf.for %scan3A_55 = %scan3A_50 to %scan3A_52 step %scan3A_53  : i32 {
          %mul3A_56 = arith.constant 2 : i32
          %mul3A_57 = arith.muli %mul3A_56, %scan3A_55 : i32
          %add3A_58 = arith.constant 1 : i32
          %add3A_59 = arith.addi %mul3A_57, %add3A_58 : i32
          %mul3A_60 = arith.constant 512 : i32
          %mul3A_61 = arith.muli %add3A_59, %mul3A_60 : i32
          %dma_start3A_62 = tpu.memref_slice %arg14[%mul3A_61] : memref<5120xi32, #tpu.memory_space<vmem>> -> memref<512xi32, #tpu.memory_space<vmem>>
          %dma_start3A_63 = arith.constant 0 : i32
          %dma_start3A_64 = arith.constant 0 : i32
          %dma_start3A_65 = tpu.memref_slice %arg3[%dma_start3A_63, %dma_start3A_64] : memref<51200x64xi16, #tpu.memory_space<hbm>> -> memref<51200x64xi16, #tpu.memory_space<hbm>>
          tpu.enqueue_indirect_dma source(%dma_start3A_65 : memref<51200x64xi16, #tpu.memory_space<hbm>>) target(%arg17 : memref<512x64xi16, #tpu.memory_space<vmem>>) offsets(%dma_start3A_62 : memref<512xi32, #tpu.memory_space<vmem>>) semaphore(%arg19 : memref<!tpu.dma_semaphore, #tpu.memory_space<semaphore_mem>>)
          %mul3A_66 = arith.constant 512 : i32
          %mul3A_67 = arith.muli %mul3A_57, %mul3A_66 : i32
          %dma_wait3A = tpu.memref_slice %arg14[%mul3A_67] : memref<5120xi32, #tpu.memory_space<vmem>> -> memref<512xi32, #tpu.memory_space<vmem>>
          %dma_wait3A_68 = arith.constant 0 : i32
          %dma_wait3A_69 = arith.constant 0 : i32
          %dma_wait3A_70 = tpu.memref_slice %arg3[%dma_wait3A_68, %dma_wait3A_69] : memref<51200x64xi16, #tpu.memory_space<hbm>> -> memref<51200x64xi16, #tpu.memory_space<hbm>>
          tpu.wait_indirect_dma semaphore(%arg18 : memref<!tpu.dma_semaphore, #tpu.memory_space<semaphore_mem>>) src(%dma_wait3A_70 : memref<51200x64xi16, #tpu.memory_space<hbm>>) dst(%arg16 : memref<512x64xi16, #tpu.memory_space<vmem>>)
          %mul3A_71 = arith.constant 512 : i32
          %mul3A_72 = arith.muli %mul3A_57, %mul3A_71 : i32
          %dma_start3A_73 = tpu.memref_slice %arg15[%mul3A_72] : memref<5120xi32, #tpu.memory_space<vmem>> -> memref<512xi32, #tpu.memory_space<vmem>>
          %dma_start3A_74 = arith.constant 0 : i32
          %dma_start3A_75 = arith.constant 0 : i32
          %dma_start3A_76 = tpu.memref_slice %arg13[%dma_start3A_74, %dma_start3A_75] : memref<25600x64xi16, #tpu.memory_space<vmem_shared>> -> memref<25600x64xi16, #tpu.memory_space<vmem_shared>>
          tpu.enqueue_indirect_dma source(%arg16 : memref<512x64xi16, #tpu.memory_space<vmem>>) target(%dma_start3A_76 : memref<25600x64xi16, #tpu.memory_space<vmem_shared>>) offsets(%dma_start3A_73 : memref<512xi32, #tpu.memory_space<vmem>>) semaphore(%arg20 : memref<!tpu.dma_semaphore, #tpu.memory_space<semaphore_mem>>) {add = true}
          %add3A_77 = arith.constant 1 : i32
          %add3A_78 = arith.addi %mul3A_57, %add3A_77 : i32
          %mul3A_79 = arith.constant 512 : i32
          %mul3A_80 = arith.muli %add3A_78, %mul3A_79 : i32
          %dma_wait3A_81 = tpu.memref_slice %arg14[%mul3A_80] : memref<5120xi32, #tpu.memory_space<vmem>> -> memref<512xi32, #tpu.memory_space<vmem>>
          %dma_wait3A_82 = arith.constant 0 : i32
          %dma_wait3A_83 = arith.constant 0 : i32
          %dma_wait3A_84 = tpu.memref_slice %arg3[%dma_wait3A_82, %dma_wait3A_83] : memref<51200x64xi16, #tpu.memory_space<hbm>> -> memref<51200x64xi16, #tpu.memory_space<hbm>>
          tpu.wait_indirect_dma semaphore(%arg19 : memref<!tpu.dma_semaphore, #tpu.memory_space<semaphore_mem>>) src(%dma_wait3A_84 : memref<51200x64xi16, #tpu.memory_space<hbm>>) dst(%arg17 : memref<512x64xi16, #tpu.memory_space<vmem>>)
          %add3A_85 = arith.constant 1 : i32
          %add3A_86 = arith.addi %mul3A_57, %add3A_85 : i32
          %mul3A_87 = arith.constant 512 : i32
          %mul3A_88 = arith.muli %add3A_86, %mul3A_87 : i32
          %dma_start3A_89 = tpu.memref_slice %arg15[%mul3A_88] : memref<5120xi32, #tpu.memory_space<vmem>> -> memref<512xi32, #tpu.memory_space<vmem>>
          %dma_start3A_90 = arith.constant 0 : i32
          %dma_start3A_91 = arith.constant 0 : i32
          %dma_start3A_92 = tpu.memref_slice %arg13[%dma_start3A_90, %dma_start3A_91] : memref<25600x64xi16, #tpu.memory_space<vmem_shared>> -> memref<25600x64xi16, #tpu.memory_space<vmem_shared>>
          tpu.enqueue_indirect_dma source(%arg17 : memref<512x64xi16, #tpu.memory_space<vmem>>) target(%dma_start3A_92 : memref<25600x64xi16, #tpu.memory_space<vmem_shared>>) offsets(%dma_start3A_89 : memref<512xi32, #tpu.memory_space<vmem>>) semaphore(%arg21 : memref<!tpu.dma_semaphore, #tpu.memory_space<semaphore_mem>>) {add = true}
          %mul3A_93 = arith.constant 512 : i32
          %mul3A_94 = arith.muli %mul3A_57, %mul3A_93 : i32
          %dma_wait3A_95 = tpu.memref_slice %arg15[%mul3A_94] : memref<5120xi32, #tpu.memory_space<vmem>> -> memref<512xi32, #tpu.memory_space<vmem>>
          %dma_wait3A_96 = arith.constant 0 : i32
          %dma_wait3A_97 = arith.constant 0 : i32
          %dma_wait3A_98 = tpu.memref_slice %arg13[%dma_wait3A_96, %dma_wait3A_97] : memref<25600x64xi16, #tpu.memory_space<vmem_shared>> -> memref<25600x64xi16, #tpu.memory_space<vmem_shared>>
          tpu.wait_indirect_dma semaphore(%arg20 : memref<!tpu.dma_semaphore, #tpu.memory_space<semaphore_mem>>) src(%arg16 : memref<512x64xi16, #tpu.memory_space<vmem>>) dst(%dma_wait3A_98 : memref<25600x64xi16, #tpu.memory_space<vmem_shared>>)
          %add3A_99 = arith.constant 1 : i32
          %add3A_100 = arith.addi %scan3A_55, %add3A_99 : i32
          %lt3A = arith.constant 5 : i32
          %lt3A_101 = arith.cmpi slt, %add3A_100, %lt3A : i32
          %convert_element_type3A_102 = arith.extui %lt3A_101 : i1 to i32
          %cond3A_103 = arith.constant 0 : i32
          %cond3A_104 = arith.cmpi ne, %convert_element_type3A_102, %cond3A_103 : i32
          scf.if %cond3A_104 {
            %add3A_113 = arith.constant 2 : i32
            %add3A_114 = arith.addi %mul3A_57, %add3A_113 : i32
            %mul3A_115 = arith.constant 512 : i32
            %mul3A_116 = arith.muli %add3A_114, %mul3A_115 : i32
            %dma_start3A_117 = tpu.memref_slice %arg14[%mul3A_116] : memref<5120xi32, #tpu.memory_space<vmem>> -> memref<512xi32, #tpu.memory_space<vmem>>
            %dma_start3A_118 = arith.constant 0 : i32
            %dma_start3A_119 = arith.constant 0 : i32
            %dma_start3A_120 = tpu.memref_slice %arg3[%dma_start3A_118, %dma_start3A_119] : memref<51200x64xi16, #tpu.memory_space<hbm>> -> memref<51200x64xi16, #tpu.memory_space<hbm>>
            tpu.enqueue_indirect_dma source(%dma_start3A_120 : memref<51200x64xi16, #tpu.memory_space<hbm>>) target(%arg16 : memref<512x64xi16, #tpu.memory_space<vmem>>) offsets(%dma_start3A_117 : memref<512xi32, #tpu.memory_space<vmem>>) semaphore(%arg18 : memref<!tpu.dma_semaphore, #tpu.memory_space<semaphore_mem>>)
          } else {
          }
          %add3A_105 = arith.constant 1 : i32
          %add3A_106 = arith.addi %mul3A_57, %add3A_105 : i32
          %mul3A_107 = arith.constant 512 : i32
          %mul3A_108 = arith.muli %add3A_106, %mul3A_107 : i32
          %dma_wait3A_109 = tpu.memref_slice %arg15[%mul3A_108] : memref<5120xi32, #tpu.memory_space<vmem>> -> memref<512xi32, #tpu.memory_space<vmem>>
          %dma_wait3A_110 = arith.constant 0 : i32
          %dma_wait3A_111 = arith.constant 0 : i32
          %dma_wait3A_112 = tpu.memref_slice %arg13[%dma_wait3A_110, %dma_wait3A_111] : memref<25600x64xi16, #tpu.memory_space<vmem_shared>> -> memref<25600x64xi16, #tpu.memory_space<vmem_shared>>
          tpu.wait_indirect_dma semaphore(%arg21 : memref<!tpu.dma_semaphore, #tpu.memory_space<semaphore_mem>>) src(%arg17 : memref<512x64xi16, #tpu.memory_space<vmem>>) dst(%dma_wait3A_112 : memref<25600x64xi16, #tpu.memory_space<vmem_shared>>)
        }
        %scan3A_54 = arith.constant 5 : i32
      }
      %scan3A_14 = arith.constant 5 : i32
      %barrier3A_15 = arith.constant 0 : index
      tpu.barrier barrier_id(%barrier3A_15)
      %mul3A_16 = arith.constant 1600 : i32
      %mul3A_17 = arith.muli %arg1, %mul3A_16 : i32
      %mul3A_18 = arith.constant 1600 : i32
      %mul3A_19 = arith.muli %arg1, %mul3A_18 : i32
      %add3A = arith.constant 25600 : i32
      %add3A_20 = arith.addi %add3A, %mul3A_19 : i32
      "tpu.region"() ({
        %run_scoped3A = tpu.sem_alloc : memref<!tpu.dma_semaphore, #tpu.memory_space<semaphore_mem>>
        %dma_start3A = arith.constant 0 : i32
        %dma_start3A_41 = tpu.memref_slice %arg12[%add3A_20, %dma_start3A] : memref<51200x64xi16, #tpu.memory_space<hbm>> -> memref<1600x64xi16, #tpu.memory_space<hbm>>
        %dma_start3A_42 = arith.constant 0 : i32
        %dma_start3A_43 = tpu.memref_slice %arg13[%mul3A_17, %dma_start3A_42] : memref<25600x64xi16, #tpu.memory_space<vmem_shared>> -> memref<1600x64xi16, #tpu.memory_space<vmem_shared>>
        tpu.enqueue_dma source(%dma_start3A_43 : memref<1600x64xi16, #tpu.memory_space<vmem_shared>>) target(%dma_start3A_41 : memref<1600x64xi16, #tpu.memory_space<hbm>>) target_semaphore(%run_scoped3A : memref<!tpu.dma_semaphore, #tpu.memory_space<semaphore_mem>>)
        %dma_wait3A = arith.constant 0 : i32
        %dma_wait3A_44 = tpu.memref_slice %arg12[%add3A_20, %dma_wait3A] : memref<51200x64xi16, #tpu.memory_space<hbm>> -> memref<1600x64xi16, #tpu.memory_space<hbm>>
        %dma_wait3A_45 = arith.constant 0 : i32
        %dma_wait3A_46 = tpu.memref_slice %arg13[%mul3A_17, %dma_wait3A_45] : memref<25600x64xi16, #tpu.memory_space<vmem_shared>> -> memref<1600x64xi16, #tpu.memory_space<vmem_shared>>
        tpu.wait_dma2 semaphore(%run_scoped3A : memref<!tpu.dma_semaphore, #tpu.memory_space<semaphore_mem>>) src(%dma_wait3A_46 : memref<1600x64xi16, #tpu.memory_space<vmem_shared>>) dst(%dma_wait3A_44 : memref<1600x64xi16, #tpu.memory_space<hbm>>)
        tpu.yield
      }) : () -> ()
      %barrier3A_21 = arith.constant 0 : index
      tpu.barrier barrier_id(%barrier3A_21)
      %mul3A_22 = arith.constant 1600 : i32
      %mul3A_23 = arith.muli %arg1, %mul3A_22 : i32
      "tpu.region"() ({
        %run_scoped3A = tpu.sem_alloc : memref<!tpu.dma_semaphore, #tpu.memory_space<semaphore_mem>>
        %dma_start3A = arith.constant 0 : i32
        %dma_start3A_41 = tpu.memref_slice %arg13[%mul3A_23, %dma_start3A] : memref<25600x64xi16, #tpu.memory_space<vmem_shared>> -> memref<1600x64xi16, #tpu.memory_space<vmem_shared>>
        tpu.enqueue_dma source(%arg8 : memref<1600x64xi16, #tpu.memory_space<hbm>>) target(%dma_start3A_41 : memref<1600x64xi16, #tpu.memory_space<vmem_shared>>) target_semaphore(%run_scoped3A : memref<!tpu.dma_semaphore, #tpu.memory_space<semaphore_mem>>)
        %dma_wait3A = arith.constant 0 : i32
        %dma_wait3A_42 = tpu.memref_slice %arg13[%mul3A_23, %dma_wait3A] : memref<25600x64xi16, #tpu.memory_space<vmem_shared>> -> memref<1600x64xi16, #tpu.memory_space<vmem_shared>>
        tpu.wait_dma2 semaphore(%run_scoped3A : memref<!tpu.dma_semaphore, #tpu.memory_space<semaphore_mem>>) src(%arg8 : memref<1600x64xi16, #tpu.memory_space<hbm>>) dst(%dma_wait3A_42 : memref<1600x64xi16, #tpu.memory_space<vmem_shared>>)
        tpu.yield
      }) : () -> ()
      %barrier3A_24 = arith.constant 0 : index
      tpu.barrier barrier_id(%barrier3A_24)
      %mul3A_25 = arith.constant 25600 : i32
      %mul3A_26 = arith.muli %arg1, %mul3A_25 : i32
      %scan3A_27 = arith.constant 0 : i32
      %scan3A_28 = arith.constant 0 : i32
      %scan3A_29 = arith.constant 5 : i32
      %scan3A_30 = arith.addi %scan3A_28, %scan3A_29 : i32
      %scan3A_31 = arith.constant 1 : i32
      scf.for %scan3A_41 = %scan3A_28 to %scan3A_30 step %scan3A_31  : i32 {
        %mul3A_42 = arith.constant 5120 : i32
        %mul3A_43 = arith.muli %scan3A_41, %mul3A_42 : i32
        %add3A_44 = arith.addi %mul3A_26, %mul3A_43 : i32
        "tpu.region"() ({
          %run_scoped3A = tpu.sem_alloc : memref<!tpu.dma_semaphore, #tpu.memory_space<semaphore_mem>>
          %dma_start3A_55 = tpu.memref_slice %arg6[%add3A_44] : memref<409600xi32, #tpu.memory_space<hbm>> -> memref<5120xi32, #tpu.memory_space<hbm>>
          %dma_start3A_56 = tpu.memref_slice %arg6[%add3A_44] : memref<409600xi32, #tpu.memory_space<hbm>> -> memref<5120xi32, #tpu.memory_space<hbm>>
          tpu.enqueue_dma source(%dma_start3A_56 : memref<5120xi32, #tpu.memory_space<hbm>>) target(%arg14 : memref<5120xi32, #tpu.memory_space<vmem>>) target_semaphore(%run_scoped3A : memref<!tpu.dma_semaphore, #tpu.memory_space<semaphore_mem>>)
          %dma_wait3A = tpu.memref_slice %arg6[%add3A_44] : memref<409600xi32, #tpu.memory_space<hbm>> -> memref<5120xi32, #tpu.memory_space<hbm>>
          %dma_wait3A_57 = tpu.memref_slice %arg6[%add3A_44] : memref<409600xi32, #tpu.memory_space<hbm>> -> memref<5120xi32, #tpu.memory_space<hbm>>
          tpu.wait_dma2 semaphore(%run_scoped3A : memref<!tpu.dma_semaphore, #tpu.memory_space<semaphore_mem>>) src(%dma_wait3A_57 : memref<5120xi32, #tpu.memory_space<hbm>>) dst(%arg14 : memref<5120xi32, #tpu.memory_space<vmem>>)
          tpu.yield
        }) : () -> ()
        "tpu.region"() ({
          %run_scoped3A = tpu.sem_alloc : memref<!tpu.dma_semaphore, #tpu.memory_space<semaphore_mem>>
          %dma_start3A_55 = tpu.memref_slice %arg7[%add3A_44] : memref<409600xi32, #tpu.memory_space<hbm>> -> memref<5120xi32, #tpu.memory_space<hbm>>
          %dma_start3A_56 = tpu.memref_slice %arg7[%add3A_44] : memref<409600xi32, #tpu.memory_space<hbm>> -> memref<5120xi32, #tpu.memory_space<hbm>>
          tpu.enqueue_dma source(%dma_start3A_56 : memref<5120xi32, #tpu.memory_space<hbm>>) target(%arg15 : memref<5120xi32, #tpu.memory_space<vmem>>) target_semaphore(%run_scoped3A : memref<!tpu.dma_semaphore, #tpu.memory_space<semaphore_mem>>)
          %dma_wait3A = tpu.memref_slice %arg7[%add3A_44] : memref<409600xi32, #tpu.memory_space<hbm>> -> memref<5120xi32, #tpu.memory_space<hbm>>
          %dma_wait3A_57 = tpu.memref_slice %arg7[%add3A_44] : memref<409600xi32, #tpu.memory_space<hbm>> -> memref<5120xi32, #tpu.memory_space<hbm>>
          tpu.wait_dma2 semaphore(%run_scoped3A : memref<!tpu.dma_semaphore, #tpu.memory_space<semaphore_mem>>) src(%dma_wait3A_57 : memref<5120xi32, #tpu.memory_space<hbm>>) dst(%arg15 : memref<5120xi32, #tpu.memory_space<vmem>>)
          tpu.yield
        }) : () -> ()
        %dma_start3A = arith.constant 0 : i32
        %dma_start3A_45 = tpu.memref_slice %arg14[%dma_start3A] : memref<5120xi32, #tpu.memory_space<vmem>> -> memref<512xi32, #tpu.memory_space<vmem>>
        %dma_start3A_46 = arith.constant 0 : i32
        %dma_start3A_47 = arith.constant 0 : i32
        %dma_start3A_48 = tpu.memref_slice %arg3[%dma_start3A_46, %dma_start3A_47] : memref<51200x64xi16, #tpu.memory_space<hbm>> -> memref<51200x64xi16, #tpu.memory_space<hbm>>
        tpu.enqueue_indirect_dma source(%dma_start3A_48 : memref<51200x64xi16, #tpu.memory_space<hbm>>) target(%arg16 : memref<512x64xi16, #tpu.memory_space<vmem>>) offsets(%dma_start3A_45 : memref<512xi32, #tpu.memory_space<vmem>>) semaphore(%arg18 : memref<!tpu.dma_semaphore, #tpu.memory_space<semaphore_mem>>)
        %scan3A_49 = arith.constant 0 : i32
        %scan3A_50 = arith.constant 0 : i32
        %scan3A_51 = arith.constant 5 : i32
        %scan3A_52 = arith.addi %scan3A_50, %scan3A_51 : i32
        %scan3A_53 = arith.constant 1 : i32
        scf.for %scan3A_55 = %scan3A_50 to %scan3A_52 step %scan3A_53  : i32 {
          %mul3A_56 = arith.constant 2 : i32
          %mul3A_57 = arith.muli %mul3A_56, %scan3A_55 : i32
          %add3A_58 = arith.constant 1 : i32
          %add3A_59 = arith.addi %mul3A_57, %add3A_58 : i32
          %mul3A_60 = arith.constant 512 : i32
          %mul3A_61 = arith.muli %add3A_59, %mul3A_60 : i32
          %dma_start3A_62 = tpu.memref_slice %arg14[%mul3A_61] : memref<5120xi32, #tpu.memory_space<vmem>> -> memref<512xi32, #tpu.memory_space<vmem>>
          %dma_start3A_63 = arith.constant 0 : i32
          %dma_start3A_64 = arith.constant 0 : i32
          %dma_start3A_65 = tpu.memref_slice %arg3[%dma_start3A_63, %dma_start3A_64] : memref<51200x64xi16, #tpu.memory_space<hbm>> -> memref<51200x64xi16, #tpu.memory_space<hbm>>
          tpu.enqueue_indirect_dma source(%dma_start3A_65 : memref<51200x64xi16, #tpu.memory_space<hbm>>) target(%arg17 : memref<512x64xi16, #tpu.memory_space<vmem>>) offsets(%dma_start3A_62 : memref<512xi32, #tpu.memory_space<vmem>>) semaphore(%arg19 : memref<!tpu.dma_semaphore, #tpu.memory_space<semaphore_mem>>)
          %mul3A_66 = arith.constant 512 : i32
          %mul3A_67 = arith.muli %mul3A_57, %mul3A_66 : i32
          %dma_wait3A = tpu.memref_slice %arg14[%mul3A_67] : memref<5120xi32, #tpu.memory_space<vmem>> -> memref<512xi32, #tpu.memory_space<vmem>>
          %dma_wait3A_68 = arith.constant 0 : i32
          %dma_wait3A_69 = arith.constant 0 : i32
          %dma_wait3A_70 = tpu.memref_slice %arg3[%dma_wait3A_68, %dma_wait3A_69] : memref<51200x64xi16, #tpu.memory_space<hbm>> -> memref<51200x64xi16, #tpu.memory_space<hbm>>
          tpu.wait_indirect_dma semaphore(%arg18 : memref<!tpu.dma_semaphore, #tpu.memory_space<semaphore_mem>>) src(%dma_wait3A_70 : memref<51200x64xi16, #tpu.memory_space<hbm>>) dst(%arg16 : memref<512x64xi16, #tpu.memory_space<vmem>>)
          %mul3A_71 = arith.constant 512 : i32
          %mul3A_72 = arith.muli %mul3A_57, %mul3A_71 : i32
          %dma_start3A_73 = tpu.memref_slice %arg15[%mul3A_72] : memref<5120xi32, #tpu.memory_space<vmem>> -> memref<512xi32, #tpu.memory_space<vmem>>
          %dma_start3A_74 = arith.constant 0 : i32
          %dma_start3A_75 = arith.constant 0 : i32
          %dma_start3A_76 = tpu.memref_slice %arg13[%dma_start3A_74, %dma_start3A_75] : memref<25600x64xi16, #tpu.memory_space<vmem_shared>> -> memref<25600x64xi16, #tpu.memory_space<vmem_shared>>
          tpu.enqueue_indirect_dma source(%arg16 : memref<512x64xi16, #tpu.memory_space<vmem>>) target(%dma_start3A_76 : memref<25600x64xi16, #tpu.memory_space<vmem_shared>>) offsets(%dma_start3A_73 : memref<512xi32, #tpu.memory_space<vmem>>) semaphore(%arg20 : memref<!tpu.dma_semaphore, #tpu.memory_space<semaphore_mem>>) {add = true}
          %add3A_77 = arith.constant 1 : i32
          %add3A_78 = arith.addi %mul3A_57, %add3A_77 : i32
          %mul3A_79 = arith.constant 512 : i32
          %mul3A_80 = arith.muli %add3A_78, %mul3A_79 : i32
          %dma_wait3A_81 = tpu.memref_slice %arg14[%mul3A_80] : memref<5120xi32, #tpu.memory_space<vmem>> -> memref<512xi32, #tpu.memory_space<vmem>>
          %dma_wait3A_82 = arith.constant 0 : i32
          %dma_wait3A_83 = arith.constant 0 : i32
          %dma_wait3A_84 = tpu.memref_slice %arg3[%dma_wait3A_82, %dma_wait3A_83] : memref<51200x64xi16, #tpu.memory_space<hbm>> -> memref<51200x64xi16, #tpu.memory_space<hbm>>
          tpu.wait_indirect_dma semaphore(%arg19 : memref<!tpu.dma_semaphore, #tpu.memory_space<semaphore_mem>>) src(%dma_wait3A_84 : memref<51200x64xi16, #tpu.memory_space<hbm>>) dst(%arg17 : memref<512x64xi16, #tpu.memory_space<vmem>>)
          %add3A_85 = arith.constant 1 : i32
          %add3A_86 = arith.addi %mul3A_57, %add3A_85 : i32
          %mul3A_87 = arith.constant 512 : i32
          %mul3A_88 = arith.muli %add3A_86, %mul3A_87 : i32
          %dma_start3A_89 = tpu.memref_slice %arg15[%mul3A_88] : memref<5120xi32, #tpu.memory_space<vmem>> -> memref<512xi32, #tpu.memory_space<vmem>>
          %dma_start3A_90 = arith.constant 0 : i32
          %dma_start3A_91 = arith.constant 0 : i32
          %dma_start3A_92 = tpu.memref_slice %arg13[%dma_start3A_90, %dma_start3A_91] : memref<25600x64xi16, #tpu.memory_space<vmem_shared>> -> memref<25600x64xi16, #tpu.memory_space<vmem_shared>>
          tpu.enqueue_indirect_dma source(%arg17 : memref<512x64xi16, #tpu.memory_space<vmem>>) target(%dma_start3A_92 : memref<25600x64xi16, #tpu.memory_space<vmem_shared>>) offsets(%dma_start3A_89 : memref<512xi32, #tpu.memory_space<vmem>>) semaphore(%arg21 : memref<!tpu.dma_semaphore, #tpu.memory_space<semaphore_mem>>) {add = true}
          %mul3A_93 = arith.constant 512 : i32
          %mul3A_94 = arith.muli %mul3A_57, %mul3A_93 : i32
          %dma_wait3A_95 = tpu.memref_slice %arg15[%mul3A_94] : memref<5120xi32, #tpu.memory_space<vmem>> -> memref<512xi32, #tpu.memory_space<vmem>>
          %dma_wait3A_96 = arith.constant 0 : i32
          %dma_wait3A_97 = arith.constant 0 : i32
          %dma_wait3A_98 = tpu.memref_slice %arg13[%dma_wait3A_96, %dma_wait3A_97] : memref<25600x64xi16, #tpu.memory_space<vmem_shared>> -> memref<25600x64xi16, #tpu.memory_space<vmem_shared>>
          tpu.wait_indirect_dma semaphore(%arg20 : memref<!tpu.dma_semaphore, #tpu.memory_space<semaphore_mem>>) src(%arg16 : memref<512x64xi16, #tpu.memory_space<vmem>>) dst(%dma_wait3A_98 : memref<25600x64xi16, #tpu.memory_space<vmem_shared>>)
          %add3A_99 = arith.constant 1 : i32
          %add3A_100 = arith.addi %scan3A_55, %add3A_99 : i32
          %lt3A = arith.constant 5 : i32
          %lt3A_101 = arith.cmpi slt, %add3A_100, %lt3A : i32
          %convert_element_type3A_102 = arith.extui %lt3A_101 : i1 to i32
          %cond3A_103 = arith.constant 0 : i32
          %cond3A_104 = arith.cmpi ne, %convert_element_type3A_102, %cond3A_103 : i32
          scf.if %cond3A_104 {
            %add3A_113 = arith.constant 2 : i32
            %add3A_114 = arith.addi %mul3A_57, %add3A_113 : i32
            %mul3A_115 = arith.constant 512 : i32
            %mul3A_116 = arith.muli %add3A_114, %mul3A_115 : i32
            %dma_start3A_117 = tpu.memref_slice %arg14[%mul3A_116] : memref<5120xi32, #tpu.memory_space<vmem>> -> memref<512xi32, #tpu.memory_space<vmem>>
            %dma_start3A_118 = arith.constant 0 : i32
            %dma_start3A_119 = arith.constant 0 : i32
            %dma_start3A_120 = tpu.memref_slice %arg3[%dma_start3A_118, %dma_start3A_119] : memref<51200x64xi16, #tpu.memory_space<hbm>> -> memref<51200x64xi16, #tpu.memory_space<hbm>>
            tpu.enqueue_indirect_dma source(%dma_start3A_120 : memref<51200x64xi16, #tpu.memory_space<hbm>>) target(%arg16 : memref<512x64xi16, #tpu.memory_space<vmem>>) offsets(%dma_start3A_117 : memref<512xi32, #tpu.memory_space<vmem>>) semaphore(%arg18 : memref<!tpu.dma_semaphore, #tpu.memory_space<semaphore_mem>>)
          } else {
          }
          %add3A_105 = arith.constant 1 : i32
          %add3A_106 = arith.addi %mul3A_57, %add3A_105 : i32
          %mul3A_107 = arith.constant 512 : i32
          %mul3A_108 = arith.muli %add3A_106, %mul3A_107 : i32
          %dma_wait3A_109 = tpu.memref_slice %arg15[%mul3A_108] : memref<5120xi32, #tpu.memory_space<vmem>> -> memref<512xi32, #tpu.memory_space<vmem>>
          %dma_wait3A_110 = arith.constant 0 : i32
          %dma_wait3A_111 = arith.constant 0 : i32
          %dma_wait3A_112 = tpu.memref_slice %arg13[%dma_wait3A_110, %dma_wait3A_111] : memref<25600x64xi16, #tpu.memory_space<vmem_shared>> -> memref<25600x64xi16, #tpu.memory_space<vmem_shared>>
          tpu.wait_indirect_dma semaphore(%arg21 : memref<!tpu.dma_semaphore, #tpu.memory_space<semaphore_mem>>) src(%arg17 : memref<512x64xi16, #tpu.memory_space<vmem>>) dst(%dma_wait3A_112 : memref<25600x64xi16, #tpu.memory_space<vmem_shared>>)
        }
        %scan3A_54 = arith.constant 5 : i32
      }
      %scan3A_32 = arith.constant 5 : i32
      %barrier3A_33 = arith.constant 0 : index
      tpu.barrier barrier_id(%barrier3A_33)
      %mul3A_34 = arith.constant 1600 : i32
      %mul3A_35 = arith.muli %arg1, %mul3A_34 : i32
      %mul3A_36 = arith.constant 1600 : i32
      %mul3A_37 = arith.muli %arg1, %mul3A_36 : i32
      %add3A_38 = arith.constant 0 : i32
      %add3A_39 = arith.addi %add3A_38, %mul3A_37 : i32
      "tpu.region"() ({
        %run_scoped3A = tpu.sem_alloc : memref<!tpu.dma_semaphore, #tpu.memory_space<semaphore_mem>>
        %dma_start3A = arith.constant 0 : i32
        %dma_start3A_41 = tpu.memref_slice %arg12[%add3A_39, %dma_start3A] : memref<51200x64xi16, #tpu.memory_space<hbm>> -> memref<1600x64xi16, #tpu.memory_space<hbm>>
        %dma_start3A_42 = arith.constant 0 : i32
        %dma_start3A_43 = tpu.memref_slice %arg13[%mul3A_35, %dma_start3A_42] : memref<25600x64xi16, #tpu.memory_space<vmem_shared>> -> memref<1600x64xi16, #tpu.memory_space<vmem_shared>>
        tpu.enqueue_dma source(%dma_start3A_43 : memref<1600x64xi16, #tpu.memory_space<vmem_shared>>) target(%dma_start3A_41 : memref<1600x64xi16, #tpu.memory_space<hbm>>) target_semaphore(%run_scoped3A : memref<!tpu.dma_semaphore, #tpu.memory_space<semaphore_mem>>)
        %dma_wait3A = arith.constant 0 : i32
        %dma_wait3A_44 = tpu.memref_slice %arg12[%add3A_39, %dma_wait3A] : memref<51200x64xi16, #tpu.memory_space<hbm>> -> memref<1600x64xi16, #tpu.memory_space<hbm>>
        %dma_wait3A_45 = arith.constant 0 : i32
        %dma_wait3A_46 = tpu.memref_slice %arg13[%mul3A_35, %dma_wait3A_45] : memref<25600x64xi16, #tpu.memory_space<vmem_shared>> -> memref<1600x64xi16, #tpu.memory_space<vmem_shared>>
        tpu.wait_dma2 semaphore(%run_scoped3A : memref<!tpu.dma_semaphore, #tpu.memory_space<semaphore_mem>>) src(%dma_wait3A_46 : memref<1600x64xi16, #tpu.memory_space<vmem_shared>>) dst(%dma_wait3A_44 : memref<1600x64xi16, #tpu.memory_space<hbm>>)
        tpu.yield
      }) : () -> ()
      %barrier3A_40 = arith.constant 0 : index
      tpu.barrier barrier_id(%barrier3A_40)
    } else {
    }
    return
  }
}

#map = affine_map<(d0, d1) -> (0, 0)>
#map1 = affine_map<(d0, d1) -> (0)>
module attributes {stable_mosaic.version = 14 : i64} {
  func.func @body(%arg0: i32, %arg1: i32, %arg2: memref<51200x64xi16, #tpu.memory_space<hbm>>, %arg3: memref<51200x64xi16, #tpu.memory_space<hbm>>, %arg4: memref<409600xi32, #tpu.memory_space<hbm>>, %arg5: memref<409600xi32, #tpu.memory_space<hbm>>, %arg6: memref<409600xi32, #tpu.memory_space<hbm>>, %arg7: memref<409600xi32, #tpu.memory_space<hbm>>, %arg8: memref<1600x64xi16, #tpu.memory_space<hbm>>, %arg9: memref<1600xf32, #tpu.memory_space<hbm>>, %arg10: memref<512xf32, #tpu.memory_space<hbm>>, %arg11: memref<51200x64xi16, #tpu.memory_space<hbm>>, %arg12: memref<51200x64xi16, #tpu.memory_space<hbm>>, %arg13: memref<51200xf32, #tpu.memory_space<hbm>>, %arg14: memref<25600x64xi16, #tpu.memory_space<vmem_shared>>, %arg15: memref<5120xi32, #tpu.memory_space<vmem>>, %arg16: memref<5120xi32, #tpu.memory_space<vmem>>, %arg17: memref<512x64xi16, #tpu.memory_space<vmem>>, %arg18: memref<512x64xi16, #tpu.memory_space<vmem>>, %arg19: memref<!tpu.dma_semaphore, #tpu.memory_space<semaphore_mem>>, %arg20: memref<!tpu.dma_semaphore, #tpu.memory_space<semaphore_mem>>, %arg21: memref<!tpu.dma_semaphore, #tpu.memory_space<semaphore_mem>>, %arg22: memref<!tpu.dma_semaphore, #tpu.memory_space<semaphore_mem>>, %arg23: memref<25600xf32, #tpu.memory_space<vmem_shared>>, %arg24: memref<512xf32, #tpu.memory_space<vmem>>, %arg25: memref<1600xf32, #tpu.memory_space<vmem>>, %arg26: memref<!tpu.dma_semaphore, #tpu.memory_space<semaphore_mem>>, %arg27: memref<!tpu.dma_semaphore, #tpu.memory_space<semaphore_mem>>) attributes {dimension_semantics = [#tpu.dimension_semantics<core_parallel>, #tpu.dimension_semantics<subcore_parallel>], iteration_bounds = array<i64: 2, 16>, scalar_prefetch = 0 : i64, scratch_operands = 14 : i64, tpu.core_type = #tpu.core_type<sc_vector_subcore>, window_params = [{transform_indices = #map}, {transform_indices = #map}, {transform_indices = #map1}, {transform_indices = #map1}, {transform_indices = #map1}, {transform_indices = #map1}, {transform_indices = #map}, {transform_indices = #map1}, {transform_indices = #map1}, {transform_indices = #map}, {transform_indices = #map}, {transform_indices = #map1}]} {
    "tpu.region"() ({
      %run_scoped3A = tpu.sem_alloc : memref<!tpu.dma_semaphore, #tpu.memory_space<semaphore_mem>>
      tpu.enqueue_dma source(%arg10 : memref<512xf32, #tpu.memory_space<hbm>>) target(%arg24 : memref<512xf32, #tpu.memory_space<vmem>>) target_semaphore(%run_scoped3A : memref<!tpu.dma_semaphore, #tpu.memory_space<semaphore_mem>>)
      tpu.wait_dma2 semaphore(%run_scoped3A : memref<!tpu.dma_semaphore, #tpu.memory_space<semaphore_mem>>) src(%arg10 : memref<512xf32, #tpu.memory_space<hbm>>) dst(%arg24 : memref<512xf32, #tpu.memory_space<vmem>>)
      tpu.yield
    }) : () -> ()
    %eq3A = arith.constant 0 : i32
    %eq3A_0 = arith.cmpi eq, %arg0, %eq3A : i32
    %convert_element_type3A = arith.extui %eq3A_0 : i1 to i32
    %cond3A = arith.constant 0 : i32
    %cond3A_1 = arith.cmpi ne, %convert_element_type3A, %cond3A : i32
    scf.if %cond3A_1 {
      %mul3A = arith.constant 1600 : i32
      %mul3A_7 = arith.muli %arg1, %mul3A : i32
      "tpu.region"() ({
        %run_scoped3A = tpu.sem_alloc : memref<!tpu.dma_semaphore, #tpu.memory_space<semaphore_mem>>
        %dma_start3A = arith.constant 0 : i32
        %dma_start3A_43 = tpu.memref_slice %arg14[%mul3A_7, %dma_start3A] : memref<25600x64xi16, #tpu.memory_space<vmem_shared>> -> memref<1600x64xi16, #tpu.memory_space<vmem_shared>>
        tpu.enqueue_dma source(%arg8 : memref<1600x64xi16, #tpu.memory_space<hbm>>) target(%dma_start3A_43 : memref<1600x64xi16, #tpu.memory_space<vmem_shared>>) target_semaphore(%run_scoped3A : memref<!tpu.dma_semaphore, #tpu.memory_space<semaphore_mem>>)
        %dma_wait3A = arith.constant 0 : i32
        %dma_wait3A_44 = tpu.memref_slice %arg14[%mul3A_7, %dma_wait3A] : memref<25600x64xi16, #tpu.memory_space<vmem_shared>> -> memref<1600x64xi16, #tpu.memory_space<vmem_shared>>
        tpu.wait_dma2 semaphore(%run_scoped3A : memref<!tpu.dma_semaphore, #tpu.memory_space<semaphore_mem>>) src(%arg8 : memref<1600x64xi16, #tpu.memory_space<hbm>>) dst(%dma_wait3A_44 : memref<1600x64xi16, #tpu.memory_space<vmem_shared>>)
        tpu.yield
      }) : () -> ()
      "tpu.region"() ({
        %run_scoped3A = tpu.sem_alloc : memref<!tpu.dma_semaphore, #tpu.memory_space<semaphore_mem>>
        tpu.enqueue_dma source(%arg9 : memref<1600xf32, #tpu.memory_space<hbm>>) target(%arg25 : memref<1600xf32, #tpu.memory_space<vmem>>) target_semaphore(%run_scoped3A : memref<!tpu.dma_semaphore, #tpu.memory_space<semaphore_mem>>)
        tpu.wait_dma2 semaphore(%run_scoped3A : memref<!tpu.dma_semaphore, #tpu.memory_space<semaphore_mem>>) src(%arg9 : memref<1600xf32, #tpu.memory_space<hbm>>) dst(%arg25 : memref<1600xf32, #tpu.memory_space<vmem>>)
        tpu.yield
      }) : () -> ()
      %mul3A_8 = arith.constant 1600 : i32
      %mul3A_9 = arith.muli %arg1, %mul3A_8 : i32
      "tpu.region"() ({
        %run_scoped3A = tpu.sem_alloc : memref<!tpu.dma_semaphore, #tpu.memory_space<semaphore_mem>>
        %dma_start3A = tpu.memref_slice %arg23[%mul3A_9] : memref<25600xf32, #tpu.memory_space<vmem_shared>> -> memref<1600xf32, #tpu.memory_space<vmem_shared>>
        %dma_start3A_43 = tpu.memref_slice %arg23[%mul3A_9] : memref<25600xf32, #tpu.memory_space<vmem_shared>> -> memref<1600xf32, #tpu.memory_space<vmem_shared>>
        tpu.enqueue_dma source(%arg25 : memref<1600xf32, #tpu.memory_space<vmem>>) target(%dma_start3A_43 : memref<1600xf32, #tpu.memory_space<vmem_shared>>) target_semaphore(%run_scoped3A : memref<!tpu.dma_semaphore, #tpu.memory_space<semaphore_mem>>)
        %dma_wait3A = tpu.memref_slice %arg23[%mul3A_9] : memref<25600xf32, #tpu.memory_space<vmem_shared>> -> memref<1600xf32, #tpu.memory_space<vmem_shared>>
        %dma_wait3A_44 = tpu.memref_slice %arg23[%mul3A_9] : memref<25600xf32, #tpu.memory_space<vmem_shared>> -> memref<1600xf32, #tpu.memory_space<vmem_shared>>
        tpu.wait_dma2 semaphore(%run_scoped3A : memref<!tpu.dma_semaphore, #tpu.memory_space<semaphore_mem>>) src(%arg25 : memref<1600xf32, #tpu.memory_space<vmem>>) dst(%dma_wait3A_44 : memref<1600xf32, #tpu.memory_space<vmem_shared>>)
        tpu.yield
      }) : () -> ()
      %barrier3A = arith.constant 0 : index
      tpu.barrier barrier_id(%barrier3A)
      %mul3A_10 = arith.constant 25600 : i32
      %mul3A_11 = arith.muli %arg1, %mul3A_10 : i32
      %scan3A = arith.constant 0 : i32
      %scan3A_12 = arith.constant 0 : i32
      %scan3A_13 = arith.constant 5 : i32
      %scan3A_14 = arith.addi %scan3A_12, %scan3A_13 : i32
      %scan3A_15 = arith.constant 1 : i32
      scf.for %scan3A_43 = %scan3A_12 to %scan3A_14 step %scan3A_15  : i32 {
        %mul3A_44 = arith.constant 5120 : i32
        %mul3A_45 = arith.muli %scan3A_43, %mul3A_44 : i32
        %add3A_46 = arith.addi %mul3A_11, %mul3A_45 : i32
        "tpu.region"() ({
          %run_scoped3A = tpu.sem_alloc : memref<!tpu.dma_semaphore, #tpu.memory_space<semaphore_mem>>
          %dma_start3A_57 = tpu.memref_slice %arg4[%add3A_46] : memref<409600xi32, #tpu.memory_space<hbm>> -> memref<5120xi32, #tpu.memory_space<hbm>>
          %dma_start3A_58 = tpu.memref_slice %arg4[%add3A_46] : memref<409600xi32, #tpu.memory_space<hbm>> -> memref<5120xi32, #tpu.memory_space<hbm>>
          tpu.enqueue_dma source(%dma_start3A_58 : memref<5120xi32, #tpu.memory_space<hbm>>) target(%arg15 : memref<5120xi32, #tpu.memory_space<vmem>>) target_semaphore(%run_scoped3A : memref<!tpu.dma_semaphore, #tpu.memory_space<semaphore_mem>>)
          %dma_wait3A = tpu.memref_slice %arg4[%add3A_46] : memref<409600xi32, #tpu.memory_space<hbm>> -> memref<5120xi32, #tpu.memory_space<hbm>>
          %dma_wait3A_59 = tpu.memref_slice %arg4[%add3A_46] : memref<409600xi32, #tpu.memory_space<hbm>> -> memref<5120xi32, #tpu.memory_space<hbm>>
          tpu.wait_dma2 semaphore(%run_scoped3A : memref<!tpu.dma_semaphore, #tpu.memory_space<semaphore_mem>>) src(%dma_wait3A_59 : memref<5120xi32, #tpu.memory_space<hbm>>) dst(%arg15 : memref<5120xi32, #tpu.memory_space<vmem>>)
          tpu.yield
        }) : () -> ()
        "tpu.region"() ({
          %run_scoped3A = tpu.sem_alloc : memref<!tpu.dma_semaphore, #tpu.memory_space<semaphore_mem>>
          %dma_start3A_57 = tpu.memref_slice %arg5[%add3A_46] : memref<409600xi32, #tpu.memory_space<hbm>> -> memref<5120xi32, #tpu.memory_space<hbm>>
          %dma_start3A_58 = tpu.memref_slice %arg5[%add3A_46] : memref<409600xi32, #tpu.memory_space<hbm>> -> memref<5120xi32, #tpu.memory_space<hbm>>
          tpu.enqueue_dma source(%dma_start3A_58 : memref<5120xi32, #tpu.memory_space<hbm>>) target(%arg16 : memref<5120xi32, #tpu.memory_space<vmem>>) target_semaphore(%run_scoped3A : memref<!tpu.dma_semaphore, #tpu.memory_space<semaphore_mem>>)
          %dma_wait3A = tpu.memref_slice %arg5[%add3A_46] : memref<409600xi32, #tpu.memory_space<hbm>> -> memref<5120xi32, #tpu.memory_space<hbm>>
          %dma_wait3A_59 = tpu.memref_slice %arg5[%add3A_46] : memref<409600xi32, #tpu.memory_space<hbm>> -> memref<5120xi32, #tpu.memory_space<hbm>>
          tpu.wait_dma2 semaphore(%run_scoped3A : memref<!tpu.dma_semaphore, #tpu.memory_space<semaphore_mem>>) src(%dma_wait3A_59 : memref<5120xi32, #tpu.memory_space<hbm>>) dst(%arg16 : memref<5120xi32, #tpu.memory_space<vmem>>)
          tpu.yield
        }) : () -> ()
        %dma_start3A = arith.constant 0 : i32
        %dma_start3A_47 = tpu.memref_slice %arg15[%dma_start3A] : memref<5120xi32, #tpu.memory_space<vmem>> -> memref<512xi32, #tpu.memory_space<vmem>>
        %dma_start3A_48 = arith.constant 0 : i32
        %dma_start3A_49 = arith.constant 0 : i32
        %dma_start3A_50 = tpu.memref_slice %arg2[%dma_start3A_48, %dma_start3A_49] : memref<51200x64xi16, #tpu.memory_space<hbm>> -> memref<51200x64xi16, #tpu.memory_space<hbm>>
        tpu.enqueue_indirect_dma source(%dma_start3A_50 : memref<51200x64xi16, #tpu.memory_space<hbm>>) target(%arg17 : memref<512x64xi16, #tpu.memory_space<vmem>>) offsets(%dma_start3A_47 : memref<512xi32, #tpu.memory_space<vmem>>) semaphore(%arg19 : memref<!tpu.dma_semaphore, #tpu.memory_space<semaphore_mem>>)
        %scan3A_51 = arith.constant 0 : i32
        %scan3A_52 = arith.constant 0 : i32
        %scan3A_53 = arith.constant 5 : i32
        %scan3A_54 = arith.addi %scan3A_52, %scan3A_53 : i32
        %scan3A_55 = arith.constant 1 : i32
        scf.for %scan3A_57 = %scan3A_52 to %scan3A_54 step %scan3A_55  : i32 {
          %mul3A_58 = arith.constant 2 : i32
          %mul3A_59 = arith.muli %mul3A_58, %scan3A_57 : i32
          %add3A_60 = arith.constant 1 : i32
          %add3A_61 = arith.addi %mul3A_59, %add3A_60 : i32
          %mul3A_62 = arith.constant 512 : i32
          %mul3A_63 = arith.muli %add3A_61, %mul3A_62 : i32
          %dma_start3A_64 = tpu.memref_slice %arg15[%mul3A_63] : memref<5120xi32, #tpu.memory_space<vmem>> -> memref<512xi32, #tpu.memory_space<vmem>>
          %dma_start3A_65 = arith.constant 0 : i32
          %dma_start3A_66 = arith.constant 0 : i32
          %dma_start3A_67 = tpu.memref_slice %arg2[%dma_start3A_65, %dma_start3A_66] : memref<51200x64xi16, #tpu.memory_space<hbm>> -> memref<51200x64xi16, #tpu.memory_space<hbm>>
          tpu.enqueue_indirect_dma source(%dma_start3A_67 : memref<51200x64xi16, #tpu.memory_space<hbm>>) target(%arg18 : memref<512x64xi16, #tpu.memory_space<vmem>>) offsets(%dma_start3A_64 : memref<512xi32, #tpu.memory_space<vmem>>) semaphore(%arg20 : memref<!tpu.dma_semaphore, #tpu.memory_space<semaphore_mem>>)
          %mul3A_68 = arith.constant 512 : i32
          %mul3A_69 = arith.muli %mul3A_59, %mul3A_68 : i32
          %dma_wait3A = tpu.memref_slice %arg15[%mul3A_69] : memref<5120xi32, #tpu.memory_space<vmem>> -> memref<512xi32, #tpu.memory_space<vmem>>
          %dma_wait3A_70 = arith.constant 0 : i32
          %dma_wait3A_71 = arith.constant 0 : i32
          %dma_wait3A_72 = tpu.memref_slice %arg2[%dma_wait3A_70, %dma_wait3A_71] : memref<51200x64xi16, #tpu.memory_space<hbm>> -> memref<51200x64xi16, #tpu.memory_space<hbm>>
          tpu.wait_indirect_dma semaphore(%arg19 : memref<!tpu.dma_semaphore, #tpu.memory_space<semaphore_mem>>) src(%dma_wait3A_72 : memref<51200x64xi16, #tpu.memory_space<hbm>>) dst(%arg17 : memref<512x64xi16, #tpu.memory_space<vmem>>)
          %mul3A_73 = arith.constant 512 : i32
          %mul3A_74 = arith.muli %mul3A_59, %mul3A_73 : i32
          %dma_start3A_75 = tpu.memref_slice %arg16[%mul3A_74] : memref<5120xi32, #tpu.memory_space<vmem>> -> memref<512xi32, #tpu.memory_space<vmem>>
          %dma_start3A_76 = arith.constant 0 : i32
          %dma_start3A_77 = arith.constant 0 : i32
          %dma_start3A_78 = tpu.memref_slice %arg14[%dma_start3A_76, %dma_start3A_77] : memref<25600x64xi16, #tpu.memory_space<vmem_shared>> -> memref<25600x64xi16, #tpu.memory_space<vmem_shared>>
          tpu.enqueue_indirect_dma source(%arg17 : memref<512x64xi16, #tpu.memory_space<vmem>>) target(%dma_start3A_78 : memref<25600x64xi16, #tpu.memory_space<vmem_shared>>) offsets(%dma_start3A_75 : memref<512xi32, #tpu.memory_space<vmem>>) semaphore(%arg21 : memref<!tpu.dma_semaphore, #tpu.memory_space<semaphore_mem>>) {add = true}
          %mul3A_79 = arith.constant 512 : i32
          %mul3A_80 = arith.muli %mul3A_59, %mul3A_79 : i32
          %dma_start3A_81 = tpu.memref_slice %arg16[%mul3A_80] : memref<5120xi32, #tpu.memory_space<vmem>> -> memref<512xi32, #tpu.memory_space<vmem>>
          %dma_start3A_82 = arith.constant 0 : i32
          %dma_start3A_83 = tpu.memref_slice %arg23[%dma_start3A_82] : memref<25600xf32, #tpu.memory_space<vmem_shared>> -> memref<25600xf32, #tpu.memory_space<vmem_shared>>
          tpu.enqueue_indirect_dma source(%arg24 : memref<512xf32, #tpu.memory_space<vmem>>) target(%dma_start3A_83 : memref<25600xf32, #tpu.memory_space<vmem_shared>>) offsets(%dma_start3A_81 : memref<512xi32, #tpu.memory_space<vmem>>) semaphore(%arg26 : memref<!tpu.dma_semaphore, #tpu.memory_space<semaphore_mem>>) {add = true}
          %add3A_84 = arith.constant 1 : i32
          %add3A_85 = arith.addi %mul3A_59, %add3A_84 : i32
          %mul3A_86 = arith.constant 512 : i32
          %mul3A_87 = arith.muli %add3A_85, %mul3A_86 : i32
          %dma_wait3A_88 = tpu.memref_slice %arg15[%mul3A_87] : memref<5120xi32, #tpu.memory_space<vmem>> -> memref<512xi32, #tpu.memory_space<vmem>>
          %dma_wait3A_89 = arith.constant 0 : i32
          %dma_wait3A_90 = arith.constant 0 : i32
          %dma_wait3A_91 = tpu.memref_slice %arg2[%dma_wait3A_89, %dma_wait3A_90] : memref<51200x64xi16, #tpu.memory_space<hbm>> -> memref<51200x64xi16, #tpu.memory_space<hbm>>
          tpu.wait_indirect_dma semaphore(%arg20 : memref<!tpu.dma_semaphore, #tpu.memory_space<semaphore_mem>>) src(%dma_wait3A_91 : memref<51200x64xi16, #tpu.memory_space<hbm>>) dst(%arg18 : memref<512x64xi16, #tpu.memory_space<vmem>>)
          %add3A_92 = arith.constant 1 : i32
          %add3A_93 = arith.addi %mul3A_59, %add3A_92 : i32
          %mul3A_94 = arith.constant 512 : i32
          %mul3A_95 = arith.muli %add3A_93, %mul3A_94 : i32
          %dma_start3A_96 = tpu.memref_slice %arg16[%mul3A_95] : memref<5120xi32, #tpu.memory_space<vmem>> -> memref<512xi32, #tpu.memory_space<vmem>>
          %dma_start3A_97 = arith.constant 0 : i32
          %dma_start3A_98 = arith.constant 0 : i32
          %dma_start3A_99 = tpu.memref_slice %arg14[%dma_start3A_97, %dma_start3A_98] : memref<25600x64xi16, #tpu.memory_space<vmem_shared>> -> memref<25600x64xi16, #tpu.memory_space<vmem_shared>>
          tpu.enqueue_indirect_dma source(%arg18 : memref<512x64xi16, #tpu.memory_space<vmem>>) target(%dma_start3A_99 : memref<25600x64xi16, #tpu.memory_space<vmem_shared>>) offsets(%dma_start3A_96 : memref<512xi32, #tpu.memory_space<vmem>>) semaphore(%arg22 : memref<!tpu.dma_semaphore, #tpu.memory_space<semaphore_mem>>) {add = true}
          %mul3A_100 = arith.constant 512 : i32
          %mul3A_101 = arith.muli %add3A_93, %mul3A_100 : i32
          %dma_start3A_102 = tpu.memref_slice %arg16[%mul3A_101] : memref<5120xi32, #tpu.memory_space<vmem>> -> memref<512xi32, #tpu.memory_space<vmem>>
          %dma_start3A_103 = arith.constant 0 : i32
          %dma_start3A_104 = tpu.memref_slice %arg23[%dma_start3A_103] : memref<25600xf32, #tpu.memory_space<vmem_shared>> -> memref<25600xf32, #tpu.memory_space<vmem_shared>>
          tpu.enqueue_indirect_dma source(%arg24 : memref<512xf32, #tpu.memory_space<vmem>>) target(%dma_start3A_104 : memref<25600xf32, #tpu.memory_space<vmem_shared>>) offsets(%dma_start3A_102 : memref<512xi32, #tpu.memory_space<vmem>>) semaphore(%arg27 : memref<!tpu.dma_semaphore, #tpu.memory_space<semaphore_mem>>) {add = true}
          %mul3A_105 = arith.constant 512 : i32
          %mul3A_106 = arith.muli %mul3A_59, %mul3A_105 : i32
          %dma_wait3A_107 = tpu.memref_slice %arg16[%mul3A_106] : memref<5120xi32, #tpu.memory_space<vmem>> -> memref<512xi32, #tpu.memory_space<vmem>>
          %dma_wait3A_108 = arith.constant 0 : i32
          %dma_wait3A_109 = arith.constant 0 : i32
          %dma_wait3A_110 = tpu.memref_slice %arg14[%dma_wait3A_108, %dma_wait3A_109] : memref<25600x64xi16, #tpu.memory_space<vmem_shared>> -> memref<25600x64xi16, #tpu.memory_space<vmem_shared>>
          tpu.wait_indirect_dma semaphore(%arg21 : memref<!tpu.dma_semaphore, #tpu.memory_space<semaphore_mem>>) src(%arg17 : memref<512x64xi16, #tpu.memory_space<vmem>>) dst(%dma_wait3A_110 : memref<25600x64xi16, #tpu.memory_space<vmem_shared>>)
          %mul3A_111 = arith.constant 512 : i32
          %mul3A_112 = arith.muli %mul3A_59, %mul3A_111 : i32
          %dma_wait3A_113 = tpu.memref_slice %arg16[%mul3A_112] : memref<5120xi32, #tpu.memory_space<vmem>> -> memref<512xi32, #tpu.memory_space<vmem>>
          %dma_wait3A_114 = arith.constant 0 : i32
          %dma_wait3A_115 = tpu.memref_slice %arg23[%dma_wait3A_114] : memref<25600xf32, #tpu.memory_space<vmem_shared>> -> memref<25600xf32, #tpu.memory_space<vmem_shared>>
          tpu.wait_indirect_dma semaphore(%arg26 : memref<!tpu.dma_semaphore, #tpu.memory_space<semaphore_mem>>) src(%arg24 : memref<512xf32, #tpu.memory_space<vmem>>) dst(%dma_wait3A_115 : memref<25600xf32, #tpu.memory_space<vmem_shared>>)
          %add3A_116 = arith.constant 1 : i32
          %add3A_117 = arith.addi %scan3A_57, %add3A_116 : i32
          %lt3A = arith.constant 5 : i32
          %lt3A_118 = arith.cmpi slt, %add3A_117, %lt3A : i32
          %convert_element_type3A_119 = arith.extui %lt3A_118 : i1 to i32
          %cond3A_120 = arith.constant 0 : i32
          %cond3A_121 = arith.cmpi ne, %convert_element_type3A_119, %cond3A_120 : i32
          scf.if %cond3A_121 {
            %add3A_135 = arith.constant 2 : i32
            %add3A_136 = arith.addi %mul3A_59, %add3A_135 : i32
            %mul3A_137 = arith.constant 512 : i32
            %mul3A_138 = arith.muli %add3A_136, %mul3A_137 : i32
            %dma_start3A_139 = tpu.memref_slice %arg15[%mul3A_138] : memref<5120xi32, #tpu.memory_space<vmem>> -> memref<512xi32, #tpu.memory_space<vmem>>
            %dma_start3A_140 = arith.constant 0 : i32
            %dma_start3A_141 = arith.constant 0 : i32
            %dma_start3A_142 = tpu.memref_slice %arg2[%dma_start3A_140, %dma_start3A_141] : memref<51200x64xi16, #tpu.memory_space<hbm>> -> memref<51200x64xi16, #tpu.memory_space<hbm>>
            tpu.enqueue_indirect_dma source(%dma_start3A_142 : memref<51200x64xi16, #tpu.memory_space<hbm>>) target(%arg17 : memref<512x64xi16, #tpu.memory_space<vmem>>) offsets(%dma_start3A_139 : memref<512xi32, #tpu.memory_space<vmem>>) semaphore(%arg19 : memref<!tpu.dma_semaphore, #tpu.memory_space<semaphore_mem>>)
          } else {
          }
          %add3A_122 = arith.constant 1 : i32
          %add3A_123 = arith.addi %mul3A_59, %add3A_122 : i32
          %mul3A_124 = arith.constant 512 : i32
          %mul3A_125 = arith.muli %add3A_123, %mul3A_124 : i32
          %dma_wait3A_126 = tpu.memref_slice %arg16[%mul3A_125] : memref<5120xi32, #tpu.memory_space<vmem>> -> memref<512xi32, #tpu.memory_space<vmem>>
          %dma_wait3A_127 = arith.constant 0 : i32
          %dma_wait3A_128 = arith.constant 0 : i32
          %dma_wait3A_129 = tpu.memref_slice %arg14[%dma_wait3A_127, %dma_wait3A_128] : memref<25600x64xi16, #tpu.memory_space<vmem_shared>> -> memref<25600x64xi16, #tpu.memory_space<vmem_shared>>
          tpu.wait_indirect_dma semaphore(%arg22 : memref<!tpu.dma_semaphore, #tpu.memory_space<semaphore_mem>>) src(%arg18 : memref<512x64xi16, #tpu.memory_space<vmem>>) dst(%dma_wait3A_129 : memref<25600x64xi16, #tpu.memory_space<vmem_shared>>)
          %mul3A_130 = arith.constant 512 : i32
          %mul3A_131 = arith.muli %add3A_123, %mul3A_130 : i32
          %dma_wait3A_132 = tpu.memref_slice %arg16[%mul3A_131] : memref<5120xi32, #tpu.memory_space<vmem>> -> memref<512xi32, #tpu.memory_space<vmem>>
          %dma_wait3A_133 = arith.constant 0 : i32
          %dma_wait3A_134 = tpu.memref_slice %arg23[%dma_wait3A_133] : memref<25600xf32, #tpu.memory_space<vmem_shared>> -> memref<25600xf32, #tpu.memory_space<vmem_shared>>
          tpu.wait_indirect_dma semaphore(%arg27 : memref<!tpu.dma_semaphore, #tpu.memory_space<semaphore_mem>>) src(%arg24 : memref<512xf32, #tpu.memory_space<vmem>>) dst(%dma_wait3A_134 : memref<25600xf32, #tpu.memory_space<vmem_shared>>)
        }
        %scan3A_56 = arith.constant 5 : i32
      }
      %scan3A_16 = arith.constant 5 : i32
      %barrier3A_17 = arith.constant 0 : index
      tpu.barrier barrier_id(%barrier3A_17)
      %mul3A_18 = arith.constant 1600 : i32
      %mul3A_19 = arith.muli %arg1, %mul3A_18 : i32
      %mul3A_20 = arith.constant 1600 : i32
      %mul3A_21 = arith.muli %arg1, %mul3A_20 : i32
      %add3A = arith.constant 25600 : i32
      %add3A_22 = arith.addi %add3A, %mul3A_21 : i32
      "tpu.region"() ({
        %run_scoped3A = tpu.sem_alloc : memref<!tpu.dma_semaphore, #tpu.memory_space<semaphore_mem>>
        %dma_start3A = arith.constant 0 : i32
        %dma_start3A_43 = tpu.memref_slice %arg11[%add3A_22, %dma_start3A] : memref<51200x64xi16, #tpu.memory_space<hbm>> -> memref<1600x64xi16, #tpu.memory_space<hbm>>
        %dma_start3A_44 = arith.constant 0 : i32
        %dma_start3A_45 = tpu.memref_slice %arg14[%mul3A_19, %dma_start3A_44] : memref<25600x64xi16, #tpu.memory_space<vmem_shared>> -> memref<1600x64xi16, #tpu.memory_space<vmem_shared>>
        tpu.enqueue_dma source(%dma_start3A_45 : memref<1600x64xi16, #tpu.memory_space<vmem_shared>>) target(%dma_start3A_43 : memref<1600x64xi16, #tpu.memory_space<hbm>>) target_semaphore(%run_scoped3A : memref<!tpu.dma_semaphore, #tpu.memory_space<semaphore_mem>>)
        %dma_wait3A = arith.constant 0 : i32
        %dma_wait3A_46 = tpu.memref_slice %arg11[%add3A_22, %dma_wait3A] : memref<51200x64xi16, #tpu.memory_space<hbm>> -> memref<1600x64xi16, #tpu.memory_space<hbm>>
        %dma_wait3A_47 = arith.constant 0 : i32
        %dma_wait3A_48 = tpu.memref_slice %arg14[%mul3A_19, %dma_wait3A_47] : memref<25600x64xi16, #tpu.memory_space<vmem_shared>> -> memref<1600x64xi16, #tpu.memory_space<vmem_shared>>
        tpu.wait_dma2 semaphore(%run_scoped3A : memref<!tpu.dma_semaphore, #tpu.memory_space<semaphore_mem>>) src(%dma_wait3A_48 : memref<1600x64xi16, #tpu.memory_space<vmem_shared>>) dst(%dma_wait3A_46 : memref<1600x64xi16, #tpu.memory_space<hbm>>)
        tpu.yield
      }) : () -> ()
      "tpu.region"() ({
        %run_scoped3A = tpu.sem_alloc : memref<!tpu.dma_semaphore, #tpu.memory_space<semaphore_mem>>
        %dma_start3A = tpu.memref_slice %arg23[%mul3A_19] : memref<25600xf32, #tpu.memory_space<vmem_shared>> -> memref<1600xf32, #tpu.memory_space<vmem_shared>>
        %dma_start3A_43 = tpu.memref_slice %arg23[%mul3A_19] : memref<25600xf32, #tpu.memory_space<vmem_shared>> -> memref<1600xf32, #tpu.memory_space<vmem_shared>>
        tpu.enqueue_dma source(%dma_start3A_43 : memref<1600xf32, #tpu.memory_space<vmem_shared>>) target(%arg25 : memref<1600xf32, #tpu.memory_space<vmem>>) target_semaphore(%run_scoped3A : memref<!tpu.dma_semaphore, #tpu.memory_space<semaphore_mem>>)
        %dma_wait3A = tpu.memref_slice %arg23[%mul3A_19] : memref<25600xf32, #tpu.memory_space<vmem_shared>> -> memref<1600xf32, #tpu.memory_space<vmem_shared>>
        %dma_wait3A_44 = tpu.memref_slice %arg23[%mul3A_19] : memref<25600xf32, #tpu.memory_space<vmem_shared>> -> memref<1600xf32, #tpu.memory_space<vmem_shared>>
        tpu.wait_dma2 semaphore(%run_scoped3A : memref<!tpu.dma_semaphore, #tpu.memory_space<semaphore_mem>>) src(%dma_wait3A_44 : memref<1600xf32, #tpu.memory_space<vmem_shared>>) dst(%arg25 : memref<1600xf32, #tpu.memory_space<vmem>>)
        tpu.yield
      }) : () -> ()
      "tpu.region"() ({
        %run_scoped3A = tpu.sem_alloc : memref<!tpu.dma_semaphore, #tpu.memory_space<semaphore_mem>>
        %dma_start3A = tpu.memref_slice %arg13[%add3A_22] : memref<51200xf32, #tpu.memory_space<hbm>> -> memref<1600xf32, #tpu.memory_space<hbm>>
        %dma_start3A_43 = tpu.memref_slice %arg13[%add3A_22] : memref<51200xf32, #tpu.memory_space<hbm>> -> memref<1600xf32, #tpu.memory_space<hbm>>
        tpu.enqueue_dma source(%arg25 : memref<1600xf32, #tpu.memory_space<vmem>>) target(%dma_start3A_43 : memref<1600xf32, #tpu.memory_space<hbm>>) target_semaphore(%run_scoped3A : memref<!tpu.dma_semaphore, #tpu.memory_space<semaphore_mem>>)
        %dma_wait3A = tpu.memref_slice %arg13[%add3A_22] : memref<51200xf32, #tpu.memory_space<hbm>> -> memref<1600xf32, #tpu.memory_space<hbm>>
        %dma_wait3A_44 = tpu.memref_slice %arg13[%add3A_22] : memref<51200xf32, #tpu.memory_space<hbm>> -> memref<1600xf32, #tpu.memory_space<hbm>>
        tpu.wait_dma2 semaphore(%run_scoped3A : memref<!tpu.dma_semaphore, #tpu.memory_space<semaphore_mem>>) src(%arg25 : memref<1600xf32, #tpu.memory_space<vmem>>) dst(%dma_wait3A_44 : memref<1600xf32, #tpu.memory_space<hbm>>)
        tpu.yield
      }) : () -> ()
      %barrier3A_23 = arith.constant 0 : index
      tpu.barrier barrier_id(%barrier3A_23)
      %mul3A_24 = arith.constant 1600 : i32
      %mul3A_25 = arith.muli %arg1, %mul3A_24 : i32
      "tpu.region"() ({
        %run_scoped3A = tpu.sem_alloc : memref<!tpu.dma_semaphore, #tpu.memory_space<semaphore_mem>>
        %dma_start3A = arith.constant 0 : i32
        %dma_start3A_43 = tpu.memref_slice %arg14[%mul3A_25, %dma_start3A] : memref<25600x64xi16, #tpu.memory_space<vmem_shared>> -> memref<1600x64xi16, #tpu.memory_space<vmem_shared>>
        tpu.enqueue_dma source(%arg8 : memref<1600x64xi16, #tpu.memory_space<hbm>>) target(%dma_start3A_43 : memref<1600x64xi16, #tpu.memory_space<vmem_shared>>) target_semaphore(%run_scoped3A : memref<!tpu.dma_semaphore, #tpu.memory_space<semaphore_mem>>)
        %dma_wait3A = arith.constant 0 : i32
        %dma_wait3A_44 = tpu.memref_slice %arg14[%mul3A_25, %dma_wait3A] : memref<25600x64xi16, #tpu.memory_space<vmem_shared>> -> memref<1600x64xi16, #tpu.memory_space<vmem_shared>>
        tpu.wait_dma2 semaphore(%run_scoped3A : memref<!tpu.dma_semaphore, #tpu.memory_space<semaphore_mem>>) src(%arg8 : memref<1600x64xi16, #tpu.memory_space<hbm>>) dst(%dma_wait3A_44 : memref<1600x64xi16, #tpu.memory_space<vmem_shared>>)
        tpu.yield
      }) : () -> ()
      %barrier3A_26 = arith.constant 0 : index
      tpu.barrier barrier_id(%barrier3A_26)
      %mul3A_27 = arith.constant 25600 : i32
      %mul3A_28 = arith.muli %arg1, %mul3A_27 : i32
      %scan3A_29 = arith.constant 0 : i32
      %scan3A_30 = arith.constant 0 : i32
      %scan3A_31 = arith.constant 5 : i32
      %scan3A_32 = arith.addi %scan3A_30, %scan3A_31 : i32
      %scan3A_33 = arith.constant 1 : i32
      scf.for %scan3A_43 = %scan3A_30 to %scan3A_32 step %scan3A_33  : i32 {
        %mul3A_44 = arith.constant 5120 : i32
        %mul3A_45 = arith.muli %scan3A_43, %mul3A_44 : i32
        %add3A_46 = arith.addi %mul3A_28, %mul3A_45 : i32
        "tpu.region"() ({
          %run_scoped3A = tpu.sem_alloc : memref<!tpu.dma_semaphore, #tpu.memory_space<semaphore_mem>>
          %dma_start3A_57 = tpu.memref_slice %arg6[%add3A_46] : memref<409600xi32, #tpu.memory_space<hbm>> -> memref<5120xi32, #tpu.memory_space<hbm>>
          %dma_start3A_58 = tpu.memref_slice %arg6[%add3A_46] : memref<409600xi32, #tpu.memory_space<hbm>> -> memref<5120xi32, #tpu.memory_space<hbm>>
          tpu.enqueue_dma source(%dma_start3A_58 : memref<5120xi32, #tpu.memory_space<hbm>>) target(%arg15 : memref<5120xi32, #tpu.memory_space<vmem>>) target_semaphore(%run_scoped3A : memref<!tpu.dma_semaphore, #tpu.memory_space<semaphore_mem>>)
          %dma_wait3A = tpu.memref_slice %arg6[%add3A_46] : memref<409600xi32, #tpu.memory_space<hbm>> -> memref<5120xi32, #tpu.memory_space<hbm>>
          %dma_wait3A_59 = tpu.memref_slice %arg6[%add3A_46] : memref<409600xi32, #tpu.memory_space<hbm>> -> memref<5120xi32, #tpu.memory_space<hbm>>
          tpu.wait_dma2 semaphore(%run_scoped3A : memref<!tpu.dma_semaphore, #tpu.memory_space<semaphore_mem>>) src(%dma_wait3A_59 : memref<5120xi32, #tpu.memory_space<hbm>>) dst(%arg15 : memref<5120xi32, #tpu.memory_space<vmem>>)
          tpu.yield
        }) : () -> ()
        "tpu.region"() ({
          %run_scoped3A = tpu.sem_alloc : memref<!tpu.dma_semaphore, #tpu.memory_space<semaphore_mem>>
          %dma_start3A_57 = tpu.memref_slice %arg7[%add3A_46] : memref<409600xi32, #tpu.memory_space<hbm>> -> memref<5120xi32, #tpu.memory_space<hbm>>
          %dma_start3A_58 = tpu.memref_slice %arg7[%add3A_46] : memref<409600xi32, #tpu.memory_space<hbm>> -> memref<5120xi32, #tpu.memory_space<hbm>>
          tpu.enqueue_dma source(%dma_start3A_58 : memref<5120xi32, #tpu.memory_space<hbm>>) target(%arg16 : memref<5120xi32, #tpu.memory_space<vmem>>) target_semaphore(%run_scoped3A : memref<!tpu.dma_semaphore, #tpu.memory_space<semaphore_mem>>)
          %dma_wait3A = tpu.memref_slice %arg7[%add3A_46] : memref<409600xi32, #tpu.memory_space<hbm>> -> memref<5120xi32, #tpu.memory_space<hbm>>
          %dma_wait3A_59 = tpu.memref_slice %arg7[%add3A_46] : memref<409600xi32, #tpu.memory_space<hbm>> -> memref<5120xi32, #tpu.memory_space<hbm>>
          tpu.wait_dma2 semaphore(%run_scoped3A : memref<!tpu.dma_semaphore, #tpu.memory_space<semaphore_mem>>) src(%dma_wait3A_59 : memref<5120xi32, #tpu.memory_space<hbm>>) dst(%arg16 : memref<5120xi32, #tpu.memory_space<vmem>>)
          tpu.yield
        }) : () -> ()
        %dma_start3A = arith.constant 0 : i32
        %dma_start3A_47 = tpu.memref_slice %arg15[%dma_start3A] : memref<5120xi32, #tpu.memory_space<vmem>> -> memref<512xi32, #tpu.memory_space<vmem>>
        %dma_start3A_48 = arith.constant 0 : i32
        %dma_start3A_49 = arith.constant 0 : i32
        %dma_start3A_50 = tpu.memref_slice %arg2[%dma_start3A_48, %dma_start3A_49] : memref<51200x64xi16, #tpu.memory_space<hbm>> -> memref<51200x64xi16, #tpu.memory_space<hbm>>
        tpu.enqueue_indirect_dma source(%dma_start3A_50 : memref<51200x64xi16, #tpu.memory_space<hbm>>) target(%arg17 : memref<512x64xi16, #tpu.memory_space<vmem>>) offsets(%dma_start3A_47 : memref<512xi32, #tpu.memory_space<vmem>>) semaphore(%arg19 : memref<!tpu.dma_semaphore, #tpu.memory_space<semaphore_mem>>)
        %scan3A_51 = arith.constant 0 : i32
        %scan3A_52 = arith.constant 0 : i32
        %scan3A_53 = arith.constant 5 : i32
        %scan3A_54 = arith.addi %scan3A_52, %scan3A_53 : i32
        %scan3A_55 = arith.constant 1 : i32
        scf.for %scan3A_57 = %scan3A_52 to %scan3A_54 step %scan3A_55  : i32 {
          %mul3A_58 = arith.constant 2 : i32
          %mul3A_59 = arith.muli %mul3A_58, %scan3A_57 : i32
          %add3A_60 = arith.constant 1 : i32
          %add3A_61 = arith.addi %mul3A_59, %add3A_60 : i32
          %mul3A_62 = arith.constant 512 : i32
          %mul3A_63 = arith.muli %add3A_61, %mul3A_62 : i32
          %dma_start3A_64 = tpu.memref_slice %arg15[%mul3A_63] : memref<5120xi32, #tpu.memory_space<vmem>> -> memref<512xi32, #tpu.memory_space<vmem>>
          %dma_start3A_65 = arith.constant 0 : i32
          %dma_start3A_66 = arith.constant 0 : i32
          %dma_start3A_67 = tpu.memref_slice %arg2[%dma_start3A_65, %dma_start3A_66] : memref<51200x64xi16, #tpu.memory_space<hbm>> -> memref<51200x64xi16, #tpu.memory_space<hbm>>
          tpu.enqueue_indirect_dma source(%dma_start3A_67 : memref<51200x64xi16, #tpu.memory_space<hbm>>) target(%arg18 : memref<512x64xi16, #tpu.memory_space<vmem>>) offsets(%dma_start3A_64 : memref<512xi32, #tpu.memory_space<vmem>>) semaphore(%arg20 : memref<!tpu.dma_semaphore, #tpu.memory_space<semaphore_mem>>)
          %mul3A_68 = arith.constant 512 : i32
          %mul3A_69 = arith.muli %mul3A_59, %mul3A_68 : i32
          %dma_wait3A = tpu.memref_slice %arg15[%mul3A_69] : memref<5120xi32, #tpu.memory_space<vmem>> -> memref<512xi32, #tpu.memory_space<vmem>>
          %dma_wait3A_70 = arith.constant 0 : i32
          %dma_wait3A_71 = arith.constant 0 : i32
          %dma_wait3A_72 = tpu.memref_slice %arg2[%dma_wait3A_70, %dma_wait3A_71] : memref<51200x64xi16, #tpu.memory_space<hbm>> -> memref<51200x64xi16, #tpu.memory_space<hbm>>
          tpu.wait_indirect_dma semaphore(%arg19 : memref<!tpu.dma_semaphore, #tpu.memory_space<semaphore_mem>>) src(%dma_wait3A_72 : memref<51200x64xi16, #tpu.memory_space<hbm>>) dst(%arg17 : memref<512x64xi16, #tpu.memory_space<vmem>>)
          %mul3A_73 = arith.constant 512 : i32
          %mul3A_74 = arith.muli %mul3A_59, %mul3A_73 : i32
          %dma_start3A_75 = tpu.memref_slice %arg16[%mul3A_74] : memref<5120xi32, #tpu.memory_space<vmem>> -> memref<512xi32, #tpu.memory_space<vmem>>
          %dma_start3A_76 = arith.constant 0 : i32
          %dma_start3A_77 = arith.constant 0 : i32
          %dma_start3A_78 = tpu.memref_slice %arg14[%dma_start3A_76, %dma_start3A_77] : memref<25600x64xi16, #tpu.memory_space<vmem_shared>> -> memref<25600x64xi16, #tpu.memory_space<vmem_shared>>
          tpu.enqueue_indirect_dma source(%arg17 : memref<512x64xi16, #tpu.memory_space<vmem>>) target(%dma_start3A_78 : memref<25600x64xi16, #tpu.memory_space<vmem_shared>>) offsets(%dma_start3A_75 : memref<512xi32, #tpu.memory_space<vmem>>) semaphore(%arg21 : memref<!tpu.dma_semaphore, #tpu.memory_space<semaphore_mem>>) {add = true}
          %add3A_79 = arith.constant 1 : i32
          %add3A_80 = arith.addi %mul3A_59, %add3A_79 : i32
          %mul3A_81 = arith.constant 512 : i32
          %mul3A_82 = arith.muli %add3A_80, %mul3A_81 : i32
          %dma_wait3A_83 = tpu.memref_slice %arg15[%mul3A_82] : memref<5120xi32, #tpu.memory_space<vmem>> -> memref<512xi32, #tpu.memory_space<vmem>>
          %dma_wait3A_84 = arith.constant 0 : i32
          %dma_wait3A_85 = arith.constant 0 : i32
          %dma_wait3A_86 = tpu.memref_slice %arg2[%dma_wait3A_84, %dma_wait3A_85] : memref<51200x64xi16, #tpu.memory_space<hbm>> -> memref<51200x64xi16, #tpu.memory_space<hbm>>
          tpu.wait_indirect_dma semaphore(%arg20 : memref<!tpu.dma_semaphore, #tpu.memory_space<semaphore_mem>>) src(%dma_wait3A_86 : memref<51200x64xi16, #tpu.memory_space<hbm>>) dst(%arg18 : memref<512x64xi16, #tpu.memory_space<vmem>>)
          %add3A_87 = arith.constant 1 : i32
          %add3A_88 = arith.addi %mul3A_59, %add3A_87 : i32
          %mul3A_89 = arith.constant 512 : i32
          %mul3A_90 = arith.muli %add3A_88, %mul3A_89 : i32
          %dma_start3A_91 = tpu.memref_slice %arg16[%mul3A_90] : memref<5120xi32, #tpu.memory_space<vmem>> -> memref<512xi32, #tpu.memory_space<vmem>>
          %dma_start3A_92 = arith.constant 0 : i32
          %dma_start3A_93 = arith.constant 0 : i32
          %dma_start3A_94 = tpu.memref_slice %arg14[%dma_start3A_92, %dma_start3A_93] : memref<25600x64xi16, #tpu.memory_space<vmem_shared>> -> memref<25600x64xi16, #tpu.memory_space<vmem_shared>>
          tpu.enqueue_indirect_dma source(%arg18 : memref<512x64xi16, #tpu.memory_space<vmem>>) target(%dma_start3A_94 : memref<25600x64xi16, #tpu.memory_space<vmem_shared>>) offsets(%dma_start3A_91 : memref<512xi32, #tpu.memory_space<vmem>>) semaphore(%arg22 : memref<!tpu.dma_semaphore, #tpu.memory_space<semaphore_mem>>) {add = true}
          %mul3A_95 = arith.constant 512 : i32
          %mul3A_96 = arith.muli %mul3A_59, %mul3A_95 : i32
          %dma_wait3A_97 = tpu.memref_slice %arg16[%mul3A_96] : memref<5120xi32, #tpu.memory_space<vmem>> -> memref<512xi32, #tpu.memory_space<vmem>>
          %dma_wait3A_98 = arith.constant 0 : i32
          %dma_wait3A_99 = arith.constant 0 : i32
          %dma_wait3A_100 = tpu.memref_slice %arg14[%dma_wait3A_98, %dma_wait3A_99] : memref<25600x64xi16, #tpu.memory_space<vmem_shared>> -> memref<25600x64xi16, #tpu.memory_space<vmem_shared>>
          tpu.wait_indirect_dma semaphore(%arg21 : memref<!tpu.dma_semaphore, #tpu.memory_space<semaphore_mem>>) src(%arg17 : memref<512x64xi16, #tpu.memory_space<vmem>>) dst(%dma_wait3A_100 : memref<25600x64xi16, #tpu.memory_space<vmem_shared>>)
          %add3A_101 = arith.constant 1 : i32
          %add3A_102 = arith.addi %scan3A_57, %add3A_101 : i32
          %lt3A = arith.constant 5 : i32
          %lt3A_103 = arith.cmpi slt, %add3A_102, %lt3A : i32
          %convert_element_type3A_104 = arith.extui %lt3A_103 : i1 to i32
          %cond3A_105 = arith.constant 0 : i32
          %cond3A_106 = arith.cmpi ne, %convert_element_type3A_104, %cond3A_105 : i32
          scf.if %cond3A_106 {
            %add3A_115 = arith.constant 2 : i32
            %add3A_116 = arith.addi %mul3A_59, %add3A_115 : i32
            %mul3A_117 = arith.constant 512 : i32
            %mul3A_118 = arith.muli %add3A_116, %mul3A_117 : i32
            %dma_start3A_119 = tpu.memref_slice %arg15[%mul3A_118] : memref<5120xi32, #tpu.memory_space<vmem>> -> memref<512xi32, #tpu.memory_space<vmem>>
            %dma_start3A_120 = arith.constant 0 : i32
            %dma_start3A_121 = arith.constant 0 : i32
            %dma_start3A_122 = tpu.memref_slice %arg2[%dma_start3A_120, %dma_start3A_121] : memref<51200x64xi16, #tpu.memory_space<hbm>> -> memref<51200x64xi16, #tpu.memory_space<hbm>>
            tpu.enqueue_indirect_dma source(%dma_start3A_122 : memref<51200x64xi16, #tpu.memory_space<hbm>>) target(%arg17 : memref<512x64xi16, #tpu.memory_space<vmem>>) offsets(%dma_start3A_119 : memref<512xi32, #tpu.memory_space<vmem>>) semaphore(%arg19 : memref<!tpu.dma_semaphore, #tpu.memory_space<semaphore_mem>>)
          } else {
          }
          %add3A_107 = arith.constant 1 : i32
          %add3A_108 = arith.addi %mul3A_59, %add3A_107 : i32
          %mul3A_109 = arith.constant 512 : i32
          %mul3A_110 = arith.muli %add3A_108, %mul3A_109 : i32
          %dma_wait3A_111 = tpu.memref_slice %arg16[%mul3A_110] : memref<5120xi32, #tpu.memory_space<vmem>> -> memref<512xi32, #tpu.memory_space<vmem>>
          %dma_wait3A_112 = arith.constant 0 : i32
          %dma_wait3A_113 = arith.constant 0 : i32
          %dma_wait3A_114 = tpu.memref_slice %arg14[%dma_wait3A_112, %dma_wait3A_113] : memref<25600x64xi16, #tpu.memory_space<vmem_shared>> -> memref<25600x64xi16, #tpu.memory_space<vmem_shared>>
          tpu.wait_indirect_dma semaphore(%arg22 : memref<!tpu.dma_semaphore, #tpu.memory_space<semaphore_mem>>) src(%arg18 : memref<512x64xi16, #tpu.memory_space<vmem>>) dst(%dma_wait3A_114 : memref<25600x64xi16, #tpu.memory_space<vmem_shared>>)
        }
        %scan3A_56 = arith.constant 5 : i32
      }
      %scan3A_34 = arith.constant 5 : i32
      %barrier3A_35 = arith.constant 0 : index
      tpu.barrier barrier_id(%barrier3A_35)
      %mul3A_36 = arith.constant 1600 : i32
      %mul3A_37 = arith.muli %arg1, %mul3A_36 : i32
      %mul3A_38 = arith.constant 1600 : i32
      %mul3A_39 = arith.muli %arg1, %mul3A_38 : i32
      %add3A_40 = arith.constant 0 : i32
      %add3A_41 = arith.addi %add3A_40, %mul3A_39 : i32
      "tpu.region"() ({
        %run_scoped3A = tpu.sem_alloc : memref<!tpu.dma_semaphore, #tpu.memory_space<semaphore_mem>>
        %dma_start3A = arith.constant 0 : i32
        %dma_start3A_43 = tpu.memref_slice %arg11[%add3A_41, %dma_start3A] : memref<51200x64xi16, #tpu.memory_space<hbm>> -> memref<1600x64xi16, #tpu.memory_space<hbm>>
        %dma_start3A_44 = arith.constant 0 : i32
        %dma_start3A_45 = tpu.memref_slice %arg14[%mul3A_37, %dma_start3A_44] : memref<25600x64xi16, #tpu.memory_space<vmem_shared>> -> memref<1600x64xi16, #tpu.memory_space<vmem_shared>>
        tpu.enqueue_dma source(%dma_start3A_45 : memref<1600x64xi16, #tpu.memory_space<vmem_shared>>) target(%dma_start3A_43 : memref<1600x64xi16, #tpu.memory_space<hbm>>) target_semaphore(%run_scoped3A : memref<!tpu.dma_semaphore, #tpu.memory_space<semaphore_mem>>)
        %dma_wait3A = arith.constant 0 : i32
        %dma_wait3A_46 = tpu.memref_slice %arg11[%add3A_41, %dma_wait3A] : memref<51200x64xi16, #tpu.memory_space<hbm>> -> memref<1600x64xi16, #tpu.memory_space<hbm>>
        %dma_wait3A_47 = arith.constant 0 : i32
        %dma_wait3A_48 = tpu.memref_slice %arg14[%mul3A_37, %dma_wait3A_47] : memref<25600x64xi16, #tpu.memory_space<vmem_shared>> -> memref<1600x64xi16, #tpu.memory_space<vmem_shared>>
        tpu.wait_dma2 semaphore(%run_scoped3A : memref<!tpu.dma_semaphore, #tpu.memory_space<semaphore_mem>>) src(%dma_wait3A_48 : memref<1600x64xi16, #tpu.memory_space<vmem_shared>>) dst(%dma_wait3A_46 : memref<1600x64xi16, #tpu.memory_space<hbm>>)
        tpu.yield
      }) : () -> ()
      %barrier3A_42 = arith.constant 0 : index
      tpu.barrier barrier_id(%barrier3A_42)
    } else {
    }
    %eq3A_2 = arith.constant 1 : i32
    %eq3A_3 = arith.cmpi eq, %arg0, %eq3A_2 : i32
    %convert_element_type3A_4 = arith.extui %eq3A_3 : i1 to i32
    %cond3A_5 = arith.constant 0 : i32
    %cond3A_6 = arith.cmpi ne, %convert_element_type3A_4, %cond3A_5 : i32
    scf.if %cond3A_6 {
      %mul3A = arith.constant 1600 : i32
      %mul3A_7 = arith.muli %arg1, %mul3A : i32
      "tpu.region"() ({
        %run_scoped3A = tpu.sem_alloc : memref<!tpu.dma_semaphore, #tpu.memory_space<semaphore_mem>>
        %dma_start3A = arith.constant 0 : i32
        %dma_start3A_43 = tpu.memref_slice %arg14[%mul3A_7, %dma_start3A] : memref<25600x64xi16, #tpu.memory_space<vmem_shared>> -> memref<1600x64xi16, #tpu.memory_space<vmem_shared>>
        tpu.enqueue_dma source(%arg8 : memref<1600x64xi16, #tpu.memory_space<hbm>>) target(%dma_start3A_43 : memref<1600x64xi16, #tpu.memory_space<vmem_shared>>) target_semaphore(%run_scoped3A : memref<!tpu.dma_semaphore, #tpu.memory_space<semaphore_mem>>)
        %dma_wait3A = arith.constant 0 : i32
        %dma_wait3A_44 = tpu.memref_slice %arg14[%mul3A_7, %dma_wait3A] : memref<25600x64xi16, #tpu.memory_space<vmem_shared>> -> memref<1600x64xi16, #tpu.memory_space<vmem_shared>>
        tpu.wait_dma2 semaphore(%run_scoped3A : memref<!tpu.dma_semaphore, #tpu.memory_space<semaphore_mem>>) src(%arg8 : memref<1600x64xi16, #tpu.memory_space<hbm>>) dst(%dma_wait3A_44 : memref<1600x64xi16, #tpu.memory_space<vmem_shared>>)
        tpu.yield
      }) : () -> ()
      %barrier3A = arith.constant 0 : index
      tpu.barrier barrier_id(%barrier3A)
      %mul3A_8 = arith.constant 25600 : i32
      %mul3A_9 = arith.muli %arg1, %mul3A_8 : i32
      %scan3A = arith.constant 0 : i32
      %scan3A_10 = arith.constant 0 : i32
      %scan3A_11 = arith.constant 5 : i32
      %scan3A_12 = arith.addi %scan3A_10, %scan3A_11 : i32
      %scan3A_13 = arith.constant 1 : i32
      scf.for %scan3A_43 = %scan3A_10 to %scan3A_12 step %scan3A_13  : i32 {
        %mul3A_44 = arith.constant 5120 : i32
        %mul3A_45 = arith.muli %scan3A_43, %mul3A_44 : i32
        %add3A_46 = arith.addi %mul3A_9, %mul3A_45 : i32
        "tpu.region"() ({
          %run_scoped3A = tpu.sem_alloc : memref<!tpu.dma_semaphore, #tpu.memory_space<semaphore_mem>>
          %dma_start3A_57 = tpu.memref_slice %arg4[%add3A_46] : memref<409600xi32, #tpu.memory_space<hbm>> -> memref<5120xi32, #tpu.memory_space<hbm>>
          %dma_start3A_58 = tpu.memref_slice %arg4[%add3A_46] : memref<409600xi32, #tpu.memory_space<hbm>> -> memref<5120xi32, #tpu.memory_space<hbm>>
          tpu.enqueue_dma source(%dma_start3A_58 : memref<5120xi32, #tpu.memory_space<hbm>>) target(%arg15 : memref<5120xi32, #tpu.memory_space<vmem>>) target_semaphore(%run_scoped3A : memref<!tpu.dma_semaphore, #tpu.memory_space<semaphore_mem>>)
          %dma_wait3A = tpu.memref_slice %arg4[%add3A_46] : memref<409600xi32, #tpu.memory_space<hbm>> -> memref<5120xi32, #tpu.memory_space<hbm>>
          %dma_wait3A_59 = tpu.memref_slice %arg4[%add3A_46] : memref<409600xi32, #tpu.memory_space<hbm>> -> memref<5120xi32, #tpu.memory_space<hbm>>
          tpu.wait_dma2 semaphore(%run_scoped3A : memref<!tpu.dma_semaphore, #tpu.memory_space<semaphore_mem>>) src(%dma_wait3A_59 : memref<5120xi32, #tpu.memory_space<hbm>>) dst(%arg15 : memref<5120xi32, #tpu.memory_space<vmem>>)
          tpu.yield
        }) : () -> ()
        "tpu.region"() ({
          %run_scoped3A = tpu.sem_alloc : memref<!tpu.dma_semaphore, #tpu.memory_space<semaphore_mem>>
          %dma_start3A_57 = tpu.memref_slice %arg5[%add3A_46] : memref<409600xi32, #tpu.memory_space<hbm>> -> memref<5120xi32, #tpu.memory_space<hbm>>
          %dma_start3A_58 = tpu.memref_slice %arg5[%add3A_46] : memref<409600xi32, #tpu.memory_space<hbm>> -> memref<5120xi32, #tpu.memory_space<hbm>>
          tpu.enqueue_dma source(%dma_start3A_58 : memref<5120xi32, #tpu.memory_space<hbm>>) target(%arg16 : memref<5120xi32, #tpu.memory_space<vmem>>) target_semaphore(%run_scoped3A : memref<!tpu.dma_semaphore, #tpu.memory_space<semaphore_mem>>)
          %dma_wait3A = tpu.memref_slice %arg5[%add3A_46] : memref<409600xi32, #tpu.memory_space<hbm>> -> memref<5120xi32, #tpu.memory_space<hbm>>
          %dma_wait3A_59 = tpu.memref_slice %arg5[%add3A_46] : memref<409600xi32, #tpu.memory_space<hbm>> -> memref<5120xi32, #tpu.memory_space<hbm>>
          tpu.wait_dma2 semaphore(%run_scoped3A : memref<!tpu.dma_semaphore, #tpu.memory_space<semaphore_mem>>) src(%dma_wait3A_59 : memref<5120xi32, #tpu.memory_space<hbm>>) dst(%arg16 : memref<5120xi32, #tpu.memory_space<vmem>>)
          tpu.yield
        }) : () -> ()
        %dma_start3A = arith.constant 0 : i32
        %dma_start3A_47 = tpu.memref_slice %arg15[%dma_start3A] : memref<5120xi32, #tpu.memory_space<vmem>> -> memref<512xi32, #tpu.memory_space<vmem>>
        %dma_start3A_48 = arith.constant 0 : i32
        %dma_start3A_49 = arith.constant 0 : i32
        %dma_start3A_50 = tpu.memref_slice %arg3[%dma_start3A_48, %dma_start3A_49] : memref<51200x64xi16, #tpu.memory_space<hbm>> -> memref<51200x64xi16, #tpu.memory_space<hbm>>
        tpu.enqueue_indirect_dma source(%dma_start3A_50 : memref<51200x64xi16, #tpu.memory_space<hbm>>) target(%arg17 : memref<512x64xi16, #tpu.memory_space<vmem>>) offsets(%dma_start3A_47 : memref<512xi32, #tpu.memory_space<vmem>>) semaphore(%arg19 : memref<!tpu.dma_semaphore, #tpu.memory_space<semaphore_mem>>)
        %scan3A_51 = arith.constant 0 : i32
        %scan3A_52 = arith.constant 0 : i32
        %scan3A_53 = arith.constant 5 : i32
        %scan3A_54 = arith.addi %scan3A_52, %scan3A_53 : i32
        %scan3A_55 = arith.constant 1 : i32
        scf.for %scan3A_57 = %scan3A_52 to %scan3A_54 step %scan3A_55  : i32 {
          %mul3A_58 = arith.constant 2 : i32
          %mul3A_59 = arith.muli %mul3A_58, %scan3A_57 : i32
          %add3A_60 = arith.constant 1 : i32
          %add3A_61 = arith.addi %mul3A_59, %add3A_60 : i32
          %mul3A_62 = arith.constant 512 : i32
          %mul3A_63 = arith.muli %add3A_61, %mul3A_62 : i32
          %dma_start3A_64 = tpu.memref_slice %arg15[%mul3A_63] : memref<5120xi32, #tpu.memory_space<vmem>> -> memref<512xi32, #tpu.memory_space<vmem>>
          %dma_start3A_65 = arith.constant 0 : i32
          %dma_start3A_66 = arith.constant 0 : i32
          %dma_start3A_67 = tpu.memref_slice %arg3[%dma_start3A_65, %dma_start3A_66] : memref<51200x64xi16, #tpu.memory_space<hbm>> -> memref<51200x64xi16, #tpu.memory_space<hbm>>
          tpu.enqueue_indirect_dma source(%dma_start3A_67 : memref<51200x64xi16, #tpu.memory_space<hbm>>) target(%arg18 : memref<512x64xi16, #tpu.memory_space<vmem>>) offsets(%dma_start3A_64 : memref<512xi32, #tpu.memory_space<vmem>>) semaphore(%arg20 : memref<!tpu.dma_semaphore, #tpu.memory_space<semaphore_mem>>)
          %mul3A_68 = arith.constant 512 : i32
          %mul3A_69 = arith.muli %mul3A_59, %mul3A_68 : i32
          %dma_wait3A = tpu.memref_slice %arg15[%mul3A_69] : memref<5120xi32, #tpu.memory_space<vmem>> -> memref<512xi32, #tpu.memory_space<vmem>>
          %dma_wait3A_70 = arith.constant 0 : i32
          %dma_wait3A_71 = arith.constant 0 : i32
          %dma_wait3A_72 = tpu.memref_slice %arg3[%dma_wait3A_70, %dma_wait3A_71] : memref<51200x64xi16, #tpu.memory_space<hbm>> -> memref<51200x64xi16, #tpu.memory_space<hbm>>
          tpu.wait_indirect_dma semaphore(%arg19 : memref<!tpu.dma_semaphore, #tpu.memory_space<semaphore_mem>>) src(%dma_wait3A_72 : memref<51200x64xi16, #tpu.memory_space<hbm>>) dst(%arg17 : memref<512x64xi16, #tpu.memory_space<vmem>>)
          %mul3A_73 = arith.constant 512 : i32
          %mul3A_74 = arith.muli %mul3A_59, %mul3A_73 : i32
          %dma_start3A_75 = tpu.memref_slice %arg16[%mul3A_74] : memref<5120xi32, #tpu.memory_space<vmem>> -> memref<512xi32, #tpu.memory_space<vmem>>
          %dma_start3A_76 = arith.constant 0 : i32
          %dma_start3A_77 = arith.constant 0 : i32
          %dma_start3A_78 = tpu.memref_slice %arg14[%dma_start3A_76, %dma_start3A_77] : memref<25600x64xi16, #tpu.memory_space<vmem_shared>> -> memref<25600x64xi16, #tpu.memory_space<vmem_shared>>
          tpu.enqueue_indirect_dma source(%arg17 : memref<512x64xi16, #tpu.memory_space<vmem>>) target(%dma_start3A_78 : memref<25600x64xi16, #tpu.memory_space<vmem_shared>>) offsets(%dma_start3A_75 : memref<512xi32, #tpu.memory_space<vmem>>) semaphore(%arg21 : memref<!tpu.dma_semaphore, #tpu.memory_space<semaphore_mem>>) {add = true}
          %add3A_79 = arith.constant 1 : i32
          %add3A_80 = arith.addi %mul3A_59, %add3A_79 : i32
          %mul3A_81 = arith.constant 512 : i32
          %mul3A_82 = arith.muli %add3A_80, %mul3A_81 : i32
          %dma_wait3A_83 = tpu.memref_slice %arg15[%mul3A_82] : memref<5120xi32, #tpu.memory_space<vmem>> -> memref<512xi32, #tpu.memory_space<vmem>>
          %dma_wait3A_84 = arith.constant 0 : i32
          %dma_wait3A_85 = arith.constant 0 : i32
          %dma_wait3A_86 = tpu.memref_slice %arg3[%dma_wait3A_84, %dma_wait3A_85] : memref<51200x64xi16, #tpu.memory_space<hbm>> -> memref<51200x64xi16, #tpu.memory_space<hbm>>
          tpu.wait_indirect_dma semaphore(%arg20 : memref<!tpu.dma_semaphore, #tpu.memory_space<semaphore_mem>>) src(%dma_wait3A_86 : memref<51200x64xi16, #tpu.memory_space<hbm>>) dst(%arg18 : memref<512x64xi16, #tpu.memory_space<vmem>>)
          %add3A_87 = arith.constant 1 : i32
          %add3A_88 = arith.addi %mul3A_59, %add3A_87 : i32
          %mul3A_89 = arith.constant 512 : i32
          %mul3A_90 = arith.muli %add3A_88, %mul3A_89 : i32
          %dma_start3A_91 = tpu.memref_slice %arg16[%mul3A_90] : memref<5120xi32, #tpu.memory_space<vmem>> -> memref<512xi32, #tpu.memory_space<vmem>>
          %dma_start3A_92 = arith.constant 0 : i32
          %dma_start3A_93 = arith.constant 0 : i32
          %dma_start3A_94 = tpu.memref_slice %arg14[%dma_start3A_92, %dma_start3A_93] : memref<25600x64xi16, #tpu.memory_space<vmem_shared>> -> memref<25600x64xi16, #tpu.memory_space<vmem_shared>>
          tpu.enqueue_indirect_dma source(%arg18 : memref<512x64xi16, #tpu.memory_space<vmem>>) target(%dma_start3A_94 : memref<25600x64xi16, #tpu.memory_space<vmem_shared>>) offsets(%dma_start3A_91 : memref<512xi32, #tpu.memory_space<vmem>>) semaphore(%arg22 : memref<!tpu.dma_semaphore, #tpu.memory_space<semaphore_mem>>) {add = true}
          %mul3A_95 = arith.constant 512 : i32
          %mul3A_96 = arith.muli %mul3A_59, %mul3A_95 : i32
          %dma_wait3A_97 = tpu.memref_slice %arg16[%mul3A_96] : memref<5120xi32, #tpu.memory_space<vmem>> -> memref<512xi32, #tpu.memory_space<vmem>>
          %dma_wait3A_98 = arith.constant 0 : i32
          %dma_wait3A_99 = arith.constant 0 : i32
          %dma_wait3A_100 = tpu.memref_slice %arg14[%dma_wait3A_98, %dma_wait3A_99] : memref<25600x64xi16, #tpu.memory_space<vmem_shared>> -> memref<25600x64xi16, #tpu.memory_space<vmem_shared>>
          tpu.wait_indirect_dma semaphore(%arg21 : memref<!tpu.dma_semaphore, #tpu.memory_space<semaphore_mem>>) src(%arg17 : memref<512x64xi16, #tpu.memory_space<vmem>>) dst(%dma_wait3A_100 : memref<25600x64xi16, #tpu.memory_space<vmem_shared>>)
          %add3A_101 = arith.constant 1 : i32
          %add3A_102 = arith.addi %scan3A_57, %add3A_101 : i32
          %lt3A = arith.constant 5 : i32
          %lt3A_103 = arith.cmpi slt, %add3A_102, %lt3A : i32
          %convert_element_type3A_104 = arith.extui %lt3A_103 : i1 to i32
          %cond3A_105 = arith.constant 0 : i32
          %cond3A_106 = arith.cmpi ne, %convert_element_type3A_104, %cond3A_105 : i32
          scf.if %cond3A_106 {
            %add3A_115 = arith.constant 2 : i32
            %add3A_116 = arith.addi %mul3A_59, %add3A_115 : i32
            %mul3A_117 = arith.constant 512 : i32
            %mul3A_118 = arith.muli %add3A_116, %mul3A_117 : i32
            %dma_start3A_119 = tpu.memref_slice %arg15[%mul3A_118] : memref<5120xi32, #tpu.memory_space<vmem>> -> memref<512xi32, #tpu.memory_space<vmem>>
            %dma_start3A_120 = arith.constant 0 : i32
            %dma_start3A_121 = arith.constant 0 : i32
            %dma_start3A_122 = tpu.memref_slice %arg3[%dma_start3A_120, %dma_start3A_121] : memref<51200x64xi16, #tpu.memory_space<hbm>> -> memref<51200x64xi16, #tpu.memory_space<hbm>>
            tpu.enqueue_indirect_dma source(%dma_start3A_122 : memref<51200x64xi16, #tpu.memory_space<hbm>>) target(%arg17 : memref<512x64xi16, #tpu.memory_space<vmem>>) offsets(%dma_start3A_119 : memref<512xi32, #tpu.memory_space<vmem>>) semaphore(%arg19 : memref<!tpu.dma_semaphore, #tpu.memory_space<semaphore_mem>>)
          } else {
          }
          %add3A_107 = arith.constant 1 : i32
          %add3A_108 = arith.addi %mul3A_59, %add3A_107 : i32
          %mul3A_109 = arith.constant 512 : i32
          %mul3A_110 = arith.muli %add3A_108, %mul3A_109 : i32
          %dma_wait3A_111 = tpu.memref_slice %arg16[%mul3A_110] : memref<5120xi32, #tpu.memory_space<vmem>> -> memref<512xi32, #tpu.memory_space<vmem>>
          %dma_wait3A_112 = arith.constant 0 : i32
          %dma_wait3A_113 = arith.constant 0 : i32
          %dma_wait3A_114 = tpu.memref_slice %arg14[%dma_wait3A_112, %dma_wait3A_113] : memref<25600x64xi16, #tpu.memory_space<vmem_shared>> -> memref<25600x64xi16, #tpu.memory_space<vmem_shared>>
          tpu.wait_indirect_dma semaphore(%arg22 : memref<!tpu.dma_semaphore, #tpu.memory_space<semaphore_mem>>) src(%arg18 : memref<512x64xi16, #tpu.memory_space<vmem>>) dst(%dma_wait3A_114 : memref<25600x64xi16, #tpu.memory_space<vmem_shared>>)
        }
        %scan3A_56 = arith.constant 5 : i32
      }
      %scan3A_14 = arith.constant 5 : i32
      %barrier3A_15 = arith.constant 0 : index
      tpu.barrier barrier_id(%barrier3A_15)
      %mul3A_16 = arith.constant 1600 : i32
      %mul3A_17 = arith.muli %arg1, %mul3A_16 : i32
      %mul3A_18 = arith.constant 1600 : i32
      %mul3A_19 = arith.muli %arg1, %mul3A_18 : i32
      %add3A = arith.constant 25600 : i32
      %add3A_20 = arith.addi %add3A, %mul3A_19 : i32
      "tpu.region"() ({
        %run_scoped3A = tpu.sem_alloc : memref<!tpu.dma_semaphore, #tpu.memory_space<semaphore_mem>>
        %dma_start3A = arith.constant 0 : i32
        %dma_start3A_43 = tpu.memref_slice %arg12[%add3A_20, %dma_start3A] : memref<51200x64xi16, #tpu.memory_space<hbm>> -> memref<1600x64xi16, #tpu.memory_space<hbm>>
        %dma_start3A_44 = arith.constant 0 : i32
        %dma_start3A_45 = tpu.memref_slice %arg14[%mul3A_17, %dma_start3A_44] : memref<25600x64xi16, #tpu.memory_space<vmem_shared>> -> memref<1600x64xi16, #tpu.memory_space<vmem_shared>>
        tpu.enqueue_dma source(%dma_start3A_45 : memref<1600x64xi16, #tpu.memory_space<vmem_shared>>) target(%dma_start3A_43 : memref<1600x64xi16, #tpu.memory_space<hbm>>) target_semaphore(%run_scoped3A : memref<!tpu.dma_semaphore, #tpu.memory_space<semaphore_mem>>)
        %dma_wait3A = arith.constant 0 : i32
        %dma_wait3A_46 = tpu.memref_slice %arg12[%add3A_20, %dma_wait3A] : memref<51200x64xi16, #tpu.memory_space<hbm>> -> memref<1600x64xi16, #tpu.memory_space<hbm>>
        %dma_wait3A_47 = arith.constant 0 : i32
        %dma_wait3A_48 = tpu.memref_slice %arg14[%mul3A_17, %dma_wait3A_47] : memref<25600x64xi16, #tpu.memory_space<vmem_shared>> -> memref<1600x64xi16, #tpu.memory_space<vmem_shared>>
        tpu.wait_dma2 semaphore(%run_scoped3A : memref<!tpu.dma_semaphore, #tpu.memory_space<semaphore_mem>>) src(%dma_wait3A_48 : memref<1600x64xi16, #tpu.memory_space<vmem_shared>>) dst(%dma_wait3A_46 : memref<1600x64xi16, #tpu.memory_space<hbm>>)
        tpu.yield
      }) : () -> ()
      %barrier3A_21 = arith.constant 0 : index
      tpu.barrier barrier_id(%barrier3A_21)
      %mul3A_22 = arith.constant 1600 : i32
      %mul3A_23 = arith.muli %arg1, %mul3A_22 : i32
      "tpu.region"() ({
        %run_scoped3A = tpu.sem_alloc : memref<!tpu.dma_semaphore, #tpu.memory_space<semaphore_mem>>
        %dma_start3A = arith.constant 0 : i32
        %dma_start3A_43 = tpu.memref_slice %arg14[%mul3A_23, %dma_start3A] : memref<25600x64xi16, #tpu.memory_space<vmem_shared>> -> memref<1600x64xi16, #tpu.memory_space<vmem_shared>>
        tpu.enqueue_dma source(%arg8 : memref<1600x64xi16, #tpu.memory_space<hbm>>) target(%dma_start3A_43 : memref<1600x64xi16, #tpu.memory_space<vmem_shared>>) target_semaphore(%run_scoped3A : memref<!tpu.dma_semaphore, #tpu.memory_space<semaphore_mem>>)
        %dma_wait3A = arith.constant 0 : i32
        %dma_wait3A_44 = tpu.memref_slice %arg14[%mul3A_23, %dma_wait3A] : memref<25600x64xi16, #tpu.memory_space<vmem_shared>> -> memref<1600x64xi16, #tpu.memory_space<vmem_shared>>
        tpu.wait_dma2 semaphore(%run_scoped3A : memref<!tpu.dma_semaphore, #tpu.memory_space<semaphore_mem>>) src(%arg8 : memref<1600x64xi16, #tpu.memory_space<hbm>>) dst(%dma_wait3A_44 : memref<1600x64xi16, #tpu.memory_space<vmem_shared>>)
        tpu.yield
      }) : () -> ()
      "tpu.region"() ({
        %run_scoped3A = tpu.sem_alloc : memref<!tpu.dma_semaphore, #tpu.memory_space<semaphore_mem>>
        tpu.enqueue_dma source(%arg9 : memref<1600xf32, #tpu.memory_space<hbm>>) target(%arg25 : memref<1600xf32, #tpu.memory_space<vmem>>) target_semaphore(%run_scoped3A : memref<!tpu.dma_semaphore, #tpu.memory_space<semaphore_mem>>)
        tpu.wait_dma2 semaphore(%run_scoped3A : memref<!tpu.dma_semaphore, #tpu.memory_space<semaphore_mem>>) src(%arg9 : memref<1600xf32, #tpu.memory_space<hbm>>) dst(%arg25 : memref<1600xf32, #tpu.memory_space<vmem>>)
        tpu.yield
      }) : () -> ()
      %mul3A_24 = arith.constant 1600 : i32
      %mul3A_25 = arith.muli %arg1, %mul3A_24 : i32
      "tpu.region"() ({
        %run_scoped3A = tpu.sem_alloc : memref<!tpu.dma_semaphore, #tpu.memory_space<semaphore_mem>>
        %dma_start3A = tpu.memref_slice %arg23[%mul3A_25] : memref<25600xf32, #tpu.memory_space<vmem_shared>> -> memref<1600xf32, #tpu.memory_space<vmem_shared>>
        %dma_start3A_43 = tpu.memref_slice %arg23[%mul3A_25] : memref<25600xf32, #tpu.memory_space<vmem_shared>> -> memref<1600xf32, #tpu.memory_space<vmem_shared>>
        tpu.enqueue_dma source(%arg25 : memref<1600xf32, #tpu.memory_space<vmem>>) target(%dma_start3A_43 : memref<1600xf32, #tpu.memory_space<vmem_shared>>) target_semaphore(%run_scoped3A : memref<!tpu.dma_semaphore, #tpu.memory_space<semaphore_mem>>)
        %dma_wait3A = tpu.memref_slice %arg23[%mul3A_25] : memref<25600xf32, #tpu.memory_space<vmem_shared>> -> memref<1600xf32, #tpu.memory_space<vmem_shared>>
        %dma_wait3A_44 = tpu.memref_slice %arg23[%mul3A_25] : memref<25600xf32, #tpu.memory_space<vmem_shared>> -> memref<1600xf32, #tpu.memory_space<vmem_shared>>
        tpu.wait_dma2 semaphore(%run_scoped3A : memref<!tpu.dma_semaphore, #tpu.memory_space<semaphore_mem>>) src(%arg25 : memref<1600xf32, #tpu.memory_space<vmem>>) dst(%dma_wait3A_44 : memref<1600xf32, #tpu.memory_space<vmem_shared>>)
        tpu.yield
      }) : () -> ()
      %barrier3A_26 = arith.constant 0 : index
      tpu.barrier barrier_id(%barrier3A_26)
      %mul3A_27 = arith.constant 25600 : i32
      %mul3A_28 = arith.muli %arg1, %mul3A_27 : i32
      %scan3A_29 = arith.constant 0 : i32
      %scan3A_30 = arith.constant 0 : i32
      %scan3A_31 = arith.constant 5 : i32
      %scan3A_32 = arith.addi %scan3A_30, %scan3A_31 : i32
      %scan3A_33 = arith.constant 1 : i32
      scf.for %scan3A_43 = %scan3A_30 to %scan3A_32 step %scan3A_33  : i32 {
        %mul3A_44 = arith.constant 5120 : i32
        %mul3A_45 = arith.muli %scan3A_43, %mul3A_44 : i32
        %add3A_46 = arith.addi %mul3A_28, %mul3A_45 : i32
        "tpu.region"() ({
          %run_scoped3A = tpu.sem_alloc : memref<!tpu.dma_semaphore, #tpu.memory_space<semaphore_mem>>
          %dma_start3A_57 = tpu.memref_slice %arg6[%add3A_46] : memref<409600xi32, #tpu.memory_space<hbm>> -> memref<5120xi32, #tpu.memory_space<hbm>>
          %dma_start3A_58 = tpu.memref_slice %arg6[%add3A_46] : memref<409600xi32, #tpu.memory_space<hbm>> -> memref<5120xi32, #tpu.memory_space<hbm>>
          tpu.enqueue_dma source(%dma_start3A_58 : memref<5120xi32, #tpu.memory_space<hbm>>) target(%arg15 : memref<5120xi32, #tpu.memory_space<vmem>>) target_semaphore(%run_scoped3A : memref<!tpu.dma_semaphore, #tpu.memory_space<semaphore_mem>>)
          %dma_wait3A = tpu.memref_slice %arg6[%add3A_46] : memref<409600xi32, #tpu.memory_space<hbm>> -> memref<5120xi32, #tpu.memory_space<hbm>>
          %dma_wait3A_59 = tpu.memref_slice %arg6[%add3A_46] : memref<409600xi32, #tpu.memory_space<hbm>> -> memref<5120xi32, #tpu.memory_space<hbm>>
          tpu.wait_dma2 semaphore(%run_scoped3A : memref<!tpu.dma_semaphore, #tpu.memory_space<semaphore_mem>>) src(%dma_wait3A_59 : memref<5120xi32, #tpu.memory_space<hbm>>) dst(%arg15 : memref<5120xi32, #tpu.memory_space<vmem>>)
          tpu.yield
        }) : () -> ()
        "tpu.region"() ({
          %run_scoped3A = tpu.sem_alloc : memref<!tpu.dma_semaphore, #tpu.memory_space<semaphore_mem>>
          %dma_start3A_57 = tpu.memref_slice %arg7[%add3A_46] : memref<409600xi32, #tpu.memory_space<hbm>> -> memref<5120xi32, #tpu.memory_space<hbm>>
          %dma_start3A_58 = tpu.memref_slice %arg7[%add3A_46] : memref<409600xi32, #tpu.memory_space<hbm>> -> memref<5120xi32, #tpu.memory_space<hbm>>
          tpu.enqueue_dma source(%dma_start3A_58 : memref<5120xi32, #tpu.memory_space<hbm>>) target(%arg16 : memref<5120xi32, #tpu.memory_space<vmem>>) target_semaphore(%run_scoped3A : memref<!tpu.dma_semaphore, #tpu.memory_space<semaphore_mem>>)
          %dma_wait3A = tpu.memref_slice %arg7[%add3A_46] : memref<409600xi32, #tpu.memory_space<hbm>> -> memref<5120xi32, #tpu.memory_space<hbm>>
          %dma_wait3A_59 = tpu.memref_slice %arg7[%add3A_46] : memref<409600xi32, #tpu.memory_space<hbm>> -> memref<5120xi32, #tpu.memory_space<hbm>>
          tpu.wait_dma2 semaphore(%run_scoped3A : memref<!tpu.dma_semaphore, #tpu.memory_space<semaphore_mem>>) src(%dma_wait3A_59 : memref<5120xi32, #tpu.memory_space<hbm>>) dst(%arg16 : memref<5120xi32, #tpu.memory_space<vmem>>)
          tpu.yield
        }) : () -> ()
        %dma_start3A = arith.constant 0 : i32
        %dma_start3A_47 = tpu.memref_slice %arg15[%dma_start3A] : memref<5120xi32, #tpu.memory_space<vmem>> -> memref<512xi32, #tpu.memory_space<vmem>>
        %dma_start3A_48 = arith.constant 0 : i32
        %dma_start3A_49 = arith.constant 0 : i32
        %dma_start3A_50 = tpu.memref_slice %arg3[%dma_start3A_48, %dma_start3A_49] : memref<51200x64xi16, #tpu.memory_space<hbm>> -> memref<51200x64xi16, #tpu.memory_space<hbm>>
        tpu.enqueue_indirect_dma source(%dma_start3A_50 : memref<51200x64xi16, #tpu.memory_space<hbm>>) target(%arg17 : memref<512x64xi16, #tpu.memory_space<vmem>>) offsets(%dma_start3A_47 : memref<512xi32, #tpu.memory_space<vmem>>) semaphore(%arg19 : memref<!tpu.dma_semaphore, #tpu.memory_space<semaphore_mem>>)
        %scan3A_51 = arith.constant 0 : i32
        %scan3A_52 = arith.constant 0 : i32
        %scan3A_53 = arith.constant 5 : i32
        %scan3A_54 = arith.addi %scan3A_52, %scan3A_53 : i32
        %scan3A_55 = arith.constant 1 : i32
        scf.for %scan3A_57 = %scan3A_52 to %scan3A_54 step %scan3A_55  : i32 {
          %mul3A_58 = arith.constant 2 : i32
          %mul3A_59 = arith.muli %mul3A_58, %scan3A_57 : i32
          %add3A_60 = arith.constant 1 : i32
          %add3A_61 = arith.addi %mul3A_59, %add3A_60 : i32
          %mul3A_62 = arith.constant 512 : i32
          %mul3A_63 = arith.muli %add3A_61, %mul3A_62 : i32
          %dma_start3A_64 = tpu.memref_slice %arg15[%mul3A_63] : memref<5120xi32, #tpu.memory_space<vmem>> -> memref<512xi32, #tpu.memory_space<vmem>>
          %dma_start3A_65 = arith.constant 0 : i32
          %dma_start3A_66 = arith.constant 0 : i32
          %dma_start3A_67 = tpu.memref_slice %arg3[%dma_start3A_65, %dma_start3A_66] : memref<51200x64xi16, #tpu.memory_space<hbm>> -> memref<51200x64xi16, #tpu.memory_space<hbm>>
          tpu.enqueue_indirect_dma source(%dma_start3A_67 : memref<51200x64xi16, #tpu.memory_space<hbm>>) target(%arg18 : memref<512x64xi16, #tpu.memory_space<vmem>>) offsets(%dma_start3A_64 : memref<512xi32, #tpu.memory_space<vmem>>) semaphore(%arg20 : memref<!tpu.dma_semaphore, #tpu.memory_space<semaphore_mem>>)
          %mul3A_68 = arith.constant 512 : i32
          %mul3A_69 = arith.muli %mul3A_59, %mul3A_68 : i32
          %dma_wait3A = tpu.memref_slice %arg15[%mul3A_69] : memref<5120xi32, #tpu.memory_space<vmem>> -> memref<512xi32, #tpu.memory_space<vmem>>
          %dma_wait3A_70 = arith.constant 0 : i32
          %dma_wait3A_71 = arith.constant 0 : i32
          %dma_wait3A_72 = tpu.memref_slice %arg3[%dma_wait3A_70, %dma_wait3A_71] : memref<51200x64xi16, #tpu.memory_space<hbm>> -> memref<51200x64xi16, #tpu.memory_space<hbm>>
          tpu.wait_indirect_dma semaphore(%arg19 : memref<!tpu.dma_semaphore, #tpu.memory_space<semaphore_mem>>) src(%dma_wait3A_72 : memref<51200x64xi16, #tpu.memory_space<hbm>>) dst(%arg17 : memref<512x64xi16, #tpu.memory_space<vmem>>)
          %mul3A_73 = arith.constant 512 : i32
          %mul3A_74 = arith.muli %mul3A_59, %mul3A_73 : i32
          %dma_start3A_75 = tpu.memref_slice %arg16[%mul3A_74] : memref<5120xi32, #tpu.memory_space<vmem>> -> memref<512xi32, #tpu.memory_space<vmem>>
          %dma_start3A_76 = arith.constant 0 : i32
          %dma_start3A_77 = arith.constant 0 : i32
          %dma_start3A_78 = tpu.memref_slice %arg14[%dma_start3A_76, %dma_start3A_77] : memref<25600x64xi16, #tpu.memory_space<vmem_shared>> -> memref<25600x64xi16, #tpu.memory_space<vmem_shared>>
          tpu.enqueue_indirect_dma source(%arg17 : memref<512x64xi16, #tpu.memory_space<vmem>>) target(%dma_start3A_78 : memref<25600x64xi16, #tpu.memory_space<vmem_shared>>) offsets(%dma_start3A_75 : memref<512xi32, #tpu.memory_space<vmem>>) semaphore(%arg21 : memref<!tpu.dma_semaphore, #tpu.memory_space<semaphore_mem>>) {add = true}
          %mul3A_79 = arith.constant 512 : i32
          %mul3A_80 = arith.muli %mul3A_59, %mul3A_79 : i32
          %dma_start3A_81 = tpu.memref_slice %arg16[%mul3A_80] : memref<5120xi32, #tpu.memory_space<vmem>> -> memref<512xi32, #tpu.memory_space<vmem>>
          %dma_start3A_82 = arith.constant 0 : i32
          %dma_start3A_83 = tpu.memref_slice %arg23[%dma_start3A_82] : memref<25600xf32, #tpu.memory_space<vmem_shared>> -> memref<25600xf32, #tpu.memory_space<vmem_shared>>
          tpu.enqueue_indirect_dma source(%arg24 : memref<512xf32, #tpu.memory_space<vmem>>) target(%dma_start3A_83 : memref<25600xf32, #tpu.memory_space<vmem_shared>>) offsets(%dma_start3A_81 : memref<512xi32, #tpu.memory_space<vmem>>) semaphore(%arg26 : memref<!tpu.dma_semaphore, #tpu.memory_space<semaphore_mem>>) {add = true}
          %add3A_84 = arith.constant 1 : i32
          %add3A_85 = arith.addi %mul3A_59, %add3A_84 : i32
          %mul3A_86 = arith.constant 512 : i32
          %mul3A_87 = arith.muli %add3A_85, %mul3A_86 : i32
          %dma_wait3A_88 = tpu.memref_slice %arg15[%mul3A_87] : memref<5120xi32, #tpu.memory_space<vmem>> -> memref<512xi32, #tpu.memory_space<vmem>>
          %dma_wait3A_89 = arith.constant 0 : i32
          %dma_wait3A_90 = arith.constant 0 : i32
          %dma_wait3A_91 = tpu.memref_slice %arg3[%dma_wait3A_89, %dma_wait3A_90] : memref<51200x64xi16, #tpu.memory_space<hbm>> -> memref<51200x64xi16, #tpu.memory_space<hbm>>
          tpu.wait_indirect_dma semaphore(%arg20 : memref<!tpu.dma_semaphore, #tpu.memory_space<semaphore_mem>>) src(%dma_wait3A_91 : memref<51200x64xi16, #tpu.memory_space<hbm>>) dst(%arg18 : memref<512x64xi16, #tpu.memory_space<vmem>>)
          %add3A_92 = arith.constant 1 : i32
          %add3A_93 = arith.addi %mul3A_59, %add3A_92 : i32
          %mul3A_94 = arith.constant 512 : i32
          %mul3A_95 = arith.muli %add3A_93, %mul3A_94 : i32
          %dma_start3A_96 = tpu.memref_slice %arg16[%mul3A_95] : memref<5120xi32, #tpu.memory_space<vmem>> -> memref<512xi32, #tpu.memory_space<vmem>>
          %dma_start3A_97 = arith.constant 0 : i32
          %dma_start3A_98 = arith.constant 0 : i32
          %dma_start3A_99 = tpu.memref_slice %arg14[%dma_start3A_97, %dma_start3A_98] : memref<25600x64xi16, #tpu.memory_space<vmem_shared>> -> memref<25600x64xi16, #tpu.memory_space<vmem_shared>>
          tpu.enqueue_indirect_dma source(%arg18 : memref<512x64xi16, #tpu.memory_space<vmem>>) target(%dma_start3A_99 : memref<25600x64xi16, #tpu.memory_space<vmem_shared>>) offsets(%dma_start3A_96 : memref<512xi32, #tpu.memory_space<vmem>>) semaphore(%arg22 : memref<!tpu.dma_semaphore, #tpu.memory_space<semaphore_mem>>) {add = true}
          %mul3A_100 = arith.constant 512 : i32
          %mul3A_101 = arith.muli %add3A_93, %mul3A_100 : i32
          %dma_start3A_102 = tpu.memref_slice %arg16[%mul3A_101] : memref<5120xi32, #tpu.memory_space<vmem>> -> memref<512xi32, #tpu.memory_space<vmem>>
          %dma_start3A_103 = arith.constant 0 : i32
          %dma_start3A_104 = tpu.memref_slice %arg23[%dma_start3A_103] : memref<25600xf32, #tpu.memory_space<vmem_shared>> -> memref<25600xf32, #tpu.memory_space<vmem_shared>>
          tpu.enqueue_indirect_dma source(%arg24 : memref<512xf32, #tpu.memory_space<vmem>>) target(%dma_start3A_104 : memref<25600xf32, #tpu.memory_space<vmem_shared>>) offsets(%dma_start3A_102 : memref<512xi32, #tpu.memory_space<vmem>>) semaphore(%arg27 : memref<!tpu.dma_semaphore, #tpu.memory_space<semaphore_mem>>) {add = true}
          %mul3A_105 = arith.constant 512 : i32
          %mul3A_106 = arith.muli %mul3A_59, %mul3A_105 : i32
          %dma_wait3A_107 = tpu.memref_slice %arg16[%mul3A_106] : memref<5120xi32, #tpu.memory_space<vmem>> -> memref<512xi32, #tpu.memory_space<vmem>>
          %dma_wait3A_108 = arith.constant 0 : i32
          %dma_wait3A_109 = arith.constant 0 : i32
          %dma_wait3A_110 = tpu.memref_slice %arg14[%dma_wait3A_108, %dma_wait3A_109] : memref<25600x64xi16, #tpu.memory_space<vmem_shared>> -> memref<25600x64xi16, #tpu.memory_space<vmem_shared>>
          tpu.wait_indirect_dma semaphore(%arg21 : memref<!tpu.dma_semaphore, #tpu.memory_space<semaphore_mem>>) src(%arg17 : memref<512x64xi16, #tpu.memory_space<vmem>>) dst(%dma_wait3A_110 : memref<25600x64xi16, #tpu.memory_space<vmem_shared>>)
          %mul3A_111 = arith.constant 512 : i32
          %mul3A_112 = arith.muli %mul3A_59, %mul3A_111 : i32
          %dma_wait3A_113 = tpu.memref_slice %arg16[%mul3A_112] : memref<5120xi32, #tpu.memory_space<vmem>> -> memref<512xi32, #tpu.memory_space<vmem>>
          %dma_wait3A_114 = arith.constant 0 : i32
          %dma_wait3A_115 = tpu.memref_slice %arg23[%dma_wait3A_114] : memref<25600xf32, #tpu.memory_space<vmem_shared>> -> memref<25600xf32, #tpu.memory_space<vmem_shared>>
          tpu.wait_indirect_dma semaphore(%arg26 : memref<!tpu.dma_semaphore, #tpu.memory_space<semaphore_mem>>) src(%arg24 : memref<512xf32, #tpu.memory_space<vmem>>) dst(%dma_wait3A_115 : memref<25600xf32, #tpu.memory_space<vmem_shared>>)
          %add3A_116 = arith.constant 1 : i32
          %add3A_117 = arith.addi %scan3A_57, %add3A_116 : i32
          %lt3A = arith.constant 5 : i32
          %lt3A_118 = arith.cmpi slt, %add3A_117, %lt3A : i32
          %convert_element_type3A_119 = arith.extui %lt3A_118 : i1 to i32
          %cond3A_120 = arith.constant 0 : i32
          %cond3A_121 = arith.cmpi ne, %convert_element_type3A_119, %cond3A_120 : i32
          scf.if %cond3A_121 {
            %add3A_135 = arith.constant 2 : i32
            %add3A_136 = arith.addi %mul3A_59, %add3A_135 : i32
            %mul3A_137 = arith.constant 512 : i32
            %mul3A_138 = arith.muli %add3A_136, %mul3A_137 : i32
            %dma_start3A_139 = tpu.memref_slice %arg15[%mul3A_138] : memref<5120xi32, #tpu.memory_space<vmem>> -> memref<512xi32, #tpu.memory_space<vmem>>
            %dma_start3A_140 = arith.constant 0 : i32
            %dma_start3A_141 = arith.constant 0 : i32
            %dma_start3A_142 = tpu.memref_slice %arg3[%dma_start3A_140, %dma_start3A_141] : memref<51200x64xi16, #tpu.memory_space<hbm>> -> memref<51200x64xi16, #tpu.memory_space<hbm>>
            tpu.enqueue_indirect_dma source(%dma_start3A_142 : memref<51200x64xi16, #tpu.memory_space<hbm>>) target(%arg17 : memref<512x64xi16, #tpu.memory_space<vmem>>) offsets(%dma_start3A_139 : memref<512xi32, #tpu.memory_space<vmem>>) semaphore(%arg19 : memref<!tpu.dma_semaphore, #tpu.memory_space<semaphore_mem>>)
          } else {
          }
          %add3A_122 = arith.constant 1 : i32
          %add3A_123 = arith.addi %mul3A_59, %add3A_122 : i32
          %mul3A_124 = arith.constant 512 : i32
          %mul3A_125 = arith.muli %add3A_123, %mul3A_124 : i32
          %dma_wait3A_126 = tpu.memref_slice %arg16[%mul3A_125] : memref<5120xi32, #tpu.memory_space<vmem>> -> memref<512xi32, #tpu.memory_space<vmem>>
          %dma_wait3A_127 = arith.constant 0 : i32
          %dma_wait3A_128 = arith.constant 0 : i32
          %dma_wait3A_129 = tpu.memref_slice %arg14[%dma_wait3A_127, %dma_wait3A_128] : memref<25600x64xi16, #tpu.memory_space<vmem_shared>> -> memref<25600x64xi16, #tpu.memory_space<vmem_shared>>
          tpu.wait_indirect_dma semaphore(%arg22 : memref<!tpu.dma_semaphore, #tpu.memory_space<semaphore_mem>>) src(%arg18 : memref<512x64xi16, #tpu.memory_space<vmem>>) dst(%dma_wait3A_129 : memref<25600x64xi16, #tpu.memory_space<vmem_shared>>)
          %mul3A_130 = arith.constant 512 : i32
          %mul3A_131 = arith.muli %add3A_123, %mul3A_130 : i32
          %dma_wait3A_132 = tpu.memref_slice %arg16[%mul3A_131] : memref<5120xi32, #tpu.memory_space<vmem>> -> memref<512xi32, #tpu.memory_space<vmem>>
          %dma_wait3A_133 = arith.constant 0 : i32
          %dma_wait3A_134 = tpu.memref_slice %arg23[%dma_wait3A_133] : memref<25600xf32, #tpu.memory_space<vmem_shared>> -> memref<25600xf32, #tpu.memory_space<vmem_shared>>
          tpu.wait_indirect_dma semaphore(%arg27 : memref<!tpu.dma_semaphore, #tpu.memory_space<semaphore_mem>>) src(%arg24 : memref<512xf32, #tpu.memory_space<vmem>>) dst(%dma_wait3A_134 : memref<25600xf32, #tpu.memory_space<vmem_shared>>)
        }
        %scan3A_56 = arith.constant 5 : i32
      }
      %scan3A_34 = arith.constant 5 : i32
      %barrier3A_35 = arith.constant 0 : index
      tpu.barrier barrier_id(%barrier3A_35)
      %mul3A_36 = arith.constant 1600 : i32
      %mul3A_37 = arith.muli %arg1, %mul3A_36 : i32
      %mul3A_38 = arith.constant 1600 : i32
      %mul3A_39 = arith.muli %arg1, %mul3A_38 : i32
      %add3A_40 = arith.constant 0 : i32
      %add3A_41 = arith.addi %add3A_40, %mul3A_39 : i32
      "tpu.region"() ({
        %run_scoped3A = tpu.sem_alloc : memref<!tpu.dma_semaphore, #tpu.memory_space<semaphore_mem>>
        %dma_start3A = arith.constant 0 : i32
        %dma_start3A_43 = tpu.memref_slice %arg12[%add3A_41, %dma_start3A] : memref<51200x64xi16, #tpu.memory_space<hbm>> -> memref<1600x64xi16, #tpu.memory_space<hbm>>
        %dma_start3A_44 = arith.constant 0 : i32
        %dma_start3A_45 = tpu.memref_slice %arg14[%mul3A_37, %dma_start3A_44] : memref<25600x64xi16, #tpu.memory_space<vmem_shared>> -> memref<1600x64xi16, #tpu.memory_space<vmem_shared>>
        tpu.enqueue_dma source(%dma_start3A_45 : memref<1600x64xi16, #tpu.memory_space<vmem_shared>>) target(%dma_start3A_43 : memref<1600x64xi16, #tpu.memory_space<hbm>>) target_semaphore(%run_scoped3A : memref<!tpu.dma_semaphore, #tpu.memory_space<semaphore_mem>>)
        %dma_wait3A = arith.constant 0 : i32
        %dma_wait3A_46 = tpu.memref_slice %arg12[%add3A_41, %dma_wait3A] : memref<51200x64xi16, #tpu.memory_space<hbm>> -> memref<1600x64xi16, #tpu.memory_space<hbm>>
        %dma_wait3A_47 = arith.constant 0 : i32
        %dma_wait3A_48 = tpu.memref_slice %arg14[%mul3A_37, %dma_wait3A_47] : memref<25600x64xi16, #tpu.memory_space<vmem_shared>> -> memref<1600x64xi16, #tpu.memory_space<vmem_shared>>
        tpu.wait_dma2 semaphore(%run_scoped3A : memref<!tpu.dma_semaphore, #tpu.memory_space<semaphore_mem>>) src(%dma_wait3A_48 : memref<1600x64xi16, #tpu.memory_space<vmem_shared>>) dst(%dma_wait3A_46 : memref<1600x64xi16, #tpu.memory_space<hbm>>)
        tpu.yield
      }) : () -> ()
      "tpu.region"() ({
        %run_scoped3A = tpu.sem_alloc : memref<!tpu.dma_semaphore, #tpu.memory_space<semaphore_mem>>
        %dma_start3A = tpu.memref_slice %arg23[%mul3A_37] : memref<25600xf32, #tpu.memory_space<vmem_shared>> -> memref<1600xf32, #tpu.memory_space<vmem_shared>>
        %dma_start3A_43 = tpu.memref_slice %arg23[%mul3A_37] : memref<25600xf32, #tpu.memory_space<vmem_shared>> -> memref<1600xf32, #tpu.memory_space<vmem_shared>>
        tpu.enqueue_dma source(%dma_start3A_43 : memref<1600xf32, #tpu.memory_space<vmem_shared>>) target(%arg25 : memref<1600xf32, #tpu.memory_space<vmem>>) target_semaphore(%run_scoped3A : memref<!tpu.dma_semaphore, #tpu.memory_space<semaphore_mem>>)
        %dma_wait3A = tpu.memref_slice %arg23[%mul3A_37] : memref<25600xf32, #tpu.memory_space<vmem_shared>> -> memref<1600xf32, #tpu.memory_space<vmem_shared>>
        %dma_wait3A_44 = tpu.memref_slice %arg23[%mul3A_37] : memref<25600xf32, #tpu.memory_space<vmem_shared>> -> memref<1600xf32, #tpu.memory_space<vmem_shared>>
        tpu.wait_dma2 semaphore(%run_scoped3A : memref<!tpu.dma_semaphore, #tpu.memory_space<semaphore_mem>>) src(%dma_wait3A_44 : memref<1600xf32, #tpu.memory_space<vmem_shared>>) dst(%arg25 : memref<1600xf32, #tpu.memory_space<vmem>>)
        tpu.yield
      }) : () -> ()
      "tpu.region"() ({
        %run_scoped3A = tpu.sem_alloc : memref<!tpu.dma_semaphore, #tpu.memory_space<semaphore_mem>>
        %dma_start3A = tpu.memref_slice %arg13[%add3A_41] : memref<51200xf32, #tpu.memory_space<hbm>> -> memref<1600xf32, #tpu.memory_space<hbm>>
        %dma_start3A_43 = tpu.memref_slice %arg13[%add3A_41] : memref<51200xf32, #tpu.memory_space<hbm>> -> memref<1600xf32, #tpu.memory_space<hbm>>
        tpu.enqueue_dma source(%arg25 : memref<1600xf32, #tpu.memory_space<vmem>>) target(%dma_start3A_43 : memref<1600xf32, #tpu.memory_space<hbm>>) target_semaphore(%run_scoped3A : memref<!tpu.dma_semaphore, #tpu.memory_space<semaphore_mem>>)
        %dma_wait3A = tpu.memref_slice %arg13[%add3A_41] : memref<51200xf32, #tpu.memory_space<hbm>> -> memref<1600xf32, #tpu.memory_space<hbm>>
        %dma_wait3A_44 = tpu.memref_slice %arg13[%add3A_41] : memref<51200xf32, #tpu.memory_space<hbm>> -> memref<1600xf32, #tpu.memory_space<hbm>>
        tpu.wait_dma2 semaphore(%run_scoped3A : memref<!tpu.dma_semaphore, #tpu.memory_space<semaphore_mem>>) src(%arg25 : memref<1600xf32, #tpu.memory_space<vmem>>) dst(%dma_wait3A_44 : memref<1600xf32, #tpu.memory_space<hbm>>)
        tpu.yield
      }) : () -> ()
      %barrier3A_42 = arith.constant 0 : index
      tpu.barrier barrier_id(%barrier3A_42)
    } else {
    }
    return
  }
}

module attributes {stable_mosaic.version = 14 : i64} {
  func.func @_tca_body(%arg0: i32, %arg1: memref<1024x128xf32, #tpu.memory_space<vmem>>, %arg2: memref<1x128x128xf32, #tpu.memory_space<vmem>>, %arg3: memref<1024x64xi16, #tpu.memory_space<vmem>>, %arg4: memref<1024x64xi16, #tpu.memory_space<vmem>>) attributes {dimension_semantics = [#tpu.dimension_semantics<arbitrary>], iteration_bounds = array<i64: 50>, scalar_prefetch = 0 : i64, scratch_operands = 0 : i64, tpu.core_type = #tpu.core_type<tc>, window_params = [{transform_indices = @transform_0, window_bounds = array<i64: 1024, 128>}, {transform_indices = @transform_1, window_bounds = array<i64: 1, 128, 128>}, {transform_indices = @transform_2, window_bounds = array<i64: 1024, 64>}, {transform_indices = @transform_3, window_bounds = array<i64: 1024, 64>}]} {
    %get3A = arith.constant 0 : index
    %get3A_0 = arith.constant 0 : index
    %get3A_1 = vector.load %arg1[%get3A, %get3A_0] : memref<1024x128xf32, #tpu.memory_space<vmem>>, vector<1024x128xf32>
    %get3A_2 = arith.constant 0 : index
    %get3A_3 = arith.constant 0 : index
    %get3A_4 = arith.constant 0 : index
    %get3A_5 = vector.load %arg2[%get3A_2, %get3A_3, %get3A_4] : memref<1x128x128xf32, #tpu.memory_space<vmem>>, vector<1x128x128xf32>
    %get3A_6 = vector.shape_cast %get3A_5 : vector<1x128x128xf32> to vector<128x128xf32>
    %dot_general3A = arith.constant dense<0.000000e+00> : vector<1024x128xf32>
    %dot_general3A_7 = tpu.matmul %get3A_1, %get3A_6, %dot_general3A {dimension_numbers = #tpu.dot_dimension_numbers<[1], [0], [0], [1], [0, 0, 1, 1], [], []>, transpose_lhs_hint = false} : vector<1024x128xf32>, vector<128x128xf32>, vector<1024x128xf32> -> vector<1024x128xf32>
    %mul3A = arith.constant 1.280000e+02 : f32
    %mul3A_8 = vector.broadcast %mul3A : f32 to vector<1024x128xf32>
    %mul3A_9 = arith.mulf %dot_general3A_7, %mul3A_8 : vector<1024x128xf32>
    %round3A = math.roundeven %mul3A_9 : vector<1024x128xf32>
    %slice3A = vector.extract_strided_slice %round3A {offsets = [0, 0], sizes = [1024, 64], strides = [1, 1]} : vector<1024x128xf32> to vector<1024x64xf32>
    %convert_element_type3A = arith.fptosi %slice3A : vector<1024x64xf32> to vector<1024x64xi16>
    %swap3A = arith.constant 0 : index
    %swap3A_10 = arith.constant 0 : index
    %swap3A_11 = vector.load %arg3[%swap3A, %swap3A_10] : memref<1024x64xi16, #tpu.memory_space<vmem>>, vector<1024x64xi16>
    tpu.vector_store %arg3[%swap3A, %swap3A_10], %convert_element_type3A {strides = array<i32>} : memref<1024x64xi16, #tpu.memory_space<vmem>>, vector<1024x64xi16>,
    %slice3A_12 = vector.extract_strided_slice %round3A {offsets = [0, 64], sizes = [1024, 64], strides = [1, 1]} : vector<1024x128xf32> to vector<1024x64xf32>
    %convert_element_type3A_13 = arith.fptosi %slice3A_12 : vector<1024x64xf32> to vector<1024x64xi16>
    %swap3A_14 = arith.constant 0 : index
    %swap3A_15 = arith.constant 0 : index
    %swap3A_16 = vector.load %arg4[%swap3A_14, %swap3A_15] : memref<1024x64xi16, #tpu.memory_space<vmem>>, vector<1024x64xi16>
    tpu.vector_store %arg4[%swap3A_14, %swap3A_15], %convert_element_type3A_13 {strides = array<i32>} : memref<1024x64xi16, #tpu.memory_space<vmem>>, vector<1024x64xi16>,
    return
  }
  func.func @transform_0(%arg0: i32) -> (i32, i32) {
    %c0_i32 = arith.constant 0 : i32
    %c0_i32_0 = arith.constant 0 : i32
    return %arg0, %c0_i32 : i32, i32
  }
  func.func @transform_1(%arg0: i32) -> (i32, i32, i32) {
    %mul3A = arith.constant 1024 : i32
    %mul3A_0 = arith.muli %arg0, %mul3A : i32
    %jit3A = arith.constant 25600 : i32
    %div3A = arith.divsi %mul3A_0, %jit3A : i32
    %sign3A = arith.constant 0 : i32
    %sign3A_1 = arith.cmpi sgt, %mul3A_0, %sign3A : i32
    %sign3A_2 = arith.extui %sign3A_1 : i1 to i32
    %sign3A_3 = arith.constant 0 : i32
    %sign3A_4 = arith.cmpi slt, %mul3A_0, %sign3A_3 : i32
    %sign3A_5 = arith.extui %sign3A_4 : i1 to i32
    %sign3A_6 = arith.subi %sign3A_2, %sign3A_5 : i32
    %sign3A_7 = arith.constant 0 : i32
    %sign3A_8 = arith.cmpi sgt, %jit3A, %sign3A_7 : i32
    %sign3A_9 = arith.extui %sign3A_8 : i1 to i32
    %sign3A_10 = arith.constant 0 : i32
    %sign3A_11 = arith.cmpi slt, %jit3A, %sign3A_10 : i32
    %sign3A_12 = arith.extui %sign3A_11 : i1 to i32
    %sign3A_13 = arith.subi %sign3A_9, %sign3A_12 : i32
    %ne3A = arith.cmpi ne, %sign3A_6, %sign3A_13 : i32
    %rem3A = arith.remsi %mul3A_0, %jit3A : i32
    %ne3A_14 = arith.constant 0 : i32
    %ne3A_15 = arith.cmpi ne, %rem3A, %ne3A_14 : i32
    %and3A = arith.andi %ne3A, %ne3A_15 : i1
    %sub3A = arith.constant 1 : i32
    %sub3A_16 = arith.subi %div3A, %sub3A : i32
    %select_n3A = arith.select %and3A, %sub3A_16, %div3A : i32
    %c0_i32 = arith.constant 0 : i32
    %c0_i32_17 = arith.constant 0 : i32
    %c0_i32_18 = arith.constant 0 : i32
    return %select_n3A, %c0_i32, %c0_i32_17 : i32, i32, i32
  }
  func.func @transform_2(%arg0: i32) -> (i32, i32) {
    %c0_i32 = arith.constant 0 : i32
    %c0_i32_0 = arith.constant 0 : i32
    return %arg0, %c0_i32 : i32, i32
  }
  func.func @transform_3(%arg0: i32) -> (i32, i32) {
    %c0_i32 = arith.constant 0 : i32
    %c0_i32_0 = arith.constant 0 : i32
    return %arg0, %c0_i32 : i32, i32
  }
}

module attributes {stable_mosaic.version = 14 : i64} {
  func.func @_tcb_body(%arg0: i32, %arg1: memref<1024x64xi16, #tpu.memory_space<vmem>>, %arg2: memref<1024x64xi16, #tpu.memory_space<vmem>>, %arg3: memref<1024x1xf32, #tpu.memory_space<vmem>>, %arg4: memref<1024x128xf32, #tpu.memory_space<vmem>>, %arg5: memref<1x128x128xf32, #tpu.memory_space<vmem>>, %arg6: memref<1x1x128xf32, #tpu.memory_space<vmem>>, %arg7: memref<1x128x128xf32, #tpu.memory_space<vmem>>, %arg8: memref<1x128x128xf32, #tpu.memory_space<vmem>>, %arg9: memref<1x1x128xf32, #tpu.memory_space<vmem>>, %arg10: memref<1024x64xi16, #tpu.memory_space<vmem>>, %arg11: memref<1024x64xi16, #tpu.memory_space<vmem>>, %arg12: memref<1024x128xf32, #tpu.memory_space<vmem>>) attributes {dimension_semantics = [#tpu.dimension_semantics<arbitrary>], iteration_bounds = array<i64: 50>, scalar_prefetch = 0 : i64, scratch_operands = 0 : i64, tpu.core_type = #tpu.core_type<tc>, window_params = [{transform_indices = @transform_0, window_bounds = array<i64: 1024, 64>}, {transform_indices = @transform_1, window_bounds = array<i64: 1024, 64>}, {transform_indices = @transform_2, window_bounds = array<i64: 1024, 1>}, {transform_indices = @transform_3, window_bounds = array<i64: 1024, 128>}, {transform_indices = @transform_4, window_bounds = array<i64: 1, 128, 128>}, {transform_indices = @transform_5, window_bounds = array<i64: 1, 1, 128>}, {transform_indices = @transform_6, window_bounds = array<i64: 1, 128, 128>}, {transform_indices = @transform_7, window_bounds = array<i64: 1, 128, 128>}, {transform_indices = @transform_8, window_bounds = array<i64: 1, 1, 128>}, {transform_indices = @transform_9, window_bounds = array<i64: 1024, 64>}, {transform_indices = @transform_10, window_bounds = array<i64: 1024, 64>}, {transform_indices = @transform_11, window_bounds = array<i64: 1024, 128>}]} {
    %get3A = arith.constant 0 : index
    %get3A_0 = arith.constant 0 : index
    %get3A_1 = vector.load %arg1[%get3A, %get3A_0] : memref<1024x64xi16, #tpu.memory_space<vmem>>, vector<1024x64xi16>
    %get3A_2 = arith.constant 0 : index
    %get3A_3 = arith.constant 0 : index
    %get3A_4 = vector.load %arg2[%get3A_2, %get3A_3] : memref<1024x64xi16, #tpu.memory_space<vmem>>, vector<1024x64xi16>
    %concatenate3A = tpu.concatenate %get3A_1, %get3A_4 in 1 : vector<1024x64xi16>, vector<1024x64xi16> -> vector<1024x128xi16>
    %convert_element_type3A = arith.sitofp %concatenate3A : vector<1024x128xi16> to vector<1024x128xf32>
    %mul3A = arith.constant 7.812500e-03 : f32
    %mul3A_5 = vector.broadcast %mul3A : f32 to vector<1024x128xf32>
    %mul3A_6 = arith.mulf %convert_element_type3A, %mul3A_5 : vector<1024x128xf32>
    %get3A_7 = arith.constant 0 : index
    %get3A_8 = arith.constant 0 : index
    %get3A_9 = vector.load %arg3[%get3A_7, %get3A_8] : memref<1024x1xf32, #tpu.memory_space<vmem>>, vector<1024x1xf32>
    %max3A = arith.constant 1.000000e+00 : f32
    %max3A_10 = vector.broadcast %max3A : f32 to vector<1024x1xf32>
    %max3A_11 = arith.maximumf %get3A_9, %max3A_10 : vector<1024x1xf32>
    %div3A = vector.broadcast %max3A_11 : vector<1024x1xf32> to vector<1024x128xf32>
    %div3A_12 = arith.divf %mul3A_6, %div3A : vector<1024x128xf32>
    %get3A_13 = arith.constant 0 : index
    %get3A_14 = arith.constant 0 : index
    %get3A_15 = vector.load %arg4[%get3A_13, %get3A_14] : memref<1024x128xf32, #tpu.memory_space<vmem>>, vector<1024x128xf32>
    %get3A_16 = arith.constant 0 : index
    %get3A_17 = arith.constant 0 : index
    %get3A_18 = arith.constant 0 : index
    %get3A_19 = vector.load %arg5[%get3A_16, %get3A_17, %get3A_18] : memref<1x128x128xf32, #tpu.memory_space<vmem>>, vector<1x128x128xf32>
    %get3A_20 = vector.shape_cast %get3A_19 : vector<1x128x128xf32> to vector<128x128xf32>
    %dot_general3A = arith.constant dense<0.000000e+00> : vector<1024x128xf32>
    %dot_general3A_21 = tpu.matmul %get3A_15, %get3A_20, %dot_general3A {dimension_numbers = #tpu.dot_dimension_numbers<[1], [0], [0], [1], [0, 0, 1, 1], [], []>, transpose_lhs_hint = false} : vector<1024x128xf32>, vector<128x128xf32>, vector<1024x128xf32> -> vector<1024x128xf32>
    %add3A = arith.addf %div3A_12, %dot_general3A_21 : vector<1024x128xf32>
    %get3A_22 = arith.constant 0 : index
    %get3A_23 = arith.constant 0 : index
    %get3A_24 = arith.constant 0 : index
    %get3A_25 = vector.load %arg6[%get3A_22, %get3A_23, %get3A_24] : memref<1x1x128xf32, #tpu.memory_space<vmem>>, vector<1x1x128xf32>
    %get3A_26 = vector.shape_cast %get3A_25 : vector<1x1x128xf32> to vector<128xf32>
    %broadcast_in_dim3A = vector.shape_cast %get3A_26 : vector<128xf32> to vector<1x128xf32>
    %add3A_27 = vector.broadcast %broadcast_in_dim3A : vector<1x128xf32> to vector<1024x128xf32>
    %add3A_28 = arith.addf %add3A, %add3A_27 : vector<1024x128xf32>
    %max3A_29 = arith.constant 0.000000e+00 : f32
    %max3A_30 = vector.broadcast %max3A_29 : f32 to vector<1024x128xf32>
    %max3A_31 = arith.maximumf %add3A_28, %max3A_30 : vector<1024x128xf32>
    %get3A_32 = arith.constant 0 : index
    %get3A_33 = arith.constant 0 : index
    %get3A_34 = arith.constant 0 : index
    %get3A_35 = vector.load %arg7[%get3A_32, %get3A_33, %get3A_34] : memref<1x128x128xf32, #tpu.memory_space<vmem>>, vector<1x128x128xf32>
    %get3A_36 = vector.shape_cast %get3A_35 : vector<1x128x128xf32> to vector<128x128xf32>
    %dot_general3A_37 = arith.constant dense<0.000000e+00> : vector<1024x128xf32>
    %dot_general3A_38 = tpu.matmul %max3A_31, %get3A_36, %dot_general3A_37 {dimension_numbers = #tpu.dot_dimension_numbers<[1], [0], [0], [1], [0, 0, 1, 1], [], []>, transpose_lhs_hint = false} : vector<1024x128xf32>, vector<128x128xf32>, vector<1024x128xf32> -> vector<1024x128xf32>
    %mul3A_39 = arith.constant 1.280000e+02 : f32
    %mul3A_40 = vector.broadcast %mul3A_39 : f32 to vector<1024x128xf32>
    %mul3A_41 = arith.mulf %dot_general3A_38, %mul3A_40 : vector<1024x128xf32>
    %round3A = math.roundeven %mul3A_41 : vector<1024x128xf32>
    %slice3A = vector.extract_strided_slice %round3A {offsets = [0, 0], sizes = [1024, 64], strides = [1, 1]} : vector<1024x128xf32> to vector<1024x64xf32>
    %convert_element_type3A_42 = arith.fptosi %slice3A : vector<1024x64xf32> to vector<1024x64xi16>
    %swap3A = arith.constant 0 : index
    %swap3A_43 = arith.constant 0 : index
    %swap3A_44 = vector.load %arg10[%swap3A, %swap3A_43] : memref<1024x64xi16, #tpu.memory_space<vmem>>, vector<1024x64xi16>
    tpu.vector_store %arg10[%swap3A, %swap3A_43], %convert_element_type3A_42 {strides = array<i32>} : memref<1024x64xi16, #tpu.memory_space<vmem>>, vector<1024x64xi16>,
    %slice3A_45 = vector.extract_strided_slice %round3A {offsets = [0, 64], sizes = [1024, 64], strides = [1, 1]} : vector<1024x128xf32> to vector<1024x64xf32>
    %convert_element_type3A_46 = arith.fptosi %slice3A_45 : vector<1024x64xf32> to vector<1024x64xi16>
    %swap3A_47 = arith.constant 0 : index
    %swap3A_48 = arith.constant 0 : index
    %swap3A_49 = vector.load %arg11[%swap3A_47, %swap3A_48] : memref<1024x64xi16, #tpu.memory_space<vmem>>, vector<1024x64xi16>
    tpu.vector_store %arg11[%swap3A_47, %swap3A_48], %convert_element_type3A_46 {strides = array<i32>} : memref<1024x64xi16, #tpu.memory_space<vmem>>, vector<1024x64xi16>,
    %get3A_50 = arith.constant 0 : index
    %get3A_51 = arith.constant 0 : index
    %get3A_52 = arith.constant 0 : index
    %get3A_53 = vector.load %arg8[%get3A_50, %get3A_51, %get3A_52] : memref<1x128x128xf32, #tpu.memory_space<vmem>>, vector<1x128x128xf32>
    %get3A_54 = vector.shape_cast %get3A_53 : vector<1x128x128xf32> to vector<128x128xf32>
    %dot_general3A_55 = arith.constant dense<0.000000e+00> : vector<1024x128xf32>
    %dot_general3A_56 = tpu.matmul %max3A_31, %get3A_54, %dot_general3A_55 {dimension_numbers = #tpu.dot_dimension_numbers<[1], [0], [0], [1], [0, 0, 1, 1], [], []>, transpose_lhs_hint = false} : vector<1024x128xf32>, vector<128x128xf32>, vector<1024x128xf32> -> vector<1024x128xf32>
    %get3A_57 = arith.constant 0 : index
    %get3A_58 = arith.constant 0 : index
    %get3A_59 = arith.constant 0 : index
    %get3A_60 = vector.load %arg9[%get3A_57, %get3A_58, %get3A_59] : memref<1x1x128xf32, #tpu.memory_space<vmem>>, vector<1x1x128xf32>
    %get3A_61 = vector.shape_cast %get3A_60 : vector<1x1x128xf32> to vector<128xf32>
    %broadcast_in_dim3A_62 = vector.shape_cast %get3A_61 : vector<128xf32> to vector<1x128xf32>
    %add3A_63 = vector.broadcast %broadcast_in_dim3A_62 : vector<1x128xf32> to vector<1024x128xf32>
    %add3A_64 = arith.addf %dot_general3A_56, %add3A_63 : vector<1024x128xf32>
    %swap3A_65 = arith.constant 0 : index
    %swap3A_66 = arith.constant 0 : index
    %swap3A_67 = vector.load %arg12[%swap3A_65, %swap3A_66] : memref<1024x128xf32, #tpu.memory_space<vmem>>, vector<1024x128xf32>
    tpu.vector_store %arg12[%swap3A_65, %swap3A_66], %add3A_64 {strides = array<i32>} : memref<1024x128xf32, #tpu.memory_space<vmem>>, vector<1024x128xf32>,
    return
  }
  func.func @transform_0(%arg0: i32) -> (i32, i32) {
    %c0_i32 = arith.constant 0 : i32
    %c0_i32_0 = arith.constant 0 : i32
    return %arg0, %c0_i32 : i32, i32
  }
  func.func @transform_1(%arg0: i32) -> (i32, i32) {
    %c0_i32 = arith.constant 0 : i32
    %c0_i32_0 = arith.constant 0 : i32
    return %arg0, %c0_i32 : i32, i32
  }
  func.func @transform_2(%arg0: i32) -> (i32, i32) {
    %c0_i32 = arith.constant 0 : i32
    %c0_i32_0 = arith.constant 0 : i32
    return %arg0, %c0_i32 : i32, i32
  }
  func.func @transform_3(%arg0: i32) -> (i32, i32) {
    %c0_i32 = arith.constant 0 : i32
    %c0_i32_0 = arith.constant 0 : i32
    return %arg0, %c0_i32 : i32, i32
  }
  func.func @transform_4(%arg0: i32) -> (i32, i32, i32) {
    %mul3A = arith.constant 1024 : i32
    %mul3A_0 = arith.muli %arg0, %mul3A : i32
    %jit3A = arith.constant 25600 : i32
    %div3A = arith.divsi %mul3A_0, %jit3A : i32
    %sign3A = arith.constant 0 : i32
    %sign3A_1 = arith.cmpi sgt, %mul3A_0, %sign3A : i32
    %sign3A_2 = arith.extui %sign3A_1 : i1 to i32
    %sign3A_3 = arith.constant 0 : i32
    %sign3A_4 = arith.cmpi slt, %mul3A_0, %sign3A_3 : i32
    %sign3A_5 = arith.extui %sign3A_4 : i1 to i32
    %sign3A_6 = arith.subi %sign3A_2, %sign3A_5 : i32
    %sign3A_7 = arith.constant 0 : i32
    %sign3A_8 = arith.cmpi sgt, %jit3A, %sign3A_7 : i32
    %sign3A_9 = arith.extui %sign3A_8 : i1 to i32
    %sign3A_10 = arith.constant 0 : i32
    %sign3A_11 = arith.cmpi slt, %jit3A, %sign3A_10 : i32
    %sign3A_12 = arith.extui %sign3A_11 : i1 to i32
    %sign3A_13 = arith.subi %sign3A_9, %sign3A_12 : i32
    %ne3A = arith.cmpi ne, %sign3A_6, %sign3A_13 : i32
    %rem3A = arith.remsi %mul3A_0, %jit3A : i32
    %ne3A_14 = arith.constant 0 : i32
    %ne3A_15 = arith.cmpi ne, %rem3A, %ne3A_14 : i32
    %and3A = arith.andi %ne3A, %ne3A_15 : i1
    %sub3A = arith.constant 1 : i32
    %sub3A_16 = arith.subi %div3A, %sub3A : i32
    %select_n3A = arith.select %and3A, %sub3A_16, %div3A : i32
    %c0_i32 = arith.constant 0 : i32
    %c0_i32_17 = arith.constant 0 : i32
    %c0_i32_18 = arith.constant 0 : i32
    return %select_n3A, %c0_i32, %c0_i32_17 : i32, i32, i32
  }
  func.func @transform_5(%arg0: i32) -> (i32, i32, i32) {
    %mul3A = arith.constant 1024 : i32
    %mul3A_0 = arith.muli %arg0, %mul3A : i32
    %jit3A = arith.constant 25600 : i32
    %div3A = arith.divsi %mul3A_0, %jit3A : i32
    %sign3A = arith.constant 0 : i32
    %sign3A_1 = arith.cmpi sgt, %mul3A_0, %sign3A : i32
    %sign3A_2 = arith.extui %sign3A_1 : i1 to i32
    %sign3A_3 = arith.constant 0 : i32
    %sign3A_4 = arith.cmpi slt, %mul3A_0, %sign3A_3 : i32
    %sign3A_5 = arith.extui %sign3A_4 : i1 to i32
    %sign3A_6 = arith.subi %sign3A_2, %sign3A_5 : i32
    %sign3A_7 = arith.constant 0 : i32
    %sign3A_8 = arith.cmpi sgt, %jit3A, %sign3A_7 : i32
    %sign3A_9 = arith.extui %sign3A_8 : i1 to i32
    %sign3A_10 = arith.constant 0 : i32
    %sign3A_11 = arith.cmpi slt, %jit3A, %sign3A_10 : i32
    %sign3A_12 = arith.extui %sign3A_11 : i1 to i32
    %sign3A_13 = arith.subi %sign3A_9, %sign3A_12 : i32
    %ne3A = arith.cmpi ne, %sign3A_6, %sign3A_13 : i32
    %rem3A = arith.remsi %mul3A_0, %jit3A : i32
    %ne3A_14 = arith.constant 0 : i32
    %ne3A_15 = arith.cmpi ne, %rem3A, %ne3A_14 : i32
    %and3A = arith.andi %ne3A, %ne3A_15 : i1
    %sub3A = arith.constant 1 : i32
    %sub3A_16 = arith.subi %div3A, %sub3A : i32
    %select_n3A = arith.select %and3A, %sub3A_16, %div3A : i32
    %c0_i32 = arith.constant 0 : i32
    %c0_i32_17 = arith.constant 0 : i32
    %c0_i32_18 = arith.constant 0 : i32
    return %select_n3A, %c0_i32, %c0_i32_17 : i32, i32, i32
  }
  func.func @transform_6(%arg0: i32) -> (i32, i32, i32) {
    %mul3A = arith.constant 1024 : i32
    %mul3A_0 = arith.muli %arg0, %mul3A : i32
    %jit3A = arith.constant 25600 : i32
    %div3A = arith.divsi %mul3A_0, %jit3A : i32
    %sign3A = arith.constant 0 : i32
    %sign3A_1 = arith.cmpi sgt, %mul3A_0, %sign3A : i32
    %sign3A_2 = arith.extui %sign3A_1 : i1 to i32
    %sign3A_3 = arith.constant 0 : i32
    %sign3A_4 = arith.cmpi slt, %mul3A_0, %sign3A_3 : i32
    %sign3A_5 = arith.extui %sign3A_4 : i1 to i32
    %sign3A_6 = arith.subi %sign3A_2, %sign3A_5 : i32
    %sign3A_7 = arith.constant 0 : i32
    %sign3A_8 = arith.cmpi sgt, %jit3A, %sign3A_7 : i32
    %sign3A_9 = arith.extui %sign3A_8 : i1 to i32
    %sign3A_10 = arith.constant 0 : i32
    %sign3A_11 = arith.cmpi slt, %jit3A, %sign3A_10 : i32
    %sign3A_12 = arith.extui %sign3A_11 : i1 to i32
    %sign3A_13 = arith.subi %sign3A_9, %sign3A_12 : i32
    %ne3A = arith.cmpi ne, %sign3A_6, %sign3A_13 : i32
    %rem3A = arith.remsi %mul3A_0, %jit3A : i32
    %ne3A_14 = arith.constant 0 : i32
    %ne3A_15 = arith.cmpi ne, %rem3A, %ne3A_14 : i32
    %and3A = arith.andi %ne3A, %ne3A_15 : i1
    %sub3A = arith.constant 1 : i32
    %sub3A_16 = arith.subi %div3A, %sub3A : i32
    %select_n3A = arith.select %and3A, %sub3A_16, %div3A : i32
    %c0_i32 = arith.constant 0 : i32
    %c0_i32_17 = arith.constant 0 : i32
    %c0_i32_18 = arith.constant 0 : i32
    return %select_n3A, %c0_i32, %c0_i32_17 : i32, i32, i32
  }
  func.func @transform_7(%arg0: i32) -> (i32, i32, i32) {
    %mul3A = arith.constant 1024 : i32
    %mul3A_0 = arith.muli %arg0, %mul3A : i32
    %jit3A = arith.constant 25600 : i32
    %div3A = arith.divsi %mul3A_0, %jit3A : i32
    %sign3A = arith.constant 0 : i32
    %sign3A_1 = arith.cmpi sgt, %mul3A_0, %sign3A : i32
    %sign3A_2 = arith.extui %sign3A_1 : i1 to i32
    %sign3A_3 = arith.constant 0 : i32
    %sign3A_4 = arith.cmpi slt, %mul3A_0, %sign3A_3 : i32
    %sign3A_5 = arith.extui %sign3A_4 : i1 to i32
    %sign3A_6 = arith.subi %sign3A_2, %sign3A_5 : i32
    %sign3A_7 = arith.constant 0 : i32
    %sign3A_8 = arith.cmpi sgt, %jit3A, %sign3A_7 : i32
    %sign3A_9 = arith.extui %sign3A_8 : i1 to i32
    %sign3A_10 = arith.constant 0 : i32
    %sign3A_11 = arith.cmpi slt, %jit3A, %sign3A_10 : i32
    %sign3A_12 = arith.extui %sign3A_11 : i1 to i32
    %sign3A_13 = arith.subi %sign3A_9, %sign3A_12 : i32
    %ne3A = arith.cmpi ne, %sign3A_6, %sign3A_13 : i32
    %rem3A = arith.remsi %mul3A_0, %jit3A : i32
    %ne3A_14 = arith.constant 0 : i32
    %ne3A_15 = arith.cmpi ne, %rem3A, %ne3A_14 : i32
    %and3A = arith.andi %ne3A, %ne3A_15 : i1
    %sub3A = arith.constant 1 : i32
    %sub3A_16 = arith.subi %div3A, %sub3A : i32
    %select_n3A = arith.select %and3A, %sub3A_16, %div3A : i32
    %c0_i32 = arith.constant 0 : i32
    %c0_i32_17 = arith.constant 0 : i32
    %c0_i32_18 = arith.constant 0 : i32
    return %select_n3A, %c0_i32, %c0_i32_17 : i32, i32, i32
  }
  func.func @transform_8(%arg0: i32) -> (i32, i32, i32) {
    %mul3A = arith.constant 1024 : i32
    %mul3A_0 = arith.muli %arg0, %mul3A : i32
    %jit3A = arith.constant 25600 : i32
    %div3A = arith.divsi %mul3A_0, %jit3A : i32
    %sign3A = arith.constant 0 : i32
    %sign3A_1 = arith.cmpi sgt, %mul3A_0, %sign3A : i32
    %sign3A_2 = arith.extui %sign3A_1 : i1 to i32
    %sign3A_3 = arith.constant 0 : i32
    %sign3A_4 = arith.cmpi slt, %mul3A_0, %sign3A_3 : i32
    %sign3A_5 = arith.extui %sign3A_4 : i1 to i32
    %sign3A_6 = arith.subi %sign3A_2, %sign3A_5 : i32
    %sign3A_7 = arith.constant 0 : i32
    %sign3A_8 = arith.cmpi sgt, %jit3A, %sign3A_7 : i32
    %sign3A_9 = arith.extui %sign3A_8 : i1 to i32
    %sign3A_10 = arith.constant 0 : i32
    %sign3A_11 = arith.cmpi slt, %jit3A, %sign3A_10 : i32
    %sign3A_12 = arith.extui %sign3A_11 : i1 to i32
    %sign3A_13 = arith.subi %sign3A_9, %sign3A_12 : i32
    %ne3A = arith.cmpi ne, %sign3A_6, %sign3A_13 : i32
    %rem3A = arith.remsi %mul3A_0, %jit3A : i32
    %ne3A_14 = arith.constant 0 : i32
    %ne3A_15 = arith.cmpi ne, %rem3A, %ne3A_14 : i32
    %and3A = arith.andi %ne3A, %ne3A_15 : i1
    %sub3A = arith.constant 1 : i32
    %sub3A_16 = arith.subi %div3A, %sub3A : i32
    %select_n3A = arith.select %and3A, %sub3A_16, %div3A : i32
    %c0_i32 = arith.constant 0 : i32
    %c0_i32_17 = arith.constant 0 : i32
    %c0_i32_18 = arith.constant 0 : i32
    return %select_n3A, %c0_i32, %c0_i32_17 : i32, i32, i32
  }
  func.func @transform_9(%arg0: i32) -> (i32, i32) {
    %c0_i32 = arith.constant 0 : i32
    %c0_i32_0 = arith.constant 0 : i32
    return %arg0, %c0_i32 : i32, i32
  }
  func.func @transform_10(%arg0: i32) -> (i32, i32) {
    %c0_i32 = arith.constant 0 : i32
    %c0_i32_0 = arith.constant 0 : i32
    return %arg0, %c0_i32 : i32, i32
  }
  func.func @transform_11(%arg0: i32) -> (i32, i32) {
    %c0_i32 = arith.constant 0 : i32
    %c0_i32_0 = arith.constant 0 : i32
    return %arg0, %c0_i32 : i32, i32
  }
}

module attributes {stable_mosaic.version = 14 : i64} {
  func.func @_tcc_body(%arg0: i32, %arg1: memref<1024x64xi16, #tpu.memory_space<vmem>>, %arg2: memref<1024x64xi16, #tpu.memory_space<vmem>>, %arg3: memref<1024x1xf32, #tpu.memory_space<vmem>>, %arg4: memref<1024x128xf32, #tpu.memory_space<vmem>>, %arg5: memref<1x128x128xf32, #tpu.memory_space<vmem>>, %arg6: memref<1x1x128xf32, #tpu.memory_space<vmem>>, %arg7: memref<1024x128xf32, #tpu.memory_space<vmem>>) attributes {dimension_semantics = [#tpu.dimension_semantics<arbitrary>], iteration_bounds = array<i64: 50>, scalar_prefetch = 0 : i64, scratch_operands = 0 : i64, tpu.core_type = #tpu.core_type<tc>, window_params = [{transform_indices = @transform_0, window_bounds = array<i64: 1024, 64>}, {transform_indices = @transform_1, window_bounds = array<i64: 1024, 64>}, {transform_indices = @transform_2, window_bounds = array<i64: 1024, 1>}, {transform_indices = @transform_3, window_bounds = array<i64: 1024, 128>}, {transform_indices = @transform_4, window_bounds = array<i64: 1, 128, 128>}, {transform_indices = @transform_5, window_bounds = array<i64: 1, 1, 128>}, {transform_indices = @transform_6, window_bounds = array<i64: 1024, 128>}]} {
    %get3A = arith.constant 0 : index
    %get3A_0 = arith.constant 0 : index
    %get3A_1 = vector.load %arg1[%get3A, %get3A_0] : memref<1024x64xi16, #tpu.memory_space<vmem>>, vector<1024x64xi16>
    %get3A_2 = arith.constant 0 : index
    %get3A_3 = arith.constant 0 : index
    %get3A_4 = vector.load %arg2[%get3A_2, %get3A_3] : memref<1024x64xi16, #tpu.memory_space<vmem>>, vector<1024x64xi16>
    %concatenate3A = tpu.concatenate %get3A_1, %get3A_4 in 1 : vector<1024x64xi16>, vector<1024x64xi16> -> vector<1024x128xi16>
    %convert_element_type3A = arith.sitofp %concatenate3A : vector<1024x128xi16> to vector<1024x128xf32>
    %mul3A = arith.constant 7.812500e-03 : f32
    %mul3A_5 = vector.broadcast %mul3A : f32 to vector<1024x128xf32>
    %mul3A_6 = arith.mulf %convert_element_type3A, %mul3A_5 : vector<1024x128xf32>
    %get3A_7 = arith.constant 0 : index
    %get3A_8 = arith.constant 0 : index
    %get3A_9 = vector.load %arg3[%get3A_7, %get3A_8] : memref<1024x1xf32, #tpu.memory_space<vmem>>, vector<1024x1xf32>
    %max3A = arith.constant 1.000000e+00 : f32
    %max3A_10 = vector.broadcast %max3A : f32 to vector<1024x1xf32>
    %max3A_11 = arith.maximumf %get3A_9, %max3A_10 : vector<1024x1xf32>
    %div3A = vector.broadcast %max3A_11 : vector<1024x1xf32> to vector<1024x128xf32>
    %div3A_12 = arith.divf %mul3A_6, %div3A : vector<1024x128xf32>
    %get3A_13 = arith.constant 0 : index
    %get3A_14 = arith.constant 0 : index
    %get3A_15 = vector.load %arg4[%get3A_13, %get3A_14] : memref<1024x128xf32, #tpu.memory_space<vmem>>, vector<1024x128xf32>
    %add3A = arith.addf %div3A_12, %get3A_15 : vector<1024x128xf32>
    %get3A_16 = arith.constant 0 : index
    %get3A_17 = arith.constant 0 : index
    %get3A_18 = arith.constant 0 : index
    %get3A_19 = vector.load %arg5[%get3A_16, %get3A_17, %get3A_18] : memref<1x128x128xf32, #tpu.memory_space<vmem>>, vector<1x128x128xf32>
    %get3A_20 = vector.shape_cast %get3A_19 : vector<1x128x128xf32> to vector<128x128xf32>
    %dot_general3A = arith.constant dense<0.000000e+00> : vector<1024x128xf32>
    %dot_general3A_21 = tpu.matmul %add3A, %get3A_20, %dot_general3A {dimension_numbers = #tpu.dot_dimension_numbers<[1], [0], [0], [1], [0, 0, 1, 1], [], []>, transpose_lhs_hint = false} : vector<1024x128xf32>, vector<128x128xf32>, vector<1024x128xf32> -> vector<1024x128xf32>
    %get3A_22 = arith.constant 0 : index
    %get3A_23 = arith.constant 0 : index
    %get3A_24 = arith.constant 0 : index
    %get3A_25 = vector.load %arg6[%get3A_22, %get3A_23, %get3A_24] : memref<1x1x128xf32, #tpu.memory_space<vmem>>, vector<1x1x128xf32>
    %get3A_26 = vector.shape_cast %get3A_25 : vector<1x1x128xf32> to vector<128xf32>
    %broadcast_in_dim3A = vector.shape_cast %get3A_26 : vector<128xf32> to vector<1x128xf32>
    %add3A_27 = vector.broadcast %broadcast_in_dim3A : vector<1x128xf32> to vector<1024x128xf32>
    %add3A_28 = arith.addf %dot_general3A_21, %add3A_27 : vector<1024x128xf32>
    %swap3A = arith.constant 0 : index
    %swap3A_29 = arith.constant 0 : index
    %swap3A_30 = vector.load %arg7[%swap3A, %swap3A_29] : memref<1024x128xf32, #tpu.memory_space<vmem>>, vector<1024x128xf32>
    tpu.vector_store %arg7[%swap3A, %swap3A_29], %add3A_28 {strides = array<i32>} : memref<1024x128xf32, #tpu.memory_space<vmem>>, vector<1024x128xf32>,
    return
  }
  func.func @transform_0(%arg0: i32) -> (i32, i32) {
    %c0_i32 = arith.constant 0 : i32
    %c0_i32_0 = arith.constant 0 : i32
    return %arg0, %c0_i32 : i32, i32
  }
  func.func @transform_1(%arg0: i32) -> (i32, i32) {
    %c0_i32 = arith.constant 0 : i32
    %c0_i32_0 = arith.constant 0 : i32
    return %arg0, %c0_i32 : i32, i32
  }
  func.func @transform_2(%arg0: i32) -> (i32, i32) {
    %c0_i32 = arith.constant 0 : i32
    %c0_i32_0 = arith.constant 0 : i32
    return %arg0, %c0_i32 : i32, i32
  }
  func.func @transform_3(%arg0: i32) -> (i32, i32) {
    %c0_i32 = arith.constant 0 : i32
    %c0_i32_0 = arith.constant 0 : i32
    return %arg0, %c0_i32 : i32, i32
  }
  func.func @transform_4(%arg0: i32) -> (i32, i32, i32) {
    %mul3A = arith.constant 1024 : i32
    %mul3A_0 = arith.muli %arg0, %mul3A : i32
    %jit3A = arith.constant 25600 : i32
    %div3A = arith.divsi %mul3A_0, %jit3A : i32
    %sign3A = arith.constant 0 : i32
    %sign3A_1 = arith.cmpi sgt, %mul3A_0, %sign3A : i32
    %sign3A_2 = arith.extui %sign3A_1 : i1 to i32
    %sign3A_3 = arith.constant 0 : i32
    %sign3A_4 = arith.cmpi slt, %mul3A_0, %sign3A_3 : i32
    %sign3A_5 = arith.extui %sign3A_4 : i1 to i32
    %sign3A_6 = arith.subi %sign3A_2, %sign3A_5 : i32
    %sign3A_7 = arith.constant 0 : i32
    %sign3A_8 = arith.cmpi sgt, %jit3A, %sign3A_7 : i32
    %sign3A_9 = arith.extui %sign3A_8 : i1 to i32
    %sign3A_10 = arith.constant 0 : i32
    %sign3A_11 = arith.cmpi slt, %jit3A, %sign3A_10 : i32
    %sign3A_12 = arith.extui %sign3A_11 : i1 to i32
    %sign3A_13 = arith.subi %sign3A_9, %sign3A_12 : i32
    %ne3A = arith.cmpi ne, %sign3A_6, %sign3A_13 : i32
    %rem3A = arith.remsi %mul3A_0, %jit3A : i32
    %ne3A_14 = arith.constant 0 : i32
    %ne3A_15 = arith.cmpi ne, %rem3A, %ne3A_14 : i32
    %and3A = arith.andi %ne3A, %ne3A_15 : i1
    %sub3A = arith.constant 1 : i32
    %sub3A_16 = arith.subi %div3A, %sub3A : i32
    %select_n3A = arith.select %and3A, %sub3A_16, %div3A : i32
    %c0_i32 = arith.constant 0 : i32
    %c0_i32_17 = arith.constant 0 : i32
    %c0_i32_18 = arith.constant 0 : i32
    return %select_n3A, %c0_i32, %c0_i32_17 : i32, i32, i32
  }
  func.func @transform_5(%arg0: i32) -> (i32, i32, i32) {
    %mul3A = arith.constant 1024 : i32
    %mul3A_0 = arith.muli %arg0, %mul3A : i32
    %jit3A = arith.constant 25600 : i32
    %div3A = arith.divsi %mul3A_0, %jit3A : i32
    %sign3A = arith.constant 0 : i32
    %sign3A_1 = arith.cmpi sgt, %mul3A_0, %sign3A : i32
    %sign3A_2 = arith.extui %sign3A_1 : i1 to i32
    %sign3A_3 = arith.constant 0 : i32
    %sign3A_4 = arith.cmpi slt, %mul3A_0, %sign3A_3 : i32
    %sign3A_5 = arith.extui %sign3A_4 : i1 to i32
    %sign3A_6 = arith.subi %sign3A_2, %sign3A_5 : i32
    %sign3A_7 = arith.constant 0 : i32
    %sign3A_8 = arith.cmpi sgt, %jit3A, %sign3A_7 : i32
    %sign3A_9 = arith.extui %sign3A_8 : i1 to i32
    %sign3A_10 = arith.constant 0 : i32
    %sign3A_11 = arith.cmpi slt, %jit3A, %sign3A_10 : i32
    %sign3A_12 = arith.extui %sign3A_11 : i1 to i32
    %sign3A_13 = arith.subi %sign3A_9, %sign3A_12 : i32
    %ne3A = arith.cmpi ne, %sign3A_6, %sign3A_13 : i32
    %rem3A = arith.remsi %mul3A_0, %jit3A : i32
    %ne3A_14 = arith.constant 0 : i32
    %ne3A_15 = arith.cmpi ne, %rem3A, %ne3A_14 : i32
    %and3A = arith.andi %ne3A, %ne3A_15 : i1
    %sub3A = arith.constant 1 : i32
    %sub3A_16 = arith.subi %div3A, %sub3A : i32
    %select_n3A = arith.select %and3A, %sub3A_16, %div3A : i32
    %c0_i32 = arith.constant 0 : i32
    %c0_i32_17 = arith.constant 0 : i32
    %c0_i32_18 = arith.constant 0 : i32
    return %select_n3A, %c0_i32, %c0_i32_17 : i32, i32, i32
  }
  func.func @transform_6(%arg0: i32) -> (i32, i32) {
    %c0_i32 = arith.constant 0 : i32
    %c0_i32_0 = arith.constant 0 : i32
    return %arg0, %c0_i32 : i32, i32
  }
}

module attributes {stable_mosaic.version = 14 : i64} {
  func.func @_tcd_body(%arg0: i32, %arg1: memref<1024x128xf32, #tpu.memory_space<vmem>>, %arg2: memref<1x128xf32, #tpu.memory_space<vmem>>, %arg3: memref<1x1xf32, #tpu.memory_space<vmem>>, %arg4: memref<1024x1xf32, #tpu.memory_space<vmem>>) attributes {dimension_semantics = [#tpu.dimension_semantics<arbitrary>], iteration_bounds = array<i64: 100>, scalar_prefetch = 0 : i64, scratch_operands = 0 : i64, tpu.core_type = #tpu.core_type<tc>, window_params = [{transform_indices = @transform_0, window_bounds = array<i64: 1024, 128>}, {pipeline_mode = #tpu.pipeline_mode<synchronous>, transform_indices = @transform_1, window_bounds = array<i64: 1, 128>}, {pipeline_mode = #tpu.pipeline_mode<synchronous>, transform_indices = @transform_2, window_bounds = array<i64: 1, 1>}, {transform_indices = @transform_3, window_bounds = array<i64: 1024, 1>}]} {
    %get3A = arith.constant 0 : index
    %get3A_0 = arith.constant 0 : index
    %get3A_1 = vector.load %arg1[%get3A, %get3A_0] : memref<1024x128xf32, #tpu.memory_space<vmem>>, vector<1024x128xf32>
    %max3A = arith.constant 0.000000e+00 : f32
    %max3A_2 = vector.broadcast %max3A : f32 to vector<1024x128xf32>
    %max3A_3 = arith.maximumf %get3A_1, %max3A_2 : vector<1024x128xf32>
    %get3A_4 = arith.constant 0 : index
    %get3A_5 = arith.constant 0 : index
    %get3A_6 = vector.load %arg2[%get3A_4, %get3A_5] : memref<1x128xf32, #tpu.memory_space<vmem>>, vector<1x128xf32>
    %get3A_7 = vector.shape_cast %get3A_6 : vector<1x128xf32> to vector<128xf32>
    %broadcast_in_dim3A = vector.shape_cast %get3A_7 : vector<128xf32> to vector<1x128xf32>
    %mul3A = vector.broadcast %broadcast_in_dim3A : vector<1x128xf32> to vector<1024x128xf32>
    %mul3A_8 = arith.mulf %max3A_3, %mul3A : vector<1024x128xf32>
    %reduce_sum3A = arith.constant dense<0.000000e+00> : vector<1024xf32>
    %reduce_sum3A_9 = vector.multi_reduction <add>, %mul3A_8, %reduce_sum3A [1] : vector<1024x128xf32> to vector<1024xf32>
    %broadcast_in_dim3A_10 = vector.shape_cast %reduce_sum3A_9 : vector<1024xf32> to vector<1024x1xf32>
    %get3A_11 = arith.constant 0 : index
    %get3A_12 = arith.constant 0 : index
    %get3A_13 = vector.load %arg3[%get3A_11, %get3A_12] : memref<1x1xf32, #tpu.memory_space<vmem>>, vector<1x1xf32>
    %get3A_14 = vector.extract %get3A_13[0, 0] : f32 from vector<1x1xf32>
    %add3A = vector.broadcast %get3A_14 : f32 to vector<1024x1xf32>
    %add3A_15 = arith.addf %broadcast_in_dim3A_10, %add3A : vector<1024x1xf32>
    %swap3A = arith.constant 0 : index
    %swap3A_16 = arith.constant 0 : index
    %swap3A_17 = vector.load %arg4[%swap3A, %swap3A_16] : memref<1024x1xf32, #tpu.memory_space<vmem>>, vector<1024x1xf32>
    tpu.vector_store %arg4[%swap3A, %swap3A_16], %add3A_15 {strides = array<i32>} : memref<1024x1xf32, #tpu.memory_space<vmem>>, vector<1024x1xf32>,
    return
  }
  func.func @transform_0(%arg0: i32) -> (i32, i32) {
    %c0_i32 = arith.constant 0 : i32
    %c0_i32_0 = arith.constant 0 : i32
    return %arg0, %c0_i32 : i32, i32
  }
  func.func @transform_1(%arg0: i32) -> (i32, i32) {
    %c0_i32 = arith.constant 0 : i32
    %c0_i32_0 = arith.constant 0 : i32
    %c0_i32_1 = arith.constant 0 : i32
    return %c0_i32, %c0_i32_0 : i32, i32
  }
  func.func @transform_2(%arg0: i32) -> (i32, i32) {
    %c0_i32 = arith.constant 0 : i32
    %c0_i32_0 = arith.constant 0 : i32
    %c0_i32_1 = arith.constant 0 : i32
    return %c0_i32, %c0_i32_0 : i32, i32
  }
  func.func @transform_3(%arg0: i32) -> (i32, i32) {
    %c0_i32 = arith.constant 0 : i32
    %c0_i32_0 = arith.constant 0 : i32
    return %arg0, %c0_i32 : i32, i32
  }
}

</mosaic_0001>

<sc_bundles>
// kernel: kernel.12.cloned.1.call-start
scs
__scs_entry_jumppad:
0x0: {  	(pc) =	sbr.rel $0x88, $3  }
0x1: {  	(tag) =	ssettag $0x0;
	lr =	simm.s32 $0x1  }
0x2: {  	[smem:$0x3F8C] =	sst lr;
	_ =	strace $0xD0000000  }
0x3: {  	_ = 	snop  }
0x4: {  	_ = 	snop  }
0x5: {  	_ = 	snop  }
0x6: {  	_ = 	snop  }
0x7: {  	_ = 	snop  }
__scs_overlays_trampoline_lowered:
0x8: {  	[smem:$0x3F9B] =	sst s0  }
0x9: {  	[smem:$0x3F9C] =	sst s1  }
0xa: {  	[smem:$0x3F9D] =	sst s2  }
0xb: {  	[smem:$0x3F9E] =	sst s3  }
0xc: {  	[smem:$0x3F9F] =	sst s4  }
0xd: {  	[smem:$0x3FA0] =	sst s5  }
0xe: {  	[smem:$0x3FA1] =	sst s6  }
0xf: {  	[smem:$0x3FA2] =	sst s7  }
0x10: {  	[smem:$0x3FA3] =	sst s8  }
0x11: {  	[smem:$0x3FA4] =	sst s9;
	s0 =	simm.s32 @!p0 $0x0  }
0x12: {  	s1 =	sld [smem:$0x3F8A];
	s0 =	simm.s32 @p0 $0x1  }
0x13: {  	[smem:$0x3FA5] =	sst s0;
	s0 =	simm.s32 @!p1 $0x0  }
0x14: {  	s2 =	sld [smem:$0x3F89];
	s0 =	simm.s32 @p1 $0x1  }
0x15: {  	[smem:$0x3FA6] =	sst s0;
	s0 =	simm.s32 @!p2 $0x0  }
0x16: {  	s3 =	sld [smem:$0x3FDB];
	s0 =	simm.s32 @p2 $0x1  }
0x17: {  	s4 =	simm.s32 $0x1BF5;
	[smem:$0x3FA8] =	sst s0  }
0x18: {  	s0 =	sld [smem:$0x3F8B];
	_ =	swait.ge [sflag:s4], $0x0  }
0x19: {  	s7 =	sld [smem:$0x3F8C]  }
0x1a: {  	s8 =	sadd.s32 $0xFFFFE003, lr  }
0x1b: {  	s9 =	sadd.s32 $0xFFFFFEF7, lr;
	s5 =	simm.s32 $0xFFFFFFFF;
	p2 =	slt.u32 s8, $0xFFFFF086  }
0x1c: {  	p1 =	slt.u32 s9, $0xF7A;
	s5 =	simm.s32 @!p2 $0x0  }
0x1d: {  	s5 =	simm.s32 @p1 $0x1;
	p0 =	seq.s32 s7, s2  }
0x1e: {  	s7 =	smul.u32 @!p0 $0xF7A, s2;
	p2 =	seq.s32 @!p0 s5, $0x0  }
0x1f: {  	s9 =	smul.u32 $0xF7A, s1;
	s8 =	simm.s32 @!p0 $0x1BF5;
	p2 =	por !p2, p0  }
0x20: {  	[sflag:s8] =	ssyncset.s32 @!p0 $0xFFFFF086;
	s6 =	sadd.s32 @!p0 s3, s7;
	s7 =	simm.s32 @!p0 $0x108  }
0x21: {  	s3 =	sadd.s32 s3, s9;
	s6 =	sadd.s32 @!p0 $0x88, s6;
	s7 =	simm.s32 @p2 $0x1082  }
0x22: {  	[simem:s7], [sflag:s8] =	dma.local @!p0 [hbm:s6], $0xF7A  }
0x23: {  	s9 =	sor.u32 $0xD0000000, s2;
	s6 =	simm.s32 $0x108;
	_ =	swait.ge @!p0 [sflag:s8], $0x0  }
0x24: {  	s3 =	sadd.s32 $0x88, s3;
	s6 =	simm.s32 @!p1 $0x1082;
	[sflag:s4] =	ssyncset.s32 $0xFFFFF086  }
0x25: {  	[simem:s6], [sflag:s4] =	dma.local [hbm:s3], $0xF7A  }
0x26: {  	[smem:$0x3F8C] =	sst s1;
	(tag) =	ssettag s2;
	_ =	strace s9  }
0x27: {  	s1 =	sld [smem:$0x3F9C]  }
0x28: {  	s2 =	sld [smem:$0x3F9D]  }
0x29: {  	s4 =	sld [smem:$0x3F9F]  }
0x2a: {  	p0 =	seq.s32 s5, $0x0;
	s5 =	sld [smem:$0x3FA0]  }
0x2b: {  	s6 =	sld [smem:$0x3FA1]  }
0x2c: {  	s7 =	sld [smem:$0x3FA2]  }
0x2d: {  	s3 =	simm.s32 $0x108;
	s8 =	sld [smem:$0x3FA3]  }
0x2e: {  	s3 =	simm.s32 @!p0 $0x1082;
	s9 =	sld [smem:$0x3FA4]  }
0x2f: {  	lr =	sadd.s32 s0, s3;
	s0 =	sld [smem:$0x3F9B]  }
0x30: {  	s3 =	sld [smem:$0x3F9E]  }
0x31: {  	[smem:$0x3FA7] =	sst s10  }
0x32: {  	s10 =	sld [smem:$0x3FA5];
	_ =	sdelay $0x3  }
0x33: {  	p0 =	seq.s32 s10, $0x1;
	s10 =	sld [smem:$0x3FA7];
	_ =	sdelay $0x3  }
0x34: {  	[smem:$0x3FA7] =	sst s10  }
0x35: {  	s10 =	sld [smem:$0x3FA6];
	_ =	sdelay $0x3  }
0x36: {  	p1 =	seq.s32 s10, $0x1;
	s10 =	sld [smem:$0x3FA7];
	_ =	sdelay $0x3  }
0x37: {  	[smem:$0x3FA7] =	sst s10  }
0x38: {  	s10 =	sld [smem:$0x3FA8]  }
0x39: {  	_ = 	snop;
	(pc) =	sbr.ind lr, $3  }
0x3a: {  	_ = 	snop  }
0x3b: {  	_ = 	snop  }
0x3c: {  	p2 =	seq.s32 s10, $0x1;
	s10 =	sld [smem:$0x3FA7]  }
0x3d: {  	_ =	shalt  }
0x3e: {  	_ =	shalt  }
0x3f: {  	_ =	shalt  }
0x40: {  	_ =	shalt  }
0x41: {  	_ =	shalt  }
0x42: {  	_ =	shalt  }
0x43: {  	_ =	shalt  }
0x44: {  	_ =	shalt  }
0x45: {  	_ =	shalt  }
0x46: {  	_ =	shalt  }
0x47: {  	_ =	shalt  }
0x48: {  	_ =	shalt  }
0x49: {  	_ =	shalt  }
0x4a: {  	_ =	shalt  }
0x4b: {  	_ =	shalt  }
0x4c: {  	_ =	shalt  }
0x4d: {  	_ =	shalt  }
0x4e: {  	_ =	shalt  }
0x4f: {  	_ =	shalt  }
0x50: {  	_ =	shalt  }
0x51: {  	_ =	shalt  }
0x52: {  	_ =	shalt  }
0x53: {  	_ =	shalt  }
0x54: {  	_ =	shalt  }
0x55: {  	_ =	shalt  }
0x56: {  	_ =	shalt  }
0x57: {  	_ =	shalt  }
0x58: {  	_ =	shalt  }
0x59: {  	_ =	shalt  }
0x5a: {  	_ =	shalt  }
0x5b: {  	_ =	shalt  }
0x5c: {  	_ =	shalt  }
0x5d: {  	_ =	shalt  }
0x5e: {  	_ =	shalt  }
0x5f: {  	_ =	shalt  }
0x60: {  	_ =	shalt  }
0x61: {  	_ =	shalt  }
0x62: {  	_ =	shalt  }
0x63: {  	_ =	shalt  }
0x64: {  	_ =	shalt  }
0x65: {  	_ =	shalt  }
0x66: {  	_ =	shalt  }
0x67: {  	_ =	shalt  }
0x68: {  	_ =	shalt  }
0x69: {  	_ =	shalt  }
0x6a: {  	_ =	shalt  }
0x6b: {  	_ =	shalt  }
0x6c: {  	_ =	shalt  }
0x6d: {  	_ =	shalt  }
0x6e: {  	_ =	shalt  }
0x6f: {  	_ =	shalt  }
0x70: {  	_ =	shalt  }
0x71: {  	_ =	shalt  }
0x72: {  	_ =	shalt  }
0x73: {  	_ =	shalt  }
0x74: {  	_ =	shalt  }
0x75: {  	_ =	shalt  }
0x76: {  	_ =	shalt  }
0x77: {  	_ =	shalt  }
0x78: {  	_ =	shalt  }
0x79: {  	_ =	shalt  }
0x7a: {  	_ =	shalt  }
0x7b: {  	_ =	shalt  }
0x7c: {  	_ =	shalt  }
0x7d: {  	_ =	shalt  }
0x7e: {  	_ =	shalt  }
0x7f: {  	_ =	shalt  }
0x80: {  	_ =	shalt  }
0x81: {  	_ =	shalt  }
0x82: {  	_ =	shalt  }
0x83: {  	_ =	shalt  }
0x84: {  	_ =	shalt  }
0x85: {  	_ =	shalt  }
0x86: {  	_ =	shalt  }
0x87: {  	_ =	shalt  }
.Lfunc_end0:
.L_simem_size_0:
called_computation.1_lowered:
.L_overlay_start_0:
0x88: {  	s2 =	sld [smem:$0x3FD9]  }
0x89: {  	s3 =	sld [smem:$0x3FFE];
	_ =	sdelay $0x1  }
0x8a: {  	s1 =	srdreg.scid  }
0x8b: {  	s0 =	sand.u32 $0x1, s1  }
0x8c: {  	s17 =	sshll.u32 s0, $0xA;
	s2 =	sadd.s32 s3, s2  }
0x8d: {  	s2 =	sadd.s32 s2, s17  }
0x8e: {  	[smem:$0x3FB3] =	sst s2  }
0x8f: {  	_ = 	snop  }
0x90: {  	s2 =	sld [smem:$0x3FD0];
	(tm) =	ssettm $0x1  }
0x91: {  	s18 =	sld [smem:$0x3FFB];
	_ =	sdelay $0x3  }
0x92: {  	_ =	strace s18  }
0x93: {  	s3 =	sld [smem:$0x3FFC];
	_ =	sdelay $0x3  }
0x94: {  	_ =	strace s3  }
0x95: {  	s3 =	sld [smem:$0x3FFD];
	_ =	sdelay $0x3  }
0x96: {  	_ =	strace s3  }
0x97: {  	_ =	strace $0x8FFFFFFF  }
0x98: {  	s19 =	sld [smem:$0x3FDB];
	_ =	sdelay $0x1  }
0x99: {  	s4 =	simm.s32 $_scs_section_size  }
0x9a: {  	s5 =	simm.s32 $_size__tile_overlayer_lowered;
	s6 =	simm.s32 $_tile_overlayer_lowered  }
0x9b: {  	s22 =	simm.s32 $0x1BFF;
	s21 =	sshll.u32 s6, $0x1;
	s3 =	sadd.s32 s4, s19  }
0x9c: {  	s7 =	simm.s32 $0x0;
	s20 =	sshll.u32 s5, $0x1;
	s5 =	sadd.s32 s21, s3  }
0x9d: {  	[timem:s7], [sflag:s22] =	dma.local [hbm:s5], s20  }
0x9e: {  	_ =	swait.ge [sflag:s22], s20  }
0x9f: {  	s4 =	ssub.s32 $0x0, s20;
	[sflag:s22] =	ssyncset.done $0x0  }
0xa0: {  	[sflag:s22] =	ssyncadd.s32 s4;
	_ =	sdelay $0x1  }
0xa1: {  	s23 =	simm.s32 $0x1B8B  }
0xa2: {  	_ =	swait.ge [sflag:s23], $0x1  }
0xa3: {  	[sflag:s23] =	ssyncset.done $0x0  }
0xa4: {  	s25 =	simm.s32 $0x1B8E;
	s24 =	sld [smem:$0x3FFE];
	[sflag:s23] =	ssyncadd.s32 $0xFFFFFFFF  }
0xa5: {  	s26 =	simm.s32 $execute0_lowered;
	[smem:$0x3FD2] =	sst s25  }
0xa6: {  	s5 =	sshll.u32 s26, $0x1;
	_ =	strace $0x80000049;
	[dreg:$0x1] =	wrdreg $0xFFFFFFFF  }
0xa7: {  	s28 =	simm.s32 $_size_execute0_lowered;
	s3 =	sadd.s32 s3, s5;
	[dreg:$0x0] =	wrdreg $0x0  }
0xa8: {  	s5 =	sshll.u32 s28, $0x1;
	[dreg:$0x2] =	wrdreg s3  }
0xa9: {  	[dreg:$0x3] =	wrdreg s5  }
0xaa: {  	[dreg:$0x4] =	wrdreg $0xC0  }
0xab: {  	_ =	task [dreg:s7], $0x5FFFF  }
0xac: {  	[dreg:$0x1] =	wrdreg $0xFFFFFFFF  }
0xad: {  	[dreg:$0x0] =	wrdreg $0x60  }
0xae: {  	[dreg:$0x2] =	wrdreg s24  }
0xaf: {  	[dreg:$0x3] =	wrdreg s2  }
0xb0: {  	[dreg:$0x4] =	wrdreg $0x0  }
0xb1: {  	[dreg:$0x5] =	wrdreg $0x9  }
0xb2: {  	_ =	task.clear_ibuf [dreg:s7], $0x6FFFF;
	_ =	strace $0x90000049  }
0xb3: {  	s29 =	simm.s32 $0x9;
	_ =	strace $0x8000004B  }
0xb4: {  	_ =	swait.ge [sflag:s29], $0x1  }
0xb5: {  	[sflag:s29] =	ssyncadd.s32 $0xFFFFFFFF  }
0xb6: {  	_ =	strace $0x9000004B  }
0xb7: {  	_ =	sfence  }
0xb8: {  	s30 =	sld [smem:$0x0];
	_ =	sdelay $0x2  }
0xb9: {  	s31 =	sshll.u32 s1, $0xD;
	s1 =	sshrl.u32 s1, $0x2  }
0xba: {  	s3 =	sand.u32 $0x4000, s31;
	s1 =	sadd.s32 s1, s30  }
0xbb: {  	s0 =	sor.u32 s3, s0;
	s1 =	sshll.u32 s1, $0x11  }
0xbc: {  	s0 =	sor.u32 s1, s0  }
0xbd: {  	s0 =	sadd.s32 $0x8F2B, s0  }
0xbe: {  	[sflag:s0] =	ssyncadd.remote.s32 $0x1  }
0xbf: {  	_ =	sfence.sel $0xFFFF  }
0xc0: {  	[dreg:$0x0] =	wrdreg $0xFFFFFFFF;
	(pc) =	sbr.abs _section_cstart, $3  }
0xc1: {  	[dreg:$0x1] =	wrdreg $0xFFFFFFFF  }
0xc2: {  	_ =	task.clear_ibuf [dreg:s7], $0x2FFFF;
	_ =	strace $0x9FFFFFFF  }
0xc3: {  	(tm) =	ssettm $0x7FFFFFFF  }
tec
execute0_lowered:
.L_overlay_start_1:
0x0: {  	(tag) =	ssettag $0x1  }
0x1: {  	s0 =	rddreg [dreg:$0x0]  }
0x2: {  	s3 =	rddreg [dreg:$0x2];
	s4 =	simm.s32 $0x0  }
0x3: {  	s9 =	stileid.u32;
	s2 =	srdreg.scid;
	s25 =	simm.s32 $0x13000  }
0x4: {  	s26 =	simm.s32 $0x1;
	s28 =	simm.s32 $0x2;
	s30 =	simm.s32 $0x3  }
0x5: {  	[smem:$0x7FF] =	sst s4;
	s1 =	smul.u32 $0xC80, s9;
	s5 =	sadd.s32 $0x2C1400, s0  }
0x6: {  	s6 =	sadd.s32 $0x28F400, s0;
	s2 =	sand.u32 $0x1, s2;
	s8 =	smul.u32 $0x19000, s9  }
0x7: {  	s10 =	sadd.s32 $0x193A00, s0;
	s11 =	sadd.s32 $0x161A00, s0;
	s21 =	sshll.u32 s9, $0x6  }
0x8: {  	_ =	strace $0x8000004A;
	s7 =	ssub.s32 $0x2, s2;
	[dreg:$0x7] =	wrdreg s10  }
0x9: {  	p0 =	seq.s32 s2, $0x1;
	[dreg:$0x8] =	wrdreg s11;
	s1 =	sadd.s32 s1, s0  }
0xa: {  	s18 =	sshrl.u32 s7, $0x1;
	s19 =	sshrl.u32 s8, $0x4;
	s20 =	sshrl.u32 s8, $0x1  }
0xb: {  	s0 =	ssub.s32 s7, s18;
	[dreg:$0x9] =	wrdreg s19;
	s23 =	sadd.s32 $0x148600, s1  }
0xc: {  	s7 =	sadd.s32 $0x19000, s19;
	s12 =	sadd.s32 $0x154E00, s1;
	[dreg:$0x4] =	wrdreg s23  }
0xd: {  	s2 =	sadd.s32 s20, s3;
	s24 =	sadd.s32 $0x13BE00, s1;
	[dreg:$0x5] =	wrdreg s12  }
0xe: {  	s31 =	sadd.s32 $0x12F600, s1;
	s19 =	simm.s32 $0x5;
	[dreg:$0xe] =	wrdreg s24  }
0xf: {  	s20 =	simm.s32 $0xC800;
	s22 =	sadd.s32 s10, s7;
	[dreg:$0x6] =	wrdreg s31  }
.Ltmp0:
0x10: {  	s7 =	sadd.s32 s11, s7;
	[dreg:$0xa] =	wrdreg s22;
	(pc) =	sbr.rel .LBB2_1-.Ltmp0, $4  }
0x11: {  	s1 =	simm.s32 $0x0;
	s0 =	smax.u32 s0, $0x1;
	[dreg:$0xc] =	wrdreg s7  }
0x12: {  	s10 =	sor.u32 $0x1C05, s21;
	s29 =	sshrl.u32 s2, $0x3;
	[dreg:$0xd] =	wrdreg s0  }
0x13: {  	s21 =	simm.s32 $0xDC00;
	s23 =	simm.s32 $0xF000;
	[dreg:$0xb] =	wrdreg s10  }
0x14: {  	s22 =	simm.s32 $0x200;
	s0 =	simm.s32 $0x4;
	[dreg:$0xf] =	wrdreg s29  }
.LBB2_11:
0x15: {  	s2 =	sadd.s32 s29, s31;
	[sflag:s0] =	ssyncadd.s32 $0xFFFFC000  }
0x16: {  	[tilespmem:s20], [sflag:$0x5] =	stream.linear.gather [hbm4b:s2+s4], $0x1400, $0x38;
	[tilespmem:$0x17000] =	vst v63  }
0x17: {  	_ =	swait.ge [sflag:s19], $0x1400  }
0x18: {  	[sflag:s19] =	ssyncset.done $0x0  }
0x19: {  	s7 =	sadd.s32 s29, s7;
	[sflag:s19] =	ssyncadd.s32 $0xFFFFEC00  }
0x1a: {  	[tilespmem:s21], [sflag:$0x5] =	stream.linear.gather [hbm4b:s7+s4], $0x1400, $0x38;
	[tilespmem:$0x17000] =	vst v63  }
0x1b: {  	_ =	swait.ge [sflag:s19], $0x1400  }
0x1c: {  	[sflag:s19] =	ssyncset.done $0x0  }
0x1d: {  	[sflag:s19] =	ssyncadd.s32 $0xFFFFEC00  }
0x1e: {  	[tilespmem:s23], [sflag:$0x1] =	stream.indirect.gather [hbm4b:s6+s22], $0x20, s20, s22, $0xb8;
	[tilespmem:$0x17000] =	vst v63  }
0x1f: {  	_ = 	snop  }
0x20: {  	[tilespmem:s25], [sflag:$0x2] =	stream.indirect.gather [hbm4b:s6+s22], $0x20, s10, s22, $0xb8;
	[tilespmem:$0x17000] =	vst v63  }
0x21: {  	_ =	swait.ge [sflag:s26], $0x4000  }
0x22: {  	[sflag:s26] =	ssyncset.done $0x0  }
0x23: {  	[sflag:s26] =	ssyncadd.s32 $0xFFFFC000  }
0x24: {  	[spmem:s3] =	stream.indirect.scatter.add.s16 [tilespmem:s23], [sflag:$0x3], $0x20, s21, s22, $0xb8;
	[tilespmem:$0x17000] =	vst v63  }
0x25: {  	_ =	swait.ge [sflag:s28], $0x4000  }
0x26: {  	[sflag:s28] =	ssyncset.done $0x0  }
0x27: {  	[sflag:s28] =	ssyncadd.s32 $0xFFFFC000  }
0x28: {  	[spmem:s3] =	stream.indirect.scatter.add.s16 [tilespmem:s25], [sflag:$0x4], $0x20, s12, s22, $0xb8;
	[tilespmem:$0x17000] =	vst v63  }
0x29: {  	_ =	swait.ge [sflag:s30], $0x4000  }
0x2a: {  	[sflag:s30] =	ssyncset.done $0x0  }
0x2b: {  	[sflag:s30] =	ssyncadd.s32 $0xFFFFC000  }
0x2c: {  	[tilespmem:s23], [sflag:$0x1] =	stream.indirect.gather [hbm4b:s6+s22], $0x20, s16, s22, $0xb8;
	[tilespmem:$0x17000] =	vst v63  }
0x2d: {  	_ =	swait.ge [sflag:s0], $0x4000  }
0x2e: {  	[sflag:s0] =	ssyncset.done $0x0  }
0x2f: {  	[sflag:s0] =	ssyncadd.s32 $0xFFFFC000  }
0x30: {  	[tilespmem:s25], [sflag:$0x2] =	stream.indirect.gather [hbm4b:s6+s22], $0x20, s11, s22, $0xb8;
	[tilespmem:$0x17000] =	vst v63  }
0x31: {  	_ =	swait.ge [sflag:s26], $0x4000  }
0x32: {  	[sflag:s26] =	ssyncset.done $0x0  }
0x33: {  	[sflag:s26] =	ssyncadd.s32 $0xFFFFC000  }
0x34: {  	[spmem:s3] =	stream.indirect.scatter.add.s16 [tilespmem:s23], [sflag:$0x3], $0x20, s13, s22, $0xb8;
	[tilespmem:$0x17000] =	vst v63  }
0x35: {  	_ =	swait.ge [sflag:s28], $0x4000  }
0x36: {  	[sflag:s28] =	ssyncset.done $0x0  }
0x37: {  	[sflag:s28] =	ssyncadd.s32 $0xFFFFC000  }
0x38: {  	[spmem:s3] =	stream.indirect.scatter.add.s16 [tilespmem:s25], [sflag:$0x4], $0x20, s24, s22, $0xb8;
	[tilespmem:$0x17000] =	vst v63  }
0x39: {  	_ =	swait.ge [sflag:s30], $0x4000  }
0x3a: {  	[sflag:s30] =	ssyncset.done $0x0  }
0x3b: {  	[sflag:s30] =	ssyncadd.s32 $0xFFFFC000  }
0x3c: {  	[tilespmem:s23], [sflag:$0x1] =	stream.indirect.gather [hbm4b:s6+s22], $0x20, s14, s22, $0xb8;
	[tilespmem:$0x17000] =	vst v63  }
0x3d: {  	_ =	swait.ge [sflag:s0], $0x4000  }
0x3e: {  	[sflag:s0] =	ssyncset.done $0x0  }
0x3f: {  	[sflag:s0] =	ssyncadd.s32 $0xFFFFC000  }
0x40: {  	[tilespmem:s25], [sflag:$0x2] =	stream.indirect.gather [hbm4b:s6+s22], $0x20, s15, s22, $0xb8;
	[tilespmem:$0x17000] =	vst v63  }
0x41: {  	_ =	swait.ge [sflag:s26], $0x4000  }
0x42: {  	[sflag:s26] =	ssyncset.done $0x0  }
0x43: {  	[sflag:s26] =	ssyncadd.s32 $0xFFFFC000  }
0x44: {  	[spmem:s3] =	stream.indirect.scatter.add.s16 [tilespmem:s23], [sflag:$0x3], $0x20, s17, s22, $0xb8;
	[tilespmem:$0x17000] =	vst v63  }
0x45: {  	_ =	swait.ge [sflag:s28], $0x4000  }
0x46: {  	[sflag:s28] =	ssyncset.done $0x0  }
0x47: {  	[sflag:s28] =	ssyncadd.s32 $0xFFFFC000  }
0x48: {  	[spmem:s3] =	stream.indirect.scatter.add.s16 [tilespmem:s25], [sflag:$0x4], $0x20, s18, s22, $0xb8;
	[tilespmem:$0x17000] =	vst v63  }
0x49: {  	_ =	swait.ge [sflag:s30], $0x4000  }
0x4a: {  	[sflag:s30] =	ssyncset.done $0x0  }
0x4b: {  	s17 =	simm.s32 $0xD400;
	[sflag:s30] =	ssyncadd.s32 $0xFFFFC000  }
0x4c: {  	[tilespmem:s23], [sflag:$0x1] =	stream.indirect.gather [hbm4b:s6+s22], $0x20, s17, s22, $0xb8;
	[tilespmem:$0x17000] =	vst v63  }
0x4d: {  	_ =	swait.ge [sflag:s0], $0x4000  }
0x4e: {  	[sflag:s0] =	ssyncset.done $0x0  }
0x4f: {  	[sflag:s0] =	ssyncadd.s32 $0xFFFFC000  }
0x50: {  	[tilespmem:s25], [sflag:$0x2] =	stream.indirect.gather [hbm4b:s6+s22], $0x20, s9, s22, $0xb8;
	[tilespmem:$0x17000] =	vst v63  }
0x51: {  	_ =	swait.ge [sflag:s26], $0x4000  }
0x52: {  	[sflag:s26] =	ssyncset.done $0x0  }
0x53: {  	[sflag:s26] =	ssyncadd.s32 $0xFFFFC000  }
0x54: {  	[spmem:s3] =	stream.indirect.scatter.add.s16 [tilespmem:s23], [sflag:$0x3], $0x20, s8, s22, $0xb8;
	[tilespmem:$0x17000] =	vst v63  }
0x55: {  	_ =	swait.ge [sflag:s28], $0x4000  }
0x56: {  	[sflag:s28] =	ssyncset.done $0x0  }
0x57: {  	[sflag:s28] =	ssyncadd.s32 $0xFFFFC000  }
0x58: {  	[spmem:s3] =	stream.indirect.scatter.add.s16 [tilespmem:s25], [sflag:$0x4], $0x20, s1, s22, $0xb8;
	[tilespmem:$0x17000] =	vst v63  }
0x59: {  	_ =	swait.ge [sflag:s30], $0x4000  }
0x5a: {  	[sflag:s30] =	ssyncset.done $0x0  }
0x5b: {  	s18 =	simm.s32 $0xD800;
	[sflag:s30] =	ssyncadd.s32 $0xFFFFC000  }
0x5c: {  	[tilespmem:s23], [sflag:$0x1] =	stream.indirect.gather [hbm4b:s6+s22], $0x20, s18, s22, $0xb8;
	[tilespmem:$0x17000] =	vst v63  }
0x5d: {  	_ =	swait.ge [sflag:s0], $0x4000  }
0x5e: {  	[sflag:s0] =	ssyncset.done $0x0  }
0x5f: {  	s24 =	simm.s32 $0xDA00;
	[sflag:s0] =	ssyncadd.s32 $0xFFFFC000  }
0x60: {  	[tilespmem:s25], [sflag:$0x2] =	stream.indirect.gather [hbm4b:s6+s22], $0x20, s24, s22, $0xb8;
	[tilespmem:$0x17000] =	vst v63  }
0x61: {  	_ =	swait.ge [sflag:s26], $0x4000  }
0x62: {  	[sflag:s26] =	ssyncset.done $0x0  }
0x63: {  	s29 =	simm.s32 $0xEC00;
	[sflag:s26] =	ssyncadd.s32 $0xFFFFC000  }
0x64: {  	[spmem:s3] =	stream.indirect.scatter.add.s16 [tilespmem:s23], [sflag:$0x3], $0x20, s29, s22, $0xb8;
	[tilespmem:$0x17000] =	vst v63  }
0x65: {  	_ =	swait.ge [sflag:s28], $0x4000  }
0x66: {  	[sflag:s28] =	ssyncset.done $0x0  }
0x67: {  	s31 =	simm.s32 $0xEE00;
	[sflag:s28] =	ssyncadd.s32 $0xFFFFC000  }
0x68: {  	[spmem:s3] =	stream.indirect.scatter.add.s16 [tilespmem:s25], [sflag:$0x4], $0x20, s31, s22, $0xb8;
	[tilespmem:$0x17000] =	vst v63  }
0x69: {  	_ =	swait.ge [sflag:s30], $0x4000  }
0x6a: {  	[sflag:s30] =	ssyncset.done $0x0  }
0x6b: {  	[sflag:s30] =	ssyncadd.s32 $0xFFFFC000  }
0x6c: {  	_ =	swait.ge [sflag:s0], $0x4000  }
0x6d: {  	[sflag:s0] =	ssyncset.done $0x0;
	s2 =	rddreg [dreg:$0x8]  }
0x6e: {  	s1 =	rddreg [dreg:$0x10];
	[sflag:s0] =	ssyncadd.s32 $0xFFFFC000  }
.LBB2_12:
0x6f: {  	s10 =	rddreg [dreg:$0x9];
	[bflag:$0x0] =	sbarrier.arrive $0xFFFF  }
0x70: {  	s2 =	sadd.s32 s2, s10;
	s10 =	rddreg [dreg:$0xb]  }
0x71: {  	s29 =	rddreg [dreg:$0xf]  }
0x72: {  	[hbm:s2], [sflag:s10] =	dma.local [spmem:s29], $0x1900  }
0x73: {  	_ =	swait.ge [sflag:s19], $0x1900  }
0x74: {  	s1 =	sadd.s32 $0x1, s1;
	s31 =	rddreg [dreg:$0xd]  }
0x75: {  	p1 =	sne.s32 s1, s31  }
.Ltmp1:
0x76: {  	_ = 	snop;
	(pc) =	sbr.rel @!p1 .LBB2_13-.Ltmp1, $4  }
0x77: {  	[sflag:s19] =	ssyncset.done $0x0  }
0x78: {  	[sflag:s19] =	ssyncadd.s32 $0xFFFFE700  }
0x79: {  	[bflag:$0x0] =	sbarrier.arrive $0xFFFF  }
0x7a: {  	s12 =	rddreg [dreg:$0x5]  }
.LBB2_1:
0x7b: {  	[dreg:$0x10] =	wrdreg s1  }
0x7c: {  	s2 =	rddreg [dreg:$0x1]  }
0x7d: {  	[spmem:s29], [sflag:s10] =	dma.local [hbm:s2], $0x1900  }
.Ltmp2:
0x7e: {  	_ =	swait.ge [sflag:s19], $0x1900;
	(pc) =	sbr.rel @!p0 .LBB2_2-.Ltmp2, $4  }
0x7f: {  	[sflag:s19] =	ssyncset.done $0x0  }
0x80: {  	[sflag:s19] =	ssyncadd.s32 $0xFFFFE700  }
0x81: {  	[bflag:$0x0] =	sbarrier.arrive $0xFFFF  }
0x82: {  	s2 =	sadd.s32 $0x0, s12  }
0x83: {  	[tilespmem:s20], [sflag:$0x5] =	stream.linear.gather [hbm4b:s2+s4], $0x1400, $0x38;
	[tilespmem:$0x17000] =	vst v63  }
0x84: {  	_ =	swait.ge [sflag:s19], $0x1400  }
0x85: {  	[sflag:s19] =	ssyncset.done $0x0;
	s17 =	rddreg [dreg:$0x4]  }
0x86: {  	[sflag:s19] =	ssyncadd.s32 $0xFFFFEC00;
	s2 =	sadd.s32 $0x0, s17  }
0x87: {  	[tilespmem:s21], [sflag:$0x5] =	stream.linear.gather [hbm4b:s2+s4], $0x1400, $0x38;
	[tilespmem:$0x17000] =	vst v63  }
0x88: {  	_ =	swait.ge [sflag:s19], $0x1400  }
0x89: {  	[sflag:s19] =	ssyncset.done $0x0  }
0x8a: {  	[sflag:s19] =	ssyncadd.s32 $0xFFFFEC00  }
0x8b: {  	[tilespmem:s23], [sflag:$0x1] =	stream.indirect.gather [hbm4b:s6+s22], $0x20, s20, s22, $0xb8;
	[tilespmem:$0x17000] =	vst v63  }
0x8c: {  	s18 =	simm.s32 $0xCA00  }
0x8d: {  	[tilespmem:s25], [sflag:$0x2] =	stream.indirect.gather [hbm4b:s6+s22], $0x20, s18, s22, $0xb8;
	[tilespmem:$0x17000] =	vst v63  }
0x8e: {  	_ =	swait.ge [sflag:s26], $0x4000  }
0x8f: {  	[sflag:s26] =	ssyncset.done $0x0  }
0x90: {  	[sflag:s26] =	ssyncadd.s32 $0xFFFFC000  }
0x91: {  	[spmem:s3] =	stream.indirect.scatter.add.s16 [tilespmem:s23], [sflag:$0x3], $0x20, s21, s22, $0xb8;
	[tilespmem:$0x17000] =	vst v63  }
0x92: {  	_ =	swait.ge [sflag:s28], $0x4000  }
0x93: {  	[sflag:s28] =	ssyncset.done $0x0  }
0x94: {  	s1 =	simm.s32 $0xDE00;
	[sflag:s28] =	ssyncadd.s32 $0xFFFFC000  }
0x95: {  	[spmem:s3] =	stream.indirect.scatter.add.s16 [tilespmem:s25], [sflag:$0x4], $0x20, s1, s22, $0xb8;
	[tilespmem:$0x17000] =	vst v63  }
0x96: {  	_ =	swait.ge [sflag:s30], $0x4000  }
0x97: {  	[sflag:s30] =	ssyncset.done $0x0  }
0x98: {  	s24 =	simm.s32 $0xCC00;
	[sflag:s30] =	ssyncadd.s32 $0xFFFFC000  }
0x99: {  	[tilespmem:s23], [sflag:$0x1] =	stream.indirect.gather [hbm4b:s6+s22], $0x20, s24, s22, $0xb8;
	[tilespmem:$0x17000] =	vst v63  }
0x9a: {  	_ =	swait.ge [sflag:s0], $0x4000  }
0x9b: {  	[sflag:s0] =	ssyncset.done $0x0  }
0x9c: {  	s31 =	simm.s32 $0xCE00;
	[sflag:s0] =	ssyncadd.s32 $0xFFFFC000  }
0x9d: {  	[tilespmem:s25], [sflag:$0x2] =	stream.indirect.gather [hbm4b:s6+s22], $0x20, s31, s22, $0xb8;
	[tilespmem:$0x17000] =	vst v63  }
0x9e: {  	_ =	swait.ge [sflag:s26], $0x4000  }
0x9f: {  	[sflag:s26] =	ssyncset.done $0x0  }
0xa0: {  	s2 =	simm.s32 $0xE000;
	[sflag:s26] =	ssyncadd.s32 $0xFFFFC000  }
0xa1: {  	[spmem:s3] =	stream.indirect.scatter.add.s16 [tilespmem:s23], [sflag:$0x3], $0x20, s2, s22, $0xb8;
	[tilespmem:$0x17000] =	vst v63  }
0xa2: {  	_ =	swait.ge [sflag:s28], $0x4000  }
0xa3: {  	[sflag:s28] =	ssyncset.done $0x0  }
0xa4: {  	s7 =	simm.s32 $0xE200;
	[sflag:s28] =	ssyncadd.s32 $0xFFFFC000  }
0xa5: {  	[spmem:s3] =	stream.indirect.scatter.add.s16 [tilespmem:s25], [sflag:$0x4], $0x20, s7, s22, $0xb8;
	[tilespmem:$0x17000] =	vst v63  }
0xa6: {  	_ =	swait.ge [sflag:s30], $0x4000  }
0xa7: {  	[sflag:s30] =	ssyncset.done $0x0  }
0xa8: {  	s8 =	simm.s32 $0xD000;
	[sflag:s30] =	ssyncadd.s32 $0xFFFFC000  }
0xa9: {  	[tilespmem:s23], [sflag:$0x1] =	stream.indirect.gather [hbm4b:s6+s22], $0x20, s8, s22, $0xb8;
	[tilespmem:$0x17000] =	vst v63  }
0xaa: {  	_ =	swait.ge [sflag:s0], $0x4000  }
0xab: {  	[sflag:s0] =	ssyncset.done $0x0  }
0xac: {  	s9 =	simm.s32 $0xD200;
	[sflag:s0] =	ssyncadd.s32 $0xFFFFC000  }
0xad: {  	[tilespmem:s25], [sflag:$0x2] =	stream.indirect.gather [hbm4b:s6+s22], $0x20, s9, s22, $0xb8;
	[tilespmem:$0x17000] =	vst v63  }
0xae: {  	_ =	swait.ge [sflag:s26], $0x4000  }
0xaf: {  	[sflag:s26] =	ssyncset.done $0x0  }
0xb0: {  	s10 =	simm.s32 $0xE400;
	[sflag:s26] =	ssyncadd.s32 $0xFFFFC000  }
0xb1: {  	[spmem:s3] =	stream.indirect.scatter.add.s16 [tilespmem:s23], [sflag:$0x3], $0x20, s10, s22, $0xb8;
	[tilespmem:$0x17000] =	vst v63  }
0xb2: {  	_ =	swait.ge [sflag:s28], $0x4000  }
0xb3: {  	[sflag:s28] =	ssyncset.done $0x0  }
0xb4: {  	s11 =	simm.s32 $0xE600;
	[sflag:s28] =	ssyncadd.s32 $0xFFFFC000  }
0xb5: {  	[spmem:s3] =	stream.indirect.scatter.add.s16 [tilespmem:s25], [sflag:$0x4], $0x20, s11, s22, $0xb8;
	[tilespmem:$0x17000] =	vst v63  }
0xb6: {  	_ =	swait.ge [sflag:s30], $0x4000  }
0xb7: {  	[sflag:s30] =	ssyncset.done $0x0  }
0xb8: {  	s13 =	simm.s32 $0xD400;
	[sflag:s30] =	ssyncadd.s32 $0xFFFFC000  }
0xb9: {  	[tilespmem:s23], [sflag:$0x1] =	stream.indirect.gather [hbm4b:s6+s22], $0x20, s13, s22, $0xb8;
	[tilespmem:$0x17000] =	vst v63  }
0xba: {  	_ =	swait.ge [sflag:s0], $0x4000  }
0xbb: {  	[sflag:s0] =	ssyncset.done $0x0  }
0xbc: {  	s14 =	simm.s32 $0xD600;
	[sflag:s0] =	ssyncadd.s32 $0xFFFFC000  }
0xbd: {  	[tilespmem:s25], [sflag:$0x2] =	stream.indirect.gather [hbm4b:s6+s22], $0x20, s14, s22, $0xb8;
	[tilespmem:$0x17000] =	vst v63  }
0xbe: {  	_ =	swait.ge [sflag:s26], $0x4000  }
0xbf: {  	[sflag:s26] =	ssyncset.done $0x0  }
0xc0: {  	s24 =	simm.s32 $0xE800;
	[sflag:s26] =	ssyncadd.s32 $0xFFFFC000  }
0xc1: {  	[spmem:s3] =	stream.indirect.scatter.add.s16 [tilespmem:s23], [sflag:$0x3], $0x20, s24, s22, $0xb8;
	[tilespmem:$0x17000] =	vst v63  }
0xc2: {  	_ =	swait.ge [sflag:s28], $0x4000  }
0xc3: {  	[sflag:s28] =	ssyncset.done $0x0  }
0xc4: {  	s31 =	simm.s32 $0xEA00;
	[sflag:s28] =	ssyncadd.s32 $0xFFFFC000  }
0xc5: {  	[spmem:s3] =	stream.indirect.scatter.add.s16 [tilespmem:s25], [sflag:$0x4], $0x20, s31, s22, $0xb8;
	[tilespmem:$0x17000] =	vst v63  }
0xc6: {  	_ =	swait.ge [sflag:s30], $0x4000  }
0xc7: {  	[sflag:s30] =	ssyncset.done $0x0  }
0xc8: {  	s7 =	simm.s32 $0xD800;
	[sflag:s30] =	ssyncadd.s32 $0xFFFFC000  }
0xc9: {  	[tilespmem:s23], [sflag:$0x1] =	stream.indirect.gather [hbm4b:s6+s22], $0x20, s7, s22, $0xb8;
	[tilespmem:$0x17000] =	vst v63  }
0xca: {  	_ =	swait.ge [sflag:s0], $0x4000  }
0xcb: {  	[sflag:s0] =	ssyncset.done $0x0  }
0xcc: {  	s10 =	simm.s32 $0xDA00;
	[sflag:s0] =	ssyncadd.s32 $0xFFFFC000  }
0xcd: {  	[tilespmem:s25], [sflag:$0x2] =	stream.indirect.gather [hbm4b:s6+s22], $0x20, s10, s22, $0xb8;
	[tilespmem:$0x17000] =	vst v63  }
0xce: {  	_ =	swait.ge [sflag:s26], $0x4000  }
0xcf: {  	[sflag:s26] =	ssyncset.done $0x0  }
0xd0: {  	s14 =	simm.s32 $0xEC00;
	[sflag:s26] =	ssyncadd.s32 $0xFFFFC000  }
0xd1: {  	[spmem:s3] =	stream.indirect.scatter.add.s16 [tilespmem:s23], [sflag:$0x3], $0x20, s14, s22, $0xb8;
	[tilespmem:$0x17000] =	vst v63  }
0xd2: {  	_ =	swait.ge [sflag:s28], $0x4000  }
0xd3: {  	s15 =	simm.s32 $0xD200;
	s16 =	simm.s32 $0xD400;
	[sflag:s28] =	ssyncset.done $0x0  }
0xd4: {  	s29 =	simm.s32 $0x280;
	s31 =	simm.s32 $0xEE00;
	[sflag:s28] =	ssyncadd.s32 $0xFFFFC000  }
0xd5: {  	[spmem:s3] =	stream.indirect.scatter.add.s16 [tilespmem:s25], [sflag:$0x4], $0x20, s31, s22, $0xb8;
	[tilespmem:$0x17000] =	vst v63  }
0xd6: {  	s17 =	simm.s32 $0xE400;
	s18 =	simm.s32 $0xE600;
	_ =	swait.ge [sflag:s30], $0x4000  }
0xd7: {  	s1 =	simm.s32 $0xEA00;
	s2 =	simm.s32 $0x500;
	[sflag:s30] =	ssyncset.done $0x0  }
0xd8: {  	s8 =	simm.s32 $0xE800;
	s9 =	simm.s32 $0xD600;
	[sflag:s30] =	ssyncadd.s32 $0xFFFFC000  }
0xd9: {  	s11 =	simm.s32 $0xD800;
	s13 =	simm.s32 $0xDA00;
	_ =	swait.ge [sflag:s0], $0x4000  }
0xda: {  	s24 =	simm.s32 $0xEC00;
	s14 =	simm.s32 $0xEE00;
	[sflag:s0] =	ssyncset.done $0x0  }
.LBB2_8:
0xdb: {  	s10 =	sadd.s32 s29, s12;
	[sflag:s0] =	ssyncadd.s32 $0xFFFFC000  }
0xdc: {  	[tilespmem:s20], [sflag:$0x5] =	stream.linear.gather [hbm4b:s10+s4], $0x1400, $0x38;
	[tilespmem:$0x17000] =	vst v63  }
0xdd: {  	s7 =	rddreg [dreg:$0x4];
	_ =	swait.ge [sflag:s19], $0x1400  }
0xde: {  	s12 =	smov.u32 s2;
	s31 =	sadd.s32 $0x280, s2;
	[sflag:s19] =	ssyncset.done $0x0  }
0xdf: {  	p1 =	sne.s32 s2, $0xA00;
	s2 =	sadd.s32 s29, s7;
	[sflag:s19] =	ssyncadd.s32 $0xFFFFEC00  }
0xe0: {  	[tilespmem:s21], [sflag:$0x5] =	stream.linear.gather [hbm4b:s2+s4], $0x1400, $0x38;
	[tilespmem:$0x17000] =	vst v63  }
0xe1: {  	s29 =	smov.u32 s12;
	s12 =	rddreg [dreg:$0x5];
	_ =	swait.ge [sflag:s19], $0x1400  }
0xe2: {  	[sflag:s19] =	ssyncset.done $0x0  }
0xe3: {  	[sflag:s19] =	ssyncadd.s32 $0xFFFFEC00  }
0xe4: {  	[tilespmem:s23], [sflag:$0x1] =	stream.indirect.gather [hbm4b:s6+s22], $0x20, s20, s22, $0xb8;
	[tilespmem:$0x17000] =	vst v63  }
0xe5: {  	s10 =	simm.s32 $0xCA00  }
0xe6: {  	[tilespmem:s25], [sflag:$0x2] =	stream.indirect.gather [hbm4b:s6+s22], $0x20, s10, s22, $0xb8;
	[tilespmem:$0x17000] =	vst v63  }
0xe7: {  	_ =	swait.ge [sflag:s26], $0x4000  }
0xe8: {  	[sflag:s26] =	ssyncset.done $0x0  }
0xe9: {  	[sflag:s26] =	ssyncadd.s32 $0xFFFFC000  }
0xea: {  	[spmem:s3] =	stream.indirect.scatter.add.s16 [tilespmem:s23], [sflag:$0x3], $0x20, s21, s22, $0xb8;
	[tilespmem:$0x17000] =	vst v63  }
0xeb: {  	_ =	swait.ge [sflag:s28], $0x4000  }
0xec: {  	[sflag:s28] =	ssyncset.done $0x0  }
0xed: {  	s2 =	simm.s32 $0xDE00;
	[sflag:s28] =	ssyncadd.s32 $0xFFFFC000  }
0xee: {  	[spmem:s3] =	stream.indirect.scatter.add.s16 [tilespmem:s25], [sflag:$0x4], $0x20, s2, s22, $0xb8;
	[tilespmem:$0x17000] =	vst v63  }
0xef: {  	_ =	swait.ge [sflag:s30], $0x4000  }
0xf0: {  	[sflag:s30] =	ssyncset.done $0x0  }
0xf1: {  	s2 =	simm.s32 $0xCC00;
	[sflag:s30] =	ssyncadd.s32 $0xFFFFC000  }
0xf2: {  	[tilespmem:s23], [sflag:$0x1] =	stream.indirect.gather [hbm4b:s6+s22], $0x20, s2, s22, $0xb8;
	[tilespmem:$0x17000] =	vst v63  }
0xf3: {  	_ =	swait.ge [sflag:s0], $0x4000  }
0xf4: {  	[sflag:s0] =	ssyncset.done $0x0  }
0xf5: {  	s2 =	simm.s32 $0xCE00;
	[sflag:s0] =	ssyncadd.s32 $0xFFFFC000  }
0xf6: {  	[tilespmem:s25], [sflag:$0x2] =	stream.indirect.gather [hbm4b:s6+s22], $0x20, s2, s22, $0xb8;
	[tilespmem:$0x17000] =	vst v63  }
0xf7: {  	_ =	swait.ge [sflag:s26], $0x4000  }
0xf8: {  	[sflag:s26] =	ssyncset.done $0x0  }
0xf9: {  	s2 =	simm.s32 $0xE000;
	[sflag:s26] =	ssyncadd.s32 $0xFFFFC000  }
0xfa: {  	[spmem:s3] =	stream.indirect.scatter.add.s16 [tilespmem:s23], [sflag:$0x3], $0x20, s2, s22, $0xb8;
	[tilespmem:$0x17000] =	vst v63  }
0xfb: {  	_ =	swait.ge [sflag:s28], $0x4000  }
0xfc: {  	[sflag:s28] =	ssyncset.done $0x0  }
0xfd: {  	s2 =	simm.s32 $0xE200;
	[sflag:s28] =	ssyncadd.s32 $0xFFFFC000  }
0xfe: {  	[spmem:s3] =	stream.indirect.scatter.add.s16 [tilespmem:s25], [sflag:$0x4], $0x20, s2, s22, $0xb8;
	[tilespmem:$0x17000] =	vst v63  }
0xff: {  	_ =	swait.ge [sflag:s30], $0x4000  }
0x100: {  	[sflag:s30] =	ssyncset.done $0x0  }
0x101: {  	s2 =	simm.s32 $0xD000;
	[sflag:s30] =	ssyncadd.s32 $0xFFFFC000  }
0x102: {  	[tilespmem:s23], [sflag:$0x1] =	stream.indirect.gather [hbm4b:s6+s22], $0x20, s2, s22, $0xb8;
	[tilespmem:$0x17000] =	vst v63  }
0x103: {  	_ =	swait.ge [sflag:s0], $0x4000  }
0x104: {  	[sflag:s0] =	ssyncset.done $0x0  }
0x105: {  	[sflag:s0] =	ssyncadd.s32 $0xFFFFC000  }
0x106: {  	[tilespmem:s25], [sflag:$0x2] =	stream.indirect.gather [hbm4b:s6+s22], $0x20, s15, s22, $0xb8;
	[tilespmem:$0x17000] =	vst v63  }
0x107: {  	_ =	swait.ge [sflag:s26], $0x4000  }
0x108: {  	[sflag:s26] =	ssyncset.done $0x0  }
0x109: {  	[sflag:s26] =	ssyncadd.s32 $0xFFFFC000  }
0x10a: {  	[spmem:s3] =	stream.indirect.scatter.add.s16 [tilespmem:s23], [sflag:$0x3], $0x20, s17, s22, $0xb8;
	[tilespmem:$0x17000] =	vst v63  }
0x10b: {  	_ =	swait.ge [sflag:s28], $0x4000  }
0x10c: {  	[sflag:s28] =	ssyncset.done $0x0  }
0x10d: {  	[sflag:s28] =	ssyncadd.s32 $0xFFFFC000  }
0x10e: {  	[spmem:s3] =	stream.indirect.scatter.add.s16 [tilespmem:s25], [sflag:$0x4], $0x20, s18, s22, $0xb8;
	[tilespmem:$0x17000] =	vst v63  }
0x10f: {  	_ =	swait.ge [sflag:s30], $0x4000  }
0x110: {  	[sflag:s30] =	ssyncset.done $0x0  }
0x111: {  	[sflag:s30] =	ssyncadd.s32 $0xFFFFC000  }
0x112: {  	[tilespmem:s23], [sflag:$0x1] =	stream.indirect.gather [hbm4b:s6+s22], $0x20, s16, s22, $0xb8;
	[tilespmem:$0x17000] =	vst v63  }
0x113: {  	_ =	swait.ge [sflag:s0], $0x4000  }
0x114: {  	[sflag:s0] =	ssyncset.done $0x0  }
0x115: {  	[sflag:s0] =	ssyncadd.s32 $0xFFFFC000  }
0x116: {  	[tilespmem:s25], [sflag:$0x2] =	stream.indirect.gather [hbm4b:s6+s22], $0x20, s9, s22, $0xb8;
	[tilespmem:$0x17000] =	vst v63  }
0x117: {  	_ =	swait.ge [sflag:s26], $0x4000  }
0x118: {  	[sflag:s26] =	ssyncset.done $0x0  }
0x119: {  	[sflag:s26] =	ssyncadd.s32 $0xFFFFC000  }
0x11a: {  	[spmem:s3] =	stream.indirect.scatter.add.s16 [tilespmem:s23], [sflag:$0x3], $0x20, s8, s22, $0xb8;
	[tilespmem:$0x17000] =	vst v63  }
0x11b: {  	_ =	swait.ge [sflag:s28], $0x4000  }
0x11c: {  	[sflag:s28] =	ssyncset.done $0x0  }
0x11d: {  	[sflag:s28] =	ssyncadd.s32 $0xFFFFC000  }
0x11e: {  	[spmem:s3] =	stream.indirect.scatter.add.s16 [tilespmem:s25], [sflag:$0x4], $0x20, s1, s22, $0xb8;
	[tilespmem:$0x17000] =	vst v63  }
0x11f: {  	_ =	swait.ge [sflag:s30], $0x4000  }
0x120: {  	[sflag:s30] =	ssyncset.done $0x0  }
0x121: {  	[sflag:s30] =	ssyncadd.s32 $0xFFFFC000  }
0x122: {  	[tilespmem:s23], [sflag:$0x1] =	stream.indirect.gather [hbm4b:s6+s22], $0x20, s11, s22, $0xb8;
	[tilespmem:$0x17000] =	vst v63  }
0x123: {  	_ =	swait.ge [sflag:s0], $0x4000  }
0x124: {  	[sflag:s0] =	ssyncset.done $0x0  }
0x125: {  	[sflag:s0] =	ssyncadd.s32 $0xFFFFC000  }
0x126: {  	[tilespmem:s25], [sflag:$0x2] =	stream.indirect.gather [hbm4b:s6+s22], $0x20, s13, s22, $0xb8;
	[tilespmem:$0x17000] =	vst v63  }
0x127: {  	_ =	swait.ge [sflag:s26], $0x4000  }
0x128: {  	[sflag:s26] =	ssyncset.done $0x0  }
0x129: {  	[sflag:s26] =	ssyncadd.s32 $0xFFFFC000  }
0x12a: {  	[spmem:s3] =	stream.indirect.scatter.add.s16 [tilespmem:s23], [sflag:$0x3], $0x20, s24, s22, $0xb8;
	[tilespmem:$0x17000] =	vst v63  }
0x12b: {  	_ =	swait.ge [sflag:s28], $0x4000  }
0x12c: {  	[sflag:s28] =	ssyncset.done $0x0  }
0x12d: {  	[sflag:s28] =	ssyncadd.s32 $0xFFFFC000  }
0x12e: {  	[spmem:s3] =	stream.indirect.scatter.add.s16 [tilespmem:s25], [sflag:$0x4], $0x20, s14, s22, $0xb8;
	[tilespmem:$0x17000] =	vst v63  }
.Ltmp3:
0x12f: {  	_ =	swait.ge [sflag:s30], $0x4000;
	(pc) =	sbr.rel @p1 .LBB2_8-.Ltmp3, $4  }
0x130: {  	[sflag:s30] =	ssyncset.done $0x0  }
0x131: {  	[sflag:s30] =	ssyncadd.s32 $0xFFFFC000  }
0x132: {  	_ =	swait.ge [sflag:s0], $0x4000  }
0x133: {  	s2 =	smov.u32 s31;
	[sflag:s0] =	ssyncset.done $0x0  }
0x134: {  	s2 =	sadd.s32 s29, s12;
	[sflag:s0] =	ssyncadd.s32 $0xFFFFC000  }
0x135: {  	[tilespmem:s20], [sflag:$0x5] =	stream.linear.gather [hbm4b:s2+s4], $0x1400, $0x38;
	[tilespmem:$0x17000] =	vst v63  }
0x136: {  	_ =	swait.ge [sflag:s19], $0x1400  }
0x137: {  	[sflag:s19] =	ssyncset.done $0x0  }
0x138: {  	s1 =	sadd.s32 s29, s7;
	[sflag:s19] =	ssyncadd.s32 $0xFFFFEC00  }
0x139: {  	[tilespmem:s21], [sflag:$0x5] =	stream.linear.gather [hbm4b:s1+s4], $0x1400, $0x38;
	[tilespmem:$0x17000] =	vst v63  }
0x13a: {  	_ =	swait.ge [sflag:s19], $0x1400  }
0x13b: {  	[sflag:s19] =	ssyncset.done $0x0  }
0x13c: {  	[sflag:s19] =	ssyncadd.s32 $0xFFFFEC00  }
0x13d: {  	[tilespmem:s23], [sflag:$0x1] =	stream.indirect.gather [hbm4b:s6+s22], $0x20, s20, s22, $0xb8;
	[tilespmem:$0x17000] =	vst v63  }
0x13e: {  	_ = 	snop  }
0x13f: {  	[tilespmem:s25], [sflag:$0x2] =	stream.indirect.gather [hbm4b:s6+s22], $0x20, s10, s22, $0xb8;
	[tilespmem:$0x17000] =	vst v63  }
0x140: {  	_ =	swait.ge [sflag:s26], $0x4000  }
0x141: {  	[sflag:s26] =	ssyncset.done $0x0  }
0x142: {  	[sflag:s26] =	ssyncadd.s32 $0xFFFFC000  }
0x143: {  	[spmem:s3] =	stream.indirect.scatter.add.s16 [tilespmem:s23], [sflag:$0x3], $0x20, s21, s22, $0xb8;
	[tilespmem:$0x17000] =	vst v63  }
0x144: {  	_ =	swait.ge [sflag:s28], $0x4000  }
0x145: {  	[sflag:s28] =	ssyncset.done $0x0  }
0x146: {  	s13 =	simm.s32 $0xDE00;
	[sflag:s28] =	ssyncadd.s32 $0xFFFFC000  }
0x147: {  	[spmem:s3] =	stream.indirect.scatter.add.s16 [tilespmem:s25], [sflag:$0x4], $0x20, s13, s22, $0xb8;
	[tilespmem:$0x17000] =	vst v63  }
0x148: {  	_ =	swait.ge [sflag:s30], $0x4000  }
0x149: {  	[sflag:s30] =	ssyncset.done $0x0  }
0x14a: {  	s11 =	simm.s32 $0xCC00;
	[sflag:s30] =	ssyncadd.s32 $0xFFFFC000  }
0x14b: {  	[tilespmem:s23], [sflag:$0x1] =	stream.indirect.gather [hbm4b:s6+s22], $0x20, s11, s22, $0xb8;
	[tilespmem:$0x17000] =	vst v63  }
0x14c: {  	_ =	swait.ge [sflag:s0], $0x4000  }
0x14d: {  	[sflag:s0] =	ssyncset.done $0x0  }
0x14e: {  	s9 =	simm.s32 $0xCE00;
	[sflag:s0] =	ssyncadd.s32 $0xFFFFC000  }
0x14f: {  	[tilespmem:s25], [sflag:$0x2] =	stream.indirect.gather [hbm4b:s6+s22], $0x20, s9, s22, $0xb8;
	[tilespmem:$0x17000] =	vst v63  }
0x150: {  	_ =	swait.ge [sflag:s26], $0x4000  }
0x151: {  	[sflag:s26] =	ssyncset.done $0x0  }
0x152: {  	s29 =	simm.s32 $0xE000;
	[sflag:s26] =	ssyncadd.s32 $0xFFFFC000  }
0x153: {  	[spmem:s3] =	stream.indirect.scatter.add.s16 [tilespmem:s23], [sflag:$0x3], $0x20, s29, s22, $0xb8;
	[tilespmem:$0x17000] =	vst v63  }
0x154: {  	_ =	swait.ge [sflag:s28], $0x4000  }
0x155: {  	[sflag:s28] =	ssyncset.done $0x0  }
0x156: {  	s14 =	simm.s32 $0xE200;
	[sflag:s28] =	ssyncadd.s32 $0xFFFFC000  }
0x157: {  	[spmem:s3] =	stream.indirect.scatter.add.s16 [tilespmem:s25], [sflag:$0x4], $0x20, s14, s22, $0xb8;
	[tilespmem:$0x17000] =	vst v63  }
0x158: {  	_ =	swait.ge [sflag:s30], $0x4000  }
0x159: {  	[sflag:s30] =	ssyncset.done $0x0  }
0x15a: {  	s15 =	simm.s32 $0xD000;
	[sflag:s30] =	ssyncadd.s32 $0xFFFFC000  }
0x15b: {  	[tilespmem:s23], [sflag:$0x1] =	stream.indirect.gather [hbm4b:s6+s22], $0x20, s15, s22, $0xb8;
	[tilespmem:$0x17000] =	vst v63  }
0x15c: {  	_ =	swait.ge [sflag:s0], $0x4000  }
0x15d: {  	[sflag:s0] =	ssyncset.done $0x0  }
0x15e: {  	s17 =	simm.s32 $0xD200;
	[sflag:s0] =	ssyncadd.s32 $0xFFFFC000  }
0x15f: {  	[tilespmem:s25], [sflag:$0x2] =	stream.indirect.gather [hbm4b:s6+s22], $0x20, s17, s22, $0xb8;
	[tilespmem:$0x17000] =	vst v63  }
0x160: {  	_ =	swait.ge [sflag:s26], $0x4000  }
0x161: {  	[sflag:s26] =	ssyncset.done $0x0  }
0x162: {  	s18 =	simm.s32 $0xE400;
	[sflag:s26] =	ssyncadd.s32 $0xFFFFC000  }
0x163: {  	[spmem:s3] =	stream.indirect.scatter.add.s16 [tilespmem:s23], [sflag:$0x3], $0x20, s18, s22, $0xb8;
	[tilespmem:$0x17000] =	vst v63  }
0x164: {  	_ =	swait.ge [sflag:s28], $0x4000  }
0x165: {  	[sflag:s28] =	ssyncset.done $0x0  }
0x166: {  	s1 =	simm.s32 $0xE600;
	[sflag:s28] =	ssyncadd.s32 $0xFFFFC000  }
0x167: {  	[spmem:s3] =	stream.indirect.scatter.add.s16 [tilespmem:s25], [sflag:$0x4], $0x20, s1, s22, $0xb8;
	[tilespmem:$0x17000] =	vst v63  }
0x168: {  	_ =	swait.ge [sflag:s30], $0x4000  }
0x169: {  	[sflag:s30] =	ssyncset.done $0x0  }
0x16a: {  	s2 =	simm.s32 $0xD400;
	[sflag:s30] =	ssyncadd.s32 $0xFFFFC000  }
0x16b: {  	[tilespmem:s23], [sflag:$0x1] =	stream.indirect.gather [hbm4b:s6+s22], $0x20, s2, s22, $0xb8;
	[tilespmem:$0x17000] =	vst v63  }
0x16c: {  	_ =	swait.ge [sflag:s0], $0x4000  }
0x16d: {  	[sflag:s0] =	ssyncset.done $0x0  }
0x16e: {  	s8 =	simm.s32 $0xD600;
	[sflag:s0] =	ssyncadd.s32 $0xFFFFC000  }
0x16f: {  	[tilespmem:s25], [sflag:$0x2] =	stream.indirect.gather [hbm4b:s6+s22], $0x20, s8, s22, $0xb8;
	[tilespmem:$0x17000] =	vst v63  }
0x170: {  	_ =	swait.ge [sflag:s26], $0x4000  }
0x171: {  	[sflag:s26] =	ssyncset.done $0x0  }
0x172: {  	s1 =	simm.s32 $0xE800;
	[sflag:s26] =	ssyncadd.s32 $0xFFFFC000  }
0x173: {  	[spmem:s3] =	stream.indirect.scatter.add.s16 [tilespmem:s23], [sflag:$0x3], $0x20, s1, s22, $0xb8;
	[tilespmem:$0x17000] =	vst v63  }
0x174: {  	_ =	swait.ge [sflag:s28], $0x4000  }
0x175: {  	[sflag:s28] =	ssyncset.done $0x0  }
0x176: {  	s12 =	simm.s32 $0xEA00;
	[sflag:s28] =	ssyncadd.s32 $0xFFFFC000  }
0x177: {  	[spmem:s3] =	stream.indirect.scatter.add.s16 [tilespmem:s25], [sflag:$0x4], $0x20, s12, s22, $0xb8;
	[tilespmem:$0x17000] =	vst v63  }
0x178: {  	_ =	swait.ge [sflag:s30], $0x4000  }
0x179: {  	[sflag:s30] =	ssyncset.done $0x0  }
0x17a: {  	s7 =	simm.s32 $0xD800;
	[sflag:s30] =	ssyncadd.s32 $0xFFFFC000  }
0x17b: {  	[tilespmem:s23], [sflag:$0x1] =	stream.indirect.gather [hbm4b:s6+s22], $0x20, s7, s22, $0xb8;
	[tilespmem:$0x17000] =	vst v63  }
0x17c: {  	_ =	swait.ge [sflag:s0], $0x4000  }
0x17d: {  	[sflag:s0] =	ssyncset.done $0x0  }
0x17e: {  	s10 =	simm.s32 $0xDA00;
	[sflag:s0] =	ssyncadd.s32 $0xFFFFC000  }
0x17f: {  	[tilespmem:s25], [sflag:$0x2] =	stream.indirect.gather [hbm4b:s6+s22], $0x20, s10, s22, $0xb8;
	[tilespmem:$0x17000] =	vst v63  }
0x180: {  	_ =	swait.ge [sflag:s26], $0x4000  }
0x181: {  	[sflag:s26] =	ssyncset.done $0x0  }
0x182: {  	s16 =	simm.s32 $0xEC00;
	[sflag:s26] =	ssyncadd.s32 $0xFFFFC000  }
0x183: {  	[spmem:s3] =	stream.indirect.scatter.add.s16 [tilespmem:s23], [sflag:$0x3], $0x20, s16, s22, $0xb8;
	[tilespmem:$0x17000] =	vst v63  }
0x184: {  	_ =	swait.ge [sflag:s28], $0x4000  }
0x185: {  	[sflag:s28] =	ssyncset.done $0x0  }
0x186: {  	s24 =	simm.s32 $0xEE00;
	[sflag:s28] =	ssyncadd.s32 $0xFFFFC000  }
0x187: {  	[spmem:s3] =	stream.indirect.scatter.add.s16 [tilespmem:s25], [sflag:$0x4], $0x20, s24, s22, $0xb8;
	[tilespmem:$0x17000] =	vst v63  }
0x188: {  	_ =	swait.ge [sflag:s30], $0x4000  }
0x189: {  	[sflag:s30] =	ssyncset.done $0x0  }
0x18a: {  	[sflag:s30] =	ssyncadd.s32 $0xFFFFC000  }
0x18b: {  	_ =	swait.ge [sflag:s0], $0x4000  }
0x18c: {  	[sflag:s0] =	ssyncset.done $0x0  }
0x18d: {  	[sflag:s0] =	ssyncadd.s32 $0xFFFFC000  }
0x18e: {  	[bflag:$0x0] =	sbarrier.arrive $0xFFFF  }
0x18f: {  	s10 =	rddreg [dreg:$0xb]  }
0x190: {  	s7 =	rddreg [dreg:$0xc]  }
0x191: {  	s16 =	rddreg [dreg:$0xf]  }
0x192: {  	[hbm:s7], [sflag:s10] =	dma.local [spmem:s16], $0x1900  }
0x193: {  	_ =	swait.ge [sflag:s19], $0x1900  }
0x194: {  	[sflag:s19] =	ssyncset.done $0x0  }
0x195: {  	[sflag:s19] =	ssyncadd.s32 $0xFFFFE700  }
0x196: {  	[bflag:$0x0] =	sbarrier.arrive $0xFFFF  }
0x197: {  	s24 =	rddreg [dreg:$0x1]  }
0x198: {  	[spmem:s16], [sflag:s10] =	dma.local [hbm:s24], $0x1900  }
0x199: {  	_ =	swait.ge [sflag:s19], $0x1900  }
0x19a: {  	[sflag:s19] =	ssyncset.done $0x0  }
0x19b: {  	[sflag:s19] =	ssyncadd.s32 $0xFFFFE700  }
0x19c: {  	[bflag:$0x0] =	sbarrier.arrive $0xFFFF  }
0x19d: {  	s31 =	rddreg [dreg:$0x6]  }
0x19e: {  	s16 =	sadd.s32 $0x0, s31  }
0x19f: {  	[tilespmem:s20], [sflag:$0x5] =	stream.linear.gather [hbm4b:s16+s4], $0x1400, $0x38;
	[tilespmem:$0x17000] =	vst v63  }
0x1a0: {  	_ =	swait.ge [sflag:s19], $0x1400  }
0x1a1: {  	[sflag:s19] =	ssyncset.done $0x0;
	s7 =	rddreg [dreg:$0xe]  }
0x1a2: {  	[sflag:s19] =	ssyncadd.s32 $0xFFFFEC00;
	s24 =	sadd.s32 $0x0, s7  }
0x1a3: {  	[tilespmem:s21], [sflag:$0x5] =	stream.linear.gather [hbm4b:s24+s4], $0x1400, $0x38;
	[tilespmem:$0x17000] =	vst v63  }
0x1a4: {  	_ =	swait.ge [sflag:s19], $0x1400  }
0x1a5: {  	[sflag:s19] =	ssyncset.done $0x0  }
0x1a6: {  	[sflag:s19] =	ssyncadd.s32 $0xFFFFEC00  }
0x1a7: {  	[tilespmem:s23], [sflag:$0x1] =	stream.indirect.gather [hbm4b:s6+s22], $0x20, s20, s22, $0xb8;
	[tilespmem:$0x17000] =	vst v63  }
0x1a8: {  	s10 =	simm.s32 $0xCA00  }
0x1a9: {  	[tilespmem:s25], [sflag:$0x2] =	stream.indirect.gather [hbm4b:s6+s22], $0x20, s10, s22, $0xb8;
	[tilespmem:$0x17000] =	vst v63  }
0x1aa: {  	_ =	swait.ge [sflag:s26], $0x4000  }
0x1ab: {  	[sflag:s26] =	ssyncset.done $0x0  }
0x1ac: {  	[sflag:s26] =	ssyncadd.s32 $0xFFFFC000  }
0x1ad: {  	[spmem:s3] =	stream.indirect.scatter.add.s16 [tilespmem:s23], [sflag:$0x3], $0x20, s21, s22, $0xb8;
	[tilespmem:$0x17000] =	vst v63  }
0x1ae: {  	_ =	swait.ge [sflag:s28], $0x4000  }
0x1af: {  	[sflag:s28] =	ssyncset.done $0x0  }
0x1b0: {  	[sflag:s28] =	ssyncadd.s32 $0xFFFFC000  }
0x1b1: {  	[spmem:s3] =	stream.indirect.scatter.add.s16 [tilespmem:s25], [sflag:$0x4], $0x20, s13, s22, $0xb8;
	[tilespmem:$0x17000] =	vst v63  }
0x1b2: {  	_ =	swait.ge [sflag:s30], $0x4000  }
0x1b3: {  	[sflag:s30] =	ssyncset.done $0x0  }
0x1b4: {  	[sflag:s30] =	ssyncadd.s32 $0xFFFFC000  }
0x1b5: {  	[tilespmem:s23], [sflag:$0x1] =	stream.indirect.gather [hbm4b:s6+s22], $0x20, s11, s22, $0xb8;
	[tilespmem:$0x17000] =	vst v63  }
0x1b6: {  	_ =	swait.ge [sflag:s0], $0x4000  }
0x1b7: {  	[sflag:s0] =	ssyncset.done $0x0  }
0x1b8: {  	[sflag:s0] =	ssyncadd.s32 $0xFFFFC000  }
0x1b9: {  	[tilespmem:s25], [sflag:$0x2] =	stream.indirect.gather [hbm4b:s6+s22], $0x20, s9, s22, $0xb8;
	[tilespmem:$0x17000] =	vst v63  }
0x1ba: {  	_ =	swait.ge [sflag:s26], $0x4000  }
0x1bb: {  	[sflag:s26] =	ssyncset.done $0x0  }
0x1bc: {  	[sflag:s26] =	ssyncadd.s32 $0xFFFFC000  }
0x1bd: {  	[spmem:s3] =	stream.indirect.scatter.add.s16 [tilespmem:s23], [sflag:$0x3], $0x20, s29, s22, $0xb8;
	[tilespmem:$0x17000] =	vst v63  }
0x1be: {  	_ =	swait.ge [sflag:s28], $0x4000  }
0x1bf: {  	[sflag:s28] =	ssyncset.done $0x0  }
0x1c0: {  	[sflag:s28] =	ssyncadd.s32 $0xFFFFC000  }
0x1c1: {  	[spmem:s3] =	stream.indirect.scatter.add.s16 [tilespmem:s25], [sflag:$0x4], $0x20, s14, s22, $0xb8;
	[tilespmem:$0x17000] =	vst v63  }
0x1c2: {  	_ =	swait.ge [sflag:s30], $0x4000  }
0x1c3: {  	[sflag:s30] =	ssyncset.done $0x0  }
0x1c4: {  	[sflag:s30] =	ssyncadd.s32 $0xFFFFC000  }
0x1c5: {  	[tilespmem:s23], [sflag:$0x1] =	stream.indirect.gather [hbm4b:s6+s22], $0x20, s15, s22, $0xb8;
	[tilespmem:$0x17000] =	vst v63  }
0x1c6: {  	_ =	swait.ge [sflag:s0], $0x4000  }
0x1c7: {  	[sflag:s0] =	ssyncset.done $0x0  }
0x1c8: {  	[sflag:s0] =	ssyncadd.s32 $0xFFFFC000  }
0x1c9: {  	[tilespmem:s25], [sflag:$0x2] =	stream.indirect.gather [hbm4b:s6+s22], $0x20, s17, s22, $0xb8;
	[tilespmem:$0x17000] =	vst v63  }
0x1ca: {  	_ =	swait.ge [sflag:s26], $0x4000  }
0x1cb: {  	[sflag:s26] =	ssyncset.done $0x0  }
0x1cc: {  	[sflag:s26] =	ssyncadd.s32 $0xFFFFC000  }
0x1cd: {  	[spmem:s3] =	stream.indirect.scatter.add.s16 [tilespmem:s23], [sflag:$0x3], $0x20, s18, s22, $0xb8;
	[tilespmem:$0x17000] =	vst v63  }
0x1ce: {  	_ =	swait.ge [sflag:s28], $0x4000  }
0x1cf: {  	[sflag:s28] =	ssyncset.done $0x0  }
0x1d0: {  	s10 =	simm.s32 $0xE600;
	[sflag:s28] =	ssyncadd.s32 $0xFFFFC000  }
0x1d1: {  	[spmem:s3] =	stream.indirect.scatter.add.s16 [tilespmem:s25], [sflag:$0x4], $0x20, s10, s22, $0xb8;
	[tilespmem:$0x17000] =	vst v63  }
0x1d2: {  	_ =	swait.ge [sflag:s30], $0x4000  }
0x1d3: {  	[sflag:s30] =	ssyncset.done $0x0  }
0x1d4: {  	s9 =	simm.s32 $0xD400;
	[sflag:s30] =	ssyncadd.s32 $0xFFFFC000  }
0x1d5: {  	[tilespmem:s23], [sflag:$0x1] =	stream.indirect.gather [hbm4b:s6+s22], $0x20, s9, s22, $0xb8;
	[tilespmem:$0x17000] =	vst v63  }
0x1d6: {  	_ =	swait.ge [sflag:s0], $0x4000  }
0x1d7: {  	[sflag:s0] =	ssyncset.done $0x0  }
0x1d8: {  	[sflag:s0] =	ssyncadd.s32 $0xFFFFC000  }
0x1d9: {  	[tilespmem:s25], [sflag:$0x2] =	stream.indirect.gather [hbm4b:s6+s22], $0x20, s8, s22, $0xb8;
	[tilespmem:$0x17000] =	vst v63  }
0x1da: {  	_ =	swait.ge [sflag:s26], $0x4000  }
0x1db: {  	[sflag:s26] =	ssyncset.done $0x0  }
0x1dc: {  	[sflag:s26] =	ssyncadd.s32 $0xFFFFC000  }
0x1dd: {  	[spmem:s3] =	stream.indirect.scatter.add.s16 [tilespmem:s23], [sflag:$0x3], $0x20, s1, s22, $0xb8;
	[tilespmem:$0x17000] =	vst v63  }
0x1de: {  	_ =	swait.ge [sflag:s28], $0x4000  }
0x1df: {  	[sflag:s28] =	ssyncset.done $0x0  }
0x1e0: {  	[sflag:s28] =	ssyncadd.s32 $0xFFFFC000  }
0x1e1: {  	[spmem:s3] =	stream.indirect.scatter.add.s16 [tilespmem:s25], [sflag:$0x4], $0x20, s12, s22, $0xb8;
	[tilespmem:$0x17000] =	vst v63  }
0x1e2: {  	_ =	swait.ge [sflag:s30], $0x4000  }
0x1e3: {  	[sflag:s30] =	ssyncset.done $0x0  }
0x1e4: {  	s10 =	simm.s32 $0xD800;
	[sflag:s30] =	ssyncadd.s32 $0xFFFFC000  }
0x1e5: {  	[tilespmem:s23], [sflag:$0x1] =	stream.indirect.gather [hbm4b:s6+s22], $0x20, s10, s22, $0xb8;
	[tilespmem:$0x17000] =	vst v63  }
0x1e6: {  	_ =	swait.ge [sflag:s0], $0x4000  }
0x1e7: {  	[sflag:s0] =	ssyncset.done $0x0  }
0x1e8: {  	s12 =	simm.s32 $0xDA00;
	[sflag:s0] =	ssyncadd.s32 $0xFFFFC000  }
0x1e9: {  	[tilespmem:s25], [sflag:$0x2] =	stream.indirect.gather [hbm4b:s6+s22], $0x20, s12, s22, $0xb8;
	[tilespmem:$0x17000] =	vst v63  }
0x1ea: {  	_ =	swait.ge [sflag:s26], $0x4000  }
0x1eb: {  	[sflag:s26] =	ssyncset.done $0x0  }
0x1ec: {  	s10 =	simm.s32 $0xEC00;
	[sflag:s26] =	ssyncadd.s32 $0xFFFFC000  }
0x1ed: {  	[spmem:s3] =	stream.indirect.scatter.add.s16 [tilespmem:s23], [sflag:$0x3], $0x20, s10, s22, $0xb8;
	[tilespmem:$0x17000] =	vst v63  }
0x1ee: {  	_ =	swait.ge [sflag:s28], $0x4000  }
0x1ef: {  	s2 =	simm.s32 $0x500;
	s16 =	simm.s32 $0xCC00;
	[sflag:s28] =	ssyncset.done $0x0  }
0x1f0: {  	s24 =	simm.s32 $0xE200;
	s12 =	simm.s32 $0xEE00;
	[sflag:s28] =	ssyncadd.s32 $0xFFFFC000  }
0x1f1: {  	[spmem:s3] =	stream.indirect.scatter.add.s16 [tilespmem:s25], [sflag:$0x4], $0x20, s12, s22, $0xb8;
	[tilespmem:$0x17000] =	vst v63  }
0x1f2: {  	s13 =	simm.s32 $0xE000;
	s11 =	simm.s32 $0xCE00;
	_ =	swait.ge [sflag:s30], $0x4000  }
0x1f3: {  	s29 =	simm.s32 $0x280;
	s14 =	simm.s32 $0xD000;
	[sflag:s30] =	ssyncset.done $0x0  }
0x1f4: {  	s15 =	simm.s32 $0xD200;
	s17 =	simm.s32 $0xE400;
	[sflag:s30] =	ssyncadd.s32 $0xFFFFC000  }
0x1f5: {  	s18 =	simm.s32 $0xE600;
	s9 =	simm.s32 $0xD600;
	_ =	swait.ge [sflag:s0], $0x4000  }
0x1f6: {  	s8 =	simm.s32 $0xE800;
	s1 =	simm.s32 $0xEA00;
	[sflag:s0] =	ssyncset.done $0x0  }
.LBB2_10:
0x1f7: {  	s10 =	sadd.s32 s29, s31;
	[sflag:s0] =	ssyncadd.s32 $0xFFFFC000  }
0x1f8: {  	[tilespmem:s20], [sflag:$0x5] =	stream.linear.gather [hbm4b:s10+s4], $0x1400, $0x38;
	[tilespmem:$0x17000] =	vst v63  }
0x1f9: {  	_ =	swait.ge [sflag:s19], $0x1400  }
0x1fa: {  	s12 =	smov.u32 s2;
	s31 =	sadd.s32 $0x280, s2;
	[sflag:s19] =	ssyncset.done $0x0  }
0x1fb: {  	p1 =	sne.s32 s2, $0xA00;
	s2 =	sadd.s32 s29, s7;
	[sflag:s19] =	ssyncadd.s32 $0xFFFFEC00  }
0x1fc: {  	[tilespmem:s21], [sflag:$0x5] =	stream.linear.gather [hbm4b:s2+s4], $0x1400, $0x38;
	[tilespmem:$0x17000] =	vst v63  }
0x1fd: {  	_ =	swait.ge [sflag:s19], $0x1400  }
0x1fe: {  	[sflag:s19] =	ssyncset.done $0x0  }
0x1ff: {  	[sflag:s19] =	ssyncadd.s32 $0xFFFFEC00  }
0x200: {  	[tilespmem:s23], [sflag:$0x1] =	stream.indirect.gather [hbm4b:s6+s22], $0x20, s20, s22, $0xb8;
	[tilespmem:$0x17000] =	vst v63  }
0x201: {  	s10 =	simm.s32 $0xCA00  }
0x202: {  	[tilespmem:s25], [sflag:$0x2] =	stream.indirect.gather [hbm4b:s6+s22], $0x20, s10, s22, $0xb8;
	[tilespmem:$0x17000] =	vst v63  }
0x203: {  	_ =	swait.ge [sflag:s26], $0x4000  }
0x204: {  	[sflag:s26] =	ssyncset.done $0x0  }
0x205: {  	[sflag:s26] =	ssyncadd.s32 $0xFFFFC000  }
0x206: {  	[spmem:s3] =	stream.indirect.scatter.add.s16 [tilespmem:s23], [sflag:$0x3], $0x20, s21, s22, $0xb8;
	[tilespmem:$0x17000] =	vst v63  }
0x207: {  	_ =	swait.ge [sflag:s28], $0x4000  }
0x208: {  	[sflag:s28] =	ssyncset.done $0x0  }
0x209: {  	s29 =	smov.u32 s12;
	s12 =	simm.s32 $0xDE00;
	[sflag:s28] =	ssyncadd.s32 $0xFFFFC000  }
0x20a: {  	[spmem:s3] =	stream.indirect.scatter.add.s16 [tilespmem:s25], [sflag:$0x4], $0x20, s12, s22, $0xb8;
	[tilespmem:$0x17000] =	vst v63  }
0x20b: {  	_ =	swait.ge [sflag:s30], $0x4000  }
0x20c: {  	[sflag:s30] =	ssyncset.done $0x0  }
0x20d: {  	[sflag:s30] =	ssyncadd.s32 $0xFFFFC000  }
0x20e: {  	[tilespmem:s23], [sflag:$0x1] =	stream.indirect.gather [hbm4b:s6+s22], $0x20, s16, s22, $0xb8;
	[tilespmem:$0x17000] =	vst v63  }
0x20f: {  	_ =	swait.ge [sflag:s0], $0x4000  }
0x210: {  	[sflag:s0] =	ssyncset.done $0x0  }
0x211: {  	[sflag:s0] =	ssyncadd.s32 $0xFFFFC000  }
0x212: {  	[tilespmem:s25], [sflag:$0x2] =	stream.indirect.gather [hbm4b:s6+s22], $0x20, s11, s22, $0xb8;
	[tilespmem:$0x17000] =	vst v63  }
0x213: {  	_ =	swait.ge [sflag:s26], $0x4000  }
0x214: {  	[sflag:s26] =	ssyncset.done $0x0  }
0x215: {  	[sflag:s26] =	ssyncadd.s32 $0xFFFFC000  }
0x216: {  	[spmem:s3] =	stream.indirect.scatter.add.s16 [tilespmem:s23], [sflag:$0x3], $0x20, s13, s22, $0xb8;
	[tilespmem:$0x17000] =	vst v63  }
0x217: {  	_ =	swait.ge [sflag:s28], $0x4000  }
0x218: {  	[sflag:s28] =	ssyncset.done $0x0  }
0x219: {  	[sflag:s28] =	ssyncadd.s32 $0xFFFFC000  }
0x21a: {  	[spmem:s3] =	stream.indirect.scatter.add.s16 [tilespmem:s25], [sflag:$0x4], $0x20, s24, s22, $0xb8;
	[tilespmem:$0x17000] =	vst v63  }
0x21b: {  	_ =	swait.ge [sflag:s30], $0x4000  }
0x21c: {  	[sflag:s30] =	ssyncset.done $0x0  }
0x21d: {  	[sflag:s30] =	ssyncadd.s32 $0xFFFFC000  }
0x21e: {  	[tilespmem:s23], [sflag:$0x1] =	stream.indirect.gather [hbm4b:s6+s22], $0x20, s14, s22, $0xb8;
	[tilespmem:$0x17000] =	vst v63  }
0x21f: {  	_ =	swait.ge [sflag:s0], $0x4000  }
0x220: {  	[sflag:s0] =	ssyncset.done $0x0  }
0x221: {  	[sflag:s0] =	ssyncadd.s32 $0xFFFFC000  }
0x222: {  	[tilespmem:s25], [sflag:$0x2] =	stream.indirect.gather [hbm4b:s6+s22], $0x20, s15, s22, $0xb8;
	[tilespmem:$0x17000] =	vst v63  }
0x223: {  	_ =	swait.ge [sflag:s26], $0x4000  }
0x224: {  	[sflag:s26] =	ssyncset.done $0x0  }
0x225: {  	[sflag:s26] =	ssyncadd.s32 $0xFFFFC000  }
0x226: {  	[spmem:s3] =	stream.indirect.scatter.add.s16 [tilespmem:s23], [sflag:$0x3], $0x20, s17, s22, $0xb8;
	[tilespmem:$0x17000] =	vst v63  }
0x227: {  	_ =	swait.ge [sflag:s28], $0x4000  }
0x228: {  	[sflag:s28] =	ssyncset.done $0x0  }
0x229: {  	[sflag:s28] =	ssyncadd.s32 $0xFFFFC000  }
0x22a: {  	[spmem:s3] =	stream.indirect.scatter.add.s16 [tilespmem:s25], [sflag:$0x4], $0x20, s18, s22, $0xb8;
	[tilespmem:$0x17000] =	vst v63  }
0x22b: {  	_ =	swait.ge [sflag:s30], $0x4000  }
0x22c: {  	[sflag:s30] =	ssyncset.done $0x0  }
0x22d: {  	s2 =	simm.s32 $0xD400;
	[sflag:s30] =	ssyncadd.s32 $0xFFFFC000  }
0x22e: {  	[tilespmem:s23], [sflag:$0x1] =	stream.indirect.gather [hbm4b:s6+s22], $0x20, s2, s22, $0xb8;
	[tilespmem:$0x17000] =	vst v63  }
0x22f: {  	_ =	swait.ge [sflag:s0], $0x4000  }
0x230: {  	[sflag:s0] =	ssyncset.done $0x0  }
0x231: {  	[sflag:s0] =	ssyncadd.s32 $0xFFFFC000  }
0x232: {  	[tilespmem:s25], [sflag:$0x2] =	stream.indirect.gather [hbm4b:s6+s22], $0x20, s9, s22, $0xb8;
	[tilespmem:$0x17000] =	vst v63  }
0x233: {  	_ =	swait.ge [sflag:s26], $0x4000  }
0x234: {  	[sflag:s26] =	ssyncset.done $0x0  }
0x235: {  	[sflag:s26] =	ssyncadd.s32 $0xFFFFC000  }
0x236: {  	[spmem:s3] =	stream.indirect.scatter.add.s16 [tilespmem:s23], [sflag:$0x3], $0x20, s8, s22, $0xb8;
	[tilespmem:$0x17000] =	vst v63  }
0x237: {  	_ =	swait.ge [sflag:s28], $0x4000  }
0x238: {  	[sflag:s28] =	ssyncset.done $0x0  }
0x239: {  	[sflag:s28] =	ssyncadd.s32 $0xFFFFC000  }
0x23a: {  	[spmem:s3] =	stream.indirect.scatter.add.s16 [tilespmem:s25], [sflag:$0x4], $0x20, s1, s22, $0xb8;
	[tilespmem:$0x17000] =	vst v63  }
0x23b: {  	_ =	swait.ge [sflag:s30], $0x4000  }
0x23c: {  	[sflag:s30] =	ssyncset.done $0x0  }
0x23d: {  	s2 =	simm.s32 $0xD800;
	[sflag:s30] =	ssyncadd.s32 $0xFFFFC000  }
0x23e: {  	[tilespmem:s23], [sflag:$0x1] =	stream.indirect.gather [hbm4b:s6+s22], $0x20, s2, s22, $0xb8;
	[tilespmem:$0x17000] =	vst v63  }
0x23f: {  	_ =	swait.ge [sflag:s0], $0x4000  }
0x240: {  	[sflag:s0] =	ssyncset.done $0x0  }
0x241: {  	s2 =	simm.s32 $0xDA00;
	[sflag:s0] =	ssyncadd.s32 $0xFFFFC000  }
0x242: {  	[tilespmem:s25], [sflag:$0x2] =	stream.indirect.gather [hbm4b:s6+s22], $0x20, s2, s22, $0xb8;
	[tilespmem:$0x17000] =	vst v63  }
0x243: {  	_ =	swait.ge [sflag:s26], $0x4000  }
0x244: {  	[sflag:s26] =	ssyncset.done $0x0  }
0x245: {  	s2 =	simm.s32 $0xEC00;
	[sflag:s26] =	ssyncadd.s32 $0xFFFFC000  }
0x246: {  	[spmem:s3] =	stream.indirect.scatter.add.s16 [tilespmem:s23], [sflag:$0x3], $0x20, s2, s22, $0xb8;
	[tilespmem:$0x17000] =	vst v63  }
0x247: {  	_ =	swait.ge [sflag:s28], $0x4000  }
0x248: {  	[sflag:s28] =	ssyncset.done $0x0  }
0x249: {  	s2 =	simm.s32 $0xEE00;
	[sflag:s28] =	ssyncadd.s32 $0xFFFFC000  }
0x24a: {  	[spmem:s3] =	stream.indirect.scatter.add.s16 [tilespmem:s25], [sflag:$0x4], $0x20, s2, s22, $0xb8;
	[tilespmem:$0x17000] =	vst v63  }
.Ltmp4:
0x24b: {  	_ =	swait.ge [sflag:s30], $0x4000;
	(pc) =	sbr.rel @p1 .LBB2_10-.Ltmp4, $4  }
0x24c: {  	[sflag:s30] =	ssyncset.done $0x0  }
0x24d: {  	[sflag:s30] =	ssyncadd.s32 $0xFFFFC000  }
0x24e: {  	_ =	swait.ge [sflag:s0], $0x4000  }
0x24f: {  	s2 =	smov.u32 s31;
	[sflag:s0] =	ssyncset.done $0x0;
	s31 =	rddreg [dreg:$0x6]  }
.Ltmp5:
0x250: {  	_ = 	snop;
	(pc) =	sbr.rel .LBB2_11-.Ltmp5, $1  }
0x251: {  	_ =	sdelay $0x3  }
.LBB2_2:
0x252: {  	[tilespmem:s20], [sflag:$0x5] =	stream.linear.gather [hbm4b:s2+s4], $0x1400, $0x38;
	[tilespmem:$0x17000] =	vst v63  }
0x253: {  	_ =	swait.ge [sflag:s19], $0x1400  }
0x254: {  	[sflag:s19] =	ssyncset.done $0x0;
	s7 =	rddreg [dreg:$0x4]  }
0x255: {  	[sflag:s19] =	ssyncadd.s32 $0xFFFFEC00;
	s13 =	sadd.s32 $0x0, s7  }
0x256: {  	[tilespmem:s21], [sflag:$0x5] =	stream.linear.gather [hbm4b:s13+s4], $0x1400, $0x38;
	[tilespmem:$0x17000] =	vst v63  }
0x257: {  	_ =	swait.ge [sflag:s19], $0x1400  }
0x258: {  	[sflag:s19] =	ssyncset.done $0x0  }
0x259: {  	[sflag:s19] =	ssyncadd.s32 $0xFFFFEC00  }
0x25a: {  	[tilespmem:s23], [sflag:$0x1] =	stream.indirect.gather [hbm4b:s5+s22], $0x20, s20, s22, $0xb8;
	[tilespmem:$0x17000] =	vst v63  }
0x25b: {  	s14 =	simm.s32 $0xCA00  }
0x25c: {  	[tilespmem:s25], [sflag:$0x2] =	stream.indirect.gather [hbm4b:s5+s22], $0x20, s14, s22, $0xb8;
	[tilespmem:$0x17000] =	vst v63  }
0x25d: {  	_ =	swait.ge [sflag:s26], $0x4000  }
0x25e: {  	[sflag:s26] =	ssyncset.done $0x0  }
0x25f: {  	[sflag:s26] =	ssyncadd.s32 $0xFFFFC000  }
0x260: {  	[spmem:s3] =	stream.indirect.scatter.add.s16 [tilespmem:s23], [sflag:$0x3], $0x20, s21, s22, $0xb8;
	[tilespmem:$0x17000] =	vst v63  }
0x261: {  	_ =	swait.ge [sflag:s28], $0x4000  }
0x262: {  	[sflag:s28] =	ssyncset.done $0x0  }
0x263: {  	s1 =	simm.s32 $0xDE00;
	[sflag:s28] =	ssyncadd.s32 $0xFFFFC000  }
0x264: {  	[spmem:s3] =	stream.indirect.scatter.add.s16 [tilespmem:s25], [sflag:$0x4], $0x20, s1, s22, $0xb8;
	[tilespmem:$0x17000] =	vst v63  }
0x265: {  	_ =	swait.ge [sflag:s30], $0x4000  }
0x266: {  	[sflag:s30] =	ssyncset.done $0x0  }
0x267: {  	s15 =	simm.s32 $0xCC00;
	[sflag:s30] =	ssyncadd.s32 $0xFFFFC000  }
0x268: {  	[tilespmem:s23], [sflag:$0x1] =	stream.indirect.gather [hbm4b:s5+s22], $0x20, s15, s22, $0xb8;
	[tilespmem:$0x17000] =	vst v63  }
0x269: {  	_ =	swait.ge [sflag:s0], $0x4000  }
0x26a: {  	[sflag:s0] =	ssyncset.done $0x0  }
0x26b: {  	s16 =	simm.s32 $0xCE00;
	[sflag:s0] =	ssyncadd.s32 $0xFFFFC000  }
0x26c: {  	[tilespmem:s25], [sflag:$0x2] =	stream.indirect.gather [hbm4b:s5+s22], $0x20, s16, s22, $0xb8;
	[tilespmem:$0x17000] =	vst v63  }
0x26d: {  	_ =	swait.ge [sflag:s26], $0x4000  }
0x26e: {  	[sflag:s26] =	ssyncset.done $0x0  }
0x26f: {  	s17 =	simm.s32 $0xE000;
	[sflag:s26] =	ssyncadd.s32 $0xFFFFC000  }
0x270: {  	[spmem:s3] =	stream.indirect.scatter.add.s16 [tilespmem:s23], [sflag:$0x3], $0x20, s17, s22, $0xb8;
	[tilespmem:$0x17000] =	vst v63  }
0x271: {  	_ =	swait.ge [sflag:s28], $0x4000  }
0x272: {  	[sflag:s28] =	ssyncset.done $0x0  }
0x273: {  	s18 =	simm.s32 $0xE200;
	[sflag:s28] =	ssyncadd.s32 $0xFFFFC000  }
0x274: {  	[spmem:s3] =	stream.indirect.scatter.add.s16 [tilespmem:s25], [sflag:$0x4], $0x20, s18, s22, $0xb8;
	[tilespmem:$0x17000] =	vst v63  }
0x275: {  	_ =	swait.ge [sflag:s30], $0x4000  }
0x276: {  	[sflag:s30] =	ssyncset.done $0x0  }
0x277: {  	s24 =	simm.s32 $0xD000;
	[sflag:s30] =	ssyncadd.s32 $0xFFFFC000  }
0x278: {  	[tilespmem:s23], [sflag:$0x1] =	stream.indirect.gather [hbm4b:s5+s22], $0x20, s24, s22, $0xb8;
	[tilespmem:$0x17000] =	vst v63  }
0x279: {  	_ =	swait.ge [sflag:s0], $0x4000  }
0x27a: {  	[sflag:s0] =	ssyncset.done $0x0  }
0x27b: {  	s1 =	simm.s32 $0xD200;
	[sflag:s0] =	ssyncadd.s32 $0xFFFFC000  }
0x27c: {  	[tilespmem:s25], [sflag:$0x2] =	stream.indirect.gather [hbm4b:s5+s22], $0x20, s1, s22, $0xb8;
	[tilespmem:$0x17000] =	vst v63  }
0x27d: {  	_ =	swait.ge [sflag:s26], $0x4000  }
0x27e: {  	[sflag:s26] =	ssyncset.done $0x0  }
0x27f: {  	s8 =	simm.s32 $0xE400;
	[sflag:s26] =	ssyncadd.s32 $0xFFFFC000  }
0x280: {  	[spmem:s3] =	stream.indirect.scatter.add.s16 [tilespmem:s23], [sflag:$0x3], $0x20, s8, s22, $0xb8;
	[tilespmem:$0x17000] =	vst v63  }
0x281: {  	_ =	swait.ge [sflag:s28], $0x4000  }
0x282: {  	[sflag:s28] =	ssyncset.done $0x0  }
0x283: {  	s9 =	simm.s32 $0xE600;
	[sflag:s28] =	ssyncadd.s32 $0xFFFFC000  }
0x284: {  	[spmem:s3] =	stream.indirect.scatter.add.s16 [tilespmem:s25], [sflag:$0x4], $0x20, s9, s22, $0xb8;
	[tilespmem:$0x17000] =	vst v63  }
0x285: {  	_ =	swait.ge [sflag:s30], $0x4000  }
0x286: {  	[sflag:s30] =	ssyncset.done $0x0  }
0x287: {  	s10 =	simm.s32 $0xD400;
	[sflag:s30] =	ssyncadd.s32 $0xFFFFC000  }
0x288: {  	[tilespmem:s23], [sflag:$0x1] =	stream.indirect.gather [hbm4b:s5+s22], $0x20, s10, s22, $0xb8;
	[tilespmem:$0x17000] =	vst v63  }
0x289: {  	_ =	swait.ge [sflag:s0], $0x4000  }
0x28a: {  	[sflag:s0] =	ssyncset.done $0x0  }
0x28b: {  	s11 =	simm.s32 $0xD600;
	[sflag:s0] =	ssyncadd.s32 $0xFFFFC000  }
0x28c: {  	[tilespmem:s25], [sflag:$0x2] =	stream.indirect.gather [hbm4b:s5+s22], $0x20, s11, s22, $0xb8;
	[tilespmem:$0x17000] =	vst v63  }
0x28d: {  	_ =	swait.ge [sflag:s26], $0x4000  }
0x28e: {  	[sflag:s26] =	ssyncset.done $0x0  }
0x28f: {  	s13 =	simm.s32 $0xE800;
	[sflag:s26] =	ssyncadd.s32 $0xFFFFC000  }
0x290: {  	[spmem:s3] =	stream.indirect.scatter.add.s16 [tilespmem:s23], [sflag:$0x3], $0x20, s13, s22, $0xb8;
	[tilespmem:$0x17000] =	vst v63  }
0x291: {  	_ =	swait.ge [sflag:s28], $0x4000  }
0x292: {  	[sflag:s28] =	ssyncset.done $0x0  }
0x293: {  	s14 =	simm.s32 $0xEA00;
	[sflag:s28] =	ssyncadd.s32 $0xFFFFC000  }
0x294: {  	[spmem:s3] =	stream.indirect.scatter.add.s16 [tilespmem:s25], [sflag:$0x4], $0x20, s14, s22, $0xb8;
	[tilespmem:$0x17000] =	vst v63  }
0x295: {  	_ =	swait.ge [sflag:s30], $0x4000  }
0x296: {  	[sflag:s30] =	ssyncset.done $0x0  }
0x297: {  	s24 =	simm.s32 $0xD800;
	[sflag:s30] =	ssyncadd.s32 $0xFFFFC000  }
0x298: {  	[tilespmem:s23], [sflag:$0x1] =	stream.indirect.gather [hbm4b:s5+s22], $0x20, s24, s22, $0xb8;
	[tilespmem:$0x17000] =	vst v63  }
0x299: {  	_ =	swait.ge [sflag:s0], $0x4000  }
0x29a: {  	[sflag:s0] =	ssyncset.done $0x0  }
0x29b: {  	s10 =	simm.s32 $0xDA00;
	[sflag:s0] =	ssyncadd.s32 $0xFFFFC000  }
0x29c: {  	[tilespmem:s25], [sflag:$0x2] =	stream.indirect.gather [hbm4b:s5+s22], $0x20, s10, s22, $0xb8;
	[tilespmem:$0x17000] =	vst v63  }
0x29d: {  	_ =	swait.ge [sflag:s26], $0x4000  }
0x29e: {  	[sflag:s26] =	ssyncset.done $0x0  }
0x29f: {  	s14 =	simm.s32 $0xEC00;
	[sflag:s26] =	ssyncadd.s32 $0xFFFFC000  }
0x2a0: {  	[spmem:s3] =	stream.indirect.scatter.add.s16 [tilespmem:s23], [sflag:$0x3], $0x20, s14, s22, $0xb8;
	[tilespmem:$0x17000] =	vst v63  }
0x2a1: {  	_ =	swait.ge [sflag:s28], $0x4000  }
0x2a2: {  	s29 =	simm.s32 $0x280;
	s31 =	simm.s32 $0x500;
	[sflag:s28] =	ssyncset.done $0x0  }
0x2a3: {  	s15 =	simm.s32 $0xD200;
	s10 =	simm.s32 $0xEE00;
	[sflag:s28] =	ssyncadd.s32 $0xFFFFC000  }
0x2a4: {  	[spmem:s3] =	stream.indirect.scatter.add.s16 [tilespmem:s25], [sflag:$0x4], $0x20, s10, s22, $0xb8;
	[tilespmem:$0x17000] =	vst v63  }
0x2a5: {  	s16 =	simm.s32 $0xEA00;
	s17 =	simm.s32 $0xE400;
	_ =	swait.ge [sflag:s30], $0x4000  }
0x2a6: {  	s18 =	simm.s32 $0xE600;
	s1 =	simm.s32 $0xD400;
	[sflag:s30] =	ssyncset.done $0x0  }
0x2a7: {  	s8 =	simm.s32 $0xE800;
	s9 =	simm.s32 $0xD600;
	[sflag:s30] =	ssyncadd.s32 $0xFFFFC000  }
0x2a8: {  	s11 =	simm.s32 $0xD800;
	s13 =	simm.s32 $0xDA00;
	_ =	swait.ge [sflag:s0], $0x4000  }
0x2a9: {  	s24 =	simm.s32 $0xEC00;
	s14 =	simm.s32 $0xEE00;
	[sflag:s0] =	ssyncset.done $0x0  }
.LBB2_3:
0x2aa: {  	s10 =	sadd.s32 s29, s12;
	[sflag:s0] =	ssyncadd.s32 $0xFFFFC000  }
0x2ab: {  	[tilespmem:s20], [sflag:$0x5] =	stream.linear.gather [hbm4b:s10+s4], $0x1400, $0x38;
	[tilespmem:$0x17000] =	vst v63  }
0x2ac: {  	_ =	swait.ge [sflag:s19], $0x1400  }
0x2ad: {  	[sflag:s19] =	ssyncset.done $0x0  }
0x2ae: {  	s12 =	smov.u32 s31;
	s10 =	sadd.s32 s29, s7;
	[sflag:s19] =	ssyncadd.s32 $0xFFFFEC00  }
0x2af: {  	[tilespmem:s21], [sflag:$0x5] =	stream.linear.gather [hbm4b:s10+s4], $0x1400, $0x38;
	[tilespmem:$0x17000] =	vst v63  }
0x2b0: {  	s29 =	smov.u32 s12;
	s12 =	rddreg [dreg:$0x5];
	_ =	swait.ge [sflag:s19], $0x1400  }
0x2b1: {  	[sflag:s19] =	ssyncset.done $0x0  }
0x2b2: {  	[sflag:s19] =	ssyncadd.s32 $0xFFFFEC00  }
0x2b3: {  	[tilespmem:s23], [sflag:$0x1] =	stream.indirect.gather [hbm4b:s5+s22], $0x20, s20, s22, $0xb8;
	[tilespmem:$0x17000] =	vst v63  }
0x2b4: {  	s10 =	simm.s32 $0xCA00  }
0x2b5: {  	[tilespmem:s25], [sflag:$0x2] =	stream.indirect.gather [hbm4b:s5+s22], $0x20, s10, s22, $0xb8;
	[tilespmem:$0x17000] =	vst v63  }
0x2b6: {  	_ =	swait.ge [sflag:s26], $0x4000  }
0x2b7: {  	[sflag:s26] =	ssyncset.done $0x0  }
0x2b8: {  	[sflag:s26] =	ssyncadd.s32 $0xFFFFC000  }
0x2b9: {  	[spmem:s3] =	stream.indirect.scatter.add.s16 [tilespmem:s23], [sflag:$0x3], $0x20, s21, s22, $0xb8;
	[tilespmem:$0x17000] =	vst v63  }
0x2ba: {  	_ =	swait.ge [sflag:s28], $0x4000  }
0x2bb: {  	s2 =	sadd.s32 $0x280, s31;
	[sflag:s28] =	ssyncset.done $0x0  }
0x2bc: {  	p1 =	sne.s32 s31, $0xA00;
	s31 =	simm.s32 $0xDE00;
	[sflag:s28] =	ssyncadd.s32 $0xFFFFC000  }
0x2bd: {  	[spmem:s3] =	stream.indirect.scatter.add.s16 [tilespmem:s25], [sflag:$0x4], $0x20, s31, s22, $0xb8;
	[tilespmem:$0x17000] =	vst v63  }
0x2be: {  	_ =	swait.ge [sflag:s30], $0x4000  }
0x2bf: {  	[sflag:s30] =	ssyncset.done $0x0  }
0x2c0: {  	s31 =	simm.s32 $0xCC00;
	[sflag:s30] =	ssyncadd.s32 $0xFFFFC000  }
0x2c1: {  	[tilespmem:s23], [sflag:$0x1] =	stream.indirect.gather [hbm4b:s5+s22], $0x20, s31, s22, $0xb8;
	[tilespmem:$0x17000] =	vst v63  }
0x2c2: {  	_ =	swait.ge [sflag:s0], $0x4000  }
0x2c3: {  	[sflag:s0] =	ssyncset.done $0x0  }
0x2c4: {  	s31 =	simm.s32 $0xCE00;
	[sflag:s0] =	ssyncadd.s32 $0xFFFFC000  }
0x2c5: {  	[tilespmem:s25], [sflag:$0x2] =	stream.indirect.gather [hbm4b:s5+s22], $0x20, s31, s22, $0xb8;
	[tilespmem:$0x17000] =	vst v63  }
0x2c6: {  	_ =	swait.ge [sflag:s26], $0x4000  }
0x2c7: {  	[sflag:s26] =	ssyncset.done $0x0  }
0x2c8: {  	s31 =	simm.s32 $0xE000;
	[sflag:s26] =	ssyncadd.s32 $0xFFFFC000  }
0x2c9: {  	[spmem:s3] =	stream.indirect.scatter.add.s16 [tilespmem:s23], [sflag:$0x3], $0x20, s31, s22, $0xb8;
	[tilespmem:$0x17000] =	vst v63  }
0x2ca: {  	_ =	swait.ge [sflag:s28], $0x4000  }
0x2cb: {  	[sflag:s28] =	ssyncset.done $0x0  }
0x2cc: {  	s31 =	simm.s32 $0xE200;
	[sflag:s28] =	ssyncadd.s32 $0xFFFFC000  }
0x2cd: {  	[spmem:s3] =	stream.indirect.scatter.add.s16 [tilespmem:s25], [sflag:$0x4], $0x20, s31, s22, $0xb8;
	[tilespmem:$0x17000] =	vst v63  }
0x2ce: {  	_ =	swait.ge [sflag:s30], $0x4000  }
0x2cf: {  	[sflag:s30] =	ssyncset.done $0x0  }
0x2d0: {  	s31 =	simm.s32 $0xD000;
	[sflag:s30] =	ssyncadd.s32 $0xFFFFC000  }
0x2d1: {  	[tilespmem:s23], [sflag:$0x1] =	stream.indirect.gather [hbm4b:s5+s22], $0x20, s31, s22, $0xb8;
	[tilespmem:$0x17000] =	vst v63  }
0x2d2: {  	_ =	swait.ge [sflag:s0], $0x4000  }
0x2d3: {  	[sflag:s0] =	ssyncset.done $0x0  }
0x2d4: {  	[sflag:s0] =	ssyncadd.s32 $0xFFFFC000  }
0x2d5: {  	[tilespmem:s25], [sflag:$0x2] =	stream.indirect.gather [hbm4b:s5+s22], $0x20, s15, s22, $0xb8;
	[tilespmem:$0x17000] =	vst v63  }
0x2d6: {  	_ =	swait.ge [sflag:s26], $0x4000  }
0x2d7: {  	[sflag:s26] =	ssyncset.done $0x0  }
0x2d8: {  	[sflag:s26] =	ssyncadd.s32 $0xFFFFC000  }
0x2d9: {  	[spmem:s3] =	stream.indirect.scatter.add.s16 [tilespmem:s23], [sflag:$0x3], $0x20, s17, s22, $0xb8;
	[tilespmem:$0x17000] =	vst v63  }
0x2da: {  	_ =	swait.ge [sflag:s28], $0x4000  }
0x2db: {  	[sflag:s28] =	ssyncset.done $0x0  }
0x2dc: {  	[sflag:s28] =	ssyncadd.s32 $0xFFFFC000  }
0x2dd: {  	[spmem:s3] =	stream.indirect.scatter.add.s16 [tilespmem:s25], [sflag:$0x4], $0x20, s18, s22, $0xb8;
	[tilespmem:$0x17000] =	vst v63  }
0x2de: {  	_ =	swait.ge [sflag:s30], $0x4000  }
0x2df: {  	[sflag:s30] =	ssyncset.done $0x0  }
0x2e0: {  	[sflag:s30] =	ssyncadd.s32 $0xFFFFC000  }
0x2e1: {  	[tilespmem:s23], [sflag:$0x1] =	stream.indirect.gather [hbm4b:s5+s22], $0x20, s1, s22, $0xb8;
	[tilespmem:$0x17000] =	vst v63  }
0x2e2: {  	_ =	swait.ge [sflag:s0], $0x4000  }
0x2e3: {  	[sflag:s0] =	ssyncset.done $0x0  }
0x2e4: {  	[sflag:s0] =	ssyncadd.s32 $0xFFFFC000  }
0x2e5: {  	[tilespmem:s25], [sflag:$0x2] =	stream.indirect.gather [hbm4b:s5+s22], $0x20, s9, s22, $0xb8;
	[tilespmem:$0x17000] =	vst v63  }
0x2e6: {  	_ =	swait.ge [sflag:s26], $0x4000  }
0x2e7: {  	[sflag:s26] =	ssyncset.done $0x0  }
0x2e8: {  	[sflag:s26] =	ssyncadd.s32 $0xFFFFC000  }
0x2e9: {  	[spmem:s3] =	stream.indirect.scatter.add.s16 [tilespmem:s23], [sflag:$0x3], $0x20, s8, s22, $0xb8;
	[tilespmem:$0x17000] =	vst v63  }
0x2ea: {  	_ =	swait.ge [sflag:s28], $0x4000  }
0x2eb: {  	[sflag:s28] =	ssyncset.done $0x0  }
0x2ec: {  	[sflag:s28] =	ssyncadd.s32 $0xFFFFC000  }
0x2ed: {  	[spmem:s3] =	stream.indirect.scatter.add.s16 [tilespmem:s25], [sflag:$0x4], $0x20, s16, s22, $0xb8;
	[tilespmem:$0x17000] =	vst v63  }
0x2ee: {  	_ =	swait.ge [sflag:s30], $0x4000  }
0x2ef: {  	[sflag:s30] =	ssyncset.done $0x0  }
0x2f0: {  	[sflag:s30] =	ssyncadd.s32 $0xFFFFC000  }
0x2f1: {  	[tilespmem:s23], [sflag:$0x1] =	stream.indirect.gather [hbm4b:s5+s22], $0x20, s11, s22, $0xb8;
	[tilespmem:$0x17000] =	vst v63  }
0x2f2: {  	_ =	swait.ge [sflag:s0], $0x4000  }
0x2f3: {  	[sflag:s0] =	ssyncset.done $0x0  }
0x2f4: {  	[sflag:s0] =	ssyncadd.s32 $0xFFFFC000  }
0x2f5: {  	[tilespmem:s25], [sflag:$0x2] =	stream.indirect.gather [hbm4b:s5+s22], $0x20, s13, s22, $0xb8;
	[tilespmem:$0x17000] =	vst v63  }
0x2f6: {  	_ =	swait.ge [sflag:s26], $0x4000  }
0x2f7: {  	[sflag:s26] =	ssyncset.done $0x0  }
0x2f8: {  	[sflag:s26] =	ssyncadd.s32 $0xFFFFC000  }
0x2f9: {  	[spmem:s3] =	stream.indirect.scatter.add.s16 [tilespmem:s23], [sflag:$0x3], $0x20, s24, s22, $0xb8;
	[tilespmem:$0x17000] =	vst v63  }
0x2fa: {  	_ =	swait.ge [sflag:s28], $0x4000  }
0x2fb: {  	[sflag:s28] =	ssyncset.done $0x0  }
0x2fc: {  	[sflag:s28] =	ssyncadd.s32 $0xFFFFC000  }
0x2fd: {  	[spmem:s3] =	stream.indirect.scatter.add.s16 [tilespmem:s25], [sflag:$0x4], $0x20, s14, s22, $0xb8;
	[tilespmem:$0x17000] =	vst v63  }
.Ltmp6:
0x2fe: {  	_ =	swait.ge [sflag:s30], $0x4000;
	(pc) =	sbr.rel @p1 .LBB2_3-.Ltmp6, $4  }
0x2ff: {  	[sflag:s30] =	ssyncset.done $0x0  }
0x300: {  	[sflag:s30] =	ssyncadd.s32 $0xFFFFC000  }
0x301: {  	_ =	swait.ge [sflag:s0], $0x4000  }
0x302: {  	s31 =	smov.u32 s2;
	[sflag:s0] =	ssyncset.done $0x0  }
0x303: {  	s2 =	sadd.s32 s29, s12;
	[sflag:s0] =	ssyncadd.s32 $0xFFFFC000  }
0x304: {  	[tilespmem:s20], [sflag:$0x5] =	stream.linear.gather [hbm4b:s2+s4], $0x1400, $0x38;
	[tilespmem:$0x17000] =	vst v63  }
0x305: {  	_ =	swait.ge [sflag:s19], $0x1400  }
0x306: {  	[sflag:s19] =	ssyncset.done $0x0  }
0x307: {  	s1 =	sadd.s32 s29, s7;
	[sflag:s19] =	ssyncadd.s32 $0xFFFFEC00  }
0x308: {  	[tilespmem:s21], [sflag:$0x5] =	stream.linear.gather [hbm4b:s1+s4], $0x1400, $0x38;
	[tilespmem:$0x17000] =	vst v63  }
0x309: {  	_ =	swait.ge [sflag:s19], $0x1400  }
0x30a: {  	[sflag:s19] =	ssyncset.done $0x0  }
0x30b: {  	[sflag:s19] =	ssyncadd.s32 $0xFFFFEC00  }
0x30c: {  	[tilespmem:s23], [sflag:$0x1] =	stream.indirect.gather [hbm4b:s5+s22], $0x20, s20, s22, $0xb8;
	[tilespmem:$0x17000] =	vst v63  }
0x30d: {  	_ = 	snop  }
0x30e: {  	[tilespmem:s25], [sflag:$0x2] =	stream.indirect.gather [hbm4b:s5+s22], $0x20, s10, s22, $0xb8;
	[tilespmem:$0x17000] =	vst v63  }
0x30f: {  	_ =	swait.ge [sflag:s26], $0x4000  }
0x310: {  	[sflag:s26] =	ssyncset.done $0x0  }
0x311: {  	[sflag:s26] =	ssyncadd.s32 $0xFFFFC000  }
0x312: {  	[spmem:s3] =	stream.indirect.scatter.add.s16 [tilespmem:s23], [sflag:$0x3], $0x20, s21, s22, $0xb8;
	[tilespmem:$0x17000] =	vst v63  }
0x313: {  	_ =	swait.ge [sflag:s28], $0x4000  }
0x314: {  	[sflag:s28] =	ssyncset.done $0x0  }
0x315: {  	s1 =	simm.s32 $0xDE00;
	[sflag:s28] =	ssyncadd.s32 $0xFFFFC000  }
0x316: {  	[spmem:s3] =	stream.indirect.scatter.add.s16 [tilespmem:s25], [sflag:$0x4], $0x20, s1, s22, $0xb8;
	[tilespmem:$0x17000] =	vst v63  }
0x317: {  	_ =	swait.ge [sflag:s30], $0x4000  }
0x318: {  	[sflag:s30] =	ssyncset.done $0x0  }
0x319: {  	s11 =	simm.s32 $0xCC00;
	[sflag:s30] =	ssyncadd.s32 $0xFFFFC000  }
0x31a: {  	[tilespmem:s23], [sflag:$0x1] =	stream.indirect.gather [hbm4b:s5+s22], $0x20, s11, s22, $0xb8;
	[tilespmem:$0x17000] =	vst v63  }
0x31b: {  	_ =	swait.ge [sflag:s0], $0x4000  }
0x31c: {  	[sflag:s0] =	ssyncset.done $0x0  }
0x31d: {  	s9 =	simm.s32 $0xCE00;
	[sflag:s0] =	ssyncadd.s32 $0xFFFFC000  }
0x31e: {  	[tilespmem:s25], [sflag:$0x2] =	stream.indirect.gather [hbm4b:s5+s22], $0x20, s9, s22, $0xb8;
	[tilespmem:$0x17000] =	vst v63  }
0x31f: {  	_ =	swait.ge [sflag:s26], $0x4000  }
0x320: {  	[sflag:s26] =	ssyncset.done $0x0  }
0x321: {  	s29 =	simm.s32 $0xE000;
	[sflag:s26] =	ssyncadd.s32 $0xFFFFC000  }
0x322: {  	[spmem:s3] =	stream.indirect.scatter.add.s16 [tilespmem:s23], [sflag:$0x3], $0x20, s29, s22, $0xb8;
	[tilespmem:$0x17000] =	vst v63  }
0x323: {  	_ =	swait.ge [sflag:s28], $0x4000  }
0x324: {  	[sflag:s28] =	ssyncset.done $0x0  }
0x325: {  	s14 =	simm.s32 $0xE200;
	[sflag:s28] =	ssyncadd.s32 $0xFFFFC000  }
0x326: {  	[spmem:s3] =	stream.indirect.scatter.add.s16 [tilespmem:s25], [sflag:$0x4], $0x20, s14, s22, $0xb8;
	[tilespmem:$0x17000] =	vst v63  }
0x327: {  	_ =	swait.ge [sflag:s30], $0x4000  }
0x328: {  	[sflag:s30] =	ssyncset.done $0x0  }
0x329: {  	s15 =	simm.s32 $0xD000;
	[sflag:s30] =	ssyncadd.s32 $0xFFFFC000  }
0x32a: {  	[tilespmem:s23], [sflag:$0x1] =	stream.indirect.gather [hbm4b:s5+s22], $0x20, s15, s22, $0xb8;
	[tilespmem:$0x17000] =	vst v63  }
0x32b: {  	_ =	swait.ge [sflag:s0], $0x4000  }
0x32c: {  	[sflag:s0] =	ssyncset.done $0x0  }
0x32d: {  	s17 =	simm.s32 $0xD200;
	[sflag:s0] =	ssyncadd.s32 $0xFFFFC000  }
0x32e: {  	[tilespmem:s25], [sflag:$0x2] =	stream.indirect.gather [hbm4b:s5+s22], $0x20, s17, s22, $0xb8;
	[tilespmem:$0x17000] =	vst v63  }
0x32f: {  	_ =	swait.ge [sflag:s26], $0x4000  }
0x330: {  	[sflag:s26] =	ssyncset.done $0x0  }
0x331: {  	s18 =	simm.s32 $0xE400;
	[sflag:s26] =	ssyncadd.s32 $0xFFFFC000  }
0x332: {  	[spmem:s3] =	stream.indirect.scatter.add.s16 [tilespmem:s23], [sflag:$0x3], $0x20, s18, s22, $0xb8;
	[tilespmem:$0x17000] =	vst v63  }
0x333: {  	_ =	swait.ge [sflag:s28], $0x4000  }
0x334: {  	[sflag:s28] =	ssyncset.done $0x0  }
0x335: {  	s7 =	simm.s32 $0xE600;
	[sflag:s28] =	ssyncadd.s32 $0xFFFFC000  }
0x336: {  	[spmem:s3] =	stream.indirect.scatter.add.s16 [tilespmem:s25], [sflag:$0x4], $0x20, s7, s22, $0xb8;
	[tilespmem:$0x17000] =	vst v63  }
0x337: {  	_ =	swait.ge [sflag:s30], $0x4000  }
0x338: {  	[sflag:s30] =	ssyncset.done $0x0  }
0x339: {  	s8 =	simm.s32 $0xD400;
	[sflag:s30] =	ssyncadd.s32 $0xFFFFC000  }
0x33a: {  	[tilespmem:s23], [sflag:$0x1] =	stream.indirect.gather [hbm4b:s5+s22], $0x20, s8, s22, $0xb8;
	[tilespmem:$0x17000] =	vst v63  }
0x33b: {  	_ =	swait.ge [sflag:s0], $0x4000  }
0x33c: {  	[sflag:s0] =	ssyncset.done $0x0  }
0x33d: {  	s8 =	simm.s32 $0xD600;
	[sflag:s0] =	ssyncadd.s32 $0xFFFFC000  }
0x33e: {  	[tilespmem:s25], [sflag:$0x2] =	stream.indirect.gather [hbm4b:s5+s22], $0x20, s8, s22, $0xb8;
	[tilespmem:$0x17000] =	vst v63  }
0x33f: {  	_ =	swait.ge [sflag:s26], $0x4000  }
0x340: {  	[sflag:s26] =	ssyncset.done $0x0  }
0x341: {  	s12 =	simm.s32 $0xE800;
	[sflag:s26] =	ssyncadd.s32 $0xFFFFC000  }
0x342: {  	[spmem:s3] =	stream.indirect.scatter.add.s16 [tilespmem:s23], [sflag:$0x3], $0x20, s12, s22, $0xb8;
	[tilespmem:$0x17000] =	vst v63  }
0x343: {  	_ =	swait.ge [sflag:s28], $0x4000  }
0x344: {  	[sflag:s28] =	ssyncset.done $0x0  }
0x345: {  	s10 =	simm.s32 $0xEA00;
	[sflag:s28] =	ssyncadd.s32 $0xFFFFC000  }
0x346: {  	[spmem:s3] =	stream.indirect.scatter.add.s16 [tilespmem:s25], [sflag:$0x4], $0x20, s10, s22, $0xb8;
	[tilespmem:$0x17000] =	vst v63  }
0x347: {  	_ =	swait.ge [sflag:s30], $0x4000  }
0x348: {  	[sflag:s30] =	ssyncset.done $0x0  }
0x349: {  	s13 =	simm.s32 $0xD800;
	[sflag:s30] =	ssyncadd.s32 $0xFFFFC000  }
0x34a: {  	[tilespmem:s23], [sflag:$0x1] =	stream.indirect.gather [hbm4b:s5+s22], $0x20, s13, s22, $0xb8;
	[tilespmem:$0x17000] =	vst v63  }
0x34b: {  	_ =	swait.ge [sflag:s0], $0x4000  }
0x34c: {  	[sflag:s0] =	ssyncset.done $0x0  }
0x34d: {  	s16 =	simm.s32 $0xDA00;
	[sflag:s0] =	ssyncadd.s32 $0xFFFFC000  }
0x34e: {  	[tilespmem:s25], [sflag:$0x2] =	stream.indirect.gather [hbm4b:s5+s22], $0x20, s16, s22, $0xb8;
	[tilespmem:$0x17000] =	vst v63  }
0x34f: {  	_ =	swait.ge [sflag:s26], $0x4000  }
0x350: {  	[sflag:s26] =	ssyncset.done $0x0  }
0x351: {  	s24 =	simm.s32 $0xEC00;
	[sflag:s26] =	ssyncadd.s32 $0xFFFFC000  }
0x352: {  	[spmem:s3] =	stream.indirect.scatter.add.s16 [tilespmem:s23], [sflag:$0x3], $0x20, s24, s22, $0xb8;
	[tilespmem:$0x17000] =	vst v63  }
0x353: {  	_ =	swait.ge [sflag:s28], $0x4000  }
0x354: {  	[sflag:s28] =	ssyncset.done $0x0  }
0x355: {  	s7 =	simm.s32 $0xEE00;
	[sflag:s28] =	ssyncadd.s32 $0xFFFFC000  }
0x356: {  	[spmem:s3] =	stream.indirect.scatter.add.s16 [tilespmem:s25], [sflag:$0x4], $0x20, s7, s22, $0xb8;
	[tilespmem:$0x17000] =	vst v63  }
0x357: {  	_ =	swait.ge [sflag:s30], $0x4000  }
0x358: {  	[sflag:s30] =	ssyncset.done $0x0  }
0x359: {  	[sflag:s30] =	ssyncadd.s32 $0xFFFFC000  }
0x35a: {  	_ =	swait.ge [sflag:s0], $0x4000  }
0x35b: {  	[sflag:s0] =	ssyncset.done $0x0  }
0x35c: {  	[sflag:s0] =	ssyncadd.s32 $0xFFFFC000  }
0x35d: {  	[bflag:$0x0] =	sbarrier.arrive $0xFFFF  }
0x35e: {  	s10 =	rddreg [dreg:$0xa]  }
0x35f: {  	s13 =	rddreg [dreg:$0xb]  }
0x360: {  	s16 =	rddreg [dreg:$0xf]  }
0x361: {  	[hbm:s10], [sflag:s13] =	dma.local [spmem:s16], $0x1900  }
0x362: {  	_ =	swait.ge [sflag:s19], $0x1900  }
0x363: {  	[sflag:s19] =	ssyncset.done $0x0  }
0x364: {  	[sflag:s19] =	ssyncadd.s32 $0xFFFFE700  }
0x365: {  	[bflag:$0x0] =	sbarrier.arrive $0xFFFF  }
0x366: {  	s24 =	rddreg [dreg:$0x1]  }
0x367: {  	[spmem:s16], [sflag:s13] =	dma.local [hbm:s24], $0x1900  }
0x368: {  	_ =	swait.ge [sflag:s19], $0x1900  }
0x369: {  	[sflag:s19] =	ssyncset.done $0x0  }
0x36a: {  	[sflag:s19] =	ssyncadd.s32 $0xFFFFE700  }
0x36b: {  	[bflag:$0x0] =	sbarrier.arrive $0xFFFF  }
0x36c: {  	s31 =	rddreg [dreg:$0x6]  }
0x36d: {  	s16 =	sadd.s32 $0x0, s31  }
0x36e: {  	[tilespmem:s20], [sflag:$0x5] =	stream.linear.gather [hbm4b:s16+s4], $0x1400, $0x38;
	[tilespmem:$0x17000] =	vst v63  }
0x36f: {  	_ =	swait.ge [sflag:s19], $0x1400  }
0x370: {  	[sflag:s19] =	ssyncset.done $0x0;
	s7 =	rddreg [dreg:$0xe]  }
0x371: {  	[sflag:s19] =	ssyncadd.s32 $0xFFFFEC00;
	s24 =	sadd.s32 $0x0, s7  }
0x372: {  	[tilespmem:s21], [sflag:$0x5] =	stream.linear.gather [hbm4b:s24+s4], $0x1400, $0x38;
	[tilespmem:$0x17000] =	vst v63  }
0x373: {  	_ =	swait.ge [sflag:s19], $0x1400  }
0x374: {  	[sflag:s19] =	ssyncset.done $0x0  }
0x375: {  	[sflag:s19] =	ssyncadd.s32 $0xFFFFEC00  }
0x376: {  	[tilespmem:s23], [sflag:$0x1] =	stream.indirect.gather [hbm4b:s5+s22], $0x20, s20, s22, $0xb8;
	[tilespmem:$0x17000] =	vst v63  }
0x377: {  	s13 =	simm.s32 $0xCA00  }
0x378: {  	[tilespmem:s25], [sflag:$0x2] =	stream.indirect.gather [hbm4b:s5+s22], $0x20, s13, s22, $0xb8;
	[tilespmem:$0x17000] =	vst v63  }
0x379: {  	_ =	swait.ge [sflag:s26], $0x4000  }
0x37a: {  	[sflag:s26] =	ssyncset.done $0x0  }
0x37b: {  	[sflag:s26] =	ssyncadd.s32 $0xFFFFC000  }
0x37c: {  	[spmem:s3] =	stream.indirect.scatter.add.s16 [tilespmem:s23], [sflag:$0x3], $0x20, s21, s22, $0xb8;
	[tilespmem:$0x17000] =	vst v63  }
0x37d: {  	_ =	swait.ge [sflag:s28], $0x4000  }
0x37e: {  	[sflag:s28] =	ssyncset.done $0x0  }
0x37f: {  	[sflag:s28] =	ssyncadd.s32 $0xFFFFC000  }
0x380: {  	[spmem:s3] =	stream.indirect.scatter.add.s16 [tilespmem:s25], [sflag:$0x4], $0x20, s1, s22, $0xb8;
	[tilespmem:$0x17000] =	vst v63  }
0x381: {  	_ =	swait.ge [sflag:s30], $0x4000  }
0x382: {  	[sflag:s30] =	ssyncset.done $0x0  }
0x383: {  	[sflag:s30] =	ssyncadd.s32 $0xFFFFC000  }
0x384: {  	[tilespmem:s23], [sflag:$0x1] =	stream.indirect.gather [hbm4b:s5+s22], $0x20, s11, s22, $0xb8;
	[tilespmem:$0x17000] =	vst v63  }
0x385: {  	_ =	swait.ge [sflag:s0], $0x4000  }
0x386: {  	[sflag:s0] =	ssyncset.done $0x0  }
0x387: {  	[sflag:s0] =	ssyncadd.s32 $0xFFFFC000  }
0x388: {  	[tilespmem:s25], [sflag:$0x2] =	stream.indirect.gather [hbm4b:s5+s22], $0x20, s9, s22, $0xb8;
	[tilespmem:$0x17000] =	vst v63  }
0x389: {  	_ =	swait.ge [sflag:s26], $0x4000  }
0x38a: {  	[sflag:s26] =	ssyncset.done $0x0  }
0x38b: {  	[sflag:s26] =	ssyncadd.s32 $0xFFFFC000  }
0x38c: {  	[spmem:s3] =	stream.indirect.scatter.add.s16 [tilespmem:s23], [sflag:$0x3], $0x20, s29, s22, $0xb8;
	[tilespmem:$0x17000] =	vst v63  }
0x38d: {  	_ =	swait.ge [sflag:s28], $0x4000  }
0x38e: {  	[sflag:s28] =	ssyncset.done $0x0  }
0x38f: {  	[sflag:s28] =	ssyncadd.s32 $0xFFFFC000  }
0x390: {  	[spmem:s3] =	stream.indirect.scatter.add.s16 [tilespmem:s25], [sflag:$0x4], $0x20, s14, s22, $0xb8;
	[tilespmem:$0x17000] =	vst v63  }
0x391: {  	_ =	swait.ge [sflag:s30], $0x4000  }
0x392: {  	[sflag:s30] =	ssyncset.done $0x0  }
0x393: {  	[sflag:s30] =	ssyncadd.s32 $0xFFFFC000  }
0x394: {  	[tilespmem:s23], [sflag:$0x1] =	stream.indirect.gather [hbm4b:s5+s22], $0x20, s15, s22, $0xb8;
	[tilespmem:$0x17000] =	vst v63  }
0x395: {  	_ =	swait.ge [sflag:s0], $0x4000  }
0x396: {  	[sflag:s0] =	ssyncset.done $0x0  }
0x397: {  	[sflag:s0] =	ssyncadd.s32 $0xFFFFC000  }
0x398: {  	[tilespmem:s25], [sflag:$0x2] =	stream.indirect.gather [hbm4b:s5+s22], $0x20, s17, s22, $0xb8;
	[tilespmem:$0x17000] =	vst v63  }
0x399: {  	_ =	swait.ge [sflag:s26], $0x4000  }
0x39a: {  	[sflag:s26] =	ssyncset.done $0x0  }
0x39b: {  	[sflag:s26] =	ssyncadd.s32 $0xFFFFC000  }
0x39c: {  	[spmem:s3] =	stream.indirect.scatter.add.s16 [tilespmem:s23], [sflag:$0x3], $0x20, s18, s22, $0xb8;
	[tilespmem:$0x17000] =	vst v63  }
0x39d: {  	_ =	swait.ge [sflag:s28], $0x4000  }
0x39e: {  	[sflag:s28] =	ssyncset.done $0x0  }
0x39f: {  	s9 =	simm.s32 $0xE600;
	[sflag:s28] =	ssyncadd.s32 $0xFFFFC000  }
0x3a0: {  	[spmem:s3] =	stream.indirect.scatter.add.s16 [tilespmem:s25], [sflag:$0x4], $0x20, s9, s22, $0xb8;
	[tilespmem:$0x17000] =	vst v63  }
0x3a1: {  	_ =	swait.ge [sflag:s30], $0x4000  }
0x3a2: {  	[sflag:s30] =	ssyncset.done $0x0  }
0x3a3: {  	s10 =	simm.s32 $0xD400;
	[sflag:s30] =	ssyncadd.s32 $0xFFFFC000  }
0x3a4: {  	[tilespmem:s23], [sflag:$0x1] =	stream.indirect.gather [hbm4b:s5+s22], $0x20, s10, s22, $0xb8;
	[tilespmem:$0x17000] =	vst v63  }
0x3a5: {  	_ =	swait.ge [sflag:s0], $0x4000  }
0x3a6: {  	[sflag:s0] =	ssyncset.done $0x0  }
0x3a7: {  	[sflag:s0] =	ssyncadd.s32 $0xFFFFC000  }
0x3a8: {  	[tilespmem:s25], [sflag:$0x2] =	stream.indirect.gather [hbm4b:s5+s22], $0x20, s8, s22, $0xb8;
	[tilespmem:$0x17000] =	vst v63  }
0x3a9: {  	_ =	swait.ge [sflag:s26], $0x4000  }
0x3aa: {  	[sflag:s26] =	ssyncset.done $0x0  }
0x3ab: {  	[sflag:s26] =	ssyncadd.s32 $0xFFFFC000  }
0x3ac: {  	[spmem:s3] =	stream.indirect.scatter.add.s16 [tilespmem:s23], [sflag:$0x3], $0x20, s12, s22, $0xb8;
	[tilespmem:$0x17000] =	vst v63  }
0x3ad: {  	_ =	swait.ge [sflag:s28], $0x4000  }
0x3ae: {  	[sflag:s28] =	ssyncset.done $0x0  }
0x3af: {  	s12 =	simm.s32 $0xEA00;
	[sflag:s28] =	ssyncadd.s32 $0xFFFFC000  }
0x3b0: {  	[spmem:s3] =	stream.indirect.scatter.add.s16 [tilespmem:s25], [sflag:$0x4], $0x20, s12, s22, $0xb8;
	[tilespmem:$0x17000] =	vst v63  }
0x3b1: {  	_ =	swait.ge [sflag:s30], $0x4000  }
0x3b2: {  	[sflag:s30] =	ssyncset.done $0x0  }
0x3b3: {  	s10 =	simm.s32 $0xD800;
	[sflag:s30] =	ssyncadd.s32 $0xFFFFC000  }
0x3b4: {  	[tilespmem:s23], [sflag:$0x1] =	stream.indirect.gather [hbm4b:s5+s22], $0x20, s10, s22, $0xb8;
	[tilespmem:$0x17000] =	vst v63  }
0x3b5: {  	_ =	swait.ge [sflag:s0], $0x4000  }
0x3b6: {  	[sflag:s0] =	ssyncset.done $0x0  }
0x3b7: {  	s12 =	simm.s32 $0xDA00;
	[sflag:s0] =	ssyncadd.s32 $0xFFFFC000  }
0x3b8: {  	[tilespmem:s25], [sflag:$0x2] =	stream.indirect.gather [hbm4b:s5+s22], $0x20, s12, s22, $0xb8;
	[tilespmem:$0x17000] =	vst v63  }
0x3b9: {  	_ =	swait.ge [sflag:s26], $0x4000  }
0x3ba: {  	[sflag:s26] =	ssyncset.done $0x0  }
0x3bb: {  	s10 =	simm.s32 $0xEC00;
	[sflag:s26] =	ssyncadd.s32 $0xFFFFC000  }
0x3bc: {  	[spmem:s3] =	stream.indirect.scatter.add.s16 [tilespmem:s23], [sflag:$0x3], $0x20, s10, s22, $0xb8;
	[tilespmem:$0x17000] =	vst v63  }
0x3bd: {  	_ =	swait.ge [sflag:s28], $0x4000  }
0x3be: {  	s2 =	simm.s32 $0x500;
	s16 =	simm.s32 $0xCC00;
	[sflag:s28] =	ssyncset.done $0x0  }
0x3bf: {  	s24 =	simm.s32 $0xE200;
	s12 =	simm.s32 $0xEE00;
	[sflag:s28] =	ssyncadd.s32 $0xFFFFC000  }
0x3c0: {  	[spmem:s3] =	stream.indirect.scatter.add.s16 [tilespmem:s25], [sflag:$0x4], $0x20, s12, s22, $0xb8;
	[tilespmem:$0x17000] =	vst v63  }
0x3c1: {  	s13 =	simm.s32 $0xE000;
	s1 =	simm.s32 $0xD400;
	_ =	swait.ge [sflag:s30], $0x4000  }
0x3c2: {  	s11 =	simm.s32 $0xCE00;
	s29 =	simm.s32 $0x280;
	[sflag:s30] =	ssyncset.done $0x0  }
0x3c3: {  	s14 =	simm.s32 $0xD000;
	s15 =	simm.s32 $0xD200;
	[sflag:s30] =	ssyncadd.s32 $0xFFFFC000  }
0x3c4: {  	s17 =	simm.s32 $0xE400;
	s18 =	simm.s32 $0xE600;
	_ =	swait.ge [sflag:s0], $0x4000  }
0x3c5: {  	s9 =	simm.s32 $0xD600;
	s8 =	simm.s32 $0xE800;
	[sflag:s0] =	ssyncset.done $0x0  }
.LBB2_5:
0x3c6: {  	s10 =	sadd.s32 s29, s31;
	[sflag:s0] =	ssyncadd.s32 $0xFFFFC000  }
0x3c7: {  	[tilespmem:s20], [sflag:$0x5] =	stream.linear.gather [hbm4b:s10+s4], $0x1400, $0x38;
	[tilespmem:$0x17000] =	vst v63  }
0x3c8: {  	_ =	swait.ge [sflag:s19], $0x1400  }
0x3c9: {  	s12 =	smov.u32 s2;
	s31 =	sadd.s32 $0x280, s2;
	[sflag:s19] =	ssyncset.done $0x0  }
0x3ca: {  	p1 =	seq.s32 s2, $0xA00;
	s2 =	sadd.s32 s29, s7;
	[sflag:s19] =	ssyncadd.s32 $0xFFFFEC00  }
0x3cb: {  	[tilespmem:s21], [sflag:$0x5] =	stream.linear.gather [hbm4b:s2+s4], $0x1400, $0x38;
	[tilespmem:$0x17000] =	vst v63  }
0x3cc: {  	_ =	swait.ge [sflag:s19], $0x1400  }
0x3cd: {  	[sflag:s19] =	ssyncset.done $0x0  }
0x3ce: {  	[sflag:s19] =	ssyncadd.s32 $0xFFFFEC00  }
0x3cf: {  	[tilespmem:s23], [sflag:$0x1] =	stream.indirect.gather [hbm4b:s5+s22], $0x20, s20, s22, $0xb8;
	[tilespmem:$0x17000] =	vst v63  }
0x3d0: {  	s10 =	simm.s32 $0xCA00  }
0x3d1: {  	[tilespmem:s25], [sflag:$0x2] =	stream.indirect.gather [hbm4b:s5+s22], $0x20, s10, s22, $0xb8;
	[tilespmem:$0x17000] =	vst v63  }
0x3d2: {  	_ =	swait.ge [sflag:s26], $0x4000  }
0x3d3: {  	[sflag:s26] =	ssyncset.done $0x0  }
0x3d4: {  	[sflag:s26] =	ssyncadd.s32 $0xFFFFC000  }
0x3d5: {  	[spmem:s3] =	stream.indirect.scatter.add.s16 [tilespmem:s23], [sflag:$0x3], $0x20, s21, s22, $0xb8;
	[tilespmem:$0x17000] =	vst v63  }
0x3d6: {  	_ =	swait.ge [sflag:s28], $0x4000  }
0x3d7: {  	[sflag:s28] =	ssyncset.done $0x0  }
0x3d8: {  	s29 =	smov.u32 s12;
	s12 =	simm.s32 $0xDE00;
	[sflag:s28] =	ssyncadd.s32 $0xFFFFC000  }
0x3d9: {  	[spmem:s3] =	stream.indirect.scatter.add.s16 [tilespmem:s25], [sflag:$0x4], $0x20, s12, s22, $0xb8;
	[tilespmem:$0x17000] =	vst v63  }
0x3da: {  	_ =	swait.ge [sflag:s30], $0x4000  }
0x3db: {  	[sflag:s30] =	ssyncset.done $0x0  }
0x3dc: {  	[sflag:s30] =	ssyncadd.s32 $0xFFFFC000  }
0x3dd: {  	[tilespmem:s23], [sflag:$0x1] =	stream.indirect.gather [hbm4b:s5+s22], $0x20, s16, s22, $0xb8;
	[tilespmem:$0x17000] =	vst v63  }
0x3de: {  	_ =	swait.ge [sflag:s0], $0x4000  }
0x3df: {  	[sflag:s0] =	ssyncset.done $0x0  }
0x3e0: {  	[sflag:s0] =	ssyncadd.s32 $0xFFFFC000  }
0x3e1: {  	[tilespmem:s25], [sflag:$0x2] =	stream.indirect.gather [hbm4b:s5+s22], $0x20, s11, s22, $0xb8;
	[tilespmem:$0x17000] =	vst v63  }
0x3e2: {  	_ =	swait.ge [sflag:s26], $0x4000  }
0x3e3: {  	[sflag:s26] =	ssyncset.done $0x0  }
0x3e4: {  	[sflag:s26] =	ssyncadd.s32 $0xFFFFC000  }
0x3e5: {  	[spmem:s3] =	stream.indirect.scatter.add.s16 [tilespmem:s23], [sflag:$0x3], $0x20, s13, s22, $0xb8;
	[tilespmem:$0x17000] =	vst v63  }
0x3e6: {  	_ =	swait.ge [sflag:s28], $0x4000  }
0x3e7: {  	[sflag:s28] =	ssyncset.done $0x0  }
0x3e8: {  	[sflag:s28] =	ssyncadd.s32 $0xFFFFC000  }
0x3e9: {  	[spmem:s3] =	stream.indirect.scatter.add.s16 [tilespmem:s25], [sflag:$0x4], $0x20, s24, s22, $0xb8;
	[tilespmem:$0x17000] =	vst v63  }
0x3ea: {  	_ =	swait.ge [sflag:s30], $0x4000  }
0x3eb: {  	[sflag:s30] =	ssyncset.done $0x0  }
0x3ec: {  	[sflag:s30] =	ssyncadd.s32 $0xFFFFC000  }
0x3ed: {  	[tilespmem:s23], [sflag:$0x1] =	stream.indirect.gather [hbm4b:s5+s22], $0x20, s14, s22, $0xb8;
	[tilespmem:$0x17000] =	vst v63  }
0x3ee: {  	_ =	swait.ge [sflag:s0], $0x4000  }
0x3ef: {  	[sflag:s0] =	ssyncset.done $0x0  }
0x3f0: {  	[sflag:s0] =	ssyncadd.s32 $0xFFFFC000  }
0x3f1: {  	[tilespmem:s25], [sflag:$0x2] =	stream.indirect.gather [hbm4b:s5+s22], $0x20, s15, s22, $0xb8;
	[tilespmem:$0x17000] =	vst v63  }
0x3f2: {  	_ =	swait.ge [sflag:s26], $0x4000  }
0x3f3: {  	[sflag:s26] =	ssyncset.done $0x0  }
0x3f4: {  	[sflag:s26] =	ssyncadd.s32 $0xFFFFC000  }
0x3f5: {  	[spmem:s3] =	stream.indirect.scatter.add.s16 [tilespmem:s23], [sflag:$0x3], $0x20, s17, s22, $0xb8;
	[tilespmem:$0x17000] =	vst v63  }
0x3f6: {  	_ =	swait.ge [sflag:s28], $0x4000  }
0x3f7: {  	[sflag:s28] =	ssyncset.done $0x0  }
0x3f8: {  	[sflag:s28] =	ssyncadd.s32 $0xFFFFC000  }
0x3f9: {  	[spmem:s3] =	stream.indirect.scatter.add.s16 [tilespmem:s25], [sflag:$0x4], $0x20, s18, s22, $0xb8;
	[tilespmem:$0x17000] =	vst v63  }
0x3fa: {  	_ =	swait.ge [sflag:s30], $0x4000  }
0x3fb: {  	[sflag:s30] =	ssyncset.done $0x0  }
0x3fc: {  	[sflag:s30] =	ssyncadd.s32 $0xFFFFC000  }
0x3fd: {  	[tilespmem:s23], [sflag:$0x1] =	stream.indirect.gather [hbm4b:s5+s22], $0x20, s1, s22, $0xb8;
	[tilespmem:$0x17000] =	vst v63  }
0x3fe: {  	_ =	swait.ge [sflag:s0], $0x4000  }
0x3ff: {  	[sflag:s0] =	ssyncset.done $0x0  }
0x400: {  	[sflag:s0] =	ssyncadd.s32 $0xFFFFC000  }
0x401: {  	[tilespmem:s25], [sflag:$0x2] =	stream.indirect.gather [hbm4b:s5+s22], $0x20, s9, s22, $0xb8;
	[tilespmem:$0x17000] =	vst v63  }
0x402: {  	_ =	swait.ge [sflag:s26], $0x4000  }
0x403: {  	[sflag:s26] =	ssyncset.done $0x0  }
0x404: {  	[sflag:s26] =	ssyncadd.s32 $0xFFFFC000  }
0x405: {  	[spmem:s3] =	stream.indirect.scatter.add.s16 [tilespmem:s23], [sflag:$0x3], $0x20, s8, s22, $0xb8;
	[tilespmem:$0x17000] =	vst v63  }
0x406: {  	_ =	swait.ge [sflag:s28], $0x4000  }
0x407: {  	[sflag:s28] =	ssyncset.done $0x0  }
0x408: {  	s2 =	simm.s32 $0xEA00;
	[sflag:s28] =	ssyncadd.s32 $0xFFFFC000  }
0x409: {  	[spmem:s3] =	stream.indirect.scatter.add.s16 [tilespmem:s25], [sflag:$0x4], $0x20, s2, s22, $0xb8;
	[tilespmem:$0x17000] =	vst v63  }
0x40a: {  	_ =	swait.ge [sflag:s30], $0x4000  }
0x40b: {  	[sflag:s30] =	ssyncset.done $0x0  }
0x40c: {  	s2 =	simm.s32 $0xD800;
	[sflag:s30] =	ssyncadd.s32 $0xFFFFC000  }
0x40d: {  	[tilespmem:s23], [sflag:$0x1] =	stream.indirect.gather [hbm4b:s5+s22], $0x20, s2, s22, $0xb8;
	[tilespmem:$0x17000] =	vst v63  }
0x40e: {  	_ =	swait.ge [sflag:s0], $0x4000  }
0x40f: {  	[sflag:s0] =	ssyncset.done $0x0  }
0x410: {  	s2 =	simm.s32 $0xDA00;
	[sflag:s0] =	ssyncadd.s32 $0xFFFFC000  }
0x411: {  	[tilespmem:s25], [sflag:$0x2] =	stream.indirect.gather [hbm4b:s5+s22], $0x20, s2, s22, $0xb8;
	[tilespmem:$0x17000] =	vst v63  }
0x412: {  	_ =	swait.ge [sflag:s26], $0x4000  }
0x413: {  	[sflag:s26] =	ssyncset.done $0x0  }
0x414: {  	s2 =	simm.s32 $0xEC00;
	[sflag:s26] =	ssyncadd.s32 $0xFFFFC000  }
0x415: {  	[spmem:s3] =	stream.indirect.scatter.add.s16 [tilespmem:s23], [sflag:$0x3], $0x20, s2, s22, $0xb8;
	[tilespmem:$0x17000] =	vst v63  }
0x416: {  	_ =	swait.ge [sflag:s28], $0x4000  }
0x417: {  	[sflag:s28] =	ssyncset.done $0x0  }
0x418: {  	s2 =	simm.s32 $0xEE00;
	[sflag:s28] =	ssyncadd.s32 $0xFFFFC000  }
0x419: {  	[spmem:s3] =	stream.indirect.scatter.add.s16 [tilespmem:s25], [sflag:$0x4], $0x20, s2, s22, $0xb8;
	[tilespmem:$0x17000] =	vst v63  }
.Ltmp7:
0x41a: {  	_ =	swait.ge [sflag:s30], $0x4000;
	(pc) =	sbr.rel @!p1 .LBB2_5-.Ltmp7, $4  }
0x41b: {  	[sflag:s30] =	ssyncset.done $0x0  }
0x41c: {  	[sflag:s30] =	ssyncadd.s32 $0xFFFFC000  }
0x41d: {  	_ =	swait.ge [sflag:s0], $0x4000  }
0x41e: {  	s2 =	smov.u32 s31;
	[sflag:s0] =	ssyncset.done $0x0;
	s31 =	rddreg [dreg:$0x6]  }
0x41f: {  	s2 =	sadd.s32 s29, s31;
	[sflag:s0] =	ssyncadd.s32 $0xFFFFC000  }
0x420: {  	[tilespmem:s20], [sflag:$0x5] =	stream.linear.gather [hbm4b:s2+s4], $0x1400, $0x38;
	[tilespmem:$0x17000] =	vst v63  }
0x421: {  	_ =	swait.ge [sflag:s19], $0x1400  }
0x422: {  	[sflag:s19] =	ssyncset.done $0x0  }
0x423: {  	s7 =	sadd.s32 s29, s7;
	[sflag:s19] =	ssyncadd.s32 $0xFFFFEC00  }
0x424: {  	[tilespmem:s21], [sflag:$0x5] =	stream.linear.gather [hbm4b:s7+s4], $0x1400, $0x38;
	[tilespmem:$0x17000] =	vst v63  }
0x425: {  	_ =	swait.ge [sflag:s19], $0x1400  }
0x426: {  	[sflag:s19] =	ssyncset.done $0x0  }
0x427: {  	[sflag:s19] =	ssyncadd.s32 $0xFFFFEC00  }
0x428: {  	[tilespmem:s23], [sflag:$0x1] =	stream.indirect.gather [hbm4b:s5+s22], $0x20, s20, s22, $0xb8;
	[tilespmem:$0x17000] =	vst v63  }
0x429: {  	_ = 	snop  }
0x42a: {  	[tilespmem:s25], [sflag:$0x2] =	stream.indirect.gather [hbm4b:s5+s22], $0x20, s10, s22, $0xb8;
	[tilespmem:$0x17000] =	vst v63  }
0x42b: {  	_ =	swait.ge [sflag:s26], $0x4000  }
0x42c: {  	[sflag:s26] =	ssyncset.done $0x0  }
0x42d: {  	[sflag:s26] =	ssyncadd.s32 $0xFFFFC000  }
0x42e: {  	[spmem:s3] =	stream.indirect.scatter.add.s16 [tilespmem:s23], [sflag:$0x3], $0x20, s21, s22, $0xb8;
	[tilespmem:$0x17000] =	vst v63  }
0x42f: {  	_ =	swait.ge [sflag:s28], $0x4000  }
0x430: {  	[sflag:s28] =	ssyncset.done $0x0  }
0x431: {  	[sflag:s28] =	ssyncadd.s32 $0xFFFFC000  }
0x432: {  	[spmem:s3] =	stream.indirect.scatter.add.s16 [tilespmem:s25], [sflag:$0x4], $0x20, s12, s22, $0xb8;
	[tilespmem:$0x17000] =	vst v63  }
0x433: {  	_ =	swait.ge [sflag:s30], $0x4000  }
0x434: {  	[sflag:s30] =	ssyncset.done $0x0  }
0x435: {  	[sflag:s30] =	ssyncadd.s32 $0xFFFFC000  }
0x436: {  	[tilespmem:s23], [sflag:$0x1] =	stream.indirect.gather [hbm4b:s5+s22], $0x20, s16, s22, $0xb8;
	[tilespmem:$0x17000] =	vst v63  }
0x437: {  	_ =	swait.ge [sflag:s0], $0x4000  }
0x438: {  	[sflag:s0] =	ssyncset.done $0x0  }
0x439: {  	[sflag:s0] =	ssyncadd.s32 $0xFFFFC000  }
0x43a: {  	[tilespmem:s25], [sflag:$0x2] =	stream.indirect.gather [hbm4b:s5+s22], $0x20, s11, s22, $0xb8;
	[tilespmem:$0x17000] =	vst v63  }
0x43b: {  	_ =	swait.ge [sflag:s26], $0x4000  }
0x43c: {  	[sflag:s26] =	ssyncset.done $0x0  }
0x43d: {  	[sflag:s26] =	ssyncadd.s32 $0xFFFFC000  }
0x43e: {  	[spmem:s3] =	stream.indirect.scatter.add.s16 [tilespmem:s23], [sflag:$0x3], $0x20, s13, s22, $0xb8;
	[tilespmem:$0x17000] =	vst v63  }
0x43f: {  	_ =	swait.ge [sflag:s28], $0x4000  }
0x440: {  	[sflag:s28] =	ssyncset.done $0x0  }
0x441: {  	[sflag:s28] =	ssyncadd.s32 $0xFFFFC000  }
0x442: {  	[spmem:s3] =	stream.indirect.scatter.add.s16 [tilespmem:s25], [sflag:$0x4], $0x20, s24, s22, $0xb8;
	[tilespmem:$0x17000] =	vst v63  }
0x443: {  	_ =	swait.ge [sflag:s30], $0x4000  }
0x444: {  	[sflag:s30] =	ssyncset.done $0x0  }
0x445: {  	[sflag:s30] =	ssyncadd.s32 $0xFFFFC000  }
0x446: {  	[tilespmem:s23], [sflag:$0x1] =	stream.indirect.gather [hbm4b:s5+s22], $0x20, s14, s22, $0xb8;
	[tilespmem:$0x17000] =	vst v63  }
0x447: {  	_ =	swait.ge [sflag:s0], $0x4000  }
0x448: {  	[sflag:s0] =	ssyncset.done $0x0  }
0x449: {  	[sflag:s0] =	ssyncadd.s32 $0xFFFFC000  }
0x44a: {  	[tilespmem:s25], [sflag:$0x2] =	stream.indirect.gather [hbm4b:s5+s22], $0x20, s15, s22, $0xb8;
	[tilespmem:$0x17000] =	vst v63  }
0x44b: {  	_ =	swait.ge [sflag:s26], $0x4000  }
0x44c: {  	[sflag:s26] =	ssyncset.done $0x0  }
0x44d: {  	[sflag:s26] =	ssyncadd.s32 $0xFFFFC000  }
0x44e: {  	[spmem:s3] =	stream.indirect.scatter.add.s16 [tilespmem:s23], [sflag:$0x3], $0x20, s17, s22, $0xb8;
	[tilespmem:$0x17000] =	vst v63  }
0x44f: {  	_ =	swait.ge [sflag:s28], $0x4000  }
0x450: {  	[sflag:s28] =	ssyncset.done $0x0  }
0x451: {  	[sflag:s28] =	ssyncadd.s32 $0xFFFFC000  }
0x452: {  	[spmem:s3] =	stream.indirect.scatter.add.s16 [tilespmem:s25], [sflag:$0x4], $0x20, s18, s22, $0xb8;
	[tilespmem:$0x17000] =	vst v63  }
0x453: {  	_ =	swait.ge [sflag:s30], $0x4000  }
0x454: {  	[sflag:s30] =	ssyncset.done $0x0  }
0x455: {  	[sflag:s30] =	ssyncadd.s32 $0xFFFFC000  }
0x456: {  	[tilespmem:s23], [sflag:$0x1] =	stream.indirect.gather [hbm4b:s5+s22], $0x20, s1, s22, $0xb8;
	[tilespmem:$0x17000] =	vst v63  }
0x457: {  	_ =	swait.ge [sflag:s0], $0x4000  }
0x458: {  	[sflag:s0] =	ssyncset.done $0x0  }
0x459: {  	[sflag:s0] =	ssyncadd.s32 $0xFFFFC000  }
0x45a: {  	[tilespmem:s25], [sflag:$0x2] =	stream.indirect.gather [hbm4b:s5+s22], $0x20, s9, s22, $0xb8;
	[tilespmem:$0x17000] =	vst v63  }
0x45b: {  	_ =	swait.ge [sflag:s26], $0x4000  }
0x45c: {  	[sflag:s26] =	ssyncset.done $0x0  }
0x45d: {  	[sflag:s26] =	ssyncadd.s32 $0xFFFFC000  }
0x45e: {  	[spmem:s3] =	stream.indirect.scatter.add.s16 [tilespmem:s23], [sflag:$0x3], $0x20, s8, s22, $0xb8;
	[tilespmem:$0x17000] =	vst v63  }
0x45f: {  	_ =	swait.ge [sflag:s28], $0x4000  }
0x460: {  	[sflag:s28] =	ssyncset.done $0x0  }
0x461: {  	s17 =	simm.s32 $0xEA00;
	[sflag:s28] =	ssyncadd.s32 $0xFFFFC000  }
0x462: {  	[spmem:s3] =	stream.indirect.scatter.add.s16 [tilespmem:s25], [sflag:$0x4], $0x20, s17, s22, $0xb8;
	[tilespmem:$0x17000] =	vst v63  }
0x463: {  	_ =	swait.ge [sflag:s30], $0x4000  }
0x464: {  	[sflag:s30] =	ssyncset.done $0x0  }
0x465: {  	s18 =	simm.s32 $0xD800;
	[sflag:s30] =	ssyncadd.s32 $0xFFFFC000  }
0x466: {  	[tilespmem:s23], [sflag:$0x1] =	stream.indirect.gather [hbm4b:s5+s22], $0x20, s18, s22, $0xb8;
	[tilespmem:$0x17000] =	vst v63  }
0x467: {  	_ =	swait.ge [sflag:s0], $0x4000  }
0x468: {  	[sflag:s0] =	ssyncset.done $0x0  }
0x469: {  	s24 =	simm.s32 $0xDA00;
	[sflag:s0] =	ssyncadd.s32 $0xFFFFC000  }
0x46a: {  	[tilespmem:s25], [sflag:$0x2] =	stream.indirect.gather [hbm4b:s5+s22], $0x20, s24, s22, $0xb8;
	[tilespmem:$0x17000] =	vst v63  }
0x46b: {  	_ =	swait.ge [sflag:s26], $0x4000  }
0x46c: {  	[sflag:s26] =	ssyncset.done $0x0  }
0x46d: {  	s29 =	simm.s32 $0xEC00;
	[sflag:s26] =	ssyncadd.s32 $0xFFFFC000  }
0x46e: {  	[spmem:s3] =	stream.indirect.scatter.add.s16 [tilespmem:s23], [sflag:$0x3], $0x20, s29, s22, $0xb8;
	[tilespmem:$0x17000] =	vst v63  }
0x46f: {  	_ =	swait.ge [sflag:s28], $0x4000  }
0x470: {  	[sflag:s28] =	ssyncset.done $0x0  }
0x471: {  	s31 =	simm.s32 $0xEE00;
	[sflag:s28] =	ssyncadd.s32 $0xFFFFC000  }
0x472: {  	[spmem:s3] =	stream.indirect.scatter.add.s16 [tilespmem:s25], [sflag:$0x4], $0x20, s31, s22, $0xb8;
	[tilespmem:$0x17000] =	vst v63  }
0x473: {  	_ =	swait.ge [sflag:s30], $0x4000  }
.Ltmp8:
0x474: {  	[sflag:s30] =	ssyncset.done $0x0;
	(pc) =	sbr.rel .LBB2_12-.Ltmp8, $4  }
0x475: {  	[sflag:s30] =	ssyncadd.s32 $0xFFFFC000  }
0x476: {  	_ =	swait.ge [sflag:s0], $0x4000  }
0x477: {  	[sflag:s0] =	ssyncset.done $0x0;
	s2 =	rddreg [dreg:$0x7]  }
0x478: {  	s1 =	rddreg [dreg:$0x10];
	[sflag:s0] =	ssyncadd.s32 $0xFFFFC000  }
.LBB2_13:
0x479: {  	_ =	sfence.sel $0x180000  }
0x47a: {  	[bflag:$0x0] =	sbarrier.arrive $0xFFFF  }
0x47b: {  	_ =	strace $0x9000004A  }
0x47c: {  	s0 =	stileid.u32;
	[bflag:$0x2] =	sbarrier.arrive $0xFFFF  }
0x47d: {  	p0 =	sne.s32 s0, $0x0;
	s0 =	rddreg [dreg:$0x3]  }
0x47e: {  	s0 =	sadd.s32 @!p0 $0x100000, s0  }
0x47f: {  	[sflag:s0] =	ssyncadd.tile.s32 @!p0 $0x1;
	_ =	shalt  }
.Lfunc_end2:
_tile_overlayer_lowered:
.L_overlay_start_2:
0x480: {  	(tag) =	ssettag $0x2  }
0x481: {  	s0 =	rddreg [dreg:$0x0];
	s2 =	stileid.u32  }
0x482: {  	s1 =	rddreg [dreg:$0x1];
	p0 =	sne.s32 s2, $0x0  }
0x483: {  	s3 =	rddreg [dreg:$0x2];
	[bflag:$0x3] =	sbarrier.arrive $0xFFFF;
	s2 =	simm.s32 @!p0 $0x1C05  }
0x484: {  	[timem:s3], [sflag:s2] =	dma.local @!p0 [hbm:s0], s1  }
0x485: {  	s0 =	simm.s32 @!p0 $0x5  }
0x486: {  	_ =	swait.ge @!p0 [sflag:s0], s1  }
0x487: {  	s1 =	ssub.s32 @!p0 $0x0, s1;
	[sflag:s0] =	ssyncset.done @!p0 $0x0  }
0x488: {  	[sflag:s0] =	ssyncadd.s32 @!p0 s1  }
0x489: {  	[bflag:$0x3] =	sbarrier.arrive $0xFFFF  }
0x48a: {  	_ =	shalt  }

// kernel: kernel.15.cloned.1.call-start
scs
__scs_entry_jumppad:
0x0: {  	(pc) =	sbr.rel $0x88, $3  }
0x1: {  	(tag) =	ssettag $0x0;
	lr =	simm.s32 $0x1  }
0x2: {  	[smem:$0x3F8C] =	sst lr;
	_ =	strace $0xD0000000  }
0x3: {  	_ = 	snop  }
0x4: {  	_ = 	snop  }
0x5: {  	_ = 	snop  }
0x6: {  	_ = 	snop  }
0x7: {  	_ = 	snop  }
__scs_overlays_trampoline_lowered:
0x8: {  	[smem:$0x3F9B] =	sst s0  }
0x9: {  	[smem:$0x3F9C] =	sst s1  }
0xa: {  	[smem:$0x3F9D] =	sst s2  }
0xb: {  	[smem:$0x3F9E] =	sst s3  }
0xc: {  	[smem:$0x3F9F] =	sst s4  }
0xd: {  	[smem:$0x3FA0] =	sst s5  }
0xe: {  	[smem:$0x3FA1] =	sst s6  }
0xf: {  	[smem:$0x3FA2] =	sst s7  }
0x10: {  	[smem:$0x3FA3] =	sst s8  }
0x11: {  	[smem:$0x3FA4] =	sst s9;
	s0 =	simm.s32 @!p0 $0x0  }
0x12: {  	s1 =	sld [smem:$0x3F8A];
	s0 =	simm.s32 @p0 $0x1  }
0x13: {  	[smem:$0x3FA5] =	sst s0;
	s0 =	simm.s32 @!p1 $0x0  }
0x14: {  	s2 =	sld [smem:$0x3F89];
	s0 =	simm.s32 @p1 $0x1  }
0x15: {  	[smem:$0x3FA6] =	sst s0;
	s0 =	simm.s32 @!p2 $0x0  }
0x16: {  	s3 =	sld [smem:$0x3FDB];
	s0 =	simm.s32 @p2 $0x1  }
0x17: {  	s4 =	simm.s32 $0x1BF5;
	[smem:$0x3FA8] =	sst s0  }
0x18: {  	s0 =	sld [smem:$0x3F8B];
	_ =	swait.ge [sflag:s4], $0x0  }
0x19: {  	s7 =	sld [smem:$0x3F8C]  }
0x1a: {  	s8 =	sadd.s32 $0xFFFFE003, lr  }
0x1b: {  	s9 =	sadd.s32 $0xFFFFFEF7, lr;
	s5 =	simm.s32 $0xFFFFFFFF;
	p2 =	slt.u32 s8, $0xFFFFF086  }
0x1c: {  	p1 =	slt.u32 s9, $0xF7A;
	s5 =	simm.s32 @!p2 $0x0  }
0x1d: {  	s5 =	simm.s32 @p1 $0x1;
	p0 =	seq.s32 s7, s2  }
0x1e: {  	s7 =	smul.u32 @!p0 $0xF7A, s2;
	p2 =	seq.s32 @!p0 s5, $0x0  }
0x1f: {  	s9 =	smul.u32 $0xF7A, s1;
	s8 =	simm.s32 @!p0 $0x1BF5;
	p2 =	por !p2, p0  }
0x20: {  	[sflag:s8] =	ssyncset.s32 @!p0 $0xFFFFF086;
	s6 =	sadd.s32 @!p0 s3, s7;
	s7 =	simm.s32 @!p0 $0x108  }
0x21: {  	s3 =	sadd.s32 s3, s9;
	s6 =	sadd.s32 @!p0 $0x88, s6;
	s7 =	simm.s32 @p2 $0x1082  }
0x22: {  	[simem:s7], [sflag:s8] =	dma.local @!p0 [hbm:s6], $0xF7A  }
0x23: {  	s9 =	sor.u32 $0xD0000000, s2;
	s6 =	simm.s32 $0x108;
	_ =	swait.ge @!p0 [sflag:s8], $0x0  }
0x24: {  	s3 =	sadd.s32 $0x88, s3;
	s6 =	simm.s32 @!p1 $0x1082;
	[sflag:s4] =	ssyncset.s32 $0xFFFFF086  }
0x25: {  	[simem:s6], [sflag:s4] =	dma.local [hbm:s3], $0xF7A  }
0x26: {  	[smem:$0x3F8C] =	sst s1;
	(tag) =	ssettag s2;
	_ =	strace s9  }
0x27: {  	s1 =	sld [smem:$0x3F9C]  }
0x28: {  	s2 =	sld [smem:$0x3F9D]  }
0x29: {  	s4 =	sld [smem:$0x3F9F]  }
0x2a: {  	p0 =	seq.s32 s5, $0x0;
	s5 =	sld [smem:$0x3FA0]  }
0x2b: {  	s6 =	sld [smem:$0x3FA1]  }
0x2c: {  	s7 =	sld [smem:$0x3FA2]  }
0x2d: {  	s3 =	simm.s32 $0x108;
	s8 =	sld [smem:$0x3FA3]  }
0x2e: {  	s3 =	simm.s32 @!p0 $0x1082;
	s9 =	sld [smem:$0x3FA4]  }
0x2f: {  	lr =	sadd.s32 s0, s3;
	s0 =	sld [smem:$0x3F9B]  }
0x30: {  	s3 =	sld [smem:$0x3F9E]  }
0x31: {  	[smem:$0x3FA7] =	sst s10  }
0x32: {  	s10 =	sld [smem:$0x3FA5];
	_ =	sdelay $0x3  }
0x33: {  	p0 =	seq.s32 s10, $0x1;
	s10 =	sld [smem:$0x3FA7];
	_ =	sdelay $0x3  }
0x34: {  	[smem:$0x3FA7] =	sst s10  }
0x35: {  	s10 =	sld [smem:$0x3FA6];
	_ =	sdelay $0x3  }
0x36: {  	p1 =	seq.s32 s10, $0x1;
	s10 =	sld [smem:$0x3FA7];
	_ =	sdelay $0x3  }
0x37: {  	[smem:$0x3FA7] =	sst s10  }
0x38: {  	s10 =	sld [smem:$0x3FA8]  }
0x39: {  	_ = 	snop;
	(pc) =	sbr.ind lr, $3  }
0x3a: {  	_ = 	snop  }
0x3b: {  	_ = 	snop  }
0x3c: {  	p2 =	seq.s32 s10, $0x1;
	s10 =	sld [smem:$0x3FA7]  }
0x3d: {  	_ =	shalt  }
0x3e: {  	_ =	shalt  }
0x3f: {  	_ =	shalt  }
0x40: {  	_ =	shalt  }
0x41: {  	_ =	shalt  }
0x42: {  	_ =	shalt  }
0x43: {  	_ =	shalt  }
0x44: {  	_ =	shalt  }
0x45: {  	_ =	shalt  }
0x46: {  	_ =	shalt  }
0x47: {  	_ =	shalt  }
0x48: {  	_ =	shalt  }
0x49: {  	_ =	shalt  }
0x4a: {  	_ =	shalt  }
0x4b: {  	_ =	shalt  }
0x4c: {  	_ =	shalt  }
0x4d: {  	_ =	shalt  }
0x4e: {  	_ =	shalt  }
0x4f: {  	_ =	shalt  }
0x50: {  	_ =	shalt  }
0x51: {  	_ =	shalt  }
0x52: {  	_ =	shalt  }
0x53: {  	_ =	shalt  }
0x54: {  	_ =	shalt  }
0x55: {  	_ =	shalt  }
0x56: {  	_ =	shalt  }
0x57: {  	_ =	shalt  }
0x58: {  	_ =	shalt  }
0x59: {  	_ =	shalt  }
0x5a: {  	_ =	shalt  }
0x5b: {  	_ =	shalt  }
0x5c: {  	_ =	shalt  }
0x5d: {  	_ =	shalt  }
0x5e: {  	_ =	shalt  }
0x5f: {  	_ =	shalt  }
0x60: {  	_ =	shalt  }
0x61: {  	_ =	shalt  }
0x62: {  	_ =	shalt  }
0x63: {  	_ =	shalt  }
0x64: {  	_ =	shalt  }
0x65: {  	_ =	shalt  }
0x66: {  	_ =	shalt  }
0x67: {  	_ =	shalt  }
0x68: {  	_ =	shalt  }
0x69: {  	_ =	shalt  }
0x6a: {  	_ =	shalt  }
0x6b: {  	_ =	shalt  }
0x6c: {  	_ =	shalt  }
0x6d: {  	_ =	shalt  }
0x6e: {  	_ =	shalt  }
0x6f: {  	_ =	shalt  }
0x70: {  	_ =	shalt  }
0x71: {  	_ =	shalt  }
0x72: {  	_ =	shalt  }
0x73: {  	_ =	shalt  }
0x74: {  	_ =	shalt  }
0x75: {  	_ =	shalt  }
0x76: {  	_ =	shalt  }
0x77: {  	_ =	shalt  }
0x78: {  	_ =	shalt  }
0x79: {  	_ =	shalt  }
0x7a: {  	_ =	shalt  }
0x7b: {  	_ =	shalt  }
0x7c: {  	_ =	shalt  }
0x7d: {  	_ =	shalt  }
0x7e: {  	_ =	shalt  }
0x7f: {  	_ =	shalt  }
0x80: {  	_ =	shalt  }
0x81: {  	_ =	shalt  }
0x82: {  	_ =	shalt  }
0x83: {  	_ =	shalt  }
0x84: {  	_ =	shalt  }
0x85: {  	_ =	shalt  }
0x86: {  	_ =	shalt  }
0x87: {  	_ =	shalt  }
.Lfunc_end0:
.L_simem_size_0:
called_computation.2_lowered:
.L_overlay_start_0:
0x88: {  	s2 =	sld [smem:$0x3FD9]  }
0x89: {  	s3 =	sld [smem:$0x3FFE];
	_ =	sdelay $0x1  }
0x8a: {  	s1 =	srdreg.scid  }
0x8b: {  	s0 =	sand.u32 $0x1, s1  }
0x8c: {  	s16 =	sshll.u32 s0, $0xA;
	s2 =	sadd.s32 s3, s2  }
0x8d: {  	s2 =	sadd.s32 s2, s16  }
0x8e: {  	[smem:$0x3FB3] =	sst s2  }
0x8f: {  	_ = 	snop  }
0x90: {  	(tm) =	ssettm $0x1  }
0x91: {  	s17 =	sld [smem:$0x3FFB];
	_ =	sdelay $0x3  }
0x92: {  	_ =	strace s17  }
0x93: {  	s2 =	sld [smem:$0x3FFC];
	_ =	sdelay $0x3  }
0x94: {  	_ =	strace s2  }
0x95: {  	s2 =	sld [smem:$0x3FFD];
	_ =	sdelay $0x3  }
0x96: {  	_ =	strace s2  }
0x97: {  	_ =	strace $0x8FFFFFFF  }
0x98: {  	s18 =	sld [smem:$0x3FDB];
	_ =	sdelay $0x1  }
0x99: {  	s19 =	simm.s32 $_scs_section_size  }
0x9a: {  	s4 =	simm.s32 $_size__tile_overlayer_lowered;
	s5 =	simm.s32 $_tile_overlayer_lowered  }
0x9b: {  	s22 =	simm.s32 $0x1BFF;
	s21 =	sshll.u32 s5, $0x1;
	s2 =	sadd.s32 s19, s18  }
0x9c: {  	s6 =	simm.s32 $0x0;
	s20 =	sshll.u32 s4, $0x1;
	s4 =	sadd.s32 s21, s2  }
0x9d: {  	[timem:s6], [sflag:s22] =	dma.local [hbm:s4], s20  }
0x9e: {  	_ =	swait.ge [sflag:s22], s20  }
0x9f: {  	s3 =	ssub.s32 $0x0, s20;
	[sflag:s22] =	ssyncset.done $0x0  }
0xa0: {  	[sflag:s22] =	ssyncadd.s32 s3;
	_ =	sdelay $0x1  }
0xa1: {  	s23 =	simm.s32 $0x1B8B  }
0xa2: {  	_ =	swait.ge [sflag:s23], $0x1  }
0xa3: {  	[sflag:s23] =	ssyncset.done $0x0  }
0xa4: {  	s25 =	simm.s32 $0x1B8E;
	s24 =	sld [smem:$0x3FFE];
	[sflag:s23] =	ssyncadd.s32 $0xFFFFFFFF  }
0xa5: {  	s26 =	simm.s32 $execute0_lowered;
	[smem:$0x3FD2] =	sst s25  }
0xa6: {  	s4 =	sshll.u32 s26, $0x1;
	_ =	strace $0x8000004C;
	[dreg:$0x1] =	wrdreg $0xFFFFFFFF  }
0xa7: {  	s28 =	simm.s32 $_size_execute0_lowered;
	s2 =	sadd.s32 s2, s4;
	[dreg:$0x0] =	wrdreg $0x0  }
0xa8: {  	s4 =	sshll.u32 s28, $0x1;
	[dreg:$0x2] =	wrdreg s2  }
0xa9: {  	[dreg:$0x3] =	wrdreg s4  }
0xaa: {  	[dreg:$0x4] =	wrdreg $0xC0  }
0xab: {  	_ =	task [dreg:s6], $0x5FFFF  }
0xac: {  	[dreg:$0x1] =	wrdreg $0xFFFFFFFF  }
0xad: {  	[dreg:$0x0] =	wrdreg $0x60  }
0xae: {  	[dreg:$0x2] =	wrdreg s24  }
0xaf: {  	[dreg:$0x3] =	wrdreg $0x9  }
0xb0: {  	_ =	task.clear_ibuf [dreg:s6], $0x4FFFF;
	_ =	strace $0x9000004C  }
0xb1: {  	s29 =	simm.s32 $0x9;
	_ =	strace $0x8000004E  }
0xb2: {  	_ =	swait.ge [sflag:s29], $0x1  }
0xb3: {  	[sflag:s29] =	ssyncadd.s32 $0xFFFFFFFF  }
0xb4: {  	_ =	strace $0x9000004E  }
0xb5: {  	_ =	sfence  }
0xb6: {  	s30 =	sld [smem:$0x0];
	_ =	sdelay $0x2  }
0xb7: {  	s31 =	sshll.u32 s1, $0xD;
	s1 =	sshrl.u32 s1, $0x2  }
0xb8: {  	s3 =	sand.u32 $0x4000, s31;
	s1 =	sadd.s32 s1, s30  }
0xb9: {  	s0 =	sor.u32 s3, s0;
	s1 =	sshll.u32 s1, $0x11  }
0xba: {  	s0 =	sor.u32 s1, s0  }
0xbb: {  	s0 =	sadd.s32 $0x8F2B, s0  }
0xbc: {  	[sflag:s0] =	ssyncadd.remote.s32 $0x1  }
0xbd: {  	_ =	sfence.sel $0xFFFF  }
0xbe: {  	[dreg:$0x0] =	wrdreg $0xFFFFFFFF;
	(pc) =	sbr.abs _section_cstart, $3  }
0xbf: {  	[dreg:$0x1] =	wrdreg $0xFFFFFFFF  }
0xc0: {  	_ =	task.clear_ibuf [dreg:s6], $0x2FFFF;
	_ =	strace $0x9FFFFFFF  }
0xc1: {  	(tm) =	ssettm $0x7FFFFFFF  }
tec
execute0_lowered:
.L_overlay_start_1:
0x0: {  	(tag) =	ssettag $0x1  }
0x1: {  	s7 =	rddreg [dreg:$0x0];
	s2 =	simm.s32 $0x0;
	s3 =	srdreg.scid  }
0x2: {  	s1 =	stileid.u32;
	s13 =	simm.s32 $0x4;
	s14 =	simm.s32 $0x200  }
0x3: {  	s15 =	simm.s32 $0xA0;
	s16 =	simm.s32 $0x400;
	s17 =	simm.s32 $0xA400  }
0x4: {  	s18 =	simm.s32 $0x1;
	s19 =	simm.s32 $0x100;
	s20 =	simm.s32 $0x300  }
0x5: {  	s21 =	simm.s32 $0x5400;
	s22 =	simm.s32 $0xF400;
	s23 =	simm.s32 $0x2  }
0x6: {  	s24 =	simm.s32 $0x3;
	s25 =	simm.s32 $0x0;
	[smem:$0x7FF] =	sst s2  }
0x7: {  	s4 =	sand.u32 $0x1, s3;
	s30 =	sshll.u32 s1, $0x1;
	s3 =	sadd.s32 $0x9A00, s7  }
0x8: {  	s6 =	sadd.s32 $0x6800, s7;
	s5 =	sor.u32 s4, s30;
	s8 =	ssub.s32 $0x2, s4  }
0x9: {  	_ =	strace $0x8000004D;
	s4 =	smul.u32 $0xC80, s5;
	s9 =	sshrl.u32 s8, $0x1  }
0xa: {  	s5 =	sadd.s32 $0x3600, s7;
	s7 =	sadd.s32 $0xD1A00, s7;
	s12 =	ssub.s32 s8, s9  }
0xb: {  	s31 =	sshrl.u32 s4, $0x3;
	s10 =	sadd.s32 $0xA0, s4;
	s11 =	sadd.s32 $0x140, s4  }
0xc: {  	s12 =	smax.u32 s12, $0x1;
	s8 =	sadd.s32 s5, s31;
	s9 =	sadd.s32 s6, s31  }
.LBB2_1:
0xd: {  	[tilespmem:s2], [sflag:$0x4] =	stream.linear.gather [hbm4b:s8+s2], $0xA0, $0x38;
	[tilespmem:$0x14400] =	vst v63  }
0xe: {  	_ =	swait.ge [sflag:s13], $0xA0  }
0xf: {  	[sflag:s13] =	ssyncset.done $0x0  }
0x10: {  	[sflag:s13] =	ssyncadd.s32 $0xFFFFFF60  }
0x11: {  	[tilespmem:s14], [sflag:$0x4] =	stream.linear.gather [hbm4b:s9+s2], $0xA0, $0x38;
	[tilespmem:$0x14400] =	vst v63  }
0x12: {  	_ =	swait.ge [sflag:s13], $0xA0  }
0x13: {  	[sflag:s13] =	ssyncset.done $0x0  }
0x14: {  	[sflag:s13] =	ssyncadd.s32 $0xFFFFFF60  }
0x15: {  	[tilespmem:s16], [sflag:$0x1] =	stream.indirect.gather [hbm4b:s3+s15], $0x80, s2, s15, $0xb8;
	[tilespmem:$0x14400] =	vst v63  }
0x16: {  	s26 =	simm.s32 $0x0  }
0x17: {  	[tilespmem:s17], [sflag:$0x1] =	stream.indirect.gather [hbm4b:s3+s15], $0x80, s14, s15, $0xb8;
	[tilespmem:$0x14400] =	vst v63  }
.LBB2_2:
0x18: {  	_ =	swait.ge [sflag:s18], $0x5000  }
0x19: {  	[sflag:s18] =	ssyncset.done $0x0  }
0x1a: {  	[sflag:s18] =	ssyncadd.s32 $0xFFFFB000  }
0x1b: {  	_ =	swait.ge [sflag:s18], $0x5000  }
0x1c: {  	p0 =	seq.s32 s26, $0x0;
	s28 =	smul.u32 $0x140, s26;
	[sflag:s18] =	ssyncset.done $0x0  }
0x1d: {  	s30 =	simm.s32 @!p0 $0x3;
	[sflag:s18] =	ssyncadd.s32 $0xFFFFB000  }
0x1e: {  	s29 =	sadd.s32 s28, s10;
	_ =	swait.ge @!p0 [sflag:s30], $0x5000  }
0x1f: {  	s31 =	sshrl.u32 s29, $0x3;
	[sflag:s30] =	ssyncset.done @!p0 $0x0  }
0x20: {  	s0 =	simm.s32 $0x0;
	[sflag:s30] =	ssyncadd.s32 @!p0 $0xFFFFB000;
	s30 =	sadd.s32 s5, s31  }
0x21: {  	[tilespmem:s19], [sflag:$0x4] =	stream.linear.gather [hbm4b:s30+s0], $0xA0, $0x38;
	[tilespmem:$0x14400] =	vst v63  }
0x22: {  	_ =	swait.ge [sflag:s13], $0xA0  }
0x23: {  	[sflag:s13] =	ssyncset.done $0x0  }
0x24: {  	s30 =	sadd.s32 s6, s31;
	[sflag:s13] =	ssyncadd.s32 $0xFFFFFF60  }
0x25: {  	[tilespmem:s20], [sflag:$0x4] =	stream.linear.gather [hbm4b:s30+s0], $0xA0, $0x38;
	[tilespmem:$0x14400] =	vst v63  }
0x26: {  	_ =	swait.ge [sflag:s13], $0xA0  }
0x27: {  	[sflag:s13] =	ssyncset.done $0x0  }
0x28: {  	[sflag:s13] =	ssyncadd.s32 $0xFFFFFF60  }
0x29: {  	[tilespmem:s21], [sflag:$0x1] =	stream.indirect.gather [hbm4b:s3+s15], $0x80, s19, s15, $0xb8;
	[tilespmem:$0x14400] =	vst v63  }
0x2a: {  	s30 =	simm.s32 $0x0  }
0x2b: {  	[tilespmem:s22], [sflag:$0x1] =	stream.indirect.gather [hbm4b:s3+s15], $0x80, s20, s15, $0xb8;
	[tilespmem:$0x14400] =	vst v63  }
0x2c: {  	v7 =	vld [tilespmem:s30+$0xA400]  }
0x2d: {  	v11 =	vld [tilespmem:s30+$0xA410]  }
0x2e: {  	v5 =	vld [tilespmem:s30+$0xA420]  }
0x2f: {  	v4 =	vld [tilespmem:s30+$0xA430]  }
0x30: {  	v3 =	vld [tilespmem:s30+$0xA440]  }
0x31: {  	v2 =	vld [tilespmem:s30+$0xA450]  }
0x32: {  	v1 =	vld [tilespmem:s30+$0xA460]  }
0x33: {  	v0 =	vld [tilespmem:s30+$0xA470]  }
0x34: {  	v12 =	vld [tilespmem:s30+$0x400]  }
0x35: {  	v13 =	vld [tilespmem:s30+$0x410]  }
0x36: {  	v10 =	vld [tilespmem:s30+$0x420]  }
0x37: {  	v9 =	vld [tilespmem:s30+$0x430]  }
0x38: {  	v8 =	vld [tilespmem:s30+$0x440]  }
0x39: {  	v6 =	vld [tilespmem:s30+$0x450];
	v12 =	vadd.f32 v7, v12  }
0x3a: {  	s31 =	simm.s32 $0x200;
	v11 =	vadd.f32 v11, v13;
	v7 =	vld [tilespmem:s30+$0x460]  }
.LBB2_3:
0x3b: {  	s0 =	sshra.s32 s31, $0x2;
	p0 =	sne.s32 s31, $0x13E00;
	[tilespmem:s30+$0x400] =	vst v12;
	v5 =	vadd.f32 v5, v10;
	v10 =	vld [tilespmem:s30+$0x470]  }
0x3c: {  	v12 =	vld [tilespmem:s0+$0xA400];
	[tilespmem:s30+$0x410] =	vst v11;
	v4 =	vadd.f32 v4, v9  }
0x3d: {  	v11 =	vld [tilespmem:s0+$0xA410];
	[tilespmem:s30+$0x420] =	vst v5;
	v3 =	vadd.f32 v3, v8  }
0x3e: {  	v5 =	vld [tilespmem:s0+$0xA420];
	[tilespmem:s30+$0x430] =	vst v4;
	v2 =	vadd.f32 v2, v6  }
0x3f: {  	v4 =	vld [tilespmem:s0+$0xA430];
	[tilespmem:s30+$0x440] =	vst v3;
	v1 =	vadd.f32 v1, v7  }
0x40: {  	v3 =	vld [tilespmem:s0+$0xA440];
	[tilespmem:s30+$0x450] =	vst v2;
	v0 =	vadd.f32 v0, v10  }
0x41: {  	v2 =	vld [tilespmem:s0+$0xA450];
	[tilespmem:s30+$0x460] =	vst v1  }
0x42: {  	v1 =	vld [tilespmem:s0+$0xA460];
	[tilespmem:s30+$0x470] =	vst v0;
	s30 =	smov.u32 s0  }
0x43: {  	v0 =	vld [tilespmem:s30+$0xA470]  }
0x44: {  	v6 =	vld [tilespmem:s30+$0x400]  }
0x45: {  	v7 =	vld [tilespmem:s30+$0x410]  }
.Ltmp0:
0x46: {  	v10 =	vld [tilespmem:s30+$0x420];
	(pc) =	sbr.rel @p0 .LBB2_3-.Ltmp0, $4  }
0x47: {  	v9 =	vld [tilespmem:s30+$0x430]  }
0x48: {  	v8 =	vld [tilespmem:s30+$0x440]  }
0x49: {  	v12 =	vadd.f32 v12, v6;
	v6 =	vld [tilespmem:s30+$0x450]  }
0x4a: {  	s31 =	sadd.s32 $0x200, s31;
	v11 =	vadd.f32 v11, v7;
	v7 =	vld [tilespmem:s30+$0x460]  }
0x4b: {  	[tilespmem:s30+$0x400] =	vst v12;
	v5 =	vadd.f32 v5, v10;
	v10 =	vld [tilespmem:s30+$0x470]  }
0x4c: {  	[tilespmem:s30+$0x410] =	vst v11;
	v4 =	vadd.f32 v4, v9  }
0x4d: {  	[tilespmem:s30+$0x420] =	vst v5;
	v3 =	vadd.f32 v3, v8  }
0x4e: {  	[tilespmem:s30+$0x430] =	vst v4;
	v2 =	vadd.f32 v2, v6  }
0x4f: {  	[tilespmem:s30+$0x440] =	vst v3;
	v1 =	vadd.f32 v1, v7  }
0x50: {  	s0 =	sadd.s32 s4, s28;
	[tilespmem:s30+$0x450] =	vst v2;
	v0 =	vadd.f32 v0, v10  }
0x51: {  	s0 =	sshll.u32 s0, $0x4;
	[tilespmem:s30+$0x460] =	vst v1  }
0x52: {  	s0 =	sadd.s32 s7, s0;
	[tilespmem:s30+$0x470] =	vst v0;
	s30 =	simm.s32 $0x0  }
0x53: {  	[hbm4b:s0+s30] =	stream.linear.scatter [tilespmem:s16], [sflag:$0x2], $0x5000, $0x38;
	[tilespmem:$0x14400] =	vst v63  }
0x54: {  	_ =	swait.ge [sflag:s18], $0x5000  }
0x55: {  	[sflag:s18] =	ssyncset.done $0x0  }
0x56: {  	[sflag:s18] =	ssyncadd.s32 $0xFFFFB000  }
0x57: {  	_ =	swait.ge [sflag:s18], $0x5000  }
0x58: {  	[sflag:s18] =	ssyncset.done $0x0  }
0x59: {  	s30 =	simm.s32 $0x0;
	[sflag:s18] =	ssyncadd.s32 $0xFFFFB000  }
0x5a: {  	v7 =	vld [tilespmem:s30+$0xF400]  }
0x5b: {  	v11 =	vld [tilespmem:s30+$0xF410]  }
0x5c: {  	v5 =	vld [tilespmem:s30+$0xF420]  }
0x5d: {  	v4 =	vld [tilespmem:s30+$0xF430]  }
0x5e: {  	v3 =	vld [tilespmem:s30+$0xF440]  }
0x5f: {  	v2 =	vld [tilespmem:s30+$0xF450]  }
0x60: {  	v1 =	vld [tilespmem:s30+$0xF460]  }
0x61: {  	v0 =	vld [tilespmem:s30+$0xF470]  }
0x62: {  	v12 =	vld [tilespmem:s30+$0x5400]  }
0x63: {  	v13 =	vld [tilespmem:s30+$0x5410]  }
0x64: {  	v10 =	vld [tilespmem:s30+$0x5420]  }
0x65: {  	v9 =	vld [tilespmem:s30+$0x5430]  }
0x66: {  	v8 =	vld [tilespmem:s30+$0x5440]  }
0x67: {  	v6 =	vld [tilespmem:s30+$0x5450];
	v12 =	vadd.f32 v7, v12  }
0x68: {  	s31 =	simm.s32 $0x200;
	v11 =	vadd.f32 v11, v13;
	v7 =	vld [tilespmem:s30+$0x5460]  }
.LBB2_5:
0x69: {  	s0 =	sshra.s32 s31, $0x2;
	p0 =	sne.s32 s31, $0x13E00;
	[tilespmem:s30+$0x5400] =	vst v12;
	v5 =	vadd.f32 v5, v10;
	v10 =	vld [tilespmem:s30+$0x5470]  }
0x6a: {  	v12 =	vld [tilespmem:s0+$0xF400];
	[tilespmem:s30+$0x5410] =	vst v11;
	v4 =	vadd.f32 v4, v9  }
0x6b: {  	v11 =	vld [tilespmem:s0+$0xF410];
	[tilespmem:s30+$0x5420] =	vst v5;
	v3 =	vadd.f32 v3, v8  }
0x6c: {  	v5 =	vld [tilespmem:s0+$0xF420];
	[tilespmem:s30+$0x5430] =	vst v4;
	v2 =	vadd.f32 v2, v6  }
0x6d: {  	v4 =	vld [tilespmem:s0+$0xF430];
	[tilespmem:s30+$0x5440] =	vst v3;
	v1 =	vadd.f32 v1, v7  }
0x6e: {  	v3 =	vld [tilespmem:s0+$0xF440];
	[tilespmem:s30+$0x5450] =	vst v2;
	v0 =	vadd.f32 v0, v10  }
0x6f: {  	v2 =	vld [tilespmem:s0+$0xF450];
	[tilespmem:s30+$0x5460] =	vst v1  }
0x70: {  	v1 =	vld [tilespmem:s0+$0xF460];
	[tilespmem:s30+$0x5470] =	vst v0;
	s30 =	smov.u32 s0  }
0x71: {  	v0 =	vld [tilespmem:s30+$0xF470]  }
0x72: {  	v6 =	vld [tilespmem:s30+$0x5400]  }
0x73: {  	v7 =	vld [tilespmem:s30+$0x5410]  }
.Ltmp1:
0x74: {  	v10 =	vld [tilespmem:s30+$0x5420];
	(pc) =	sbr.rel @p0 .LBB2_5-.Ltmp1, $4  }
0x75: {  	v9 =	vld [tilespmem:s30+$0x5430]  }
0x76: {  	v8 =	vld [tilespmem:s30+$0x5440]  }
0x77: {  	v12 =	vadd.f32 v12, v6;
	v6 =	vld [tilespmem:s30+$0x5450]  }
0x78: {  	s31 =	sadd.s32 $0x200, s31;
	v11 =	vadd.f32 v11, v7;
	v7 =	vld [tilespmem:s30+$0x5460]  }
0x79: {  	[tilespmem:s30+$0x5400] =	vst v12;
	v5 =	vadd.f32 v5, v10;
	v63 =	vld [tilespmem:s30+$0x5470]  }
0x7a: {  	[tilespmem:s30+$0x5410] =	vst v11;
	v4 =	vadd.f32 v4, v9  }
0x7b: {  	[tilespmem:s30+$0x5420] =	vst v5;
	v3 =	vadd.f32 v3, v8  }
0x7c: {  	[tilespmem:s30+$0x5430] =	vst v4;
	v2 =	vadd.f32 v2, v6  }
0x7d: {  	[tilespmem:s30+$0x5440] =	vst v3;
	v1 =	vadd.f32 v1, v7  }
0x7e: {  	[tilespmem:s30+$0x5450] =	vst v2;
	v0 =	vadd.f32 v0, v63  }
0x7f: {  	[tilespmem:s30+$0x5460] =	vst v1  }
0x80: {  	[tilespmem:s30+$0x5470] =	vst v0  }
0x81: {  	_ =	swait.ge [sflag:s23], $0x5000  }
0x82: {  	s0 =	sshll.u32 s29, $0x4;
	[sflag:s23] =	ssyncset.done $0x0  }
0x83: {  	p0 =	seq.s32 s26, $0x9;
	s0 =	sadd.s32 s7, s0;
	[sflag:s23] =	ssyncadd.s32 $0xFFFFB000  }
0x84: {  	[hbm4b:s0+s2] =	stream.linear.scatter [tilespmem:s21], [sflag:$0x3], $0x5000, $0x38;
	[tilespmem:$0x14400] =	vst v63  }
0x85: {  	s0 =	sadd.s32 @!p0 s28, s11  }
0x86: {  	s0 =	sshrl.u32 @!p0 s0, $0x3  }
0x87: {  	s29 =	simm.s32 @!p0 $0x0;
	s28 =	sadd.s32 @!p0 s5, s0  }
0x88: {  	[tilespmem:s29], [sflag:$0x4] =	stream.linear.gather @!p0 [hbm4b:s28+s29], $0xA0, $0x38;
	[tilespmem:$0x14400] =	vst v63  }
0x89: {  	s28 =	simm.s32 @!p0 $0x4  }
0x8a: {  	_ =	swait.ge @!p0 [sflag:s28], $0xA0  }
0x8b: {  	[sflag:s28] =	ssyncset.done @!p0 $0x0  }
0x8c: {  	s30 =	simm.s32 @!p0 $0x200;
	s0 =	sadd.s32 @!p0 s6, s0;
	[sflag:s28] =	ssyncadd.s32 @!p0 $0xFFFFFF60  }
0x8d: {  	[tilespmem:s30], [sflag:$0x4] =	stream.linear.gather @!p0 [hbm4b:s0+s29], $0xA0, $0x38;
	[tilespmem:$0x14400] =	vst v63  }
0x8e: {  	_ =	swait.ge @!p0 [sflag:s28], $0xA0  }
0x8f: {  	s26 =	sadd.s32 @!p0 $0x1, s26;
	[sflag:s28] =	ssyncset.done @!p0 $0x0  }
0x90: {  	s0 =	simm.s32 @!p0 $0xA0;
	[sflag:s28] =	ssyncadd.s32 @!p0 $0xFFFFFF60;
	s28 =	simm.s32 @!p0 $0x400  }
0x91: {  	[tilespmem:s28], [sflag:$0x1] =	stream.indirect.gather @!p0 [hbm4b:s3+s0], $0x80, s29, s0, $0xb8;
	[tilespmem:$0x14400] =	vst v63  }
0x92: {  	p1 =	sne.s32 @!p0 s26, $0xA;
	s28 =	simm.s32 @!p0 $0xA400  }
0x93: {  	[tilespmem:s28], [sflag:$0x1] =	stream.indirect.gather @!p0 [hbm4b:s3+s0], $0x80, s30, s0, $0xb8;
	[tilespmem:$0x14400] =	vst v63  }
0x94: {  	p0 =	por p0, !p1  }
.Ltmp2:
0x95: {  	_ = 	snop;
	(pc) =	sbr.rel @!p0 .LBB2_2-.Ltmp2, $1  }
0x96: {  	_ =	sdelay $0x3  }
0x97: {  	s25 =	sadd.s32 $0x1, s25  }
0x98: {  	p0 =	sne.s32 s25, s12  }
.Ltmp3:
0x99: {  	_ = 	snop;
	(pc) =	sbr.rel @p0 .LBB2_1-.Ltmp3, $4  }
0x9a: {  	_ = 	snop  }
0x9b: {  	_ =	swait.ge [sflag:s24], $0x5000  }
0x9c: {  	[sflag:s24] =	ssyncset.done $0x0  }
0x9d: {  	[sflag:s24] =	ssyncadd.s32 $0xFFFFB000  }
0x9e: {  	_ =	sfence.sel $0x180000  }
0x9f: {  	[bflag:$0x0] =	sbarrier.arrive $0xFFFF  }
0xa0: {  	_ =	strace $0x9000004D  }
0xa1: {  	[bflag:$0x2] =	sbarrier.arrive $0xFFFF  }
0xa2: {  	p0 =	sne.s32 s1, $0x0;
	s0 =	rddreg [dreg:$0x1]  }
0xa3: {  	s0 =	sadd.s32 @!p0 $0x100000, s0  }
0xa4: {  	[sflag:s0] =	ssyncadd.tile.s32 @!p0 $0x1;
	_ =	shalt  }
.Lfunc_end2:
_tile_overlayer_lowered:
.L_overlay_start_2:
0xa5: {  	(tag) =	ssettag $0x2  }
0xa6: {  	s0 =	rddreg [dreg:$0x0];
	s2 =	stileid.u32  }
0xa7: {  	s1 =	rddreg [dreg:$0x1];
	p0 =	sne.s32 s2, $0x0  }
0xa8: {  	s3 =	rddreg [dreg:$0x2];
	[bflag:$0x3] =	sbarrier.arrive $0xFFFF;
	s2 =	simm.s32 @!p0 $0x1C04  }
0xa9: {  	[timem:s3], [sflag:s2] =	dma.local @!p0 [hbm:s0], s1  }
0xaa: {  	s0 =	simm.s32 @!p0 $0x4  }
0xab: {  	_ =	swait.ge @!p0 [sflag:s0], s1  }
0xac: {  	s1 =	ssub.s32 @!p0 $0x0, s1;
	[sflag:s0] =	ssyncset.done @!p0 $0x0  }
0xad: {  	[sflag:s0] =	ssyncadd.s32 @!p0 s1  }
0xae: {  	[bflag:$0x3] =	sbarrier.arrive $0xFFFF  }
0xaf: {  	_ =	shalt  }

// kernel: kernel.9.cloned.1.call-start
scs
__scs_entry_jumppad:
0x0: {  	(pc) =	sbr.rel $0x88, $3  }
0x1: {  	(tag) =	ssettag $0x0;
	lr =	simm.s32 $0x1  }
0x2: {  	[smem:$0x3F8C] =	sst lr;
	_ =	strace $0xD0000000  }
0x3: {  	_ = 	snop  }
0x4: {  	_ = 	snop  }
0x5: {  	_ = 	snop  }
0x6: {  	_ = 	snop  }
0x7: {  	_ = 	snop  }
__scs_overlays_trampoline_lowered:
0x8: {  	[smem:$0x3F9B] =	sst s0  }
0x9: {  	[smem:$0x3F9C] =	sst s1  }
0xa: {  	[smem:$0x3F9D] =	sst s2  }
0xb: {  	[smem:$0x3F9E] =	sst s3  }
0xc: {  	[smem:$0x3F9F] =	sst s4  }
0xd: {  	[smem:$0x3FA0] =	sst s5  }
0xe: {  	[smem:$0x3FA1] =	sst s6  }
0xf: {  	[smem:$0x3FA2] =	sst s7  }
0x10: {  	[smem:$0x3FA3] =	sst s8  }
0x11: {  	[smem:$0x3FA4] =	sst s9;
	s0 =	simm.s32 @!p0 $0x0  }
0x12: {  	s1 =	sld [smem:$0x3F8A];
	s0 =	simm.s32 @p0 $0x1  }
0x13: {  	[smem:$0x3FA5] =	sst s0;
	s0 =	simm.s32 @!p1 $0x0  }
0x14: {  	s2 =	sld [smem:$0x3F89];
	s0 =	simm.s32 @p1 $0x1  }
0x15: {  	[smem:$0x3FA6] =	sst s0;
	s0 =	simm.s32 @!p2 $0x0  }
0x16: {  	s3 =	sld [smem:$0x3FDB];
	s0 =	simm.s32 @p2 $0x1  }
0x17: {  	s4 =	simm.s32 $0x1BF5;
	[smem:$0x3FA8] =	sst s0  }
0x18: {  	s0 =	sld [smem:$0x3F8B];
	_ =	swait.ge [sflag:s4], $0x0  }
0x19: {  	s7 =	sld [smem:$0x3F8C]  }
0x1a: {  	s8 =	sadd.s32 $0xFFFFE003, lr  }
0x1b: {  	s9 =	sadd.s32 $0xFFFFFEF7, lr;
	s5 =	simm.s32 $0xFFFFFFFF;
	p2 =	slt.u32 s8, $0xFFFFF086  }
0x1c: {  	p1 =	slt.u32 s9, $0xF7A;
	s5 =	simm.s32 @!p2 $0x0  }
0x1d: {  	s5 =	simm.s32 @p1 $0x1;
	p0 =	seq.s32 s7, s2  }
0x1e: {  	s7 =	smul.u32 @!p0 $0xF7A, s2;
	p2 =	seq.s32 @!p0 s5, $0x0  }
0x1f: {  	s9 =	smul.u32 $0xF7A, s1;
	s8 =	simm.s32 @!p0 $0x1BF5;
	p2 =	por !p2, p0  }
0x20: {  	[sflag:s8] =	ssyncset.s32 @!p0 $0xFFFFF086;
	s6 =	sadd.s32 @!p0 s3, s7;
	s7 =	simm.s32 @!p0 $0x108  }
0x21: {  	s3 =	sadd.s32 s3, s9;
	s6 =	sadd.s32 @!p0 $0x88, s6;
	s7 =	simm.s32 @p2 $0x1082  }
0x22: {  	[simem:s7], [sflag:s8] =	dma.local @!p0 [hbm:s6], $0xF7A  }
0x23: {  	s9 =	sor.u32 $0xD0000000, s2;
	s6 =	simm.s32 $0x108;
	_ =	swait.ge @!p0 [sflag:s8], $0x0  }
0x24: {  	s3 =	sadd.s32 $0x88, s3;
	s6 =	simm.s32 @!p1 $0x1082;
	[sflag:s4] =	ssyncset.s32 $0xFFFFF086  }
0x25: {  	[simem:s6], [sflag:s4] =	dma.local [hbm:s3], $0xF7A  }
0x26: {  	[smem:$0x3F8C] =	sst s1;
	(tag) =	ssettag s2;
	_ =	strace s9  }
0x27: {  	s1 =	sld [smem:$0x3F9C]  }
0x28: {  	s2 =	sld [smem:$0x3F9D]  }
0x29: {  	s4 =	sld [smem:$0x3F9F]  }
0x2a: {  	p0 =	seq.s32 s5, $0x0;
	s5 =	sld [smem:$0x3FA0]  }
0x2b: {  	s6 =	sld [smem:$0x3FA1]  }
0x2c: {  	s7 =	sld [smem:$0x3FA2]  }
0x2d: {  	s3 =	simm.s32 $0x108;
	s8 =	sld [smem:$0x3FA3]  }
0x2e: {  	s3 =	simm.s32 @!p0 $0x1082;
	s9 =	sld [smem:$0x3FA4]  }
0x2f: {  	lr =	sadd.s32 s0, s3;
	s0 =	sld [smem:$0x3F9B]  }
0x30: {  	s3 =	sld [smem:$0x3F9E]  }
0x31: {  	[smem:$0x3FA7] =	sst s10  }
0x32: {  	s10 =	sld [smem:$0x3FA5];
	_ =	sdelay $0x3  }
0x33: {  	p0 =	seq.s32 s10, $0x1;
	s10 =	sld [smem:$0x3FA7];
	_ =	sdelay $0x3  }
0x34: {  	[smem:$0x3FA7] =	sst s10  }
0x35: {  	s10 =	sld [smem:$0x3FA6];
	_ =	sdelay $0x3  }
0x36: {  	p1 =	seq.s32 s10, $0x1;
	s10 =	sld [smem:$0x3FA7];
	_ =	sdelay $0x3  }
0x37: {  	[smem:$0x3FA7] =	sst s10  }
0x38: {  	s10 =	sld [smem:$0x3FA8]  }
0x39: {  	_ = 	snop;
	(pc) =	sbr.ind lr, $3  }
0x3a: {  	_ = 	snop  }
0x3b: {  	_ = 	snop  }
0x3c: {  	p2 =	seq.s32 s10, $0x1;
	s10 =	sld [smem:$0x3FA7]  }
0x3d: {  	_ =	shalt  }
0x3e: {  	_ =	shalt  }
0x3f: {  	_ =	shalt  }
0x40: {  	_ =	shalt  }
0x41: {  	_ =	shalt  }
0x42: {  	_ =	shalt  }
0x43: {  	_ =	shalt  }
0x44: {  	_ =	shalt  }
0x45: {  	_ =	shalt  }
0x46: {  	_ =	shalt  }
0x47: {  	_ =	shalt  }
0x48: {  	_ =	shalt  }
0x49: {  	_ =	shalt  }
0x4a: {  	_ =	shalt  }
0x4b: {  	_ =	shalt  }
0x4c: {  	_ =	shalt  }
0x4d: {  	_ =	shalt  }
0x4e: {  	_ =	shalt  }
0x4f: {  	_ =	shalt  }
0x50: {  	_ =	shalt  }
0x51: {  	_ =	shalt  }
0x52: {  	_ =	shalt  }
0x53: {  	_ =	shalt  }
0x54: {  	_ =	shalt  }
0x55: {  	_ =	shalt  }
0x56: {  	_ =	shalt  }
0x57: {  	_ =	shalt  }
0x58: {  	_ =	shalt  }
0x59: {  	_ =	shalt  }
0x5a: {  	_ =	shalt  }
0x5b: {  	_ =	shalt  }
0x5c: {  	_ =	shalt  }
0x5d: {  	_ =	shalt  }
0x5e: {  	_ =	shalt  }
0x5f: {  	_ =	shalt  }
0x60: {  	_ =	shalt  }
0x61: {  	_ =	shalt  }
0x62: {  	_ =	shalt  }
0x63: {  	_ =	shalt  }
0x64: {  	_ =	shalt  }
0x65: {  	_ =	shalt  }
0x66: {  	_ =	shalt  }
0x67: {  	_ =	shalt  }
0x68: {  	_ =	shalt  }
0x69: {  	_ =	shalt  }
0x6a: {  	_ =	shalt  }
0x6b: {  	_ =	shalt  }
0x6c: {  	_ =	shalt  }
0x6d: {  	_ =	shalt  }
0x6e: {  	_ =	shalt  }
0x6f: {  	_ =	shalt  }
0x70: {  	_ =	shalt  }
0x71: {  	_ =	shalt  }
0x72: {  	_ =	shalt  }
0x73: {  	_ =	shalt  }
0x74: {  	_ =	shalt  }
0x75: {  	_ =	shalt  }
0x76: {  	_ =	shalt  }
0x77: {  	_ =	shalt  }
0x78: {  	_ =	shalt  }
0x79: {  	_ =	shalt  }
0x7a: {  	_ =	shalt  }
0x7b: {  	_ =	shalt  }
0x7c: {  	_ =	shalt  }
0x7d: {  	_ =	shalt  }
0x7e: {  	_ =	shalt  }
0x7f: {  	_ =	shalt  }
0x80: {  	_ =	shalt  }
0x81: {  	_ =	shalt  }
0x82: {  	_ =	shalt  }
0x83: {  	_ =	shalt  }
0x84: {  	_ =	shalt  }
0x85: {  	_ =	shalt  }
0x86: {  	_ =	shalt  }
0x87: {  	_ =	shalt  }
.Lfunc_end0:
.L_simem_size_0:
called_computation_lowered:
.L_overlay_start_0:
0x88: {  	s2 =	sld [smem:$0x3FD9]  }
0x89: {  	s3 =	sld [smem:$0x3FFE];
	_ =	sdelay $0x1  }
0x8a: {  	s1 =	srdreg.scid  }
0x8b: {  	s0 =	sand.u32 $0x1, s1  }
0x8c: {  	s17 =	sshll.u32 s0, $0xA;
	s2 =	sadd.s32 s3, s2  }
0x8d: {  	s2 =	sadd.s32 s2, s17  }
0x8e: {  	[smem:$0x3FB3] =	sst s2  }
0x8f: {  	_ = 	snop  }
0x90: {  	s2 =	sld [smem:$0x3FD0];
	(tm) =	ssettm $0x1  }
0x91: {  	s18 =	sld [smem:$0x3FFB];
	_ =	sdelay $0x3  }
0x92: {  	_ =	strace s18  }
0x93: {  	s3 =	sld [smem:$0x3FFC];
	_ =	sdelay $0x3  }
0x94: {  	_ =	strace s3  }
0x95: {  	s3 =	sld [smem:$0x3FFD];
	_ =	sdelay $0x3  }
0x96: {  	_ =	strace s3  }
0x97: {  	_ =	strace $0x8FFFFFFF  }
0x98: {  	s19 =	sld [smem:$0x3FDB];
	_ =	sdelay $0x1  }
0x99: {  	s4 =	simm.s32 $_scs_section_size  }
0x9a: {  	s5 =	simm.s32 $_size__tile_overlayer_lowered;
	s6 =	simm.s32 $_tile_overlayer_lowered  }
0x9b: {  	s22 =	simm.s32 $0x1BFF;
	s21 =	sshll.u32 s6, $0x1;
	s3 =	sadd.s32 s4, s19  }
0x9c: {  	s7 =	simm.s32 $0x0;
	s20 =	sshll.u32 s5, $0x1;
	s5 =	sadd.s32 s21, s3  }
0x9d: {  	[timem:s7], [sflag:s22] =	dma.local [hbm:s5], s20  }
0x9e: {  	_ =	swait.ge [sflag:s22], s20  }
0x9f: {  	s4 =	ssub.s32 $0x0, s20;
	[sflag:s22] =	ssyncset.done $0x0  }
0xa0: {  	[sflag:s22] =	ssyncadd.s32 s4;
	_ =	sdelay $0x1  }
0xa1: {  	s23 =	simm.s32 $0x1B8B  }
0xa2: {  	_ =	swait.ge [sflag:s23], $0x1  }
0xa3: {  	[sflag:s23] =	ssyncset.done $0x0  }
0xa4: {  	s25 =	simm.s32 $0x1B8E;
	s24 =	sld [smem:$0x3FFE];
	[sflag:s23] =	ssyncadd.s32 $0xFFFFFFFF  }
0xa5: {  	s26 =	simm.s32 $execute0_lowered;
	[smem:$0x3FD2] =	sst s25  }
0xa6: {  	s5 =	sshll.u32 s26, $0x1;
	_ =	strace $0x80000046;
	[dreg:$0x1] =	wrdreg $0xFFFFFFFF  }
0xa7: {  	s28 =	simm.s32 $_size_execute0_lowered;
	s3 =	sadd.s32 s3, s5;
	[dreg:$0x0] =	wrdreg $0x0  }
0xa8: {  	s5 =	sshll.u32 s28, $0x1;
	[dreg:$0x2] =	wrdreg s3  }
0xa9: {  	[dreg:$0x3] =	wrdreg s5  }
0xaa: {  	[dreg:$0x4] =	wrdreg $0xC0  }
0xab: {  	_ =	task [dreg:s7], $0x5FFFF  }
0xac: {  	[dreg:$0x1] =	wrdreg $0xFFFFFFFF  }
0xad: {  	[dreg:$0x0] =	wrdreg $0x60  }
0xae: {  	[dreg:$0x2] =	wrdreg s24  }
0xaf: {  	[dreg:$0x3] =	wrdreg s2  }
0xb0: {  	[dreg:$0x4] =	wrdreg $0x0  }
0xb1: {  	[dreg:$0x5] =	wrdreg $0x170000  }
0xb2: {  	[dreg:$0x6] =	wrdreg $0x9  }
0xb3: {  	_ =	task.clear_ibuf [dreg:s7], $0x7FFFF;
	_ =	strace $0x90000046  }
0xb4: {  	s29 =	simm.s32 $0x9;
	_ =	strace $0x80000048  }
0xb5: {  	_ =	swait.ge [sflag:s29], $0x1  }
0xb6: {  	[sflag:s29] =	ssyncadd.s32 $0xFFFFFFFF  }
0xb7: {  	_ =	strace $0x90000048  }
0xb8: {  	_ =	sfence  }
0xb9: {  	s30 =	sld [smem:$0x0];
	_ =	sdelay $0x2  }
0xba: {  	s31 =	sshll.u32 s1, $0xD;
	s1 =	sshrl.u32 s1, $0x2  }
0xbb: {  	s3 =	sand.u32 $0x4000, s31;
	s1 =	sadd.s32 s1, s30  }
0xbc: {  	s0 =	sor.u32 s3, s0;
	s1 =	sshll.u32 s1, $0x11  }
0xbd: {  	s0 =	sor.u32 s1, s0  }
0xbe: {  	s0 =	sadd.s32 $0x8F2B, s0  }
0xbf: {  	[sflag:s0] =	ssyncadd.remote.s32 $0x1  }
0xc0: {  	_ =	sfence.sel $0xFFFF  }
0xc1: {  	[dreg:$0x0] =	wrdreg $0xFFFFFFFF;
	(pc) =	sbr.abs _section_cstart, $3  }
0xc2: {  	[dreg:$0x1] =	wrdreg $0xFFFFFFFF  }
0xc3: {  	_ =	task.clear_ibuf [dreg:s7], $0x2FFFF;
	_ =	strace $0x9FFFFFFF  }
0xc4: {  	(tm) =	ssettm $0x7FFFFFFF  }
0xc5: {  	_ =	shalt  }
tec
execute0_lowered:
.L_overlay_start_1:
0x0: {  	(tag) =	ssettag $0x1  }
0x1: {  	s0 =	rddreg [dreg:$0x0]  }
0x2: {  	s3 =	rddreg [dreg:$0x2]  }
0x3: {  	s4 =	rddreg [dreg:$0x3];
	s5 =	simm.s32 $0x0  }
0x4: {  	s14 =	stileid.u32;
	s8 =	srdreg.scid;
	s28 =	simm.s32 $0x200  }
0x5: {  	s29 =	simm.s32 $0xF000;
	s31 =	simm.s32 $0x13000;
	s30 =	simm.s32 $0xE000  }
0x6: {  	[smem:$0x7FF] =	sst s5;
	s1 =	smul.u32 $0xC80, s14;
	s6 =	sadd.s32 $0xFD600, s0  }
0x7: {  	s7 =	sadd.s32 $0xCB600, s0;
	s2 =	smul.u32 $0x19000, s14;
	s9 =	sadd.s32 $0x161600, s0  }
0x8: {  	s13 =	sadd.s32 $0x161800, s0;
	s8 =	sand.u32 $0x1, s8;
	s15 =	sadd.s32 $0x195400, s0  }
0x9: {  	s14 =	smul.u32 $0x640, s14;
	_ =	strace $0x80000047;
	[dreg:$0x6] =	wrdreg s9  }
0xa: {  	[dreg:$0x7] =	wrdreg s13;
	s11 =	ssub.s32 $0x2, s8;
	p0 =	seq.s32 s8, $0x1  }
0xb: {  	s9 =	simm.s32 $0x6;
	s1 =	sadd.s32 s1, s0;
	s10 =	sshrl.u32 s2, $0x4  }
0xc: {  	s13 =	sshrl.u32 s11, $0x1;
	s2 =	sshrl.u32 s2, $0x1;
	s16 =	sadd.s32 $0x6400, s14  }
0xd: {  	s17 =	sadd.s32 s14, s4;
	s22 =	sshrl.u32 s14, $0x3;
	s14 =	simm.s32 $0x3  }
0xe: {  	s12 =	sadd.s32 s10, s0;
	s0 =	sadd.s32 $0x161A00, s0;
	s11 =	ssub.s32 s11, s13  }
0xf: {  	s2 =	sadd.s32 s2, s3;
	[dreg:$0x9] =	wrdreg s17;
	s18 =	sshll.u32 s16, $0x2  }
0x10: {  	s19 =	sadd.s32 s15, s10;
	s23 =	sadd.s32 $0x154E00, s1;
	s25 =	sadd.s32 $0x13BE00, s1  }
0x11: {  	s26 =	sadd.s32 $0x12F600, s1;
	s10 =	simm.s32 $0xDE00;
	[dreg:$0x8] =	wrdreg s2  }
0x12: {  	s17 =	simm.s32 $0xE400;
	s13 =	simm.s32 $0xD600;
	[dreg:$0xc] =	wrdreg s19  }
0x13: {  	s2 =	sshrl.u32 s16, $0x3;
	s8 =	sadd.s32 s15, s18;
	[dreg:$0x10] =	wrdreg s23  }
0x14: {  	s20 =	sadd.s32 $0x17C400, s12;
	s21 =	sadd.s32 $0x163400, s12;
	[dreg:$0x12] =	wrdreg s25  }
0x15: {  	s24 =	smax.u32 s11, $0x1;
	[dreg:$0x13] =	wrdreg s26;
	s23 =	simm.s32 $0x17640  }
0x16: {  	s25 =	simm.s32 $0xC800;
	s26 =	simm.s32 $0xDC00;
	s12 =	simm.s32 $0x2  }
0x17: {  	s16 =	simm.s32 $0x4;
	s19 =	simm.s32 $0xCE00;
	[dreg:$0xa] =	wrdreg s8  }
0x18: {  	s15 =	simm.s32 $0xD000;
	s11 =	simm.s32 $0x0;
	[dreg:$0xd] =	wrdreg s20  }
.Ltmp0:
0x19: {  	s2 =	sadd.s32 s0, s2;
	[dreg:$0xe] =	wrdreg s21;
	(pc) =	sbr.rel .LBB2_1-.Ltmp0, $4  }
0x1a: {  	s0 =	sadd.s32 s0, s22;
	[dreg:$0x11] =	wrdreg s24;
	s24 =	simm.s32 $0x7  }
0x1b: {  	s20 =	simm.s32 $0xCC00;
	s21 =	simm.s32 $0xE200;
	[dreg:$0xb] =	wrdreg s2  }
0x1c: {  	s22 =	simm.s32 $0xE600;
	[dreg:$0xf] =	wrdreg s0;
	s2 =	sadd.s32 $0x148600, s1  }
0x1d: {  	s8 =	simm.s32 $0x5;
	s0 =	simm.s32 $0x1;
	[dreg:$0x5] =	wrdreg s2  }
.LBB2_11:
0x1e: {  	s13 =	sadd.s32 s11, s2;
	[sflag:s9] =	ssyncadd.s32 $0xFFFFFE00  }
0x1f: {  	[tilespmem:s25], [sflag:$0x7] =	stream.linear.gather [hbm4b:s13+s5], $0x1400, $0x38;
	[tilespmem:$0x17E80] =	vst v63  }
0x20: {  	_ =	swait.ge [sflag:s24], $0x1400  }
0x21: {  	[sflag:s24] =	ssyncset.done $0x0  }
0x22: {  	s18 =	sadd.s32 s11, s1;
	[sflag:s24] =	ssyncadd.s32 $0xFFFFEC00  }
0x23: {  	[tilespmem:s26], [sflag:$0x7] =	stream.linear.gather [hbm4b:s18+s5], $0x1400, $0x38;
	[tilespmem:$0x17E80] =	vst v63  }
0x24: {  	_ =	swait.ge [sflag:s24], $0x1400  }
0x25: {  	[sflag:s24] =	ssyncset.done $0x0  }
0x26: {  	[sflag:s24] =	ssyncadd.s32 $0xFFFFEC00  }
0x27: {  	[tilespmem:s29], [sflag:$0x1] =	stream.indirect.gather [hbm4b:s7+s28], $0x20, s25, s28, $0xb8;
	[tilespmem:$0x17E80] =	vst v63  }
0x28: {  	s22 =	simm.s32 $0xCA00  }
0x29: {  	[tilespmem:s31], [sflag:$0x2] =	stream.indirect.gather [hbm4b:s7+s28], $0x20, s22, s28, $0xb8;
	[tilespmem:$0x17E80] =	vst v63  }
0x2a: {  	_ =	swait.ge [sflag:s0], $0x4000  }
0x2b: {  	[sflag:s0] =	ssyncset.done $0x0  }
0x2c: {  	[sflag:s0] =	ssyncadd.s32 $0xFFFFC000  }
0x2d: {  	[spmem:s3] =	stream.indirect.scatter.add.s16 [tilespmem:s29], [sflag:$0x3], $0x20, s26, s28, $0xb8;
	[tilespmem:$0x17E80] =	vst v63  }
0x2e: {  	_ = 	snop  }
0x2f: {  	[spmem:s4] =	stream.indirect.scatter.add.f32 [tilespmem:s23], [sflag:$0x5], $0x1, s26, s28, $0xb8;
	[tilespmem:$0x17E80] =	vst v63  }
0x30: {  	_ =	swait.ge [sflag:s12], $0x4000  }
0x31: {  	[sflag:s12] =	ssyncset.done $0x0  }
0x32: {  	[sflag:s12] =	ssyncadd.s32 $0xFFFFC000  }
0x33: {  	[spmem:s3] =	stream.indirect.scatter.add.s16 [tilespmem:s31], [sflag:$0x4], $0x20, s10, s28, $0xb8;
	[tilespmem:$0x17E80] =	vst v63  }
0x34: {  	_ = 	snop  }
0x35: {  	[spmem:s4] =	stream.indirect.scatter.add.f32 [tilespmem:s23], [sflag:$0x6], $0x1, s10, s28, $0xb8;
	[tilespmem:$0x17E80] =	vst v63  }
0x36: {  	_ =	swait.ge [sflag:s14], $0x4000  }
0x37: {  	[sflag:s14] =	ssyncset.done $0x0  }
0x38: {  	[sflag:s14] =	ssyncadd.s32 $0xFFFFC000  }
0x39: {  	_ =	swait.ge [sflag:s8], $0x200  }
0x3a: {  	[sflag:s8] =	ssyncset.done $0x0  }
0x3b: {  	[sflag:s8] =	ssyncadd.s32 $0xFFFFFE00  }
0x3c: {  	[tilespmem:s29], [sflag:$0x1] =	stream.indirect.gather [hbm4b:s7+s28], $0x20, s20, s28, $0xb8;
	[tilespmem:$0x17E80] =	vst v63  }
0x3d: {  	_ =	swait.ge [sflag:s16], $0x4000  }
0x3e: {  	[sflag:s16] =	ssyncset.done $0x0  }
0x3f: {  	[sflag:s16] =	ssyncadd.s32 $0xFFFFC000  }
0x40: {  	_ =	swait.ge [sflag:s9], $0x200  }
0x41: {  	[sflag:s9] =	ssyncset.done $0x0  }
0x42: {  	[sflag:s9] =	ssyncadd.s32 $0xFFFFFE00  }
0x43: {  	[tilespmem:s31], [sflag:$0x2] =	stream.indirect.gather [hbm4b:s7+s28], $0x20, s19, s28, $0xb8;
	[tilespmem:$0x17E80] =	vst v63  }
0x44: {  	_ =	swait.ge [sflag:s0], $0x4000  }
0x45: {  	[sflag:s0] =	ssyncset.done $0x0  }
0x46: {  	[sflag:s0] =	ssyncadd.s32 $0xFFFFC000  }
0x47: {  	[spmem:s3] =	stream.indirect.scatter.add.s16 [tilespmem:s29], [sflag:$0x3], $0x20, s30, s28, $0xb8;
	[tilespmem:$0x17E80] =	vst v63  }
0x48: {  	_ = 	snop  }
0x49: {  	[spmem:s4] =	stream.indirect.scatter.add.f32 [tilespmem:s23], [sflag:$0x5], $0x1, s30, s28, $0xb8;
	[tilespmem:$0x17E80] =	vst v63  }
0x4a: {  	_ =	swait.ge [sflag:s12], $0x4000  }
0x4b: {  	[sflag:s12] =	ssyncset.done $0x0  }
0x4c: {  	[sflag:s12] =	ssyncadd.s32 $0xFFFFC000  }
0x4d: {  	[spmem:s3] =	stream.indirect.scatter.add.s16 [tilespmem:s31], [sflag:$0x4], $0x20, s21, s28, $0xb8;
	[tilespmem:$0x17E80] =	vst v63  }
0x4e: {  	_ = 	snop  }
0x4f: {  	[spmem:s4] =	stream.indirect.scatter.add.f32 [tilespmem:s23], [sflag:$0x6], $0x1, s21, s28, $0xb8;
	[tilespmem:$0x17E80] =	vst v63  }
0x50: {  	_ =	swait.ge [sflag:s14], $0x4000  }
0x51: {  	[sflag:s14] =	ssyncset.done $0x0  }
0x52: {  	[sflag:s14] =	ssyncadd.s32 $0xFFFFC000  }
0x53: {  	_ =	swait.ge [sflag:s8], $0x200  }
0x54: {  	[sflag:s8] =	ssyncset.done $0x0  }
0x55: {  	[sflag:s8] =	ssyncadd.s32 $0xFFFFFE00  }
0x56: {  	[tilespmem:s29], [sflag:$0x1] =	stream.indirect.gather [hbm4b:s7+s28], $0x20, s15, s28, $0xb8;
	[tilespmem:$0x17E80] =	vst v63  }
0x57: {  	_ =	swait.ge [sflag:s16], $0x4000  }
0x58: {  	[sflag:s16] =	ssyncset.done $0x0  }
0x59: {  	[sflag:s16] =	ssyncadd.s32 $0xFFFFC000  }
0x5a: {  	_ =	swait.ge [sflag:s9], $0x200  }
0x5b: {  	[sflag:s9] =	ssyncset.done $0x0  }
0x5c: {  	s2 =	simm.s32 $0xD200;
	[sflag:s9] =	ssyncadd.s32 $0xFFFFFE00  }
0x5d: {  	[tilespmem:s31], [sflag:$0x2] =	stream.indirect.gather [hbm4b:s7+s28], $0x20, s2, s28, $0xb8;
	[tilespmem:$0x17E80] =	vst v63  }
0x5e: {  	_ =	swait.ge [sflag:s0], $0x4000  }
0x5f: {  	[sflag:s0] =	ssyncset.done $0x0  }
0x60: {  	s11 =	simm.s32 $0xE400;
	[sflag:s0] =	ssyncadd.s32 $0xFFFFC000  }
0x61: {  	[spmem:s3] =	stream.indirect.scatter.add.s16 [tilespmem:s29], [sflag:$0x3], $0x20, s11, s28, $0xb8;
	[tilespmem:$0x17E80] =	vst v63  }
0x62: {  	_ = 	snop  }
0x63: {  	[spmem:s4] =	stream.indirect.scatter.add.f32 [tilespmem:s23], [sflag:$0x5], $0x1, s11, s28, $0xb8;
	[tilespmem:$0x17E80] =	vst v63  }
0x64: {  	_ =	swait.ge [sflag:s12], $0x4000  }
0x65: {  	[sflag:s12] =	ssyncset.done $0x0  }
0x66: {  	s13 =	simm.s32 $0xE600;
	[sflag:s12] =	ssyncadd.s32 $0xFFFFC000  }
0x67: {  	[spmem:s3] =	stream.indirect.scatter.add.s16 [tilespmem:s31], [sflag:$0x4], $0x20, s13, s28, $0xb8;
	[tilespmem:$0x17E80] =	vst v63  }
0x68: {  	_ = 	snop  }
0x69: {  	[spmem:s4] =	stream.indirect.scatter.add.f32 [tilespmem:s23], [sflag:$0x6], $0x1, s13, s28, $0xb8;
	[tilespmem:$0x17E80] =	vst v63  }
0x6a: {  	_ =	swait.ge [sflag:s14], $0x4000  }
0x6b: {  	[sflag:s14] =	ssyncset.done $0x0  }
0x6c: {  	[sflag:s14] =	ssyncadd.s32 $0xFFFFC000  }
0x6d: {  	_ =	swait.ge [sflag:s8], $0x200  }
0x6e: {  	[sflag:s8] =	ssyncset.done $0x0  }
0x6f: {  	s18 =	simm.s32 $0xD400;
	[sflag:s8] =	ssyncadd.s32 $0xFFFFFE00  }
0x70: {  	[tilespmem:s29], [sflag:$0x1] =	stream.indirect.gather [hbm4b:s7+s28], $0x20, s18, s28, $0xb8;
	[tilespmem:$0x17E80] =	vst v63  }
0x71: {  	_ =	swait.ge [sflag:s16], $0x4000  }
0x72: {  	[sflag:s16] =	ssyncset.done $0x0  }
0x73: {  	[sflag:s16] =	ssyncadd.s32 $0xFFFFC000  }
0x74: {  	_ =	swait.ge [sflag:s9], $0x200  }
0x75: {  	[sflag:s9] =	ssyncset.done $0x0  }
0x76: {  	s22 =	simm.s32 $0xD600;
	[sflag:s9] =	ssyncadd.s32 $0xFFFFFE00  }
0x77: {  	[tilespmem:s31], [sflag:$0x2] =	stream.indirect.gather [hbm4b:s7+s28], $0x20, s22, s28, $0xb8;
	[tilespmem:$0x17E80] =	vst v63  }
0x78: {  	_ =	swait.ge [sflag:s0], $0x4000  }
0x79: {  	[sflag:s0] =	ssyncset.done $0x0  }
0x7a: {  	s2 =	simm.s32 $0xE800;
	[sflag:s0] =	ssyncadd.s32 $0xFFFFC000  }
0x7b: {  	[spmem:s3] =	stream.indirect.scatter.add.s16 [tilespmem:s29], [sflag:$0x3], $0x20, s2, s28, $0xb8;
	[tilespmem:$0x17E80] =	vst v63  }
0x7c: {  	_ = 	snop  }
0x7d: {  	[spmem:s4] =	stream.indirect.scatter.add.f32 [tilespmem:s23], [sflag:$0x5], $0x1, s2, s28, $0xb8;
	[tilespmem:$0x17E80] =	vst v63  }
0x7e: {  	_ =	swait.ge [sflag:s12], $0x4000  }
0x7f: {  	[sflag:s12] =	ssyncset.done $0x0  }
0x80: {  	s11 =	simm.s32 $0xEA00;
	[sflag:s12] =	ssyncadd.s32 $0xFFFFC000  }
0x81: {  	[spmem:s3] =	stream.indirect.scatter.add.s16 [tilespmem:s31], [sflag:$0x4], $0x20, s11, s28, $0xb8;
	[tilespmem:$0x17E80] =	vst v63  }
0x82: {  	_ = 	snop  }
0x83: {  	[spmem:s4] =	stream.indirect.scatter.add.f32 [tilespmem:s23], [sflag:$0x6], $0x1, s11, s28, $0xb8;
	[tilespmem:$0x17E80] =	vst v63  }
0x84: {  	_ =	swait.ge [sflag:s14], $0x4000  }
0x85: {  	[sflag:s14] =	ssyncset.done $0x0  }
0x86: {  	[sflag:s14] =	ssyncadd.s32 $0xFFFFC000  }
0x87: {  	_ =	swait.ge [sflag:s8], $0x200  }
0x88: {  	[sflag:s8] =	ssyncset.done $0x0  }
0x89: {  	s13 =	simm.s32 $0xD800;
	[sflag:s8] =	ssyncadd.s32 $0xFFFFFE00  }
0x8a: {  	[tilespmem:s29], [sflag:$0x1] =	stream.indirect.gather [hbm4b:s7+s28], $0x20, s13, s28, $0xb8;
	[tilespmem:$0x17E80] =	vst v63  }
0x8b: {  	_ =	swait.ge [sflag:s16], $0x4000  }
0x8c: {  	[sflag:s16] =	ssyncset.done $0x0  }
0x8d: {  	[sflag:s16] =	ssyncadd.s32 $0xFFFFC000  }
0x8e: {  	_ =	swait.ge [sflag:s9], $0x200  }
0x8f: {  	[sflag:s9] =	ssyncset.done $0x0  }
0x90: {  	[sflag:s9] =	ssyncadd.s32 $0xFFFFFE00  }
0x91: {  	[tilespmem:s31], [sflag:$0x2] =	stream.indirect.gather [hbm4b:s7+s28], $0x20, s17, s28, $0xb8;
	[tilespmem:$0x17E80] =	vst v63  }
0x92: {  	_ =	swait.ge [sflag:s0], $0x4000  }
0x93: {  	[sflag:s0] =	ssyncset.done $0x0  }
0x94: {  	s18 =	simm.s32 $0xEC00;
	[sflag:s0] =	ssyncadd.s32 $0xFFFFC000  }
0x95: {  	[spmem:s3] =	stream.indirect.scatter.add.s16 [tilespmem:s29], [sflag:$0x3], $0x20, s18, s28, $0xb8;
	[tilespmem:$0x17E80] =	vst v63  }
0x96: {  	_ = 	snop  }
0x97: {  	[spmem:s4] =	stream.indirect.scatter.add.f32 [tilespmem:s23], [sflag:$0x5], $0x1, s18, s28, $0xb8;
	[tilespmem:$0x17E80] =	vst v63  }
0x98: {  	_ =	swait.ge [sflag:s12], $0x4000  }
0x99: {  	[sflag:s12] =	ssyncset.done $0x0  }
0x9a: {  	s22 =	simm.s32 $0xEE00;
	[sflag:s12] =	ssyncadd.s32 $0xFFFFC000  }
0x9b: {  	[spmem:s3] =	stream.indirect.scatter.add.s16 [tilespmem:s31], [sflag:$0x4], $0x20, s22, s28, $0xb8;
	[tilespmem:$0x17E80] =	vst v63  }
0x9c: {  	_ = 	snop  }
0x9d: {  	[spmem:s4] =	stream.indirect.scatter.add.f32 [tilespmem:s23], [sflag:$0x6], $0x1, s22, s28, $0xb8;
	[tilespmem:$0x17E80] =	vst v63  }
0x9e: {  	_ =	swait.ge [sflag:s14], $0x4000  }
0x9f: {  	[sflag:s14] =	ssyncset.done $0x0  }
0xa0: {  	[sflag:s14] =	ssyncadd.s32 $0xFFFFC000  }
0xa1: {  	_ =	swait.ge [sflag:s8], $0x200  }
0xa2: {  	[sflag:s8] =	ssyncset.done $0x0  }
0xa3: {  	[sflag:s8] =	ssyncadd.s32 $0xFFFFFE00  }
0xa4: {  	_ =	swait.ge [sflag:s16], $0x4000  }
0xa5: {  	[sflag:s16] =	ssyncset.done $0x0  }
0xa6: {  	[sflag:s16] =	ssyncadd.s32 $0xFFFFC000  }
0xa7: {  	_ =	swait.ge [sflag:s9], $0x200  }
0xa8: {  	[sflag:s9] =	ssyncset.done $0x0  }
0xa9: {  	[sflag:s9] =	ssyncadd.s32 $0xFFFFFE00  }
0xaa: {  	[bflag:$0x0] =	sbarrier.arrive $0xFFFF  }
0xab: {  	s1 =	rddreg [dreg:$0xe]  }
0xac: {  	s2 =	rddreg [dreg:$0x15]  }
0xad: {  	s13 =	rddreg [dreg:$0x16]  }
0xae: {  	[hbm:s1], [sflag:s2] =	dma.local [spmem:s13], $0x1900  }
0xaf: {  	_ =	swait.ge [sflag:s24], $0x1900  }
0xb0: {  	[sflag:s24] =	ssyncset.done $0x0  }
0xb1: {  	s18 =	simm.s32 $0x17840;
	s17 =	rddreg [dreg:$0x9];
	[sflag:s24] =	ssyncadd.s32 $0xFFFFE700  }
0xb2: {  	[tilespmem:s18], [sflag:$0x7] =	stream.linear.gather [spmem:s17], $0x640, $0x38;
	[tilespmem:$0x17E80] =	vst v63  }
0xb3: {  	_ =	swait.ge [sflag:s24], $0x640  }
0xb4: {  	[sflag:s24] =	ssyncset.done $0x0  }
0xb5: {  	s22 =	rddreg [dreg:$0xf];
	[sflag:s24] =	ssyncadd.s32 $0xFFFFF9C0  }
0xb6: {  	[hbm4b:s22+s5] =	stream.linear.scatter [tilespmem:s18], [sflag:$0x7], $0x640, $0x38;
	[tilespmem:$0x17E80] =	vst v63  }
0xb7: {  	_ =	swait.ge [sflag:s24], $0x640  }
0xb8: {  	s13 =	simm.s32 $0xD600;
	s17 =	simm.s32 $0xE400;
	[sflag:s24] =	ssyncset.done $0x0  }
0xb9: {  	s22 =	simm.s32 $0xE600;
	s11 =	rddreg [dreg:$0x14];
	[sflag:s24] =	ssyncadd.s32 $0xFFFFF9C0  }
.LBB2_12:
0xba: {  	s11 =	sadd.s32 $0x1, s11;
	s1 =	rddreg [dreg:$0x11]  }
0xbb: {  	p1 =	sne.s32 s11, s1  }
.Ltmp1:
0xbc: {  	_ = 	snop;
	(pc) =	sbr.rel @!p1 .LBB2_13-.Ltmp1, $3  }
0xbd: {  	_ =	sdelay $0x1  }
0xbe: {  	[bflag:$0x0] =	sbarrier.arrive $0xFFFF  }
0xbf: {  	s2 =	rddreg [dreg:$0x5]  }
.LBB2_1:
0xc0: {  	[dreg:$0x14] =	wrdreg s11  }
0xc1: {  	s18 =	rddreg [dreg:$0x7];
	s1 =	stileid.u32  }
0xc2: {  	[tilespmem:s23], [sflag:$0x7] =	stream.linear.gather [hbm4b:s18+s5], $0x200, $0x38;
	[tilespmem:$0x17E80] =	vst v63  }
0xc3: {  	s11 =	sshll.u32 s1, $0x6;
	_ =	swait.ge [sflag:s24], $0x200  }
0xc4: {  	s1 =	sor.u32 $0x1C07, s11;
	[sflag:s24] =	ssyncset.done $0x0;
	s18 =	rddreg [dreg:$0x8]  }
0xc5: {  	[dreg:$0x15] =	wrdreg s1;
	[sflag:s24] =	ssyncadd.s32 $0xFFFFFE00  }
0xc6: {  	s18 =	sshrl.u32 s18, $0x3;
	s11 =	rddreg [dreg:$0x1]  }
.Ltmp2:
0xc7: {  	[dreg:$0x16] =	wrdreg s18;
	(pc) =	sbr.rel @!p0 .LBB2_2-.Ltmp2, $4  }
0xc8: {  	[spmem:s18], [sflag:s1] =	dma.local [hbm:s11], $0x1900  }
0xc9: {  	_ =	swait.ge [sflag:s24], $0x1900  }
0xca: {  	[sflag:s24] =	ssyncset.done $0x0  }
0xcb: {  	[sflag:s24] =	ssyncadd.s32 $0xFFFFE700  }
0xcc: {  	[bflag:$0x0] =	sbarrier.arrive $0xFFFF  }
0xcd: {  	s1 =	rddreg [dreg:$0x10]  }
0xce: {  	s11 =	sadd.s32 $0x0, s1  }
0xcf: {  	[tilespmem:s25], [sflag:$0x7] =	stream.linear.gather [hbm4b:s11+s5], $0x1400, $0x38;
	[tilespmem:$0x17E80] =	vst v63  }
0xd0: {  	_ =	swait.ge [sflag:s24], $0x1400  }
0xd1: {  	[sflag:s24] =	ssyncset.done $0x0  }
0xd2: {  	s18 =	sadd.s32 $0x0, s2;
	[sflag:s24] =	ssyncadd.s32 $0xFFFFEC00  }
0xd3: {  	[tilespmem:s26], [sflag:$0x7] =	stream.linear.gather [hbm4b:s18+s5], $0x1400, $0x38;
	[tilespmem:$0x17E80] =	vst v63  }
0xd4: {  	_ =	swait.ge [sflag:s24], $0x1400  }
0xd5: {  	[sflag:s24] =	ssyncset.done $0x0  }
0xd6: {  	[sflag:s24] =	ssyncadd.s32 $0xFFFFEC00  }
0xd7: {  	[tilespmem:s29], [sflag:$0x1] =	stream.indirect.gather [hbm4b:s7+s28], $0x20, s25, s28, $0xb8;
	[tilespmem:$0x17E80] =	vst v63  }
0xd8: {  	s11 =	simm.s32 $0xCA00  }
0xd9: {  	[tilespmem:s31], [sflag:$0x2] =	stream.indirect.gather [hbm4b:s7+s28], $0x20, s11, s28, $0xb8;
	[tilespmem:$0x17E80] =	vst v63  }
0xda: {  	_ =	swait.ge [sflag:s0], $0x4000  }
0xdb: {  	[sflag:s0] =	ssyncset.done $0x0  }
0xdc: {  	[sflag:s0] =	ssyncadd.s32 $0xFFFFC000  }
0xdd: {  	[spmem:s3] =	stream.indirect.scatter.add.s16 [tilespmem:s29], [sflag:$0x3], $0x20, s26, s28, $0xb8;
	[tilespmem:$0x17E80] =	vst v63  }
0xde: {  	_ =	swait.ge [sflag:s12], $0x4000  }
0xdf: {  	[sflag:s12] =	ssyncset.done $0x0  }
0xe0: {  	[sflag:s12] =	ssyncadd.s32 $0xFFFFC000  }
0xe1: {  	[spmem:s3] =	stream.indirect.scatter.add.s16 [tilespmem:s31], [sflag:$0x4], $0x20, s10, s28, $0xb8;
	[tilespmem:$0x17E80] =	vst v63  }
0xe2: {  	_ =	swait.ge [sflag:s14], $0x4000  }
0xe3: {  	[sflag:s14] =	ssyncset.done $0x0  }
0xe4: {  	[sflag:s14] =	ssyncadd.s32 $0xFFFFC000  }
0xe5: {  	[tilespmem:s29], [sflag:$0x1] =	stream.indirect.gather [hbm4b:s7+s28], $0x20, s20, s28, $0xb8;
	[tilespmem:$0x17E80] =	vst v63  }
0xe6: {  	_ =	swait.ge [sflag:s16], $0x4000  }
0xe7: {  	[sflag:s16] =	ssyncset.done $0x0  }
0xe8: {  	[sflag:s16] =	ssyncadd.s32 $0xFFFFC000  }
0xe9: {  	[tilespmem:s31], [sflag:$0x2] =	stream.indirect.gather [hbm4b:s7+s28], $0x20, s19, s28, $0xb8;
	[tilespmem:$0x17E80] =	vst v63  }
0xea: {  	_ =	swait.ge [sflag:s0], $0x4000  }
0xeb: {  	[sflag:s0] =	ssyncset.done $0x0  }
0xec: {  	[sflag:s0] =	ssyncadd.s32 $0xFFFFC000  }
0xed: {  	[spmem:s3] =	stream.indirect.scatter.add.s16 [tilespmem:s29], [sflag:$0x3], $0x20, s30, s28, $0xb8;
	[tilespmem:$0x17E80] =	vst v63  }
0xee: {  	_ =	swait.ge [sflag:s12], $0x4000  }
0xef: {  	[sflag:s12] =	ssyncset.done $0x0  }
0xf0: {  	[sflag:s12] =	ssyncadd.s32 $0xFFFFC000  }
0xf1: {  	[spmem:s3] =	stream.indirect.scatter.add.s16 [tilespmem:s31], [sflag:$0x4], $0x20, s21, s28, $0xb8;
	[tilespmem:$0x17E80] =	vst v63  }
0xf2: {  	_ =	swait.ge [sflag:s14], $0x4000  }
0xf3: {  	[sflag:s14] =	ssyncset.done $0x0  }
0xf4: {  	[sflag:s14] =	ssyncadd.s32 $0xFFFFC000  }
0xf5: {  	[tilespmem:s29], [sflag:$0x1] =	stream.indirect.gather [hbm4b:s7+s28], $0x20, s15, s28, $0xb8;
	[tilespmem:$0x17E80] =	vst v63  }
0xf6: {  	_ =	swait.ge [sflag:s16], $0x4000  }
0xf7: {  	[sflag:s16] =	ssyncset.done $0x0  }
0xf8: {  	s15 =	simm.s32 $0xD200;
	[sflag:s16] =	ssyncadd.s32 $0xFFFFC000  }
0xf9: {  	[tilespmem:s31], [sflag:$0x2] =	stream.indirect.gather [hbm4b:s7+s28], $0x20, s15, s28, $0xb8;
	[tilespmem:$0x17E80] =	vst v63  }
0xfa: {  	_ =	swait.ge [sflag:s0], $0x4000  }
0xfb: {  	[sflag:s0] =	ssyncset.done $0x0  }
0xfc: {  	[sflag:s0] =	ssyncadd.s32 $0xFFFFC000  }
0xfd: {  	[spmem:s3] =	stream.indirect.scatter.add.s16 [tilespmem:s29], [sflag:$0x3], $0x20, s17, s28, $0xb8;
	[tilespmem:$0x17E80] =	vst v63  }
0xfe: {  	_ =	swait.ge [sflag:s12], $0x4000  }
0xff: {  	[sflag:s12] =	ssyncset.done $0x0  }
0x100: {  	[sflag:s12] =	ssyncadd.s32 $0xFFFFC000  }
0x101: {  	[spmem:s3] =	stream.indirect.scatter.add.s16 [tilespmem:s31], [sflag:$0x4], $0x20, s22, s28, $0xb8;
	[tilespmem:$0x17E80] =	vst v63  }
0x102: {  	_ =	swait.ge [sflag:s14], $0x4000  }
0x103: {  	[sflag:s14] =	ssyncset.done $0x0  }
0x104: {  	s17 =	simm.s32 $0xD400;
	[sflag:s14] =	ssyncadd.s32 $0xFFFFC000  }
0x105: {  	[tilespmem:s29], [sflag:$0x1] =	stream.indirect.gather [hbm4b:s7+s28], $0x20, s17, s28, $0xb8;
	[tilespmem:$0x17E80] =	vst v63  }
0x106: {  	_ =	swait.ge [sflag:s16], $0x4000  }
0x107: {  	[sflag:s16] =	ssyncset.done $0x0  }
0x108: {  	[sflag:s16] =	ssyncadd.s32 $0xFFFFC000  }
0x109: {  	[tilespmem:s31], [sflag:$0x2] =	stream.indirect.gather [hbm4b:s7+s28], $0x20, s13, s28, $0xb8;
	[tilespmem:$0x17E80] =	vst v63  }
0x10a: {  	_ =	swait.ge [sflag:s0], $0x4000  }
0x10b: {  	[sflag:s0] =	ssyncset.done $0x0  }
0x10c: {  	s18 =	simm.s32 $0xE800;
	[sflag:s0] =	ssyncadd.s32 $0xFFFFC000  }
0x10d: {  	[spmem:s3] =	stream.indirect.scatter.add.s16 [tilespmem:s29], [sflag:$0x3], $0x20, s18, s28, $0xb8;
	[tilespmem:$0x17E80] =	vst v63  }
0x10e: {  	_ =	swait.ge [sflag:s12], $0x4000  }
0x10f: {  	[sflag:s12] =	ssyncset.done $0x0  }
0x110: {  	s19 =	simm.s32 $0xEA00;
	[sflag:s12] =	ssyncadd.s32 $0xFFFFC000  }
0x111: {  	[spmem:s3] =	stream.indirect.scatter.add.s16 [tilespmem:s31], [sflag:$0x4], $0x20, s19, s28, $0xb8;
	[tilespmem:$0x17E80] =	vst v63  }
0x112: {  	_ =	swait.ge [sflag:s14], $0x4000  }
0x113: {  	[sflag:s14] =	ssyncset.done $0x0  }
0x114: {  	s20 =	simm.s32 $0xD800;
	[sflag:s14] =	ssyncadd.s32 $0xFFFFC000  }
0x115: {  	[tilespmem:s29], [sflag:$0x1] =	stream.indirect.gather [hbm4b:s7+s28], $0x20, s20, s28, $0xb8;
	[tilespmem:$0x17E80] =	vst v63  }
0x116: {  	_ =	swait.ge [sflag:s16], $0x4000  }
0x117: {  	[sflag:s16] =	ssyncset.done $0x0  }
0x118: {  	s21 =	simm.s32 $0xDA00;
	[sflag:s16] =	ssyncadd.s32 $0xFFFFC000  }
0x119: {  	[tilespmem:s31], [sflag:$0x2] =	stream.indirect.gather [hbm4b:s7+s28], $0x20, s21, s28, $0xb8;
	[tilespmem:$0x17E80] =	vst v63  }
0x11a: {  	_ =	swait.ge [sflag:s0], $0x4000  }
0x11b: {  	[sflag:s0] =	ssyncset.done $0x0  }
0x11c: {  	s22 =	simm.s32 $0xEC00;
	[sflag:s0] =	ssyncadd.s32 $0xFFFFC000  }
0x11d: {  	[spmem:s3] =	stream.indirect.scatter.add.s16 [tilespmem:s29], [sflag:$0x3], $0x20, s22, s28, $0xb8;
	[tilespmem:$0x17E80] =	vst v63  }
0x11e: {  	_ =	swait.ge [sflag:s12], $0x4000  }
0x11f: {  	[sflag:s12] =	ssyncset.done $0x0  }
0x120: {  	s30 =	simm.s32 $0xEE00;
	[sflag:s12] =	ssyncadd.s32 $0xFFFFC000  }
0x121: {  	[spmem:s3] =	stream.indirect.scatter.add.s16 [tilespmem:s31], [sflag:$0x4], $0x20, s30, s28, $0xb8;
	[tilespmem:$0x17E80] =	vst v63  }
0x122: {  	_ =	swait.ge [sflag:s14], $0x4000  }
0x123: {  	s5 =	simm.s32 $0xE200;
	s25 =	simm.s32 $0x0;
	[sflag:s14] =	ssyncset.done $0x0  }
0x124: {  	s11 =	simm.s32 $0x280;
	s15 =	simm.s32 $0xD200;
	[sflag:s14] =	ssyncadd.s32 $0xFFFFC000  }
0x125: {  	s17 =	simm.s32 $0xD000;
	s19 =	simm.s32 $0xC800;
	_ =	swait.ge [sflag:s16], $0x4000  }
0x126: {  	s20 =	simm.s32 $0xD600;
	s22 =	simm.s32 $0x500;
	[sflag:s16] =	ssyncset.done $0x0  }
.LBB2_8:
0x127: {  	s13 =	sadd.s32 s11, s1  }
0x128: {  	[sflag:s16] =	ssyncadd.s32 $0xFFFFC000;
	s30 =	smov.u32 s22;
	s18 =	sadd.s32 $0x280, s22  }
0x129: {  	[tilespmem:s19], [sflag:$0x7] =	stream.linear.gather [hbm4b:s13+s25], $0x1400, $0x38;
	[tilespmem:$0x17E80] =	vst v63  }
0x12a: {  	p1 =	sne.s32 s22, $0xA00;
	_ =	swait.ge [sflag:s24], $0x1400  }
0x12b: {  	s21 =	simm.s32 $0xE000;
	s13 =	sadd.s32 s11, s2;
	[sflag:s24] =	ssyncset.done $0x0  }
0x12c: {  	s11 =	smov.u32 s30;
	s30 =	simm.s32 $0xD400;
	[sflag:s24] =	ssyncadd.s32 $0xFFFFEC00  }
0x12d: {  	[tilespmem:s26], [sflag:$0x7] =	stream.linear.gather [hbm4b:s13+s25], $0x1400, $0x38;
	[tilespmem:$0x17E80] =	vst v63  }
0x12e: {  	_ =	swait.ge [sflag:s24], $0x1400  }
0x12f: {  	[sflag:s24] =	ssyncset.done $0x0  }
0x130: {  	[sflag:s24] =	ssyncadd.s32 $0xFFFFEC00  }
0x131: {  	[tilespmem:s29], [sflag:$0x1] =	stream.indirect.gather [hbm4b:s7+s28], $0x20, s19, s28, $0xb8;
	[tilespmem:$0x17E80] =	vst v63  }
0x132: {  	s13 =	simm.s32 $0xCA00  }
0x133: {  	[tilespmem:s31], [sflag:$0x2] =	stream.indirect.gather [hbm4b:s7+s28], $0x20, s13, s28, $0xb8;
	[tilespmem:$0x17E80] =	vst v63  }
0x134: {  	_ =	swait.ge [sflag:s0], $0x4000  }
0x135: {  	[sflag:s0] =	ssyncset.done $0x0  }
0x136: {  	[sflag:s0] =	ssyncadd.s32 $0xFFFFC000  }
0x137: {  	[spmem:s3] =	stream.indirect.scatter.add.s16 [tilespmem:s29], [sflag:$0x3], $0x20, s26, s28, $0xb8;
	[tilespmem:$0x17E80] =	vst v63  }
0x138: {  	_ =	swait.ge [sflag:s12], $0x4000  }
0x139: {  	[sflag:s12] =	ssyncset.done $0x0  }
0x13a: {  	[sflag:s12] =	ssyncadd.s32 $0xFFFFC000  }
0x13b: {  	[spmem:s3] =	stream.indirect.scatter.add.s16 [tilespmem:s31], [sflag:$0x4], $0x20, s10, s28, $0xb8;
	[tilespmem:$0x17E80] =	vst v63  }
0x13c: {  	_ =	swait.ge [sflag:s14], $0x4000  }
0x13d: {  	[sflag:s14] =	ssyncset.done $0x0  }
0x13e: {  	s13 =	simm.s32 $0xCC00;
	[sflag:s14] =	ssyncadd.s32 $0xFFFFC000  }
0x13f: {  	[tilespmem:s29], [sflag:$0x1] =	stream.indirect.gather [hbm4b:s7+s28], $0x20, s13, s28, $0xb8;
	[tilespmem:$0x17E80] =	vst v63  }
0x140: {  	_ =	swait.ge [sflag:s16], $0x4000  }
0x141: {  	[sflag:s16] =	ssyncset.done $0x0  }
0x142: {  	s13 =	simm.s32 $0xCE00;
	[sflag:s16] =	ssyncadd.s32 $0xFFFFC000  }
0x143: {  	[tilespmem:s31], [sflag:$0x2] =	stream.indirect.gather [hbm4b:s7+s28], $0x20, s13, s28, $0xb8;
	[tilespmem:$0x17E80] =	vst v63  }
0x144: {  	_ =	swait.ge [sflag:s0], $0x4000  }
0x145: {  	[sflag:s0] =	ssyncset.done $0x0  }
0x146: {  	[sflag:s0] =	ssyncadd.s32 $0xFFFFC000  }
0x147: {  	[spmem:s3] =	stream.indirect.scatter.add.s16 [tilespmem:s29], [sflag:$0x3], $0x20, s21, s28, $0xb8;
	[tilespmem:$0x17E80] =	vst v63  }
0x148: {  	_ =	swait.ge [sflag:s12], $0x4000  }
0x149: {  	[sflag:s12] =	ssyncset.done $0x0  }
0x14a: {  	[sflag:s12] =	ssyncadd.s32 $0xFFFFC000  }
0x14b: {  	[spmem:s3] =	stream.indirect.scatter.add.s16 [tilespmem:s31], [sflag:$0x4], $0x20, s5, s28, $0xb8;
	[tilespmem:$0x17E80] =	vst v63  }
0x14c: {  	_ =	swait.ge [sflag:s14], $0x4000  }
0x14d: {  	[sflag:s14] =	ssyncset.done $0x0  }
0x14e: {  	[sflag:s14] =	ssyncadd.s32 $0xFFFFC000  }
0x14f: {  	[tilespmem:s29], [sflag:$0x1] =	stream.indirect.gather [hbm4b:s7+s28], $0x20, s17, s28, $0xb8;
	[tilespmem:$0x17E80] =	vst v63  }
0x150: {  	_ =	swait.ge [sflag:s16], $0x4000  }
0x151: {  	[sflag:s16] =	ssyncset.done $0x0  }
0x152: {  	[sflag:s16] =	ssyncadd.s32 $0xFFFFC000  }
0x153: {  	[tilespmem:s31], [sflag:$0x2] =	stream.indirect.gather [hbm4b:s7+s28], $0x20, s15, s28, $0xb8;
	[tilespmem:$0x17E80] =	vst v63  }
0x154: {  	_ =	swait.ge [sflag:s0], $0x4000  }
0x155: {  	[sflag:s0] =	ssyncset.done $0x0  }
0x156: {  	s13 =	simm.s32 $0xE400;
	[sflag:s0] =	ssyncadd.s32 $0xFFFFC000  }
0x157: {  	[spmem:s3] =	stream.indirect.scatter.add.s16 [tilespmem:s29], [sflag:$0x3], $0x20, s13, s28, $0xb8;
	[tilespmem:$0x17E80] =	vst v63  }
0x158: {  	_ =	swait.ge [sflag:s12], $0x4000  }
0x159: {  	[sflag:s12] =	ssyncset.done $0x0  }
0x15a: {  	s13 =	simm.s32 $0xE600;
	[sflag:s12] =	ssyncadd.s32 $0xFFFFC000  }
0x15b: {  	[spmem:s3] =	stream.indirect.scatter.add.s16 [tilespmem:s31], [sflag:$0x4], $0x20, s13, s28, $0xb8;
	[tilespmem:$0x17E80] =	vst v63  }
0x15c: {  	_ =	swait.ge [sflag:s14], $0x4000  }
0x15d: {  	[sflag:s14] =	ssyncset.done $0x0  }
0x15e: {  	[sflag:s14] =	ssyncadd.s32 $0xFFFFC000  }
0x15f: {  	[tilespmem:s29], [sflag:$0x1] =	stream.indirect.gather [hbm4b:s7+s28], $0x20, s30, s28, $0xb8;
	[tilespmem:$0x17E80] =	vst v63  }
0x160: {  	_ =	swait.ge [sflag:s16], $0x4000  }
0x161: {  	[sflag:s16] =	ssyncset.done $0x0  }
0x162: {  	[sflag:s16] =	ssyncadd.s32 $0xFFFFC000  }
0x163: {  	[tilespmem:s31], [sflag:$0x2] =	stream.indirect.gather [hbm4b:s7+s28], $0x20, s20, s28, $0xb8;
	[tilespmem:$0x17E80] =	vst v63  }
0x164: {  	_ =	swait.ge [sflag:s0], $0x4000  }
0x165: {  	[sflag:s0] =	ssyncset.done $0x0  }
0x166: {  	s13 =	simm.s32 $0xE800;
	[sflag:s0] =	ssyncadd.s32 $0xFFFFC000  }
0x167: {  	[spmem:s3] =	stream.indirect.scatter.add.s16 [tilespmem:s29], [sflag:$0x3], $0x20, s13, s28, $0xb8;
	[tilespmem:$0x17E80] =	vst v63  }
0x168: {  	_ =	swait.ge [sflag:s12], $0x4000  }
0x169: {  	[sflag:s12] =	ssyncset.done $0x0  }
0x16a: {  	s13 =	simm.s32 $0xEA00;
	[sflag:s12] =	ssyncadd.s32 $0xFFFFC000  }
0x16b: {  	[spmem:s3] =	stream.indirect.scatter.add.s16 [tilespmem:s31], [sflag:$0x4], $0x20, s13, s28, $0xb8;
	[tilespmem:$0x17E80] =	vst v63  }
0x16c: {  	_ =	swait.ge [sflag:s14], $0x4000  }
0x16d: {  	[sflag:s14] =	ssyncset.done $0x0  }
0x16e: {  	s13 =	simm.s32 $0xD800;
	[sflag:s14] =	ssyncadd.s32 $0xFFFFC000  }
0x16f: {  	[tilespmem:s29], [sflag:$0x1] =	stream.indirect.gather [hbm4b:s7+s28], $0x20, s13, s28, $0xb8;
	[tilespmem:$0x17E80] =	vst v63  }
0x170: {  	_ =	swait.ge [sflag:s16], $0x4000  }
0x171: {  	[sflag:s16] =	ssyncset.done $0x0  }
0x172: {  	s13 =	simm.s32 $0xDA00;
	[sflag:s16] =	ssyncadd.s32 $0xFFFFC000  }
0x173: {  	[tilespmem:s31], [sflag:$0x2] =	stream.indirect.gather [hbm4b:s7+s28], $0x20, s13, s28, $0xb8;
	[tilespmem:$0x17E80] =	vst v63  }
0x174: {  	_ =	swait.ge [sflag:s0], $0x4000  }
0x175: {  	[sflag:s0] =	ssyncset.done $0x0  }
0x176: {  	s13 =	simm.s32 $0xEC00;
	[sflag:s0] =	ssyncadd.s32 $0xFFFFC000  }
0x177: {  	[spmem:s3] =	stream.indirect.scatter.add.s16 [tilespmem:s29], [sflag:$0x3], $0x20, s13, s28, $0xb8;
	[tilespmem:$0x17E80] =	vst v63  }
0x178: {  	_ =	swait.ge [sflag:s12], $0x4000  }
0x179: {  	[sflag:s12] =	ssyncset.done $0x0  }
0x17a: {  	s13 =	simm.s32 $0xEE00;
	[sflag:s12] =	ssyncadd.s32 $0xFFFFC000  }
0x17b: {  	[spmem:s3] =	stream.indirect.scatter.add.s16 [tilespmem:s31], [sflag:$0x4], $0x20, s13, s28, $0xb8;
	[tilespmem:$0x17E80] =	vst v63  }
.Ltmp3:
0x17c: {  	_ =	swait.ge [sflag:s14], $0x4000;
	(pc) =	sbr.rel @p1 .LBB2_8-.Ltmp3, $4  }
0x17d: {  	[sflag:s14] =	ssyncset.done $0x0  }
0x17e: {  	[sflag:s14] =	ssyncadd.s32 $0xFFFFC000  }
0x17f: {  	_ =	swait.ge [sflag:s16], $0x4000  }
0x180: {  	s22 =	smov.u32 s18;
	[sflag:s16] =	ssyncset.done $0x0  }
0x181: {  	s13 =	sadd.s32 s11, s1;
	[sflag:s16] =	ssyncadd.s32 $0xFFFFC000  }
0x182: {  	[tilespmem:s19], [sflag:$0x7] =	stream.linear.gather [hbm4b:s13+s25], $0x1400, $0x38;
	[tilespmem:$0x17E80] =	vst v63  }
0x183: {  	_ =	swait.ge [sflag:s24], $0x1400  }
0x184: {  	[sflag:s24] =	ssyncset.done $0x0  }
0x185: {  	s17 =	sadd.s32 s11, s2;
	[sflag:s24] =	ssyncadd.s32 $0xFFFFEC00  }
0x186: {  	[tilespmem:s26], [sflag:$0x7] =	stream.linear.gather [hbm4b:s17+s25], $0x1400, $0x38;
	[tilespmem:$0x17E80] =	vst v63  }
0x187: {  	_ =	swait.ge [sflag:s24], $0x1400  }
0x188: {  	[sflag:s24] =	ssyncset.done $0x0  }
0x189: {  	[sflag:s24] =	ssyncadd.s32 $0xFFFFEC00  }
0x18a: {  	[tilespmem:s29], [sflag:$0x1] =	stream.indirect.gather [hbm4b:s7+s28], $0x20, s19, s28, $0xb8;
	[tilespmem:$0x17E80] =	vst v63  }
0x18b: {  	s18 =	simm.s32 $0xCA00  }
0x18c: {  	[tilespmem:s31], [sflag:$0x2] =	stream.indirect.gather [hbm4b:s7+s28], $0x20, s18, s28, $0xb8;
	[tilespmem:$0x17E80] =	vst v63  }
0x18d: {  	_ =	swait.ge [sflag:s0], $0x4000  }
0x18e: {  	[sflag:s0] =	ssyncset.done $0x0  }
0x18f: {  	[sflag:s0] =	ssyncadd.s32 $0xFFFFC000  }
0x190: {  	[spmem:s3] =	stream.indirect.scatter.add.s16 [tilespmem:s29], [sflag:$0x3], $0x20, s26, s28, $0xb8;
	[tilespmem:$0x17E80] =	vst v63  }
0x191: {  	_ =	swait.ge [sflag:s12], $0x4000  }
0x192: {  	[sflag:s12] =	ssyncset.done $0x0  }
0x193: {  	[sflag:s12] =	ssyncadd.s32 $0xFFFFC000  }
0x194: {  	[spmem:s3] =	stream.indirect.scatter.add.s16 [tilespmem:s31], [sflag:$0x4], $0x20, s10, s28, $0xb8;
	[tilespmem:$0x17E80] =	vst v63  }
0x195: {  	_ =	swait.ge [sflag:s14], $0x4000  }
0x196: {  	[sflag:s14] =	ssyncset.done $0x0  }
0x197: {  	s20 =	simm.s32 $0xCC00;
	[sflag:s14] =	ssyncadd.s32 $0xFFFFC000  }
0x198: {  	[tilespmem:s29], [sflag:$0x1] =	stream.indirect.gather [hbm4b:s7+s28], $0x20, s20, s28, $0xb8;
	[tilespmem:$0x17E80] =	vst v63  }
0x199: {  	_ =	swait.ge [sflag:s16], $0x4000  }
0x19a: {  	[sflag:s16] =	ssyncset.done $0x0  }
0x19b: {  	s22 =	simm.s32 $0xCE00;
	[sflag:s16] =	ssyncadd.s32 $0xFFFFC000  }
0x19c: {  	[tilespmem:s31], [sflag:$0x2] =	stream.indirect.gather [hbm4b:s7+s28], $0x20, s22, s28, $0xb8;
	[tilespmem:$0x17E80] =	vst v63  }
0x19d: {  	_ =	swait.ge [sflag:s0], $0x4000  }
0x19e: {  	[sflag:s0] =	ssyncset.done $0x0  }
0x19f: {  	[sflag:s0] =	ssyncadd.s32 $0xFFFFC000  }
0x1a0: {  	[spmem:s3] =	stream.indirect.scatter.add.s16 [tilespmem:s29], [sflag:$0x3], $0x20, s21, s28, $0xb8;
	[tilespmem:$0x17E80] =	vst v63  }
0x1a1: {  	_ =	swait.ge [sflag:s12], $0x4000  }
0x1a2: {  	[sflag:s12] =	ssyncset.done $0x0  }
0x1a3: {  	s5 =	simm.s32 $0xE200;
	[sflag:s12] =	ssyncadd.s32 $0xFFFFC000  }
0x1a4: {  	[spmem:s3] =	stream.indirect.scatter.add.s16 [tilespmem:s31], [sflag:$0x4], $0x20, s5, s28, $0xb8;
	[tilespmem:$0x17E80] =	vst v63  }
0x1a5: {  	_ =	swait.ge [sflag:s14], $0x4000  }
0x1a6: {  	[sflag:s14] =	ssyncset.done $0x0  }
0x1a7: {  	s2 =	simm.s32 $0xD000;
	[sflag:s14] =	ssyncadd.s32 $0xFFFFC000  }
0x1a8: {  	[tilespmem:s29], [sflag:$0x1] =	stream.indirect.gather [hbm4b:s7+s28], $0x20, s2, s28, $0xb8;
	[tilespmem:$0x17E80] =	vst v63  }
0x1a9: {  	_ =	swait.ge [sflag:s16], $0x4000  }
0x1aa: {  	[sflag:s16] =	ssyncset.done $0x0  }
0x1ab: {  	s11 =	simm.s32 $0xD200;
	[sflag:s16] =	ssyncadd.s32 $0xFFFFC000  }
0x1ac: {  	[tilespmem:s31], [sflag:$0x2] =	stream.indirect.gather [hbm4b:s7+s28], $0x20, s11, s28, $0xb8;
	[tilespmem:$0x17E80] =	vst v63  }
0x1ad: {  	_ =	swait.ge [sflag:s0], $0x4000  }
0x1ae: {  	[sflag:s0] =	ssyncset.done $0x0  }
0x1af: {  	s15 =	simm.s32 $0xE400;
	[sflag:s0] =	ssyncadd.s32 $0xFFFFC000  }
0x1b0: {  	[spmem:s3] =	stream.indirect.scatter.add.s16 [tilespmem:s29], [sflag:$0x3], $0x20, s15, s28, $0xb8;
	[tilespmem:$0x17E80] =	vst v63  }
0x1b1: {  	_ =	swait.ge [sflag:s12], $0x4000  }
0x1b2: {  	[sflag:s12] =	ssyncset.done $0x0  }
0x1b3: {  	s17 =	simm.s32 $0xE600;
	[sflag:s12] =	ssyncadd.s32 $0xFFFFC000  }
0x1b4: {  	[spmem:s3] =	stream.indirect.scatter.add.s16 [tilespmem:s31], [sflag:$0x4], $0x20, s17, s28, $0xb8;
	[tilespmem:$0x17E80] =	vst v63  }
0x1b5: {  	_ =	swait.ge [sflag:s14], $0x4000  }
0x1b6: {  	[sflag:s14] =	ssyncset.done $0x0  }
0x1b7: {  	[sflag:s14] =	ssyncadd.s32 $0xFFFFC000  }
0x1b8: {  	[tilespmem:s29], [sflag:$0x1] =	stream.indirect.gather [hbm4b:s7+s28], $0x20, s30, s28, $0xb8;
	[tilespmem:$0x17E80] =	vst v63  }
0x1b9: {  	_ =	swait.ge [sflag:s16], $0x4000  }
0x1ba: {  	[sflag:s16] =	ssyncset.done $0x0  }
0x1bb: {  	s13 =	simm.s32 $0xD600;
	[sflag:s16] =	ssyncadd.s32 $0xFFFFC000  }
0x1bc: {  	[tilespmem:s31], [sflag:$0x2] =	stream.indirect.gather [hbm4b:s7+s28], $0x20, s13, s28, $0xb8;
	[tilespmem:$0x17E80] =	vst v63  }
0x1bd: {  	_ =	swait.ge [sflag:s0], $0x4000  }
0x1be: {  	[sflag:s0] =	ssyncset.done $0x0  }
0x1bf: {  	s22 =	simm.s32 $0xE800;
	[sflag:s0] =	ssyncadd.s32 $0xFFFFC000  }
0x1c0: {  	[spmem:s3] =	stream.indirect.scatter.add.s16 [tilespmem:s29], [sflag:$0x3], $0x20, s22, s28, $0xb8;
	[tilespmem:$0x17E80] =	vst v63  }
0x1c1: {  	_ =	swait.ge [sflag:s12], $0x4000  }
0x1c2: {  	[sflag:s12] =	ssyncset.done $0x0  }
0x1c3: {  	s20 =	simm.s32 $0xEA00;
	[sflag:s12] =	ssyncadd.s32 $0xFFFFC000  }
0x1c4: {  	[spmem:s3] =	stream.indirect.scatter.add.s16 [tilespmem:s31], [sflag:$0x4], $0x20, s20, s28, $0xb8;
	[tilespmem:$0x17E80] =	vst v63  }
0x1c5: {  	_ =	swait.ge [sflag:s14], $0x4000  }
0x1c6: {  	[sflag:s14] =	ssyncset.done $0x0  }
0x1c7: {  	s18 =	simm.s32 $0xD800;
	[sflag:s14] =	ssyncadd.s32 $0xFFFFC000  }
0x1c8: {  	[tilespmem:s29], [sflag:$0x1] =	stream.indirect.gather [hbm4b:s7+s28], $0x20, s18, s28, $0xb8;
	[tilespmem:$0x17E80] =	vst v63  }
0x1c9: {  	_ =	swait.ge [sflag:s16], $0x4000  }
0x1ca: {  	[sflag:s16] =	ssyncset.done $0x0  }
0x1cb: {  	s2 =	simm.s32 $0xDA00;
	[sflag:s16] =	ssyncadd.s32 $0xFFFFC000  }
0x1cc: {  	[tilespmem:s31], [sflag:$0x2] =	stream.indirect.gather [hbm4b:s7+s28], $0x20, s2, s28, $0xb8;
	[tilespmem:$0x17E80] =	vst v63  }
0x1cd: {  	_ =	swait.ge [sflag:s0], $0x4000  }
0x1ce: {  	[sflag:s0] =	ssyncset.done $0x0  }
0x1cf: {  	s18 =	simm.s32 $0xEC00;
	[sflag:s0] =	ssyncadd.s32 $0xFFFFC000  }
0x1d0: {  	[spmem:s3] =	stream.indirect.scatter.add.s16 [tilespmem:s29], [sflag:$0x3], $0x20, s18, s28, $0xb8;
	[tilespmem:$0x17E80] =	vst v63  }
0x1d1: {  	_ =	swait.ge [sflag:s12], $0x4000  }
0x1d2: {  	[sflag:s12] =	ssyncset.done $0x0  }
0x1d3: {  	s11 =	simm.s32 $0xEE00;
	[sflag:s12] =	ssyncadd.s32 $0xFFFFC000  }
0x1d4: {  	[spmem:s3] =	stream.indirect.scatter.add.s16 [tilespmem:s31], [sflag:$0x4], $0x20, s11, s28, $0xb8;
	[tilespmem:$0x17E80] =	vst v63  }
0x1d5: {  	_ =	swait.ge [sflag:s14], $0x4000  }
0x1d6: {  	[sflag:s14] =	ssyncset.done $0x0  }
0x1d7: {  	[sflag:s14] =	ssyncadd.s32 $0xFFFFC000  }
0x1d8: {  	_ =	swait.ge [sflag:s16], $0x4000  }
0x1d9: {  	[sflag:s16] =	ssyncset.done $0x0  }
0x1da: {  	[sflag:s16] =	ssyncadd.s32 $0xFFFFC000  }
0x1db: {  	[bflag:$0x0] =	sbarrier.arrive $0xFFFF  }
0x1dc: {  	s13 =	rddreg [dreg:$0xd]  }
0x1dd: {  	s1 =	rddreg [dreg:$0x15]  }
0x1de: {  	s2 =	rddreg [dreg:$0x16]  }
0x1df: {  	[hbm:s13], [sflag:s1] =	dma.local [spmem:s2], $0x1900  }
0x1e0: {  	_ =	swait.ge [sflag:s24], $0x1900  }
0x1e1: {  	[sflag:s24] =	ssyncset.done $0x0  }
0x1e2: {  	[sflag:s24] =	ssyncadd.s32 $0xFFFFE700  }
0x1e3: {  	[bflag:$0x0] =	sbarrier.arrive $0xFFFF  }
0x1e4: {  	s13 =	rddreg [dreg:$0x1]  }
0x1e5: {  	[spmem:s2], [sflag:s1] =	dma.local [hbm:s13], $0x1900  }
0x1e6: {  	_ =	swait.ge [sflag:s24], $0x1900  }
0x1e7: {  	s13 =	simm.s32 $0x0;
	[sflag:s24] =	ssyncset.done $0x0  }
0x1e8: {  	s2 =	simm.s32 $0x17840;
	s1 =	rddreg [dreg:$0x6];
	[sflag:s24] =	ssyncadd.s32 $0xFFFFE700  }
0x1e9: {  	[tilespmem:s2], [sflag:$0x7] =	stream.linear.gather [hbm4b:s1+s13], $0x640, $0x38;
	[tilespmem:$0x17E80] =	vst v63  }
0x1ea: {  	_ =	swait.ge [sflag:s24], $0x640  }
0x1eb: {  	[sflag:s24] =	ssyncset.done $0x0  }
0x1ec: {  	s13 =	rddreg [dreg:$0x9];
	[sflag:s24] =	ssyncadd.s32 $0xFFFFF9C0  }
0x1ed: {  	[spmem:s13] =	stream.linear.scatter [tilespmem:s2], [sflag:$0x7], $0x640, $0x38;
	[tilespmem:$0x17E80] =	vst v63  }
0x1ee: {  	_ =	swait.ge [sflag:s24], $0x640  }
0x1ef: {  	[sflag:s24] =	ssyncset.done $0x0  }
0x1f0: {  	[sflag:s24] =	ssyncadd.s32 $0xFFFFF9C0  }
0x1f1: {  	[bflag:$0x0] =	sbarrier.arrive $0xFFFF  }
0x1f2: {  	s2 =	rddreg [dreg:$0x13]  }
0x1f3: {  	s1 =	sadd.s32 $0x0, s2  }
0x1f4: {  	[tilespmem:s19], [sflag:$0x7] =	stream.linear.gather [hbm4b:s1+s25], $0x1400, $0x38;
	[tilespmem:$0x17E80] =	vst v63  }
0x1f5: {  	_ =	swait.ge [sflag:s24], $0x1400  }
0x1f6: {  	[sflag:s24] =	ssyncset.done $0x0;
	s1 =	rddreg [dreg:$0x12]  }
0x1f7: {  	[sflag:s24] =	ssyncadd.s32 $0xFFFFEC00;
	s13 =	sadd.s32 $0x0, s1  }
0x1f8: {  	[tilespmem:s26], [sflag:$0x7] =	stream.linear.gather [hbm4b:s13+s25], $0x1400, $0x38;
	[tilespmem:$0x17E80] =	vst v63  }
0x1f9: {  	_ =	swait.ge [sflag:s24], $0x1400  }
0x1fa: {  	[sflag:s24] =	ssyncset.done $0x0  }
0x1fb: {  	[sflag:s24] =	ssyncadd.s32 $0xFFFFEC00  }
0x1fc: {  	[tilespmem:s29], [sflag:$0x1] =	stream.indirect.gather [hbm4b:s7+s28], $0x20, s19, s28, $0xb8;
	[tilespmem:$0x17E80] =	vst v63  }
0x1fd: {  	s13 =	simm.s32 $0xCA00  }
0x1fe: {  	[tilespmem:s31], [sflag:$0x2] =	stream.indirect.gather [hbm4b:s7+s28], $0x20, s13, s28, $0xb8;
	[tilespmem:$0x17E80] =	vst v63  }
0x1ff: {  	_ =	swait.ge [sflag:s0], $0x4000  }
0x200: {  	[sflag:s0] =	ssyncset.done $0x0  }
0x201: {  	[sflag:s0] =	ssyncadd.s32 $0xFFFFC000  }
0x202: {  	[spmem:s3] =	stream.indirect.scatter.add.s16 [tilespmem:s29], [sflag:$0x3], $0x20, s26, s28, $0xb8;
	[tilespmem:$0x17E80] =	vst v63  }
0x203: {  	_ = 	snop  }
0x204: {  	[spmem:s4] =	stream.indirect.scatter.add.f32 [tilespmem:s23], [sflag:$0x5], $0x1, s26, s28, $0xb8;
	[tilespmem:$0x17E80] =	vst v63  }
0x205: {  	_ =	swait.ge [sflag:s12], $0x4000  }
0x206: {  	[sflag:s12] =	ssyncset.done $0x0  }
0x207: {  	[sflag:s12] =	ssyncadd.s32 $0xFFFFC000  }
0x208: {  	[spmem:s3] =	stream.indirect.scatter.add.s16 [tilespmem:s31], [sflag:$0x4], $0x20, s10, s28, $0xb8;
	[tilespmem:$0x17E80] =	vst v63  }
0x209: {  	_ = 	snop  }
0x20a: {  	[spmem:s4] =	stream.indirect.scatter.add.f32 [tilespmem:s23], [sflag:$0x6], $0x1, s10, s28, $0xb8;
	[tilespmem:$0x17E80] =	vst v63  }
0x20b: {  	_ =	swait.ge [sflag:s14], $0x4000  }
0x20c: {  	[sflag:s14] =	ssyncset.done $0x0  }
0x20d: {  	[sflag:s14] =	ssyncadd.s32 $0xFFFFC000  }
0x20e: {  	_ =	swait.ge [sflag:s8], $0x200  }
0x20f: {  	[sflag:s8] =	ssyncset.done $0x0  }
0x210: {  	s19 =	simm.s32 $0xCC00;
	[sflag:s8] =	ssyncadd.s32 $0xFFFFFE00  }
0x211: {  	[tilespmem:s29], [sflag:$0x1] =	stream.indirect.gather [hbm4b:s7+s28], $0x20, s19, s28, $0xb8;
	[tilespmem:$0x17E80] =	vst v63  }
0x212: {  	_ =	swait.ge [sflag:s16], $0x4000  }
0x213: {  	[sflag:s16] =	ssyncset.done $0x0  }
0x214: {  	[sflag:s16] =	ssyncadd.s32 $0xFFFFC000  }
0x215: {  	_ =	swait.ge [sflag:s9], $0x200  }
0x216: {  	[sflag:s9] =	ssyncset.done $0x0  }
0x217: {  	s25 =	simm.s32 $0xCE00;
	[sflag:s9] =	ssyncadd.s32 $0xFFFFFE00  }
0x218: {  	[tilespmem:s31], [sflag:$0x2] =	stream.indirect.gather [hbm4b:s7+s28], $0x20, s25, s28, $0xb8;
	[tilespmem:$0x17E80] =	vst v63  }
0x219: {  	_ =	swait.ge [sflag:s0], $0x4000  }
0x21a: {  	[sflag:s0] =	ssyncset.done $0x0  }
0x21b: {  	[sflag:s0] =	ssyncadd.s32 $0xFFFFC000  }
0x21c: {  	[spmem:s3] =	stream.indirect.scatter.add.s16 [tilespmem:s29], [sflag:$0x3], $0x20, s21, s28, $0xb8;
	[tilespmem:$0x17E80] =	vst v63  }
0x21d: {  	_ = 	snop  }
0x21e: {  	[spmem:s4] =	stream.indirect.scatter.add.f32 [tilespmem:s23], [sflag:$0x5], $0x1, s21, s28, $0xb8;
	[tilespmem:$0x17E80] =	vst v63  }
0x21f: {  	_ =	swait.ge [sflag:s12], $0x4000  }
0x220: {  	[sflag:s12] =	ssyncset.done $0x0  }
0x221: {  	[sflag:s12] =	ssyncadd.s32 $0xFFFFC000  }
0x222: {  	[spmem:s3] =	stream.indirect.scatter.add.s16 [tilespmem:s31], [sflag:$0x4], $0x20, s5, s28, $0xb8;
	[tilespmem:$0x17E80] =	vst v63  }
0x223: {  	_ = 	snop  }
0x224: {  	[spmem:s4] =	stream.indirect.scatter.add.f32 [tilespmem:s23], [sflag:$0x6], $0x1, s5, s28, $0xb8;
	[tilespmem:$0x17E80] =	vst v63  }
0x225: {  	_ =	swait.ge [sflag:s14], $0x4000  }
0x226: {  	[sflag:s14] =	ssyncset.done $0x0  }
0x227: {  	[sflag:s14] =	ssyncadd.s32 $0xFFFFC000  }
0x228: {  	_ =	swait.ge [sflag:s8], $0x200  }
0x229: {  	[sflag:s8] =	ssyncset.done $0x0  }
0x22a: {  	s13 =	simm.s32 $0xD000;
	[sflag:s8] =	ssyncadd.s32 $0xFFFFFE00  }
0x22b: {  	[tilespmem:s29], [sflag:$0x1] =	stream.indirect.gather [hbm4b:s7+s28], $0x20, s13, s28, $0xb8;
	[tilespmem:$0x17E80] =	vst v63  }
0x22c: {  	_ =	swait.ge [sflag:s16], $0x4000  }
0x22d: {  	[sflag:s16] =	ssyncset.done $0x0  }
0x22e: {  	[sflag:s16] =	ssyncadd.s32 $0xFFFFC000  }
0x22f: {  	_ =	swait.ge [sflag:s9], $0x200  }
0x230: {  	[sflag:s9] =	ssyncset.done $0x0  }
0x231: {  	s19 =	simm.s32 $0xD200;
	[sflag:s9] =	ssyncadd.s32 $0xFFFFFE00  }
0x232: {  	[tilespmem:s31], [sflag:$0x2] =	stream.indirect.gather [hbm4b:s7+s28], $0x20, s19, s28, $0xb8;
	[tilespmem:$0x17E80] =	vst v63  }
0x233: {  	_ =	swait.ge [sflag:s0], $0x4000  }
0x234: {  	[sflag:s0] =	ssyncset.done $0x0  }
0x235: {  	[sflag:s0] =	ssyncadd.s32 $0xFFFFC000  }
0x236: {  	[spmem:s3] =	stream.indirect.scatter.add.s16 [tilespmem:s29], [sflag:$0x3], $0x20, s15, s28, $0xb8;
	[tilespmem:$0x17E80] =	vst v63  }
0x237: {  	_ = 	snop  }
0x238: {  	[spmem:s4] =	stream.indirect.scatter.add.f32 [tilespmem:s23], [sflag:$0x5], $0x1, s15, s28, $0xb8;
	[tilespmem:$0x17E80] =	vst v63  }
0x239: {  	_ =	swait.ge [sflag:s12], $0x4000  }
0x23a: {  	[sflag:s12] =	ssyncset.done $0x0  }
0x23b: {  	[sflag:s12] =	ssyncadd.s32 $0xFFFFC000  }
0x23c: {  	[spmem:s3] =	stream.indirect.scatter.add.s16 [tilespmem:s31], [sflag:$0x4], $0x20, s17, s28, $0xb8;
	[tilespmem:$0x17E80] =	vst v63  }
0x23d: {  	_ = 	snop  }
0x23e: {  	[spmem:s4] =	stream.indirect.scatter.add.f32 [tilespmem:s23], [sflag:$0x6], $0x1, s17, s28, $0xb8;
	[tilespmem:$0x17E80] =	vst v63  }
0x23f: {  	_ =	swait.ge [sflag:s14], $0x4000  }
0x240: {  	[sflag:s14] =	ssyncset.done $0x0  }
0x241: {  	[sflag:s14] =	ssyncadd.s32 $0xFFFFC000  }
0x242: {  	_ =	swait.ge [sflag:s8], $0x200  }
0x243: {  	[sflag:s8] =	ssyncset.done $0x0  }
0x244: {  	[sflag:s8] =	ssyncadd.s32 $0xFFFFFE00  }
0x245: {  	[tilespmem:s29], [sflag:$0x1] =	stream.indirect.gather [hbm4b:s7+s28], $0x20, s30, s28, $0xb8;
	[tilespmem:$0x17E80] =	vst v63  }
0x246: {  	_ =	swait.ge [sflag:s16], $0x4000  }
0x247: {  	[sflag:s16] =	ssyncset.done $0x0  }
0x248: {  	[sflag:s16] =	ssyncadd.s32 $0xFFFFC000  }
0x249: {  	_ =	swait.ge [sflag:s9], $0x200  }
0x24a: {  	[sflag:s9] =	ssyncset.done $0x0  }
0x24b: {  	s21 =	simm.s32 $0xD600;
	[sflag:s9] =	ssyncadd.s32 $0xFFFFFE00  }
0x24c: {  	[tilespmem:s31], [sflag:$0x2] =	stream.indirect.gather [hbm4b:s7+s28], $0x20, s21, s28, $0xb8;
	[tilespmem:$0x17E80] =	vst v63  }
0x24d: {  	_ =	swait.ge [sflag:s0], $0x4000  }
0x24e: {  	[sflag:s0] =	ssyncset.done $0x0  }
0x24f: {  	[sflag:s0] =	ssyncadd.s32 $0xFFFFC000  }
0x250: {  	[spmem:s3] =	stream.indirect.scatter.add.s16 [tilespmem:s29], [sflag:$0x3], $0x20, s22, s28, $0xb8;
	[tilespmem:$0x17E80] =	vst v63  }
0x251: {  	_ = 	snop  }
0x252: {  	[spmem:s4] =	stream.indirect.scatter.add.f32 [tilespmem:s23], [sflag:$0x5], $0x1, s22, s28, $0xb8;
	[tilespmem:$0x17E80] =	vst v63  }
0x253: {  	_ =	swait.ge [sflag:s12], $0x4000  }
0x254: {  	[sflag:s12] =	ssyncset.done $0x0  }
0x255: {  	[sflag:s12] =	ssyncadd.s32 $0xFFFFC000  }
0x256: {  	[spmem:s3] =	stream.indirect.scatter.add.s16 [tilespmem:s31], [sflag:$0x4], $0x20, s20, s28, $0xb8;
	[tilespmem:$0x17E80] =	vst v63  }
0x257: {  	_ = 	snop  }
0x258: {  	[spmem:s4] =	stream.indirect.scatter.add.f32 [tilespmem:s23], [sflag:$0x6], $0x1, s20, s28, $0xb8;
	[tilespmem:$0x17E80] =	vst v63  }
0x259: {  	_ =	swait.ge [sflag:s14], $0x4000  }
0x25a: {  	[sflag:s14] =	ssyncset.done $0x0  }
0x25b: {  	[sflag:s14] =	ssyncadd.s32 $0xFFFFC000  }
0x25c: {  	_ =	swait.ge [sflag:s8], $0x200  }
0x25d: {  	[sflag:s8] =	ssyncset.done $0x0  }
0x25e: {  	s22 =	simm.s32 $0xD800;
	[sflag:s8] =	ssyncadd.s32 $0xFFFFFE00  }
0x25f: {  	[tilespmem:s29], [sflag:$0x1] =	stream.indirect.gather [hbm4b:s7+s28], $0x20, s22, s28, $0xb8;
	[tilespmem:$0x17E80] =	vst v63  }
0x260: {  	_ =	swait.ge [sflag:s16], $0x4000  }
0x261: {  	[sflag:s16] =	ssyncset.done $0x0  }
0x262: {  	[sflag:s16] =	ssyncadd.s32 $0xFFFFC000  }
0x263: {  	_ =	swait.ge [sflag:s9], $0x200  }
0x264: {  	[sflag:s9] =	ssyncset.done $0x0  }
0x265: {  	s25 =	simm.s32 $0xDA00;
	[sflag:s9] =	ssyncadd.s32 $0xFFFFFE00  }
0x266: {  	[tilespmem:s31], [sflag:$0x2] =	stream.indirect.gather [hbm4b:s7+s28], $0x20, s25, s28, $0xb8;
	[tilespmem:$0x17E80] =	vst v63  }
0x267: {  	_ =	swait.ge [sflag:s0], $0x4000  }
0x268: {  	[sflag:s0] =	ssyncset.done $0x0  }
0x269: {  	[sflag:s0] =	ssyncadd.s32 $0xFFFFC000  }
0x26a: {  	[spmem:s3] =	stream.indirect.scatter.add.s16 [tilespmem:s29], [sflag:$0x3], $0x20, s18, s28, $0xb8;
	[tilespmem:$0x17E80] =	vst v63  }
0x26b: {  	_ = 	snop  }
0x26c: {  	[spmem:s4] =	stream.indirect.scatter.add.f32 [tilespmem:s23], [sflag:$0x5], $0x1, s18, s28, $0xb8;
	[tilespmem:$0x17E80] =	vst v63  }
0x26d: {  	_ =	swait.ge [sflag:s12], $0x4000  }
0x26e: {  	[sflag:s12] =	ssyncset.done $0x0  }
0x26f: {  	s30 =	simm.s32 $0xEE00;
	[sflag:s12] =	ssyncadd.s32 $0xFFFFC000  }
0x270: {  	[spmem:s3] =	stream.indirect.scatter.add.s16 [tilespmem:s31], [sflag:$0x4], $0x20, s30, s28, $0xb8;
	[tilespmem:$0x17E80] =	vst v63  }
0x271: {  	_ = 	snop  }
0x272: {  	[spmem:s4] =	stream.indirect.scatter.add.f32 [tilespmem:s23], [sflag:$0x6], $0x1, s30, s28, $0xb8;
	[tilespmem:$0x17E80] =	vst v63  }
0x273: {  	_ =	swait.ge [sflag:s14], $0x4000  }
0x274: {  	[sflag:s14] =	ssyncset.done $0x0  }
0x275: {  	[sflag:s14] =	ssyncadd.s32 $0xFFFFC000  }
0x276: {  	_ =	swait.ge [sflag:s8], $0x200  }
0x277: {  	[sflag:s8] =	ssyncset.done $0x0  }
0x278: {  	[sflag:s8] =	ssyncadd.s32 $0xFFFFFE00  }
0x279: {  	s11 =	simm.s32 $0x280;
	_ =	swait.ge [sflag:s16], $0x4000  }
0x27a: {  	s5 =	simm.s32 $0x0;
	s19 =	simm.s32 $0xCE00;
	[sflag:s16] =	ssyncset.done $0x0  }
0x27b: {  	s15 =	simm.s32 $0xD000;
	s17 =	simm.s32 $0xDA00;
	[sflag:s16] =	ssyncadd.s32 $0xFFFFC000  }
0x27c: {  	s21 =	simm.s32 $0xE200;
	s20 =	simm.s32 $0xCC00;
	_ =	swait.ge [sflag:s9], $0x200  }
0x27d: {  	s22 =	simm.s32 $0x500;
	s25 =	simm.s32 $0xC800;
	[sflag:s9] =	ssyncset.done $0x0  }
.LBB2_10:
0x27e: {  	s13 =	sadd.s32 s11, s2  }
0x27f: {  	[sflag:s9] =	ssyncadd.s32 $0xFFFFFE00;
	s30 =	smov.u32 s22;
	s18 =	sadd.s32 $0x280, s22  }
0x280: {  	[tilespmem:s25], [sflag:$0x7] =	stream.linear.gather [hbm4b:s13+s5], $0x1400, $0x38;
	[tilespmem:$0x17E80] =	vst v63  }
0x281: {  	p1 =	sne.s32 s22, $0xA00;
	_ =	swait.ge [sflag:s24], $0x1400  }
0x282: {  	s13 =	sadd.s32 s11, s1;
	[sflag:s24] =	ssyncset.done $0x0  }
0x283: {  	s11 =	smov.u32 s30;
	s30 =	simm.s32 $0xE000;
	[sflag:s24] =	ssyncadd.s32 $0xFFFFEC00  }
0x284: {  	[tilespmem:s26], [sflag:$0x7] =	stream.linear.gather [hbm4b:s13+s5], $0x1400, $0x38;
	[tilespmem:$0x17E80] =	vst v63  }
0x285: {  	_ =	swait.ge [sflag:s24], $0x1400  }
0x286: {  	[sflag:s24] =	ssyncset.done $0x0  }
0x287: {  	[sflag:s24] =	ssyncadd.s32 $0xFFFFEC00  }
0x288: {  	[tilespmem:s29], [sflag:$0x1] =	stream.indirect.gather [hbm4b:s7+s28], $0x20, s25, s28, $0xb8;
	[tilespmem:$0x17E80] =	vst v63  }
0x289: {  	s13 =	simm.s32 $0xCA00  }
0x28a: {  	[tilespmem:s31], [sflag:$0x2] =	stream.indirect.gather [hbm4b:s7+s28], $0x20, s13, s28, $0xb8;
	[tilespmem:$0x17E80] =	vst v63  }
0x28b: {  	_ =	swait.ge [sflag:s0], $0x4000  }
0x28c: {  	[sflag:s0] =	ssyncset.done $0x0  }
0x28d: {  	[sflag:s0] =	ssyncadd.s32 $0xFFFFC000  }
0x28e: {  	[spmem:s3] =	stream.indirect.scatter.add.s16 [tilespmem:s29], [sflag:$0x3], $0x20, s26, s28, $0xb8;
	[tilespmem:$0x17E80] =	vst v63  }
0x28f: {  	_ = 	snop  }
0x290: {  	[spmem:s4] =	stream.indirect.scatter.add.f32 [tilespmem:s23], [sflag:$0x5], $0x1, s26, s28, $0xb8;
	[tilespmem:$0x17E80] =	vst v63  }
0x291: {  	_ =	swait.ge [sflag:s12], $0x4000  }
0x292: {  	[sflag:s12] =	ssyncset.done $0x0  }
0x293: {  	[sflag:s12] =	ssyncadd.s32 $0xFFFFC000  }
0x294: {  	[spmem:s3] =	stream.indirect.scatter.add.s16 [tilespmem:s31], [sflag:$0x4], $0x20, s10, s28, $0xb8;
	[tilespmem:$0x17E80] =	vst v63  }
0x295: {  	_ = 	snop  }
0x296: {  	[spmem:s4] =	stream.indirect.scatter.add.f32 [tilespmem:s23], [sflag:$0x6], $0x1, s10, s28, $0xb8;
	[tilespmem:$0x17E80] =	vst v63  }
0x297: {  	_ =	swait.ge [sflag:s14], $0x4000  }
0x298: {  	[sflag:s14] =	ssyncset.done $0x0  }
0x299: {  	[sflag:s14] =	ssyncadd.s32 $0xFFFFC000  }
0x29a: {  	_ =	swait.ge [sflag:s8], $0x200  }
0x29b: {  	[sflag:s8] =	ssyncset.done $0x0  }
0x29c: {  	[sflag:s8] =	ssyncadd.s32 $0xFFFFFE00  }
0x29d: {  	[tilespmem:s29], [sflag:$0x1] =	stream.indirect.gather [hbm4b:s7+s28], $0x20, s20, s28, $0xb8;
	[tilespmem:$0x17E80] =	vst v63  }
0x29e: {  	_ =	swait.ge [sflag:s16], $0x4000  }
0x29f: {  	[sflag:s16] =	ssyncset.done $0x0  }
0x2a0: {  	[sflag:s16] =	ssyncadd.s32 $0xFFFFC000  }
0x2a1: {  	_ =	swait.ge [sflag:s9], $0x200  }
0x2a2: {  	[sflag:s9] =	ssyncset.done $0x0  }
0x2a3: {  	[sflag:s9] =	ssyncadd.s32 $0xFFFFFE00  }
0x2a4: {  	[tilespmem:s31], [sflag:$0x2] =	stream.indirect.gather [hbm4b:s7+s28], $0x20, s19, s28, $0xb8;
	[tilespmem:$0x17E80] =	vst v63  }
0x2a5: {  	_ =	swait.ge [sflag:s0], $0x4000  }
0x2a6: {  	[sflag:s0] =	ssyncset.done $0x0  }
0x2a7: {  	[sflag:s0] =	ssyncadd.s32 $0xFFFFC000  }
0x2a8: {  	[spmem:s3] =	stream.indirect.scatter.add.s16 [tilespmem:s29], [sflag:$0x3], $0x20, s30, s28, $0xb8;
	[tilespmem:$0x17E80] =	vst v63  }
0x2a9: {  	_ = 	snop  }
0x2aa: {  	[spmem:s4] =	stream.indirect.scatter.add.f32 [tilespmem:s23], [sflag:$0x5], $0x1, s30, s28, $0xb8;
	[tilespmem:$0x17E80] =	vst v63  }
0x2ab: {  	_ =	swait.ge [sflag:s12], $0x4000  }
0x2ac: {  	[sflag:s12] =	ssyncset.done $0x0  }
0x2ad: {  	[sflag:s12] =	ssyncadd.s32 $0xFFFFC000  }
0x2ae: {  	[spmem:s3] =	stream.indirect.scatter.add.s16 [tilespmem:s31], [sflag:$0x4], $0x20, s21, s28, $0xb8;
	[tilespmem:$0x17E80] =	vst v63  }
0x2af: {  	_ = 	snop  }
0x2b0: {  	[spmem:s4] =	stream.indirect.scatter.add.f32 [tilespmem:s23], [sflag:$0x6], $0x1, s21, s28, $0xb8;
	[tilespmem:$0x17E80] =	vst v63  }
0x2b1: {  	_ =	swait.ge [sflag:s14], $0x4000  }
0x2b2: {  	[sflag:s14] =	ssyncset.done $0x0  }
0x2b3: {  	[sflag:s14] =	ssyncadd.s32 $0xFFFFC000  }
0x2b4: {  	_ =	swait.ge [sflag:s8], $0x200  }
0x2b5: {  	[sflag:s8] =	ssyncset.done $0x0  }
0x2b6: {  	[sflag:s8] =	ssyncadd.s32 $0xFFFFFE00  }
0x2b7: {  	[tilespmem:s29], [sflag:$0x1] =	stream.indirect.gather [hbm4b:s7+s28], $0x20, s15, s28, $0xb8;
	[tilespmem:$0x17E80] =	vst v63  }
0x2b8: {  	_ =	swait.ge [sflag:s16], $0x4000  }
0x2b9: {  	[sflag:s16] =	ssyncset.done $0x0  }
0x2ba: {  	[sflag:s16] =	ssyncadd.s32 $0xFFFFC000  }
0x2bb: {  	_ =	swait.ge [sflag:s9], $0x200  }
0x2bc: {  	[sflag:s9] =	ssyncset.done $0x0  }
0x2bd: {  	s13 =	simm.s32 $0xD200;
	[sflag:s9] =	ssyncadd.s32 $0xFFFFFE00  }
0x2be: {  	[tilespmem:s31], [sflag:$0x2] =	stream.indirect.gather [hbm4b:s7+s28], $0x20, s13, s28, $0xb8;
	[tilespmem:$0x17E80] =	vst v63  }
0x2bf: {  	_ =	swait.ge [sflag:s0], $0x4000  }
0x2c0: {  	[sflag:s0] =	ssyncset.done $0x0  }
0x2c1: {  	s13 =	simm.s32 $0xE400;
	[sflag:s0] =	ssyncadd.s32 $0xFFFFC000  }
0x2c2: {  	[spmem:s3] =	stream.indirect.scatter.add.s16 [tilespmem:s29], [sflag:$0x3], $0x20, s13, s28, $0xb8;
	[tilespmem:$0x17E80] =	vst v63  }
0x2c3: {  	_ = 	snop  }
0x2c4: {  	[spmem:s4] =	stream.indirect.scatter.add.f32 [tilespmem:s23], [sflag:$0x5], $0x1, s13, s28, $0xb8;
	[tilespmem:$0x17E80] =	vst v63  }
0x2c5: {  	_ =	swait.ge [sflag:s12], $0x4000  }
0x2c6: {  	[sflag:s12] =	ssyncset.done $0x0  }
0x2c7: {  	s13 =	simm.s32 $0xE600;
	[sflag:s12] =	ssyncadd.s32 $0xFFFFC000  }
0x2c8: {  	[spmem:s3] =	stream.indirect.scatter.add.s16 [tilespmem:s31], [sflag:$0x4], $0x20, s13, s28, $0xb8;
	[tilespmem:$0x17E80] =	vst v63  }
0x2c9: {  	_ = 	snop  }
0x2ca: {  	[spmem:s4] =	stream.indirect.scatter.add.f32 [tilespmem:s23], [sflag:$0x6], $0x1, s13, s28, $0xb8;
	[tilespmem:$0x17E80] =	vst v63  }
0x2cb: {  	_ =	swait.ge [sflag:s14], $0x4000  }
0x2cc: {  	[sflag:s14] =	ssyncset.done $0x0  }
0x2cd: {  	[sflag:s14] =	ssyncadd.s32 $0xFFFFC000  }
0x2ce: {  	_ =	swait.ge [sflag:s8], $0x200  }
0x2cf: {  	[sflag:s8] =	ssyncset.done $0x0  }
0x2d0: {  	s13 =	simm.s32 $0xD400;
	[sflag:s8] =	ssyncadd.s32 $0xFFFFFE00  }
0x2d1: {  	[tilespmem:s29], [sflag:$0x1] =	stream.indirect.gather [hbm4b:s7+s28], $0x20, s13, s28, $0xb8;
	[tilespmem:$0x17E80] =	vst v63  }
0x2d2: {  	_ =	swait.ge [sflag:s16], $0x4000  }
0x2d3: {  	[sflag:s16] =	ssyncset.done $0x0  }
0x2d4: {  	[sflag:s16] =	ssyncadd.s32 $0xFFFFC000  }
0x2d5: {  	_ =	swait.ge [sflag:s9], $0x200  }
0x2d6: {  	[sflag:s9] =	ssyncset.done $0x0  }
0x2d7: {  	s13 =	simm.s32 $0xD600;
	[sflag:s9] =	ssyncadd.s32 $0xFFFFFE00  }
0x2d8: {  	[tilespmem:s31], [sflag:$0x2] =	stream.indirect.gather [hbm4b:s7+s28], $0x20, s13, s28, $0xb8;
	[tilespmem:$0x17E80] =	vst v63  }
0x2d9: {  	_ =	swait.ge [sflag:s0], $0x4000  }
0x2da: {  	[sflag:s0] =	ssyncset.done $0x0  }
0x2db: {  	s13 =	simm.s32 $0xE800;
	[sflag:s0] =	ssyncadd.s32 $0xFFFFC000  }
0x2dc: {  	[spmem:s3] =	stream.indirect.scatter.add.s16 [tilespmem:s29], [sflag:$0x3], $0x20, s13, s28, $0xb8;
	[tilespmem:$0x17E80] =	vst v63  }
0x2dd: {  	_ = 	snop  }
0x2de: {  	[spmem:s4] =	stream.indirect.scatter.add.f32 [tilespmem:s23], [sflag:$0x5], $0x1, s13, s28, $0xb8;
	[tilespmem:$0x17E80] =	vst v63  }
0x2df: {  	_ =	swait.ge [sflag:s12], $0x4000  }
0x2e0: {  	[sflag:s12] =	ssyncset.done $0x0  }
0x2e1: {  	s13 =	simm.s32 $0xEA00;
	[sflag:s12] =	ssyncadd.s32 $0xFFFFC000  }
0x2e2: {  	[spmem:s3] =	stream.indirect.scatter.add.s16 [tilespmem:s31], [sflag:$0x4], $0x20, s13, s28, $0xb8;
	[tilespmem:$0x17E80] =	vst v63  }
0x2e3: {  	_ = 	snop  }
0x2e4: {  	[spmem:s4] =	stream.indirect.scatter.add.f32 [tilespmem:s23], [sflag:$0x6], $0x1, s13, s28, $0xb8;
	[tilespmem:$0x17E80] =	vst v63  }
0x2e5: {  	_ =	swait.ge [sflag:s14], $0x4000  }
0x2e6: {  	[sflag:s14] =	ssyncset.done $0x0  }
0x2e7: {  	[sflag:s14] =	ssyncadd.s32 $0xFFFFC000  }
0x2e8: {  	_ =	swait.ge [sflag:s8], $0x200  }
0x2e9: {  	[sflag:s8] =	ssyncset.done $0x0  }
0x2ea: {  	s13 =	simm.s32 $0xD800;
	[sflag:s8] =	ssyncadd.s32 $0xFFFFFE00  }
0x2eb: {  	[tilespmem:s29], [sflag:$0x1] =	stream.indirect.gather [hbm4b:s7+s28], $0x20, s13, s28, $0xb8;
	[tilespmem:$0x17E80] =	vst v63  }
0x2ec: {  	_ =	swait.ge [sflag:s16], $0x4000  }
0x2ed: {  	[sflag:s16] =	ssyncset.done $0x0  }
0x2ee: {  	[sflag:s16] =	ssyncadd.s32 $0xFFFFC000  }
0x2ef: {  	_ =	swait.ge [sflag:s9], $0x200  }
0x2f0: {  	[sflag:s9] =	ssyncset.done $0x0  }
0x2f1: {  	[sflag:s9] =	ssyncadd.s32 $0xFFFFFE00  }
0x2f2: {  	[tilespmem:s31], [sflag:$0x2] =	stream.indirect.gather [hbm4b:s7+s28], $0x20, s17, s28, $0xb8;
	[tilespmem:$0x17E80] =	vst v63  }
0x2f3: {  	_ =	swait.ge [sflag:s0], $0x4000  }
0x2f4: {  	[sflag:s0] =	ssyncset.done $0x0  }
0x2f5: {  	s13 =	simm.s32 $0xEC00;
	[sflag:s0] =	ssyncadd.s32 $0xFFFFC000  }
0x2f6: {  	[spmem:s3] =	stream.indirect.scatter.add.s16 [tilespmem:s29], [sflag:$0x3], $0x20, s13, s28, $0xb8;
	[tilespmem:$0x17E80] =	vst v63  }
0x2f7: {  	_ = 	snop  }
0x2f8: {  	[spmem:s4] =	stream.indirect.scatter.add.f32 [tilespmem:s23], [sflag:$0x5], $0x1, s13, s28, $0xb8;
	[tilespmem:$0x17E80] =	vst v63  }
0x2f9: {  	_ =	swait.ge [sflag:s12], $0x4000  }
0x2fa: {  	[sflag:s12] =	ssyncset.done $0x0  }
0x2fb: {  	s13 =	simm.s32 $0xEE00;
	[sflag:s12] =	ssyncadd.s32 $0xFFFFC000  }
0x2fc: {  	[spmem:s3] =	stream.indirect.scatter.add.s16 [tilespmem:s31], [sflag:$0x4], $0x20, s13, s28, $0xb8;
	[tilespmem:$0x17E80] =	vst v63  }
0x2fd: {  	_ = 	snop  }
0x2fe: {  	[spmem:s4] =	stream.indirect.scatter.add.f32 [tilespmem:s23], [sflag:$0x6], $0x1, s13, s28, $0xb8;
	[tilespmem:$0x17E80] =	vst v63  }
0x2ff: {  	_ =	swait.ge [sflag:s14], $0x4000  }
0x300: {  	[sflag:s14] =	ssyncset.done $0x0  }
0x301: {  	[sflag:s14] =	ssyncadd.s32 $0xFFFFC000  }
0x302: {  	_ =	swait.ge [sflag:s8], $0x200  }
0x303: {  	[sflag:s8] =	ssyncset.done $0x0  }
0x304: {  	[sflag:s8] =	ssyncadd.s32 $0xFFFFFE00  }
.Ltmp4:
0x305: {  	_ =	swait.ge [sflag:s16], $0x4000;
	(pc) =	sbr.rel @p1 .LBB2_10-.Ltmp4, $4  }
0x306: {  	[sflag:s16] =	ssyncset.done $0x0  }
0x307: {  	[sflag:s16] =	ssyncadd.s32 $0xFFFFC000  }
0x308: {  	_ =	swait.ge [sflag:s9], $0x200  }
0x309: {  	s22 =	smov.u32 s18;
	[sflag:s9] =	ssyncset.done $0x0  }
.Ltmp5:
0x30a: {  	_ = 	snop;
	(pc) =	sbr.rel .LBB2_11-.Ltmp5, $1  }
0x30b: {  	_ =	sdelay $0x3  }
.LBB2_2:
0x30c: {  	s11 =	simm.s32 $0x0;
	s13 =	rddreg [dreg:$0x6];
	s1 =	simm.s32 $0x17840  }
0x30d: {  	[tilespmem:s1], [sflag:$0x7] =	stream.linear.gather [hbm4b:s13+s11], $0x640, $0x38;
	[tilespmem:$0x17E80] =	vst v63  }
0x30e: {  	_ =	swait.ge [sflag:s24], $0x640  }
0x30f: {  	[sflag:s24] =	ssyncset.done $0x0  }
0x310: {  	s13 =	rddreg [dreg:$0x9];
	[sflag:s24] =	ssyncadd.s32 $0xFFFFF9C0  }
0x311: {  	[spmem:s13] =	stream.linear.scatter [tilespmem:s1], [sflag:$0x7], $0x640, $0x38;
	[tilespmem:$0x17E80] =	vst v63  }
0x312: {  	_ =	swait.ge [sflag:s24], $0x640  }
0x313: {  	[sflag:s24] =	ssyncset.done $0x0  }
0x314: {  	[sflag:s24] =	ssyncadd.s32 $0xFFFFF9C0  }
0x315: {  	[bflag:$0x0] =	sbarrier.arrive $0xFFFF  }
0x316: {  	s1 =	rddreg [dreg:$0x10]  }
0x317: {  	s13 =	sadd.s32 $0x0, s1  }
0x318: {  	[tilespmem:s25], [sflag:$0x7] =	stream.linear.gather [hbm4b:s13+s5], $0x1400, $0x38;
	[tilespmem:$0x17E80] =	vst v63  }
0x319: {  	_ =	swait.ge [sflag:s24], $0x1400  }
0x31a: {  	[sflag:s24] =	ssyncset.done $0x0  }
0x31b: {  	s13 =	sadd.s32 $0x0, s2;
	[sflag:s24] =	ssyncadd.s32 $0xFFFFEC00  }
0x31c: {  	[tilespmem:s26], [sflag:$0x7] =	stream.linear.gather [hbm4b:s13+s5], $0x1400, $0x38;
	[tilespmem:$0x17E80] =	vst v63  }
0x31d: {  	_ =	swait.ge [sflag:s24], $0x1400  }
0x31e: {  	[sflag:s24] =	ssyncset.done $0x0  }
0x31f: {  	[sflag:s24] =	ssyncadd.s32 $0xFFFFEC00  }
0x320: {  	[tilespmem:s29], [sflag:$0x1] =	stream.indirect.gather [hbm4b:s6+s28], $0x20, s25, s28, $0xb8;
	[tilespmem:$0x17E80] =	vst v63  }
0x321: {  	s13 =	simm.s32 $0xCA00  }
0x322: {  	[tilespmem:s31], [sflag:$0x2] =	stream.indirect.gather [hbm4b:s6+s28], $0x20, s13, s28, $0xb8;
	[tilespmem:$0x17E80] =	vst v63  }
0x323: {  	_ =	swait.ge [sflag:s0], $0x4000  }
0x324: {  	[sflag:s0] =	ssyncset.done $0x0  }
0x325: {  	[sflag:s0] =	ssyncadd.s32 $0xFFFFC000  }
0x326: {  	[spmem:s3] =	stream.indirect.scatter.add.s16 [tilespmem:s29], [sflag:$0x3], $0x20, s26, s28, $0xb8;
	[tilespmem:$0x17E80] =	vst v63  }
0x327: {  	_ = 	snop  }
0x328: {  	[spmem:s4] =	stream.indirect.scatter.add.f32 [tilespmem:s23], [sflag:$0x5], $0x1, s26, s28, $0xb8;
	[tilespmem:$0x17E80] =	vst v63  }
0x329: {  	_ =	swait.ge [sflag:s12], $0x4000  }
0x32a: {  	[sflag:s12] =	ssyncset.done $0x0  }
0x32b: {  	[sflag:s12] =	ssyncadd.s32 $0xFFFFC000  }
0x32c: {  	[spmem:s3] =	stream.indirect.scatter.add.s16 [tilespmem:s31], [sflag:$0x4], $0x20, s10, s28, $0xb8;
	[tilespmem:$0x17E80] =	vst v63  }
0x32d: {  	_ = 	snop  }
0x32e: {  	[spmem:s4] =	stream.indirect.scatter.add.f32 [tilespmem:s23], [sflag:$0x6], $0x1, s10, s28, $0xb8;
	[tilespmem:$0x17E80] =	vst v63  }
0x32f: {  	_ =	swait.ge [sflag:s14], $0x4000  }
0x330: {  	[sflag:s14] =	ssyncset.done $0x0  }
0x331: {  	[sflag:s14] =	ssyncadd.s32 $0xFFFFC000  }
0x332: {  	_ =	swait.ge [sflag:s8], $0x200  }
0x333: {  	[sflag:s8] =	ssyncset.done $0x0  }
0x334: {  	[sflag:s8] =	ssyncadd.s32 $0xFFFFFE00  }
0x335: {  	[tilespmem:s29], [sflag:$0x1] =	stream.indirect.gather [hbm4b:s6+s28], $0x20, s20, s28, $0xb8;
	[tilespmem:$0x17E80] =	vst v63  }
0x336: {  	_ =	swait.ge [sflag:s16], $0x4000  }
0x337: {  	[sflag:s16] =	ssyncset.done $0x0  }
0x338: {  	[sflag:s16] =	ssyncadd.s32 $0xFFFFC000  }
0x339: {  	_ =	swait.ge [sflag:s9], $0x200  }
0x33a: {  	[sflag:s9] =	ssyncset.done $0x0  }
0x33b: {  	[sflag:s9] =	ssyncadd.s32 $0xFFFFFE00  }
0x33c: {  	[tilespmem:s31], [sflag:$0x2] =	stream.indirect.gather [hbm4b:s6+s28], $0x20, s19, s28, $0xb8;
	[tilespmem:$0x17E80] =	vst v63  }
0x33d: {  	_ =	swait.ge [sflag:s0], $0x4000  }
0x33e: {  	[sflag:s0] =	ssyncset.done $0x0  }
0x33f: {  	[sflag:s0] =	ssyncadd.s32 $0xFFFFC000  }
0x340: {  	[spmem:s3] =	stream.indirect.scatter.add.s16 [tilespmem:s29], [sflag:$0x3], $0x20, s30, s28, $0xb8;
	[tilespmem:$0x17E80] =	vst v63  }
0x341: {  	_ = 	snop  }
0x342: {  	[spmem:s4] =	stream.indirect.scatter.add.f32 [tilespmem:s23], [sflag:$0x5], $0x1, s30, s28, $0xb8;
	[tilespmem:$0x17E80] =	vst v63  }
0x343: {  	_ =	swait.ge [sflag:s12], $0x4000  }
0x344: {  	[sflag:s12] =	ssyncset.done $0x0  }
0x345: {  	[sflag:s12] =	ssyncadd.s32 $0xFFFFC000  }
0x346: {  	[spmem:s3] =	stream.indirect.scatter.add.s16 [tilespmem:s31], [sflag:$0x4], $0x20, s21, s28, $0xb8;
	[tilespmem:$0x17E80] =	vst v63  }
0x347: {  	_ = 	snop  }
0x348: {  	[spmem:s4] =	stream.indirect.scatter.add.f32 [tilespmem:s23], [sflag:$0x6], $0x1, s21, s28, $0xb8;
	[tilespmem:$0x17E80] =	vst v63  }
0x349: {  	_ =	swait.ge [sflag:s14], $0x4000  }
0x34a: {  	[sflag:s14] =	ssyncset.done $0x0  }
0x34b: {  	[sflag:s14] =	ssyncadd.s32 $0xFFFFC000  }
0x34c: {  	_ =	swait.ge [sflag:s8], $0x200  }
0x34d: {  	[sflag:s8] =	ssyncset.done $0x0  }
0x34e: {  	[sflag:s8] =	ssyncadd.s32 $0xFFFFFE00  }
0x34f: {  	[tilespmem:s29], [sflag:$0x1] =	stream.indirect.gather [hbm4b:s6+s28], $0x20, s15, s28, $0xb8;
	[tilespmem:$0x17E80] =	vst v63  }
0x350: {  	_ =	swait.ge [sflag:s16], $0x4000  }
0x351: {  	[sflag:s16] =	ssyncset.done $0x0  }
0x352: {  	[sflag:s16] =	ssyncadd.s32 $0xFFFFC000  }
0x353: {  	_ =	swait.ge [sflag:s9], $0x200  }
0x354: {  	[sflag:s9] =	ssyncset.done $0x0  }
0x355: {  	s11 =	simm.s32 $0xD200;
	[sflag:s9] =	ssyncadd.s32 $0xFFFFFE00  }
0x356: {  	[tilespmem:s31], [sflag:$0x2] =	stream.indirect.gather [hbm4b:s6+s28], $0x20, s11, s28, $0xb8;
	[tilespmem:$0x17E80] =	vst v63  }
0x357: {  	_ =	swait.ge [sflag:s0], $0x4000  }
0x358: {  	[sflag:s0] =	ssyncset.done $0x0  }
0x359: {  	[sflag:s0] =	ssyncadd.s32 $0xFFFFC000  }
0x35a: {  	[spmem:s3] =	stream.indirect.scatter.add.s16 [tilespmem:s29], [sflag:$0x3], $0x20, s17, s28, $0xb8;
	[tilespmem:$0x17E80] =	vst v63  }
0x35b: {  	_ = 	snop  }
0x35c: {  	[spmem:s4] =	stream.indirect.scatter.add.f32 [tilespmem:s23], [sflag:$0x5], $0x1, s17, s28, $0xb8;
	[tilespmem:$0x17E80] =	vst v63  }
0x35d: {  	_ =	swait.ge [sflag:s12], $0x4000  }
0x35e: {  	[sflag:s12] =	ssyncset.done $0x0  }
0x35f: {  	[sflag:s12] =	ssyncadd.s32 $0xFFFFC000  }
0x360: {  	[spmem:s3] =	stream.indirect.scatter.add.s16 [tilespmem:s31], [sflag:$0x4], $0x20, s22, s28, $0xb8;
	[tilespmem:$0x17E80] =	vst v63  }
0x361: {  	_ = 	snop  }
0x362: {  	[spmem:s4] =	stream.indirect.scatter.add.f32 [tilespmem:s23], [sflag:$0x6], $0x1, s22, s28, $0xb8;
	[tilespmem:$0x17E80] =	vst v63  }
0x363: {  	_ =	swait.ge [sflag:s14], $0x4000  }
0x364: {  	[sflag:s14] =	ssyncset.done $0x0  }
0x365: {  	[sflag:s14] =	ssyncadd.s32 $0xFFFFC000  }
0x366: {  	_ =	swait.ge [sflag:s8], $0x200  }
0x367: {  	[sflag:s8] =	ssyncset.done $0x0  }
0x368: {  	s13 =	simm.s32 $0xD400;
	[sflag:s8] =	ssyncadd.s32 $0xFFFFFE00  }
0x369: {  	[tilespmem:s29], [sflag:$0x1] =	stream.indirect.gather [hbm4b:s6+s28], $0x20, s13, s28, $0xb8;
	[tilespmem:$0x17E80] =	vst v63  }
0x36a: {  	_ =	swait.ge [sflag:s16], $0x4000  }
0x36b: {  	[sflag:s16] =	ssyncset.done $0x0  }
0x36c: {  	[sflag:s16] =	ssyncadd.s32 $0xFFFFC000  }
0x36d: {  	_ =	swait.ge [sflag:s9], $0x200  }
0x36e: {  	[sflag:s9] =	ssyncset.done $0x0  }
0x36f: {  	s18 =	simm.s32 $0xD600;
	[sflag:s9] =	ssyncadd.s32 $0xFFFFFE00  }
0x370: {  	[tilespmem:s31], [sflag:$0x2] =	stream.indirect.gather [hbm4b:s6+s28], $0x20, s18, s28, $0xb8;
	[tilespmem:$0x17E80] =	vst v63  }
0x371: {  	_ =	swait.ge [sflag:s0], $0x4000  }
0x372: {  	[sflag:s0] =	ssyncset.done $0x0  }
0x373: {  	s15 =	simm.s32 $0xE800;
	[sflag:s0] =	ssyncadd.s32 $0xFFFFC000  }
0x374: {  	[spmem:s3] =	stream.indirect.scatter.add.s16 [tilespmem:s29], [sflag:$0x3], $0x20, s15, s28, $0xb8;
	[tilespmem:$0x17E80] =	vst v63  }
0x375: {  	_ = 	snop  }
0x376: {  	[spmem:s4] =	stream.indirect.scatter.add.f32 [tilespmem:s23], [sflag:$0x5], $0x1, s15, s28, $0xb8;
	[tilespmem:$0x17E80] =	vst v63  }
0x377: {  	_ =	swait.ge [sflag:s12], $0x4000  }
0x378: {  	[sflag:s12] =	ssyncset.done $0x0  }
0x379: {  	s17 =	simm.s32 $0xEA00;
	[sflag:s12] =	ssyncadd.s32 $0xFFFFC000  }
0x37a: {  	[spmem:s3] =	stream.indirect.scatter.add.s16 [tilespmem:s31], [sflag:$0x4], $0x20, s17, s28, $0xb8;
	[tilespmem:$0x17E80] =	vst v63  }
0x37b: {  	_ = 	snop  }
0x37c: {  	[spmem:s4] =	stream.indirect.scatter.add.f32 [tilespmem:s23], [sflag:$0x6], $0x1, s17, s28, $0xb8;
	[tilespmem:$0x17E80] =	vst v63  }
0x37d: {  	_ =	swait.ge [sflag:s14], $0x4000  }
0x37e: {  	[sflag:s14] =	ssyncset.done $0x0  }
0x37f: {  	[sflag:s14] =	ssyncadd.s32 $0xFFFFC000  }
0x380: {  	_ =	swait.ge [sflag:s8], $0x200  }
0x381: {  	[sflag:s8] =	ssyncset.done $0x0  }
0x382: {  	s18 =	simm.s32 $0xD800;
	[sflag:s8] =	ssyncadd.s32 $0xFFFFFE00  }
0x383: {  	[tilespmem:s29], [sflag:$0x1] =	stream.indirect.gather [hbm4b:s6+s28], $0x20, s18, s28, $0xb8;
	[tilespmem:$0x17E80] =	vst v63  }
0x384: {  	_ =	swait.ge [sflag:s16], $0x4000  }
0x385: {  	[sflag:s16] =	ssyncset.done $0x0  }
0x386: {  	[sflag:s16] =	ssyncadd.s32 $0xFFFFC000  }
0x387: {  	_ =	swait.ge [sflag:s9], $0x200  }
0x388: {  	[sflag:s9] =	ssyncset.done $0x0  }
0x389: {  	s21 =	simm.s32 $0xDA00;
	[sflag:s9] =	ssyncadd.s32 $0xFFFFFE00  }
0x38a: {  	[tilespmem:s31], [sflag:$0x2] =	stream.indirect.gather [hbm4b:s6+s28], $0x20, s21, s28, $0xb8;
	[tilespmem:$0x17E80] =	vst v63  }
0x38b: {  	_ =	swait.ge [sflag:s0], $0x4000  }
0x38c: {  	[sflag:s0] =	ssyncset.done $0x0  }
0x38d: {  	s22 =	simm.s32 $0xEC00;
	[sflag:s0] =	ssyncadd.s32 $0xFFFFC000  }
0x38e: {  	[spmem:s3] =	stream.indirect.scatter.add.s16 [tilespmem:s29], [sflag:$0x3], $0x20, s22, s28, $0xb8;
	[tilespmem:$0x17E80] =	vst v63  }
0x38f: {  	_ = 	snop  }
0x390: {  	[spmem:s4] =	stream.indirect.scatter.add.f32 [tilespmem:s23], [sflag:$0x5], $0x1, s22, s28, $0xb8;
	[tilespmem:$0x17E80] =	vst v63  }
0x391: {  	_ =	swait.ge [sflag:s12], $0x4000  }
0x392: {  	[sflag:s12] =	ssyncset.done $0x0  }
0x393: {  	s30 =	simm.s32 $0xEE00;
	[sflag:s12] =	ssyncadd.s32 $0xFFFFC000  }
0x394: {  	[spmem:s3] =	stream.indirect.scatter.add.s16 [tilespmem:s31], [sflag:$0x4], $0x20, s30, s28, $0xb8;
	[tilespmem:$0x17E80] =	vst v63  }
0x395: {  	_ = 	snop  }
0x396: {  	[spmem:s4] =	stream.indirect.scatter.add.f32 [tilespmem:s23], [sflag:$0x6], $0x1, s30, s28, $0xb8;
	[tilespmem:$0x17E80] =	vst v63  }
0x397: {  	_ =	swait.ge [sflag:s14], $0x4000  }
0x398: {  	[sflag:s14] =	ssyncset.done $0x0  }
0x399: {  	[sflag:s14] =	ssyncadd.s32 $0xFFFFC000  }
0x39a: {  	_ =	swait.ge [sflag:s8], $0x200  }
0x39b: {  	[sflag:s8] =	ssyncset.done $0x0  }
0x39c: {  	[sflag:s8] =	ssyncadd.s32 $0xFFFFFE00  }
0x39d: {  	_ =	swait.ge [sflag:s16], $0x4000  }
0x39e: {  	s2 =	smov.u32 s1;
	[sflag:s16] =	ssyncset.done $0x0  }
0x39f: {  	s1 =	simm.s32 $0xD000;
	s11 =	simm.s32 $0x280;
	[sflag:s16] =	ssyncadd.s32 $0xFFFFC000  }
0x3a0: {  	s15 =	simm.s32 $0xE200;
	s17 =	simm.s32 $0xE400;
	_ =	swait.ge [sflag:s9], $0x200  }
0x3a1: {  	s18 =	simm.s32 $0x500;
	s21 =	simm.s32 $0xE000;
	[sflag:s9] =	ssyncset.done $0x0  }
.LBB2_3:
0x3a2: {  	s30 =	sadd.s32 s11, s2;
	[sflag:s9] =	ssyncadd.s32 $0xFFFFFE00  }
0x3a3: {  	[tilespmem:s25], [sflag:$0x7] =	stream.linear.gather [hbm4b:s30+s5], $0x1400, $0x38;
	[tilespmem:$0x17E80] =	vst v63  }
0x3a4: {  	s30 =	rddreg [dreg:$0x5];
	_ =	swait.ge [sflag:s24], $0x1400  }
0x3a5: {  	s13 =	smov.u32 s18;
	s22 =	sadd.s32 $0x280, s18;
	[sflag:s24] =	ssyncset.done $0x0  }
0x3a6: {  	p1 =	sne.s32 s18, $0xA00;
	s18 =	sadd.s32 s11, s30;
	[sflag:s24] =	ssyncadd.s32 $0xFFFFEC00  }
0x3a7: {  	[tilespmem:s26], [sflag:$0x7] =	stream.linear.gather [hbm4b:s18+s5], $0x1400, $0x38;
	[tilespmem:$0x17E80] =	vst v63  }
0x3a8: {  	_ =	swait.ge [sflag:s24], $0x1400  }
0x3a9: {  	[sflag:s24] =	ssyncset.done $0x0  }
0x3aa: {  	[sflag:s24] =	ssyncadd.s32 $0xFFFFEC00  }
0x3ab: {  	[tilespmem:s29], [sflag:$0x1] =	stream.indirect.gather [hbm4b:s6+s28], $0x20, s25, s28, $0xb8;
	[tilespmem:$0x17E80] =	vst v63  }
0x3ac: {  	s18 =	simm.s32 $0xCA00  }
0x3ad: {  	[tilespmem:s31], [sflag:$0x2] =	stream.indirect.gather [hbm4b:s6+s28], $0x20, s18, s28, $0xb8;
	[tilespmem:$0x17E80] =	vst v63  }
0x3ae: {  	_ =	swait.ge [sflag:s0], $0x4000  }
0x3af: {  	[sflag:s0] =	ssyncset.done $0x0  }
0x3b0: {  	[sflag:s0] =	ssyncadd.s32 $0xFFFFC000  }
0x3b1: {  	[spmem:s3] =	stream.indirect.scatter.add.s16 [tilespmem:s29], [sflag:$0x3], $0x20, s26, s28, $0xb8;
	[tilespmem:$0x17E80] =	vst v63  }
0x3b2: {  	_ = 	snop  }
0x3b3: {  	[spmem:s4] =	stream.indirect.scatter.add.f32 [tilespmem:s23], [sflag:$0x5], $0x1, s26, s28, $0xb8;
	[tilespmem:$0x17E80] =	vst v63  }
0x3b4: {  	_ =	swait.ge [sflag:s12], $0x4000  }
0x3b5: {  	[sflag:s12] =	ssyncset.done $0x0  }
0x3b6: {  	[sflag:s12] =	ssyncadd.s32 $0xFFFFC000  }
0x3b7: {  	[spmem:s3] =	stream.indirect.scatter.add.s16 [tilespmem:s31], [sflag:$0x4], $0x20, s10, s28, $0xb8;
	[tilespmem:$0x17E80] =	vst v63  }
0x3b8: {  	_ = 	snop  }
0x3b9: {  	[spmem:s4] =	stream.indirect.scatter.add.f32 [tilespmem:s23], [sflag:$0x6], $0x1, s10, s28, $0xb8;
	[tilespmem:$0x17E80] =	vst v63  }
0x3ba: {  	_ =	swait.ge [sflag:s14], $0x4000  }
0x3bb: {  	[sflag:s14] =	ssyncset.done $0x0  }
0x3bc: {  	[sflag:s14] =	ssyncadd.s32 $0xFFFFC000  }
0x3bd: {  	_ =	swait.ge [sflag:s8], $0x200  }
0x3be: {  	[sflag:s8] =	ssyncset.done $0x0  }
0x3bf: {  	[sflag:s8] =	ssyncadd.s32 $0xFFFFFE00  }
0x3c0: {  	[tilespmem:s29], [sflag:$0x1] =	stream.indirect.gather [hbm4b:s6+s28], $0x20, s20, s28, $0xb8;
	[tilespmem:$0x17E80] =	vst v63  }
0x3c1: {  	_ =	swait.ge [sflag:s16], $0x4000  }
0x3c2: {  	[sflag:s16] =	ssyncset.done $0x0  }
0x3c3: {  	[sflag:s16] =	ssyncadd.s32 $0xFFFFC000  }
0x3c4: {  	_ =	swait.ge [sflag:s9], $0x200  }
0x3c5: {  	[sflag:s9] =	ssyncset.done $0x0  }
0x3c6: {  	[sflag:s9] =	ssyncadd.s32 $0xFFFFFE00  }
0x3c7: {  	[tilespmem:s31], [sflag:$0x2] =	stream.indirect.gather [hbm4b:s6+s28], $0x20, s19, s28, $0xb8;
	[tilespmem:$0x17E80] =	vst v63  }
0x3c8: {  	_ =	swait.ge [sflag:s0], $0x4000  }
0x3c9: {  	[sflag:s0] =	ssyncset.done $0x0  }
0x3ca: {  	[sflag:s0] =	ssyncadd.s32 $0xFFFFC000  }
0x3cb: {  	[spmem:s3] =	stream.indirect.scatter.add.s16 [tilespmem:s29], [sflag:$0x3], $0x20, s21, s28, $0xb8;
	[tilespmem:$0x17E80] =	vst v63  }
0x3cc: {  	_ = 	snop  }
0x3cd: {  	[spmem:s4] =	stream.indirect.scatter.add.f32 [tilespmem:s23], [sflag:$0x5], $0x1, s21, s28, $0xb8;
	[tilespmem:$0x17E80] =	vst v63  }
0x3ce: {  	_ =	swait.ge [sflag:s12], $0x4000  }
0x3cf: {  	[sflag:s12] =	ssyncset.done $0x0  }
0x3d0: {  	[sflag:s12] =	ssyncadd.s32 $0xFFFFC000  }
0x3d1: {  	[spmem:s3] =	stream.indirect.scatter.add.s16 [tilespmem:s31], [sflag:$0x4], $0x20, s15, s28, $0xb8;
	[tilespmem:$0x17E80] =	vst v63  }
0x3d2: {  	_ = 	snop  }
0x3d3: {  	[spmem:s4] =	stream.indirect.scatter.add.f32 [tilespmem:s23], [sflag:$0x6], $0x1, s15, s28, $0xb8;
	[tilespmem:$0x17E80] =	vst v63  }
0x3d4: {  	_ =	swait.ge [sflag:s14], $0x4000  }
0x3d5: {  	[sflag:s14] =	ssyncset.done $0x0  }
0x3d6: {  	[sflag:s14] =	ssyncadd.s32 $0xFFFFC000  }
0x3d7: {  	_ =	swait.ge [sflag:s8], $0x200  }
0x3d8: {  	[sflag:s8] =	ssyncset.done $0x0  }
0x3d9: {  	[sflag:s8] =	ssyncadd.s32 $0xFFFFFE00  }
0x3da: {  	[tilespmem:s29], [sflag:$0x1] =	stream.indirect.gather [hbm4b:s6+s28], $0x20, s1, s28, $0xb8;
	[tilespmem:$0x17E80] =	vst v63  }
0x3db: {  	_ =	swait.ge [sflag:s16], $0x4000  }
0x3dc: {  	[sflag:s16] =	ssyncset.done $0x0  }
0x3dd: {  	[sflag:s16] =	ssyncadd.s32 $0xFFFFC000  }
0x3de: {  	_ =	swait.ge [sflag:s9], $0x200  }
0x3df: {  	[sflag:s9] =	ssyncset.done $0x0  }
0x3e0: {  	s18 =	simm.s32 $0xD200;
	[sflag:s9] =	ssyncadd.s32 $0xFFFFFE00  }
0x3e1: {  	[tilespmem:s31], [sflag:$0x2] =	stream.indirect.gather [hbm4b:s6+s28], $0x20, s18, s28, $0xb8;
	[tilespmem:$0x17E80] =	vst v63  }
0x3e2: {  	_ =	swait.ge [sflag:s0], $0x4000  }
0x3e3: {  	[sflag:s0] =	ssyncset.done $0x0  }
0x3e4: {  	[sflag:s0] =	ssyncadd.s32 $0xFFFFC000  }
0x3e5: {  	[spmem:s3] =	stream.indirect.scatter.add.s16 [tilespmem:s29], [sflag:$0x3], $0x20, s17, s28, $0xb8;
	[tilespmem:$0x17E80] =	vst v63  }
0x3e6: {  	_ = 	snop  }
0x3e7: {  	[spmem:s4] =	stream.indirect.scatter.add.f32 [tilespmem:s23], [sflag:$0x5], $0x1, s17, s28, $0xb8;
	[tilespmem:$0x17E80] =	vst v63  }
0x3e8: {  	_ =	swait.ge [sflag:s12], $0x4000  }
0x3e9: {  	[sflag:s12] =	ssyncset.done $0x0  }
0x3ea: {  	s18 =	simm.s32 $0xE600;
	[sflag:s12] =	ssyncadd.s32 $0xFFFFC000  }
0x3eb: {  	[spmem:s3] =	stream.indirect.scatter.add.s16 [tilespmem:s31], [sflag:$0x4], $0x20, s18, s28, $0xb8;
	[tilespmem:$0x17E80] =	vst v63  }
0x3ec: {  	_ = 	snop  }
0x3ed: {  	[spmem:s4] =	stream.indirect.scatter.add.f32 [tilespmem:s23], [sflag:$0x6], $0x1, s18, s28, $0xb8;
	[tilespmem:$0x17E80] =	vst v63  }
0x3ee: {  	_ =	swait.ge [sflag:s14], $0x4000  }
0x3ef: {  	[sflag:s14] =	ssyncset.done $0x0  }
0x3f0: {  	[sflag:s14] =	ssyncadd.s32 $0xFFFFC000  }
0x3f1: {  	_ =	swait.ge [sflag:s8], $0x200  }
0x3f2: {  	[sflag:s8] =	ssyncset.done $0x0  }
0x3f3: {  	s18 =	simm.s32 $0xD400;
	[sflag:s8] =	ssyncadd.s32 $0xFFFFFE00  }
0x3f4: {  	[tilespmem:s29], [sflag:$0x1] =	stream.indirect.gather [hbm4b:s6+s28], $0x20, s18, s28, $0xb8;
	[tilespmem:$0x17E80] =	vst v63  }
0x3f5: {  	_ =	swait.ge [sflag:s16], $0x4000  }
0x3f6: {  	[sflag:s16] =	ssyncset.done $0x0  }
0x3f7: {  	[sflag:s16] =	ssyncadd.s32 $0xFFFFC000  }
0x3f8: {  	_ =	swait.ge [sflag:s9], $0x200  }
0x3f9: {  	[sflag:s9] =	ssyncset.done $0x0  }
0x3fa: {  	s18 =	simm.s32 $0xD600;
	[sflag:s9] =	ssyncadd.s32 $0xFFFFFE00  }
0x3fb: {  	[tilespmem:s31], [sflag:$0x2] =	stream.indirect.gather [hbm4b:s6+s28], $0x20, s18, s28, $0xb8;
	[tilespmem:$0x17E80] =	vst v63  }
0x3fc: {  	_ =	swait.ge [sflag:s0], $0x4000  }
0x3fd: {  	[sflag:s0] =	ssyncset.done $0x0  }
0x3fe: {  	s18 =	simm.s32 $0xE800;
	[sflag:s0] =	ssyncadd.s32 $0xFFFFC000  }
0x3ff: {  	[spmem:s3] =	stream.indirect.scatter.add.s16 [tilespmem:s29], [sflag:$0x3], $0x20, s18, s28, $0xb8;
	[tilespmem:$0x17E80] =	vst v63  }
0x400: {  	_ = 	snop  }
0x401: {  	[spmem:s4] =	stream.indirect.scatter.add.f32 [tilespmem:s23], [sflag:$0x5], $0x1, s18, s28, $0xb8;
	[tilespmem:$0x17E80] =	vst v63  }
0x402: {  	_ =	swait.ge [sflag:s12], $0x4000  }
0x403: {  	[sflag:s12] =	ssyncset.done $0x0  }
0x404: {  	s18 =	simm.s32 $0xEA00;
	[sflag:s12] =	ssyncadd.s32 $0xFFFFC000  }
0x405: {  	[spmem:s3] =	stream.indirect.scatter.add.s16 [tilespmem:s31], [sflag:$0x4], $0x20, s18, s28, $0xb8;
	[tilespmem:$0x17E80] =	vst v63  }
0x406: {  	_ = 	snop  }
0x407: {  	[spmem:s4] =	stream.indirect.scatter.add.f32 [tilespmem:s23], [sflag:$0x6], $0x1, s18, s28, $0xb8;
	[tilespmem:$0x17E80] =	vst v63  }
0x408: {  	_ =	swait.ge [sflag:s14], $0x4000  }
0x409: {  	[sflag:s14] =	ssyncset.done $0x0  }
0x40a: {  	[sflag:s14] =	ssyncadd.s32 $0xFFFFC000  }
0x40b: {  	_ =	swait.ge [sflag:s8], $0x200  }
0x40c: {  	[sflag:s8] =	ssyncset.done $0x0  }
0x40d: {  	s18 =	simm.s32 $0xD800;
	[sflag:s8] =	ssyncadd.s32 $0xFFFFFE00  }
0x40e: {  	[tilespmem:s29], [sflag:$0x1] =	stream.indirect.gather [hbm4b:s6+s28], $0x20, s18, s28, $0xb8;
	[tilespmem:$0x17E80] =	vst v63  }
0x40f: {  	_ =	swait.ge [sflag:s16], $0x4000  }
0x410: {  	[sflag:s16] =	ssyncset.done $0x0  }
0x411: {  	[sflag:s16] =	ssyncadd.s32 $0xFFFFC000  }
0x412: {  	_ =	swait.ge [sflag:s9], $0x200  }
0x413: {  	[sflag:s9] =	ssyncset.done $0x0  }
0x414: {  	s18 =	simm.s32 $0xDA00;
	[sflag:s9] =	ssyncadd.s32 $0xFFFFFE00  }
0x415: {  	[tilespmem:s31], [sflag:$0x2] =	stream.indirect.gather [hbm4b:s6+s28], $0x20, s18, s28, $0xb8;
	[tilespmem:$0x17E80] =	vst v63  }
0x416: {  	_ =	swait.ge [sflag:s0], $0x4000  }
0x417: {  	[sflag:s0] =	ssyncset.done $0x0  }
0x418: {  	s18 =	simm.s32 $0xEC00;
	[sflag:s0] =	ssyncadd.s32 $0xFFFFC000  }
0x419: {  	[spmem:s3] =	stream.indirect.scatter.add.s16 [tilespmem:s29], [sflag:$0x3], $0x20, s18, s28, $0xb8;
	[tilespmem:$0x17E80] =	vst v63  }
0x41a: {  	_ = 	snop  }
0x41b: {  	[spmem:s4] =	stream.indirect.scatter.add.f32 [tilespmem:s23], [sflag:$0x5], $0x1, s18, s28, $0xb8;
	[tilespmem:$0x17E80] =	vst v63  }
0x41c: {  	_ =	swait.ge [sflag:s12], $0x4000  }
0x41d: {  	[sflag:s12] =	ssyncset.done $0x0  }
0x41e: {  	s18 =	simm.s32 $0xEE00;
	[sflag:s12] =	ssyncadd.s32 $0xFFFFC000  }
0x41f: {  	[spmem:s3] =	stream.indirect.scatter.add.s16 [tilespmem:s31], [sflag:$0x4], $0x20, s18, s28, $0xb8;
	[tilespmem:$0x17E80] =	vst v63  }
0x420: {  	_ = 	snop  }
0x421: {  	[spmem:s4] =	stream.indirect.scatter.add.f32 [tilespmem:s23], [sflag:$0x6], $0x1, s18, s28, $0xb8;
	[tilespmem:$0x17E80] =	vst v63  }
0x422: {  	_ =	swait.ge [sflag:s14], $0x4000  }
0x423: {  	[sflag:s14] =	ssyncset.done $0x0  }
0x424: {  	[sflag:s14] =	ssyncadd.s32 $0xFFFFC000  }
0x425: {  	_ =	swait.ge [sflag:s8], $0x200  }
0x426: {  	[sflag:s8] =	ssyncset.done $0x0  }
0x427: {  	[sflag:s8] =	ssyncadd.s32 $0xFFFFFE00  }
.Ltmp6:
0x428: {  	_ =	swait.ge [sflag:s16], $0x4000;
	(pc) =	sbr.rel @p1 .LBB2_3-.Ltmp6, $4  }
0x429: {  	[sflag:s16] =	ssyncset.done $0x0  }
0x42a: {  	[sflag:s16] =	ssyncadd.s32 $0xFFFFC000  }
0x42b: {  	_ =	swait.ge [sflag:s9], $0x200  }
0x42c: {  	s11 =	smov.u32 s13;
	s18 =	smov.u32 s22;
	[sflag:s9] =	ssyncset.done $0x0  }
0x42d: {  	s13 =	sadd.s32 s11, s2;
	[sflag:s9] =	ssyncadd.s32 $0xFFFFFE00  }
0x42e: {  	[tilespmem:s25], [sflag:$0x7] =	stream.linear.gather [hbm4b:s13+s5], $0x1400, $0x38;
	[tilespmem:$0x17E80] =	vst v63  }
0x42f: {  	_ =	swait.ge [sflag:s24], $0x1400  }
0x430: {  	[sflag:s24] =	ssyncset.done $0x0  }
0x431: {  	s18 =	sadd.s32 s11, s30;
	[sflag:s24] =	ssyncadd.s32 $0xFFFFEC00  }
0x432: {  	[tilespmem:s26], [sflag:$0x7] =	stream.linear.gather [hbm4b:s18+s5], $0x1400, $0x38;
	[tilespmem:$0x17E80] =	vst v63  }
0x433: {  	_ =	swait.ge [sflag:s24], $0x1400  }
0x434: {  	[sflag:s24] =	ssyncset.done $0x0  }
0x435: {  	[sflag:s24] =	ssyncadd.s32 $0xFFFFEC00  }
0x436: {  	[tilespmem:s29], [sflag:$0x1] =	stream.indirect.gather [hbm4b:s6+s28], $0x20, s25, s28, $0xb8;
	[tilespmem:$0x17E80] =	vst v63  }
0x437: {  	s1 =	simm.s32 $0xCA00  }
0x438: {  	[tilespmem:s31], [sflag:$0x2] =	stream.indirect.gather [hbm4b:s6+s28], $0x20, s1, s28, $0xb8;
	[tilespmem:$0x17E80] =	vst v63  }
0x439: {  	_ =	swait.ge [sflag:s0], $0x4000  }
0x43a: {  	[sflag:s0] =	ssyncset.done $0x0  }
0x43b: {  	[sflag:s0] =	ssyncadd.s32 $0xFFFFC000  }
0x43c: {  	[spmem:s3] =	stream.indirect.scatter.add.s16 [tilespmem:s29], [sflag:$0x3], $0x20, s26, s28, $0xb8;
	[tilespmem:$0x17E80] =	vst v63  }
0x43d: {  	_ = 	snop  }
0x43e: {  	[spmem:s4] =	stream.indirect.scatter.add.f32 [tilespmem:s23], [sflag:$0x5], $0x1, s26, s28, $0xb8;
	[tilespmem:$0x17E80] =	vst v63  }
0x43f: {  	_ =	swait.ge [sflag:s12], $0x4000  }
0x440: {  	[sflag:s12] =	ssyncset.done $0x0  }
0x441: {  	[sflag:s12] =	ssyncadd.s32 $0xFFFFC000  }
0x442: {  	[spmem:s3] =	stream.indirect.scatter.add.s16 [tilespmem:s31], [sflag:$0x4], $0x20, s10, s28, $0xb8;
	[tilespmem:$0x17E80] =	vst v63  }
0x443: {  	_ = 	snop  }
0x444: {  	[spmem:s4] =	stream.indirect.scatter.add.f32 [tilespmem:s23], [sflag:$0x6], $0x1, s10, s28, $0xb8;
	[tilespmem:$0x17E80] =	vst v63  }
0x445: {  	_ =	swait.ge [sflag:s14], $0x4000  }
0x446: {  	[sflag:s14] =	ssyncset.done $0x0  }
0x447: {  	[sflag:s14] =	ssyncadd.s32 $0xFFFFC000  }
0x448: {  	_ =	swait.ge [sflag:s8], $0x200  }
0x449: {  	[sflag:s8] =	ssyncset.done $0x0  }
0x44a: {  	[sflag:s8] =	ssyncadd.s32 $0xFFFFFE00  }
0x44b: {  	[tilespmem:s29], [sflag:$0x1] =	stream.indirect.gather [hbm4b:s6+s28], $0x20, s20, s28, $0xb8;
	[tilespmem:$0x17E80] =	vst v63  }
0x44c: {  	_ =	swait.ge [sflag:s16], $0x4000  }
0x44d: {  	[sflag:s16] =	ssyncset.done $0x0  }
0x44e: {  	[sflag:s16] =	ssyncadd.s32 $0xFFFFC000  }
0x44f: {  	_ =	swait.ge [sflag:s9], $0x200  }
0x450: {  	[sflag:s9] =	ssyncset.done $0x0  }
0x451: {  	[sflag:s9] =	ssyncadd.s32 $0xFFFFFE00  }
0x452: {  	[tilespmem:s31], [sflag:$0x2] =	stream.indirect.gather [hbm4b:s6+s28], $0x20, s19, s28, $0xb8;
	[tilespmem:$0x17E80] =	vst v63  }
0x453: {  	_ =	swait.ge [sflag:s0], $0x4000  }
0x454: {  	[sflag:s0] =	ssyncset.done $0x0  }
0x455: {  	[sflag:s0] =	ssyncadd.s32 $0xFFFFC000  }
0x456: {  	[spmem:s3] =	stream.indirect.scatter.add.s16 [tilespmem:s29], [sflag:$0x3], $0x20, s21, s28, $0xb8;
	[tilespmem:$0x17E80] =	vst v63  }
0x457: {  	_ = 	snop  }
0x458: {  	[spmem:s4] =	stream.indirect.scatter.add.f32 [tilespmem:s23], [sflag:$0x5], $0x1, s21, s28, $0xb8;
	[tilespmem:$0x17E80] =	vst v63  }
0x459: {  	_ =	swait.ge [sflag:s12], $0x4000  }
0x45a: {  	[sflag:s12] =	ssyncset.done $0x0  }
0x45b: {  	[sflag:s12] =	ssyncadd.s32 $0xFFFFC000  }
0x45c: {  	[spmem:s3] =	stream.indirect.scatter.add.s16 [tilespmem:s31], [sflag:$0x4], $0x20, s15, s28, $0xb8;
	[tilespmem:$0x17E80] =	vst v63  }
0x45d: {  	_ = 	snop  }
0x45e: {  	[spmem:s4] =	stream.indirect.scatter.add.f32 [tilespmem:s23], [sflag:$0x6], $0x1, s15, s28, $0xb8;
	[tilespmem:$0x17E80] =	vst v63  }
0x45f: {  	_ =	swait.ge [sflag:s14], $0x4000  }
0x460: {  	[sflag:s14] =	ssyncset.done $0x0  }
0x461: {  	[sflag:s14] =	ssyncadd.s32 $0xFFFFC000  }
0x462: {  	_ =	swait.ge [sflag:s8], $0x200  }
0x463: {  	[sflag:s8] =	ssyncset.done $0x0  }
0x464: {  	s20 =	simm.s32 $0xD000;
	[sflag:s8] =	ssyncadd.s32 $0xFFFFFE00  }
0x465: {  	[tilespmem:s29], [sflag:$0x1] =	stream.indirect.gather [hbm4b:s6+s28], $0x20, s20, s28, $0xb8;
	[tilespmem:$0x17E80] =	vst v63  }
0x466: {  	_ =	swait.ge [sflag:s16], $0x4000  }
0x467: {  	[sflag:s16] =	ssyncset.done $0x0  }
0x468: {  	[sflag:s16] =	ssyncadd.s32 $0xFFFFC000  }
0x469: {  	_ =	swait.ge [sflag:s9], $0x200  }
0x46a: {  	[sflag:s9] =	ssyncset.done $0x0  }
0x46b: {  	s22 =	simm.s32 $0xD200;
	[sflag:s9] =	ssyncadd.s32 $0xFFFFFE00  }
0x46c: {  	[tilespmem:s31], [sflag:$0x2] =	stream.indirect.gather [hbm4b:s6+s28], $0x20, s22, s28, $0xb8;
	[tilespmem:$0x17E80] =	vst v63  }
0x46d: {  	_ =	swait.ge [sflag:s0], $0x4000  }
0x46e: {  	[sflag:s0] =	ssyncset.done $0x0  }
0x46f: {  	[sflag:s0] =	ssyncadd.s32 $0xFFFFC000  }
0x470: {  	[spmem:s3] =	stream.indirect.scatter.add.s16 [tilespmem:s29], [sflag:$0x3], $0x20, s17, s28, $0xb8;
	[tilespmem:$0x17E80] =	vst v63  }
0x471: {  	_ = 	snop  }
0x472: {  	[spmem:s4] =	stream.indirect.scatter.add.f32 [tilespmem:s23], [sflag:$0x5], $0x1, s17, s28, $0xb8;
	[tilespmem:$0x17E80] =	vst v63  }
0x473: {  	_ =	swait.ge [sflag:s12], $0x4000  }
0x474: {  	[sflag:s12] =	ssyncset.done $0x0  }
0x475: {  	s20 =	simm.s32 $0xE600;
	[sflag:s12] =	ssyncadd.s32 $0xFFFFC000  }
0x476: {  	[spmem:s3] =	stream.indirect.scatter.add.s16 [tilespmem:s31], [sflag:$0x4], $0x20, s20, s28, $0xb8;
	[tilespmem:$0x17E80] =	vst v63  }
0x477: {  	_ = 	snop  }
0x478: {  	[spmem:s4] =	stream.indirect.scatter.add.f32 [tilespmem:s23], [sflag:$0x6], $0x1, s20, s28, $0xb8;
	[tilespmem:$0x17E80] =	vst v63  }
0x479: {  	_ =	swait.ge [sflag:s14], $0x4000  }
0x47a: {  	[sflag:s14] =	ssyncset.done $0x0  }
0x47b: {  	[sflag:s14] =	ssyncadd.s32 $0xFFFFC000  }
0x47c: {  	_ =	swait.ge [sflag:s8], $0x200  }
0x47d: {  	[sflag:s8] =	ssyncset.done $0x0  }
0x47e: {  	s30 =	simm.s32 $0xD400;
	[sflag:s8] =	ssyncadd.s32 $0xFFFFFE00  }
0x47f: {  	[tilespmem:s29], [sflag:$0x1] =	stream.indirect.gather [hbm4b:s6+s28], $0x20, s30, s28, $0xb8;
	[tilespmem:$0x17E80] =	vst v63  }
0x480: {  	_ =	swait.ge [sflag:s16], $0x4000  }
0x481: {  	[sflag:s16] =	ssyncset.done $0x0  }
0x482: {  	[sflag:s16] =	ssyncadd.s32 $0xFFFFC000  }
0x483: {  	_ =	swait.ge [sflag:s9], $0x200  }
0x484: {  	[sflag:s9] =	ssyncset.done $0x0  }
0x485: {  	s2 =	simm.s32 $0xD600;
	[sflag:s9] =	ssyncadd.s32 $0xFFFFFE00  }
0x486: {  	[tilespmem:s31], [sflag:$0x2] =	stream.indirect.gather [hbm4b:s6+s28], $0x20, s2, s28, $0xb8;
	[tilespmem:$0x17E80] =	vst v63  }
0x487: {  	_ =	swait.ge [sflag:s0], $0x4000  }
0x488: {  	[sflag:s0] =	ssyncset.done $0x0  }
0x489: {  	s10 =	simm.s32 $0xE800;
	[sflag:s0] =	ssyncadd.s32 $0xFFFFC000  }
0x48a: {  	[spmem:s3] =	stream.indirect.scatter.add.s16 [tilespmem:s29], [sflag:$0x3], $0x20, s10, s28, $0xb8;
	[tilespmem:$0x17E80] =	vst v63  }
0x48b: {  	_ = 	snop  }
0x48c: {  	[spmem:s4] =	stream.indirect.scatter.add.f32 [tilespmem:s23], [sflag:$0x5], $0x1, s10, s28, $0xb8;
	[tilespmem:$0x17E80] =	vst v63  }
0x48d: {  	_ =	swait.ge [sflag:s12], $0x4000  }
0x48e: {  	[sflag:s12] =	ssyncset.done $0x0  }
0x48f: {  	s11 =	simm.s32 $0xEA00;
	[sflag:s12] =	ssyncadd.s32 $0xFFFFC000  }
0x490: {  	[spmem:s3] =	stream.indirect.scatter.add.s16 [tilespmem:s31], [sflag:$0x4], $0x20, s11, s28, $0xb8;
	[tilespmem:$0x17E80] =	vst v63  }
0x491: {  	_ = 	snop  }
0x492: {  	[spmem:s4] =	stream.indirect.scatter.add.f32 [tilespmem:s23], [sflag:$0x6], $0x1, s11, s28, $0xb8;
	[tilespmem:$0x17E80] =	vst v63  }
0x493: {  	_ =	swait.ge [sflag:s14], $0x4000  }
0x494: {  	[sflag:s14] =	ssyncset.done $0x0  }
0x495: {  	[sflag:s14] =	ssyncadd.s32 $0xFFFFC000  }
0x496: {  	_ =	swait.ge [sflag:s8], $0x200  }
0x497: {  	[sflag:s8] =	ssyncset.done $0x0  }
0x498: {  	s13 =	simm.s32 $0xD800;
	[sflag:s8] =	ssyncadd.s32 $0xFFFFFE00  }
0x499: {  	[tilespmem:s29], [sflag:$0x1] =	stream.indirect.gather [hbm4b:s6+s28], $0x20, s13, s28, $0xb8;
	[tilespmem:$0x17E80] =	vst v63  }
0x49a: {  	_ =	swait.ge [sflag:s16], $0x4000  }
0x49b: {  	[sflag:s16] =	ssyncset.done $0x0  }
0x49c: {  	[sflag:s16] =	ssyncadd.s32 $0xFFFFC000  }
0x49d: {  	_ =	swait.ge [sflag:s9], $0x200  }
0x49e: {  	[sflag:s9] =	ssyncset.done $0x0  }
0x49f: {  	s18 =	simm.s32 $0xDA00;
	[sflag:s9] =	ssyncadd.s32 $0xFFFFFE00  }
0x4a0: {  	[tilespmem:s31], [sflag:$0x2] =	stream.indirect.gather [hbm4b:s6+s28], $0x20, s18, s28, $0xb8;
	[tilespmem:$0x17E80] =	vst v63  }
0x4a1: {  	_ =	swait.ge [sflag:s0], $0x4000  }
0x4a2: {  	[sflag:s0] =	ssyncset.done $0x0  }
0x4a3: {  	s30 =	simm.s32 $0xEC00;
	[sflag:s0] =	ssyncadd.s32 $0xFFFFC000  }
0x4a4: {  	[spmem:s3] =	stream.indirect.scatter.add.s16 [tilespmem:s29], [sflag:$0x3], $0x20, s30, s28, $0xb8;
	[tilespmem:$0x17E80] =	vst v63  }
0x4a5: {  	_ = 	snop  }
0x4a6: {  	[spmem:s4] =	stream.indirect.scatter.add.f32 [tilespmem:s23], [sflag:$0x5], $0x1, s30, s28, $0xb8;
	[tilespmem:$0x17E80] =	vst v63  }
0x4a7: {  	_ =	swait.ge [sflag:s12], $0x4000  }
0x4a8: {  	[sflag:s12] =	ssyncset.done $0x0  }
0x4a9: {  	s22 =	simm.s32 $0xEE00;
	[sflag:s12] =	ssyncadd.s32 $0xFFFFC000  }
0x4aa: {  	[spmem:s3] =	stream.indirect.scatter.add.s16 [tilespmem:s31], [sflag:$0x4], $0x20, s22, s28, $0xb8;
	[tilespmem:$0x17E80] =	vst v63  }
0x4ab: {  	_ = 	snop  }
0x4ac: {  	[spmem:s4] =	stream.indirect.scatter.add.f32 [tilespmem:s23], [sflag:$0x6], $0x1, s22, s28, $0xb8;
	[tilespmem:$0x17E80] =	vst v63  }
0x4ad: {  	_ =	swait.ge [sflag:s14], $0x4000  }
0x4ae: {  	[sflag:s14] =	ssyncset.done $0x0  }
0x4af: {  	[sflag:s14] =	ssyncadd.s32 $0xFFFFC000  }
0x4b0: {  	_ =	swait.ge [sflag:s8], $0x200  }
0x4b1: {  	[sflag:s8] =	ssyncset.done $0x0  }
0x4b2: {  	[sflag:s8] =	ssyncadd.s32 $0xFFFFFE00  }
0x4b3: {  	_ =	swait.ge [sflag:s16], $0x4000  }
0x4b4: {  	[sflag:s16] =	ssyncset.done $0x0  }
0x4b5: {  	[sflag:s16] =	ssyncadd.s32 $0xFFFFC000  }
0x4b6: {  	_ =	swait.ge [sflag:s9], $0x200  }
0x4b7: {  	[sflag:s9] =	ssyncset.done $0x0  }
0x4b8: {  	[sflag:s9] =	ssyncadd.s32 $0xFFFFFE00  }
0x4b9: {  	[bflag:$0x0] =	sbarrier.arrive $0xFFFF  }
0x4ba: {  	s19 =	rddreg [dreg:$0xa]  }
0x4bb: {  	s2 =	rddreg [dreg:$0x15]  }
0x4bc: {  	s10 =	rddreg [dreg:$0x16]  }
0x4bd: {  	[hbm:s19], [sflag:s2] =	dma.local [spmem:s10], $0x1900  }
0x4be: {  	_ =	swait.ge [sflag:s24], $0x1900  }
0x4bf: {  	[sflag:s24] =	ssyncset.done $0x0  }
0x4c0: {  	s13 =	simm.s32 $0x17840;
	s1 =	rddreg [dreg:$0x9];
	[sflag:s24] =	ssyncadd.s32 $0xFFFFE700  }
0x4c1: {  	[tilespmem:s13], [sflag:$0x7] =	stream.linear.gather [spmem:s1], $0x640, $0x38;
	[tilespmem:$0x17E80] =	vst v63  }
0x4c2: {  	_ =	swait.ge [sflag:s24], $0x640  }
0x4c3: {  	[sflag:s24] =	ssyncset.done $0x0  }
0x4c4: {  	s18 =	simm.s32 $0x0;
	s19 =	rddreg [dreg:$0xb];
	[sflag:s24] =	ssyncadd.s32 $0xFFFFF9C0  }
0x4c5: {  	[hbm4b:s19+s18] =	stream.linear.scatter [tilespmem:s13], [sflag:$0x7], $0x640, $0x38;
	[tilespmem:$0x17E80] =	vst v63  }
0x4c6: {  	_ =	swait.ge [sflag:s24], $0x640  }
0x4c7: {  	[sflag:s24] =	ssyncset.done $0x0  }
0x4c8: {  	[sflag:s24] =	ssyncadd.s32 $0xFFFFF9C0  }
0x4c9: {  	[bflag:$0x0] =	sbarrier.arrive $0xFFFF  }
0x4ca: {  	s1 =	rddreg [dreg:$0x1]  }
0x4cb: {  	[spmem:s10], [sflag:s2] =	dma.local [hbm:s1], $0x1900  }
0x4cc: {  	_ =	swait.ge [sflag:s24], $0x1900  }
0x4cd: {  	[sflag:s24] =	ssyncset.done $0x0  }
0x4ce: {  	[sflag:s24] =	ssyncadd.s32 $0xFFFFE700  }
0x4cf: {  	[bflag:$0x0] =	sbarrier.arrive $0xFFFF  }
0x4d0: {  	s2 =	rddreg [dreg:$0x13]  }
0x4d1: {  	s13 =	sadd.s32 $0x0, s2  }
0x4d2: {  	[tilespmem:s25], [sflag:$0x7] =	stream.linear.gather [hbm4b:s13+s5], $0x1400, $0x38;
	[tilespmem:$0x17E80] =	vst v63  }
0x4d3: {  	_ =	swait.ge [sflag:s24], $0x1400  }
0x4d4: {  	[sflag:s24] =	ssyncset.done $0x0;
	s1 =	rddreg [dreg:$0x12]  }
0x4d5: {  	[sflag:s24] =	ssyncadd.s32 $0xFFFFEC00;
	s11 =	sadd.s32 $0x0, s1  }
0x4d6: {  	[tilespmem:s26], [sflag:$0x7] =	stream.linear.gather [hbm4b:s11+s5], $0x1400, $0x38;
	[tilespmem:$0x17E80] =	vst v63  }
0x4d7: {  	_ =	swait.ge [sflag:s24], $0x1400  }
0x4d8: {  	[sflag:s24] =	ssyncset.done $0x0  }
0x4d9: {  	[sflag:s24] =	ssyncadd.s32 $0xFFFFEC00  }
0x4da: {  	[tilespmem:s29], [sflag:$0x1] =	stream.indirect.gather [hbm4b:s6+s28], $0x20, s25, s28, $0xb8;
	[tilespmem:$0x17E80] =	vst v63  }
0x4db: {  	s10 =	simm.s32 $0xCA00  }
0x4dc: {  	[tilespmem:s31], [sflag:$0x2] =	stream.indirect.gather [hbm4b:s6+s28], $0x20, s10, s28, $0xb8;
	[tilespmem:$0x17E80] =	vst v63  }
0x4dd: {  	_ =	swait.ge [sflag:s0], $0x4000  }
0x4de: {  	[sflag:s0] =	ssyncset.done $0x0  }
0x4df: {  	[sflag:s0] =	ssyncadd.s32 $0xFFFFC000  }
0x4e0: {  	[spmem:s3] =	stream.indirect.scatter.add.s16 [tilespmem:s29], [sflag:$0x3], $0x20, s26, s28, $0xb8;
	[tilespmem:$0x17E80] =	vst v63  }
0x4e1: {  	_ =	swait.ge [sflag:s12], $0x4000  }
0x4e2: {  	[sflag:s12] =	ssyncset.done $0x0  }
0x4e3: {  	s13 =	simm.s32 $0xDE00;
	[sflag:s12] =	ssyncadd.s32 $0xFFFFC000  }
0x4e4: {  	[spmem:s3] =	stream.indirect.scatter.add.s16 [tilespmem:s31], [sflag:$0x4], $0x20, s13, s28, $0xb8;
	[tilespmem:$0x17E80] =	vst v63  }
0x4e5: {  	_ =	swait.ge [sflag:s14], $0x4000  }
0x4e6: {  	[sflag:s14] =	ssyncset.done $0x0  }
0x4e7: {  	s18 =	simm.s32 $0xCC00;
	[sflag:s14] =	ssyncadd.s32 $0xFFFFC000  }
0x4e8: {  	[tilespmem:s29], [sflag:$0x1] =	stream.indirect.gather [hbm4b:s6+s28], $0x20, s18, s28, $0xb8;
	[tilespmem:$0x17E80] =	vst v63  }
0x4e9: {  	_ =	swait.ge [sflag:s16], $0x4000  }
0x4ea: {  	[sflag:s16] =	ssyncset.done $0x0  }
0x4eb: {  	s19 =	simm.s32 $0xCE00;
	[sflag:s16] =	ssyncadd.s32 $0xFFFFC000  }
0x4ec: {  	[tilespmem:s31], [sflag:$0x2] =	stream.indirect.gather [hbm4b:s6+s28], $0x20, s19, s28, $0xb8;
	[tilespmem:$0x17E80] =	vst v63  }
0x4ed: {  	_ =	swait.ge [sflag:s0], $0x4000  }
0x4ee: {  	[sflag:s0] =	ssyncset.done $0x0  }
0x4ef: {  	[sflag:s0] =	ssyncadd.s32 $0xFFFFC000  }
0x4f0: {  	[spmem:s3] =	stream.indirect.scatter.add.s16 [tilespmem:s29], [sflag:$0x3], $0x20, s21, s28, $0xb8;
	[tilespmem:$0x17E80] =	vst v63  }
0x4f1: {  	_ =	swait.ge [sflag:s12], $0x4000  }
0x4f2: {  	[sflag:s12] =	ssyncset.done $0x0  }
0x4f3: {  	[sflag:s12] =	ssyncadd.s32 $0xFFFFC000  }
0x4f4: {  	[spmem:s3] =	stream.indirect.scatter.add.s16 [tilespmem:s31], [sflag:$0x4], $0x20, s15, s28, $0xb8;
	[tilespmem:$0x17E80] =	vst v63  }
0x4f5: {  	_ =	swait.ge [sflag:s14], $0x4000  }
0x4f6: {  	[sflag:s14] =	ssyncset.done $0x0  }
0x4f7: {  	s18 =	simm.s32 $0xD000;
	[sflag:s14] =	ssyncadd.s32 $0xFFFFC000  }
0x4f8: {  	[tilespmem:s29], [sflag:$0x1] =	stream.indirect.gather [hbm4b:s6+s28], $0x20, s18, s28, $0xb8;
	[tilespmem:$0x17E80] =	vst v63  }
0x4f9: {  	_ =	swait.ge [sflag:s16], $0x4000  }
0x4fa: {  	[sflag:s16] =	ssyncset.done $0x0  }
0x4fb: {  	s19 =	simm.s32 $0xD200;
	[sflag:s16] =	ssyncadd.s32 $0xFFFFC000  }
0x4fc: {  	[tilespmem:s31], [sflag:$0x2] =	stream.indirect.gather [hbm4b:s6+s28], $0x20, s19, s28, $0xb8;
	[tilespmem:$0x17E80] =	vst v63  }
0x4fd: {  	_ =	swait.ge [sflag:s0], $0x4000  }
0x4fe: {  	[sflag:s0] =	ssyncset.done $0x0  }
0x4ff: {  	[sflag:s0] =	ssyncadd.s32 $0xFFFFC000  }
0x500: {  	[spmem:s3] =	stream.indirect.scatter.add.s16 [tilespmem:s29], [sflag:$0x3], $0x20, s17, s28, $0xb8;
	[tilespmem:$0x17E80] =	vst v63  }
0x501: {  	_ =	swait.ge [sflag:s12], $0x4000  }
0x502: {  	[sflag:s12] =	ssyncset.done $0x0  }
0x503: {  	[sflag:s12] =	ssyncadd.s32 $0xFFFFC000  }
0x504: {  	[spmem:s3] =	stream.indirect.scatter.add.s16 [tilespmem:s31], [sflag:$0x4], $0x20, s20, s28, $0xb8;
	[tilespmem:$0x17E80] =	vst v63  }
0x505: {  	_ =	swait.ge [sflag:s14], $0x4000  }
0x506: {  	[sflag:s14] =	ssyncset.done $0x0  }
0x507: {  	s21 =	simm.s32 $0xD400;
	[sflag:s14] =	ssyncadd.s32 $0xFFFFC000  }
0x508: {  	[tilespmem:s29], [sflag:$0x1] =	stream.indirect.gather [hbm4b:s6+s28], $0x20, s21, s28, $0xb8;
	[tilespmem:$0x17E80] =	vst v63  }
0x509: {  	_ =	swait.ge [sflag:s16], $0x4000  }
0x50a: {  	[sflag:s16] =	ssyncset.done $0x0  }
0x50b: {  	s11 =	simm.s32 $0xD600;
	[sflag:s16] =	ssyncadd.s32 $0xFFFFC000  }
0x50c: {  	[tilespmem:s31], [sflag:$0x2] =	stream.indirect.gather [hbm4b:s6+s28], $0x20, s11, s28, $0xb8;
	[tilespmem:$0x17E80] =	vst v63  }
0x50d: {  	_ =	swait.ge [sflag:s0], $0x4000  }
0x50e: {  	[sflag:s0] =	ssyncset.done $0x0  }
0x50f: {  	s13 =	simm.s32 $0xE800;
	[sflag:s0] =	ssyncadd.s32 $0xFFFFC000  }
0x510: {  	[spmem:s3] =	stream.indirect.scatter.add.s16 [tilespmem:s29], [sflag:$0x3], $0x20, s13, s28, $0xb8;
	[tilespmem:$0x17E80] =	vst v63  }
0x511: {  	_ =	swait.ge [sflag:s12], $0x4000  }
0x512: {  	[sflag:s12] =	ssyncset.done $0x0  }
0x513: {  	s15 =	simm.s32 $0xEA00;
	[sflag:s12] =	ssyncadd.s32 $0xFFFFC000  }
0x514: {  	[spmem:s3] =	stream.indirect.scatter.add.s16 [tilespmem:s31], [sflag:$0x4], $0x20, s15, s28, $0xb8;
	[tilespmem:$0x17E80] =	vst v63  }
0x515: {  	_ =	swait.ge [sflag:s14], $0x4000  }
0x516: {  	[sflag:s14] =	ssyncset.done $0x0  }
0x517: {  	s18 =	simm.s32 $0xD800;
	[sflag:s14] =	ssyncadd.s32 $0xFFFFC000  }
0x518: {  	[tilespmem:s29], [sflag:$0x1] =	stream.indirect.gather [hbm4b:s6+s28], $0x20, s18, s28, $0xb8;
	[tilespmem:$0x17E80] =	vst v63  }
0x519: {  	_ =	swait.ge [sflag:s16], $0x4000  }
0x51a: {  	[sflag:s16] =	ssyncset.done $0x0  }
0x51b: {  	s21 =	simm.s32 $0xDA00;
	[sflag:s16] =	ssyncadd.s32 $0xFFFFC000  }
0x51c: {  	[tilespmem:s31], [sflag:$0x2] =	stream.indirect.gather [hbm4b:s6+s28], $0x20, s21, s28, $0xb8;
	[tilespmem:$0x17E80] =	vst v63  }
0x51d: {  	_ =	swait.ge [sflag:s0], $0x4000  }
0x51e: {  	[sflag:s0] =	ssyncset.done $0x0  }
0x51f: {  	[sflag:s0] =	ssyncadd.s32 $0xFFFFC000  }
0x520: {  	[spmem:s3] =	stream.indirect.scatter.add.s16 [tilespmem:s29], [sflag:$0x3], $0x20, s30, s28, $0xb8;
	[tilespmem:$0x17E80] =	vst v63  }
0x521: {  	_ =	swait.ge [sflag:s12], $0x4000  }
0x522: {  	[sflag:s12] =	ssyncset.done $0x0  }
0x523: {  	[sflag:s12] =	ssyncadd.s32 $0xFFFFC000  }
0x524: {  	[spmem:s3] =	stream.indirect.scatter.add.s16 [tilespmem:s31], [sflag:$0x4], $0x20, s22, s28, $0xb8;
	[tilespmem:$0x17E80] =	vst v63  }
0x525: {  	_ =	swait.ge [sflag:s14], $0x4000  }
0x526: {  	s10 =	simm.s32 $0xE800;
	[sflag:s14] =	ssyncset.done $0x0  }
0x527: {  	s19 =	simm.s32 $0xD600;
	s20 =	simm.s32 $0xD400;
	[sflag:s14] =	ssyncadd.s32 $0xFFFFC000  }
0x528: {  	s11 =	simm.s32 $0x280;
	s15 =	simm.s32 $0xD000;
	_ =	swait.ge [sflag:s16], $0x4000  }
0x529: {  	s21 =	simm.s32 $0xE200;
	s22 =	simm.s32 $0x500;
	[sflag:s16] =	ssyncset.done $0x0  }
.LBB2_5:
0x52a: {  	s13 =	sadd.s32 s11, s2  }
0x52b: {  	[sflag:s16] =	ssyncadd.s32 $0xFFFFC000;
	s30 =	smov.u32 s22;
	s18 =	sadd.s32 $0x280, s22  }
0x52c: {  	[tilespmem:s25], [sflag:$0x7] =	stream.linear.gather [hbm4b:s13+s5], $0x1400, $0x38;
	[tilespmem:$0x17E80] =	vst v63  }
0x52d: {  	p1 =	sne.s32 s22, $0xA00;
	_ =	swait.ge [sflag:s24], $0x1400  }
0x52e: {  	s13 =	sadd.s32 s11, s1;
	[sflag:s24] =	ssyncset.done $0x0  }
0x52f: {  	s11 =	smov.u32 s30;
	s30 =	simm.s32 $0xE000;
	[sflag:s24] =	ssyncadd.s32 $0xFFFFEC00  }
0x530: {  	[tilespmem:s26], [sflag:$0x7] =	stream.linear.gather [hbm4b:s13+s5], $0x1400, $0x38;
	[tilespmem:$0x17E80] =	vst v63  }
0x531: {  	_ =	swait.ge [sflag:s24], $0x1400  }
0x532: {  	[sflag:s24] =	ssyncset.done $0x0  }
0x533: {  	[sflag:s24] =	ssyncadd.s32 $0xFFFFEC00  }
0x534: {  	[tilespmem:s29], [sflag:$0x1] =	stream.indirect.gather [hbm4b:s6+s28], $0x20, s25, s28, $0xb8;
	[tilespmem:$0x17E80] =	vst v63  }
0x535: {  	s13 =	simm.s32 $0xCA00  }
0x536: {  	[tilespmem:s31], [sflag:$0x2] =	stream.indirect.gather [hbm4b:s6+s28], $0x20, s13, s28, $0xb8;
	[tilespmem:$0x17E80] =	vst v63  }
0x537: {  	_ =	swait.ge [sflag:s0], $0x4000  }
0x538: {  	[sflag:s0] =	ssyncset.done $0x0  }
0x539: {  	[sflag:s0] =	ssyncadd.s32 $0xFFFFC000  }
0x53a: {  	[spmem:s3] =	stream.indirect.scatter.add.s16 [tilespmem:s29], [sflag:$0x3], $0x20, s26, s28, $0xb8;
	[tilespmem:$0x17E80] =	vst v63  }
0x53b: {  	_ =	swait.ge [sflag:s12], $0x4000  }
0x53c: {  	[sflag:s12] =	ssyncset.done $0x0  }
0x53d: {  	s13 =	simm.s32 $0xDE00;
	[sflag:s12] =	ssyncadd.s32 $0xFFFFC000  }
0x53e: {  	[spmem:s3] =	stream.indirect.scatter.add.s16 [tilespmem:s31], [sflag:$0x4], $0x20, s13, s28, $0xb8;
	[tilespmem:$0x17E80] =	vst v63  }
0x53f: {  	_ =	swait.ge [sflag:s14], $0x4000  }
0x540: {  	[sflag:s14] =	ssyncset.done $0x0  }
0x541: {  	s13 =	simm.s32 $0xCC00;
	[sflag:s14] =	ssyncadd.s32 $0xFFFFC000  }
0x542: {  	[tilespmem:s29], [sflag:$0x1] =	stream.indirect.gather [hbm4b:s6+s28], $0x20, s13, s28, $0xb8;
	[tilespmem:$0x17E80] =	vst v63  }
0x543: {  	_ =	swait.ge [sflag:s16], $0x4000  }
0x544: {  	[sflag:s16] =	ssyncset.done $0x0  }
0x545: {  	s13 =	simm.s32 $0xCE00;
	[sflag:s16] =	ssyncadd.s32 $0xFFFFC000  }
0x546: {  	[tilespmem:s31], [sflag:$0x2] =	stream.indirect.gather [hbm4b:s6+s28], $0x20, s13, s28, $0xb8;
	[tilespmem:$0x17E80] =	vst v63  }
0x547: {  	_ =	swait.ge [sflag:s0], $0x4000  }
0x548: {  	[sflag:s0] =	ssyncset.done $0x0  }
0x549: {  	[sflag:s0] =	ssyncadd.s32 $0xFFFFC000  }
0x54a: {  	[spmem:s3] =	stream.indirect.scatter.add.s16 [tilespmem:s29], [sflag:$0x3], $0x20, s30, s28, $0xb8;
	[tilespmem:$0x17E80] =	vst v63  }
0x54b: {  	_ =	swait.ge [sflag:s12], $0x4000  }
0x54c: {  	[sflag:s12] =	ssyncset.done $0x0  }
0x54d: {  	[sflag:s12] =	ssyncadd.s32 $0xFFFFC000  }
0x54e: {  	[spmem:s3] =	stream.indirect.scatter.add.s16 [tilespmem:s31], [sflag:$0x4], $0x20, s21, s28, $0xb8;
	[tilespmem:$0x17E80] =	vst v63  }
0x54f: {  	_ =	swait.ge [sflag:s14], $0x4000  }
0x550: {  	[sflag:s14] =	ssyncset.done $0x0  }
0x551: {  	[sflag:s14] =	ssyncadd.s32 $0xFFFFC000  }
0x552: {  	[tilespmem:s29], [sflag:$0x1] =	stream.indirect.gather [hbm4b:s6+s28], $0x20, s15, s28, $0xb8;
	[tilespmem:$0x17E80] =	vst v63  }
0x553: {  	_ =	swait.ge [sflag:s16], $0x4000  }
0x554: {  	[sflag:s16] =	ssyncset.done $0x0  }
0x555: {  	s13 =	simm.s32 $0xD200;
	[sflag:s16] =	ssyncadd.s32 $0xFFFFC000  }
0x556: {  	[tilespmem:s31], [sflag:$0x2] =	stream.indirect.gather [hbm4b:s6+s28], $0x20, s13, s28, $0xb8;
	[tilespmem:$0x17E80] =	vst v63  }
0x557: {  	_ =	swait.ge [sflag:s0], $0x4000  }
0x558: {  	[sflag:s0] =	ssyncset.done $0x0  }
0x559: {  	[sflag:s0] =	ssyncadd.s32 $0xFFFFC000  }
0x55a: {  	[spmem:s3] =	stream.indirect.scatter.add.s16 [tilespmem:s29], [sflag:$0x3], $0x20, s17, s28, $0xb8;
	[tilespmem:$0x17E80] =	vst v63  }
0x55b: {  	_ =	swait.ge [sflag:s12], $0x4000  }
0x55c: {  	[sflag:s12] =	ssyncset.done $0x0  }
0x55d: {  	s13 =	simm.s32 $0xE600;
	[sflag:s12] =	ssyncadd.s32 $0xFFFFC000  }
0x55e: {  	[spmem:s3] =	stream.indirect.scatter.add.s16 [tilespmem:s31], [sflag:$0x4], $0x20, s13, s28, $0xb8;
	[tilespmem:$0x17E80] =	vst v63  }
0x55f: {  	_ =	swait.ge [sflag:s14], $0x4000  }
0x560: {  	[sflag:s14] =	ssyncset.done $0x0  }
0x561: {  	[sflag:s14] =	ssyncadd.s32 $0xFFFFC000  }
0x562: {  	[tilespmem:s29], [sflag:$0x1] =	stream.indirect.gather [hbm4b:s6+s28], $0x20, s20, s28, $0xb8;
	[tilespmem:$0x17E80] =	vst v63  }
0x563: {  	_ =	swait.ge [sflag:s16], $0x4000  }
0x564: {  	[sflag:s16] =	ssyncset.done $0x0  }
0x565: {  	[sflag:s16] =	ssyncadd.s32 $0xFFFFC000  }
0x566: {  	[tilespmem:s31], [sflag:$0x2] =	stream.indirect.gather [hbm4b:s6+s28], $0x20, s19, s28, $0xb8;
	[tilespmem:$0x17E80] =	vst v63  }
0x567: {  	_ =	swait.ge [sflag:s0], $0x4000  }
0x568: {  	[sflag:s0] =	ssyncset.done $0x0  }
0x569: {  	[sflag:s0] =	ssyncadd.s32 $0xFFFFC000  }
0x56a: {  	[spmem:s3] =	stream.indirect.scatter.add.s16 [tilespmem:s29], [sflag:$0x3], $0x20, s10, s28, $0xb8;
	[tilespmem:$0x17E80] =	vst v63  }
0x56b: {  	_ =	swait.ge [sflag:s12], $0x4000  }
0x56c: {  	[sflag:s12] =	ssyncset.done $0x0  }
0x56d: {  	s13 =	simm.s32 $0xEA00;
	[sflag:s12] =	ssyncadd.s32 $0xFFFFC000  }
0x56e: {  	[spmem:s3] =	stream.indirect.scatter.add.s16 [tilespmem:s31], [sflag:$0x4], $0x20, s13, s28, $0xb8;
	[tilespmem:$0x17E80] =	vst v63  }
0x56f: {  	_ =	swait.ge [sflag:s14], $0x4000  }
0x570: {  	[sflag:s14] =	ssyncset.done $0x0  }
0x571: {  	s13 =	simm.s32 $0xD800;
	[sflag:s14] =	ssyncadd.s32 $0xFFFFC000  }
0x572: {  	[tilespmem:s29], [sflag:$0x1] =	stream.indirect.gather [hbm4b:s6+s28], $0x20, s13, s28, $0xb8;
	[tilespmem:$0x17E80] =	vst v63  }
0x573: {  	_ =	swait.ge [sflag:s16], $0x4000  }
0x574: {  	[sflag:s16] =	ssyncset.done $0x0  }
0x575: {  	s13 =	simm.s32 $0xDA00;
	[sflag:s16] =	ssyncadd.s32 $0xFFFFC000  }
0x576: {  	[tilespmem:s31], [sflag:$0x2] =	stream.indirect.gather [hbm4b:s6+s28], $0x20, s13, s28, $0xb8;
	[tilespmem:$0x17E80] =	vst v63  }
0x577: {  	_ =	swait.ge [sflag:s0], $0x4000  }
0x578: {  	[sflag:s0] =	ssyncset.done $0x0  }
0x579: {  	s13 =	simm.s32 $0xEC00;
	[sflag:s0] =	ssyncadd.s32 $0xFFFFC000  }
0x57a: {  	[spmem:s3] =	stream.indirect.scatter.add.s16 [tilespmem:s29], [sflag:$0x3], $0x20, s13, s28, $0xb8;
	[tilespmem:$0x17E80] =	vst v63  }
0x57b: {  	_ =	swait.ge [sflag:s12], $0x4000  }
0x57c: {  	[sflag:s12] =	ssyncset.done $0x0  }
0x57d: {  	s13 =	simm.s32 $0xEE00;
	[sflag:s12] =	ssyncadd.s32 $0xFFFFC000  }
0x57e: {  	[spmem:s3] =	stream.indirect.scatter.add.s16 [tilespmem:s31], [sflag:$0x4], $0x20, s13, s28, $0xb8;
	[tilespmem:$0x17E80] =	vst v63  }
.Ltmp7:
0x57f: {  	_ =	swait.ge [sflag:s14], $0x4000;
	(pc) =	sbr.rel @p1 .LBB2_5-.Ltmp7, $4  }
0x580: {  	[sflag:s14] =	ssyncset.done $0x0  }
0x581: {  	[sflag:s14] =	ssyncadd.s32 $0xFFFFC000  }
0x582: {  	_ =	swait.ge [sflag:s16], $0x4000  }
0x583: {  	s22 =	smov.u32 s18;
	[sflag:s16] =	ssyncset.done $0x0  }
0x584: {  	s13 =	sadd.s32 s11, s2;
	[sflag:s16] =	ssyncadd.s32 $0xFFFFC000  }
0x585: {  	[tilespmem:s25], [sflag:$0x7] =	stream.linear.gather [hbm4b:s13+s5], $0x1400, $0x38;
	[tilespmem:$0x17E80] =	vst v63  }
0x586: {  	_ =	swait.ge [sflag:s24], $0x1400  }
0x587: {  	[sflag:s24] =	ssyncset.done $0x0  }
0x588: {  	s1 =	sadd.s32 s11, s1;
	[sflag:s24] =	ssyncadd.s32 $0xFFFFEC00  }
0x589: {  	[tilespmem:s26], [sflag:$0x7] =	stream.linear.gather [hbm4b:s1+s5], $0x1400, $0x38;
	[tilespmem:$0x17E80] =	vst v63  }
0x58a: {  	_ =	swait.ge [sflag:s24], $0x1400  }
0x58b: {  	[sflag:s24] =	ssyncset.done $0x0  }
0x58c: {  	[sflag:s24] =	ssyncadd.s32 $0xFFFFEC00  }
0x58d: {  	[tilespmem:s29], [sflag:$0x1] =	stream.indirect.gather [hbm4b:s6+s28], $0x20, s25, s28, $0xb8;
	[tilespmem:$0x17E80] =	vst v63  }
0x58e: {  	s2 =	simm.s32 $0xCA00  }
0x58f: {  	[tilespmem:s31], [sflag:$0x2] =	stream.indirect.gather [hbm4b:s6+s28], $0x20, s2, s28, $0xb8;
	[tilespmem:$0x17E80] =	vst v63  }
0x590: {  	_ =	swait.ge [sflag:s0], $0x4000  }
0x591: {  	[sflag:s0] =	ssyncset.done $0x0  }
0x592: {  	[sflag:s0] =	ssyncadd.s32 $0xFFFFC000  }
0x593: {  	[spmem:s3] =	stream.indirect.scatter.add.s16 [tilespmem:s29], [sflag:$0x3], $0x20, s26, s28, $0xb8;
	[tilespmem:$0x17E80] =	vst v63  }
0x594: {  	_ =	swait.ge [sflag:s12], $0x4000  }
0x595: {  	[sflag:s12] =	ssyncset.done $0x0  }
0x596: {  	s11 =	simm.s32 $0xDE00;
	[sflag:s12] =	ssyncadd.s32 $0xFFFFC000  }
0x597: {  	[spmem:s3] =	stream.indirect.scatter.add.s16 [tilespmem:s31], [sflag:$0x4], $0x20, s11, s28, $0xb8;
	[tilespmem:$0x17E80] =	vst v63  }
0x598: {  	_ =	swait.ge [sflag:s14], $0x4000  }
0x599: {  	[sflag:s14] =	ssyncset.done $0x0  }
0x59a: {  	s13 =	simm.s32 $0xCC00;
	[sflag:s14] =	ssyncadd.s32 $0xFFFFC000  }
0x59b: {  	[tilespmem:s29], [sflag:$0x1] =	stream.indirect.gather [hbm4b:s6+s28], $0x20, s13, s28, $0xb8;
	[tilespmem:$0x17E80] =	vst v63  }
0x59c: {  	_ =	swait.ge [sflag:s16], $0x4000  }
0x59d: {  	[sflag:s16] =	ssyncset.done $0x0  }
0x59e: {  	s18 =	simm.s32 $0xCE00;
	[sflag:s16] =	ssyncadd.s32 $0xFFFFC000  }
0x59f: {  	[tilespmem:s31], [sflag:$0x2] =	stream.indirect.gather [hbm4b:s6+s28], $0x20, s18, s28, $0xb8;
	[tilespmem:$0x17E80] =	vst v63  }
0x5a0: {  	_ =	swait.ge [sflag:s0], $0x4000  }
0x5a1: {  	[sflag:s0] =	ssyncset.done $0x0  }
0x5a2: {  	[sflag:s0] =	ssyncadd.s32 $0xFFFFC000  }
0x5a3: {  	[spmem:s3] =	stream.indirect.scatter.add.s16 [tilespmem:s29], [sflag:$0x3], $0x20, s30, s28, $0xb8;
	[tilespmem:$0x17E80] =	vst v63  }
0x5a4: {  	_ =	swait.ge [sflag:s12], $0x4000  }
0x5a5: {  	[sflag:s12] =	ssyncset.done $0x0  }
0x5a6: {  	[sflag:s12] =	ssyncadd.s32 $0xFFFFC000  }
0x5a7: {  	[spmem:s3] =	stream.indirect.scatter.add.s16 [tilespmem:s31], [sflag:$0x4], $0x20, s21, s28, $0xb8;
	[tilespmem:$0x17E80] =	vst v63  }
0x5a8: {  	_ =	swait.ge [sflag:s14], $0x4000  }
0x5a9: {  	[sflag:s14] =	ssyncset.done $0x0  }
0x5aa: {  	[sflag:s14] =	ssyncadd.s32 $0xFFFFC000  }
0x5ab: {  	[tilespmem:s29], [sflag:$0x1] =	stream.indirect.gather [hbm4b:s6+s28], $0x20, s15, s28, $0xb8;
	[tilespmem:$0x17E80] =	vst v63  }
0x5ac: {  	_ =	swait.ge [sflag:s16], $0x4000  }
0x5ad: {  	[sflag:s16] =	ssyncset.done $0x0  }
0x5ae: {  	s22 =	simm.s32 $0xD200;
	[sflag:s16] =	ssyncadd.s32 $0xFFFFC000  }
0x5af: {  	[tilespmem:s31], [sflag:$0x2] =	stream.indirect.gather [hbm4b:s6+s28], $0x20, s22, s28, $0xb8;
	[tilespmem:$0x17E80] =	vst v63  }
0x5b0: {  	_ =	swait.ge [sflag:s0], $0x4000  }
0x5b1: {  	[sflag:s0] =	ssyncset.done $0x0  }
0x5b2: {  	[sflag:s0] =	ssyncadd.s32 $0xFFFFC000  }
0x5b3: {  	[spmem:s3] =	stream.indirect.scatter.add.s16 [tilespmem:s29], [sflag:$0x3], $0x20, s17, s28, $0xb8;
	[tilespmem:$0x17E80] =	vst v63  }
0x5b4: {  	_ =	swait.ge [sflag:s12], $0x4000  }
0x5b5: {  	[sflag:s12] =	ssyncset.done $0x0  }
0x5b6: {  	s2 =	simm.s32 $0xE600;
	[sflag:s12] =	ssyncadd.s32 $0xFFFFC000  }
0x5b7: {  	[spmem:s3] =	stream.indirect.scatter.add.s16 [tilespmem:s31], [sflag:$0x4], $0x20, s2, s28, $0xb8;
	[tilespmem:$0x17E80] =	vst v63  }
0x5b8: {  	_ =	swait.ge [sflag:s14], $0x4000  }
0x5b9: {  	[sflag:s14] =	ssyncset.done $0x0  }
0x5ba: {  	[sflag:s14] =	ssyncadd.s32 $0xFFFFC000  }
0x5bb: {  	[tilespmem:s29], [sflag:$0x1] =	stream.indirect.gather [hbm4b:s6+s28], $0x20, s20, s28, $0xb8;
	[tilespmem:$0x17E80] =	vst v63  }
0x5bc: {  	_ =	swait.ge [sflag:s16], $0x4000  }
0x5bd: {  	[sflag:s16] =	ssyncset.done $0x0  }
0x5be: {  	[sflag:s16] =	ssyncadd.s32 $0xFFFFC000  }
0x5bf: {  	[tilespmem:s31], [sflag:$0x2] =	stream.indirect.gather [hbm4b:s6+s28], $0x20, s19, s28, $0xb8;
	[tilespmem:$0x17E80] =	vst v63  }
0x5c0: {  	_ =	swait.ge [sflag:s0], $0x4000  }
0x5c1: {  	[sflag:s0] =	ssyncset.done $0x0  }
0x5c2: {  	[sflag:s0] =	ssyncadd.s32 $0xFFFFC000  }
0x5c3: {  	[spmem:s3] =	stream.indirect.scatter.add.s16 [tilespmem:s29], [sflag:$0x3], $0x20, s10, s28, $0xb8;
	[tilespmem:$0x17E80] =	vst v63  }
0x5c4: {  	_ =	swait.ge [sflag:s12], $0x4000  }
0x5c5: {  	[sflag:s12] =	ssyncset.done $0x0  }
0x5c6: {  	s10 =	simm.s32 $0xEA00;
	[sflag:s12] =	ssyncadd.s32 $0xFFFFC000  }
0x5c7: {  	[spmem:s3] =	stream.indirect.scatter.add.s16 [tilespmem:s31], [sflag:$0x4], $0x20, s10, s28, $0xb8;
	[tilespmem:$0x17E80] =	vst v63  }
0x5c8: {  	_ =	swait.ge [sflag:s14], $0x4000  }
0x5c9: {  	[sflag:s14] =	ssyncset.done $0x0  }
0x5ca: {  	s11 =	simm.s32 $0xD800;
	[sflag:s14] =	ssyncadd.s32 $0xFFFFC000  }
0x5cb: {  	[tilespmem:s29], [sflag:$0x1] =	stream.indirect.gather [hbm4b:s6+s28], $0x20, s11, s28, $0xb8;
	[tilespmem:$0x17E80] =	vst v63  }
0x5cc: {  	_ =	swait.ge [sflag:s16], $0x4000  }
0x5cd: {  	[sflag:s16] =	ssyncset.done $0x0  }
0x5ce: {  	s13 =	simm.s32 $0xDA00;
	[sflag:s16] =	ssyncadd.s32 $0xFFFFC000  }
0x5cf: {  	[tilespmem:s31], [sflag:$0x2] =	stream.indirect.gather [hbm4b:s6+s28], $0x20, s13, s28, $0xb8;
	[tilespmem:$0x17E80] =	vst v63  }
0x5d0: {  	_ =	swait.ge [sflag:s0], $0x4000  }
0x5d1: {  	[sflag:s0] =	ssyncset.done $0x0  }
0x5d2: {  	s17 =	simm.s32 $0xEC00;
	[sflag:s0] =	ssyncadd.s32 $0xFFFFC000  }
0x5d3: {  	[spmem:s3] =	stream.indirect.scatter.add.s16 [tilespmem:s29], [sflag:$0x3], $0x20, s17, s28, $0xb8;
	[tilespmem:$0x17E80] =	vst v63  }
0x5d4: {  	_ =	swait.ge [sflag:s12], $0x4000  }
0x5d5: {  	[sflag:s12] =	ssyncset.done $0x0  }
0x5d6: {  	s18 =	simm.s32 $0xEE00;
	[sflag:s12] =	ssyncadd.s32 $0xFFFFC000  }
0x5d7: {  	[spmem:s3] =	stream.indirect.scatter.add.s16 [tilespmem:s31], [sflag:$0x4], $0x20, s18, s28, $0xb8;
	[tilespmem:$0x17E80] =	vst v63  }
0x5d8: {  	_ =	swait.ge [sflag:s14], $0x4000  }
0x5d9: {  	[sflag:s14] =	ssyncset.done $0x0  }
0x5da: {  	[sflag:s14] =	ssyncadd.s32 $0xFFFFC000  }
0x5db: {  	_ =	swait.ge [sflag:s16], $0x4000  }
0x5dc: {  	[sflag:s16] =	ssyncset.done $0x0  }
0x5dd: {  	[sflag:s16] =	ssyncadd.s32 $0xFFFFC000  }
0x5de: {  	[bflag:$0x0] =	sbarrier.arrive $0xFFFF  }
0x5df: {  	s19 =	rddreg [dreg:$0xc]  }
0x5e0: {  	s20 =	rddreg [dreg:$0x15]  }
.Ltmp8:
0x5e1: {  	s10 =	simm.s32 $0xDE00;
	s22 =	rddreg [dreg:$0x16];
	(pc) =	sbr.rel .LBB2_12-.Ltmp8, $4  }
0x5e2: {  	[hbm:s19], [sflag:s20] =	dma.local [spmem:s22], $0x1900  }
0x5e3: {  	s13 =	simm.s32 $0xD600;
	s17 =	simm.s32 $0xE400;
	_ =	swait.ge [sflag:s24], $0x1900  }
0x5e4: {  	s20 =	simm.s32 $0xCC00;
	s19 =	simm.s32 $0xCE00;
	[sflag:s24] =	ssyncset.done $0x0  }
0x5e5: {  	s22 =	simm.s32 $0xE600;
	s11 =	rddreg [dreg:$0x14];
	[sflag:s24] =	ssyncadd.s32 $0xFFFFE700  }
.LBB2_13:
0x5e6: {  	_ =	sfence.sel $0x180000  }
0x5e7: {  	[bflag:$0x0] =	sbarrier.arrive $0xFFFF  }
0x5e8: {  	_ =	strace $0x90000047  }
0x5e9: {  	s0 =	stileid.u32;
	[bflag:$0x2] =	sbarrier.arrive $0xFFFF  }
0x5ea: {  	p0 =	sne.s32 s0, $0x0;
	s0 =	rddreg [dreg:$0x4]  }
0x5eb: {  	s0 =	sadd.s32 @!p0 $0x100000, s0  }
0x5ec: {  	[sflag:s0] =	ssyncadd.tile.s32 @!p0 $0x1;
	_ =	shalt  }
.Lfunc_end2:
_tile_overlayer_lowered:
.L_overlay_start_2:
0x5ed: {  	(tag) =	ssettag $0x2  }
0x5ee: {  	s0 =	rddreg [dreg:$0x0];
	s2 =	stileid.u32  }
0x5ef: {  	s1 =	rddreg [dreg:$0x1];
	p0 =	sne.s32 s2, $0x0  }
0x5f0: {  	s3 =	rddreg [dreg:$0x2];
	[bflag:$0x3] =	sbarrier.arrive $0xFFFF;
	s2 =	simm.s32 @!p0 $0x1C07  }
0x5f1: {  	[timem:s3], [sflag:s2] =	dma.local @!p0 [hbm:s0], s1  }
0x5f2: {  	s0 =	simm.s32 @!p0 $0x7  }
0x5f3: {  	_ =	swait.ge @!p0 [sflag:s0], s1  }
0x5f4: {  	s1 =	ssub.s32 @!p0 $0x0, s1;
	[sflag:s0] =	ssyncset.done @!p0 $0x0  }
0x5f5: {  	[sflag:s0] =	ssyncadd.s32 @!p0 s1  }
0x5f6: {  	[bflag:$0x3] =	sbarrier.arrive $0xFFFF  }
0x5f7: {  	_ =	shalt  }

</sc_bundles>
